<compile_context>
chip_gen: v7x
topology: tpu7x:2x2x1
jax: 0.10.2.dev20260603
libtpu: 0.0.44.dev20260713+nightly
codegen_flags: <defaults>
</compile_context>

<pallas_src>
import functools

import jax
import jax.numpy as jnp
from jax import lax
from jax.experimental import pallas as pl
from jax.experimental.pallas import tpu as pltpu
from jax.experimental.pallas import tpu_sc as plsc

N_NODES = 10000
N_EDGES = 320000
IN_DIM = 128
HID = 16

NC = 2
NS = 16
NW = NC * NS

EPW = N_EDGES // NW
CHUNK = 1000
CPW = EPW // CHUNK
NBUF = 4

ACC_ROWS = 10240
STRIP = ACC_ROWS // NS

_mesh = plsc.VectorSubcoreMesh(core_axis_name="c", subcore_axis_name="s")



@functools.partial(
    pl.kernel,
    out_type=jax.ShapeDtypeStruct((NC, ACC_ROWS, HID), jnp.float32),
    mesh=_mesh,
    scratch_types=[
        pltpu.VMEM((CPW, CHUNK), jnp.int32),
        pltpu.VMEM((CHUNK,), jnp.float32),
        pltpu.VMEM((STRIP, HID), jnp.float32),
        pltpu.VMEM_SHARED((ACC_ROWS,), jnp.float32),
    ] + [pltpu.SemaphoreType.DMA] * CPW,
    compiler_params=pltpu.CompilerParams(use_tc_tiling_on_sc=False),
)
def _sc_counts(edges_hbm, out_hbm, dst_v, ones_v, rep_v, acc_sh, *sems):
    cid = lax.axis_index("c")
    sid = lax.axis_index("s")
    wid = sid * NC + cid
    strip = pl.ds(sid * STRIP, STRIP)
    base = wid * EPW

    zero16 = jnp.zeros((16,), jnp.float32)
    ones16 = jnp.ones((16,), jnp.float32)
    slab_copies = [
        pltpu.async_copy(
            edges_hbm.at[1, pl.ds(base + c * CHUNK, CHUNK)], dst_v.at[c],
            sems[c])
        for c in range(CPW)
    ]
    for i in range(STRIP // 16):
        ones_v[pl.ds(i * 16, 16)] = zero16
    pltpu.sync_copy(ones_v.at[pl.ds(0, STRIP)], acc_sh.at[strip])
    for i in range(CHUNK // 16):
        ones_v[pl.ds(i * 16, 16)] = ones16
    if CHUNK % 16:
        ones_v[pl.ds(CHUNK - 16, 16)] = ones16
    for cp in slab_copies:
        cp.wait()
    plsc.subcore_barrier()

    copies = [
        pltpu.async_copy(ones_v, acc_sh.at[dst_v.at[c]], sems[c], add=True)
        for c in range(CPW)
    ]
    for cp in copies:
        cp.wait()
    plsc.subcore_barrier()

    pltpu.sync_copy(acc_sh.at[strip], ones_v.at[pl.ds(0, STRIP)])

    def rep_body(k, carry):
        c16 = ones_v[pl.ds(k * 16, 16)]
        for l in range(16):
            rep_v[k * 16 + l, :] = jnp.full((16,), c16[l], jnp.float32)
        return carry

    lax.fori_loop(0, STRIP // 16, rep_body, 0)
    pltpu.sync_copy(rep_v, out_hbm.at[cid, strip])


@functools.partial(
    pl.kernel,
    out_type=jax.ShapeDtypeStruct((NC, ACC_ROWS, HID), jnp.float32),
    mesh=_mesh,
    scratch_types=[
        pltpu.VMEM((CPW, CHUNK), jnp.int32),
        pltpu.VMEM((CPW, CHUNK), jnp.int32),
    ] + [pltpu.VMEM((CHUNK, HID), jnp.float32)] * NBUF
      + [pltpu.VMEM_SHARED((ACC_ROWS, HID), jnp.float32)]
      + [pltpu.VMEM_SHARED((ACC_ROWS, HID), jnp.float32)]
      + [pltpu.SemaphoreType.DMA] * (2 * CPW),
    compiler_params=pltpu.CompilerParams(use_tc_tiling_on_sc=False),
)
def _sc_scatter_rows(vals_hbm, edges_hbm, out_hbm, src_v, dst_v, *rest):
    bufs = rest[:NBUF]
    acc_sh = rest[NBUF]
    table_sh = rest[NBUF + 1]
    semg = rest[NBUF + 2:NBUF + 2 + CPW]
    sems = rest[NBUF + 2 + CPW:]
    cid = lax.axis_index("c")
    sid = lax.axis_index("s")
    wid = sid * NC + cid
    strip = pl.ds(sid * STRIP, STRIP)
    base = wid * EPW

    all_sems = list(semg) + list(sems)
    prelude = [pltpu.async_copy(
        vals_hbm.at[strip], table_sh.at[strip], all_sems[0])]
    prelude += [
        pltpu.async_copy(
            edges_hbm.at[d, pl.ds(base + c * CHUNK, CHUNK)],
            (src_v if d == 0 else dst_v).at[c],
            all_sems[(1 + d * CPW + c) % (2 * CPW)])
        for d in range(2) for c in range(CPW)
    ]
    zero16 = jnp.zeros((16,), jnp.float32)

    def zero_buf(i, carry):
        bufs[0][i, :] = zero16
        return carry

    lax.fori_loop(0, CHUNK, zero_buf, 0)
    pltpu.sync_copy(bufs[0].at[pl.ds(0, STRIP)], acc_sh.at[strip])
    for cp in prelude:
        cp.wait()
    plsc.subcore_barrier()

    LEAD = NBUF - 2
    gathers = [None] * CPW
    scatters = [None] * CPW
    for c in range(LEAD):
        gathers[c] = pltpu.async_copy(
            table_sh.at[src_v.at[c]], bufs[c % NBUF], semg[c])
    for c in range(CPW):
        gathers[c].wait()
        scatters[c] = pltpu.async_copy(
            bufs[c % NBUF], acc_sh.at[dst_v.at[c]], sems[c], add=True)
        j = c + LEAD
        if j < CPW:
            if j - NBUF >= 0:
                scatters[j - NBUF].wait()
            gathers[j] = pltpu.async_copy(
                table_sh.at[src_v.at[j]], bufs[j % NBUF], semg[j])
    for c in range(CPW - NBUF, CPW):
        if scatters[c] is not None:
            scatters[c].wait()
    plsc.subcore_barrier()
    pltpu.sync_copy(acc_sh.at[strip], out_hbm.at[cid, strip])



def _tc1_body(c_ref, x_ref, w1_ref, g1_ref, dinv_ref):
    dinv = lax.rsqrt(c_ref[0] + c_ref[1] + 1.0)
    dinv_ref[...] = dinv
    h = jnp.dot(x_ref[...], w1_ref[...], preferred_element_type=jnp.float32)
    g1_ref[pl.ds(0, N_NODES), :] = h * dinv[:N_NODES]
    g1_ref[pl.ds(N_NODES, ACC_ROWS - N_NODES), :] = jnp.zeros(
        (ACC_ROWS - N_NODES, HID), jnp.float32)


def _tc2_body(p_ref, g1_ref, dinv_ref, w2_ref, b1_ref, g2_ref):
    dinv = dinv_ref[...]
    s1 = (p_ref[0] + p_ref[1] + g1_ref[...])[:N_NODES]
    out1 = jnp.maximum(s1 * dinv[:N_NODES] + b1_ref[...], 0.0)
    h2 = jnp.dot(out1, w2_ref[...], preferred_element_type=jnp.float32)
    g2_ref[pl.ds(0, N_NODES), :] = h2 * dinv[:N_NODES]
    g2_ref[pl.ds(N_NODES, ACC_ROWS - N_NODES), :] = jnp.zeros(
        (ACC_ROWS - N_NODES, HID), jnp.float32)


def _tc3_body(p_ref, g2_ref, dinv_ref, b2_ref, wfc_ref, bfc_ref, o_ref):
    s2 = (p_ref[0] + p_ref[1] + g2_ref[...])[:N_NODES]
    out2 = jnp.maximum(s2 * dinv_ref[pl.ds(0, N_NODES), :] + b2_ref[...], 0.0)
    pooled = jnp.sum(out2, axis=0, keepdims=True) * (1.0 / N_NODES)
    z = jnp.dot(pooled, wfc_ref[...], preferred_element_type=jnp.float32)
    o_ref[...] = jax.nn.sigmoid(z + bfc_ref[...])


def kernel(x, edge_index, W1, b1, W2, b2, Wfc, bfc):
    edges = edge_index.astype(jnp.int32)

    cnt = _sc_counts(edges)

    g1, dinv = pl.pallas_call(
        _tc1_body,
        out_shape=(
            jax.ShapeDtypeStruct((ACC_ROWS, HID), jnp.float32),
            jax.ShapeDtypeStruct((ACC_ROWS, HID), jnp.float32),
        ),
    )(cnt, x, W1)

    p1 = _sc_scatter_rows(g1, edges)

    g2 = pl.pallas_call(
        _tc2_body,
        out_shape=jax.ShapeDtypeStruct((ACC_ROWS, HID), jnp.float32),
    )(p1, g1, dinv, W2, b1.reshape(1, HID))

    p2 = _sc_scatter_rows(g2, edges)

    out = pl.pallas_call(
        _tc3_body,
        out_shape=jax.ShapeDtypeStruct((1, 1), jnp.float32),
    )(p2, g2, dinv, b2.reshape(1, HID), Wfc, bfc.reshape(1, 1))
    return out.reshape(1)

# --- scband reference (transcript-rebuilt; emitter-appended) ---
"""Pipeline reference for scband-clique-flux-net-17360257810476 (READ-ONLY COPY).

The authoritative reference and input builder live on the scoring server;
editing this copy changes nothing except your own understanding.
"""

import jax, jax.numpy as jnp
import numpy as np

N_NODES = 10000
N_EDGES = 320000
IN_DIM = 128
HID = 16
OUT_DIM = 1


def gcn_conv(x, edge_index, W, b, num_nodes):
    # PyG-style GCNConv: add self-loops, symmetric normalization, linear transform, scatter-add aggregate
    src = edge_index[0]
    dst = edge_index[1]
    loop = jnp.arange(num_nodes, dtype=src.dtype)
    src = jnp.concatenate([src, loop])
    dst = jnp.concatenate([dst, loop])
    deg = jnp.zeros((num_nodes,), dtype=x.dtype).at[dst].add(1.0)
    dinv = jnp.where(deg > 0, jax.lax.rsqrt(deg), 0.0)
    norm = dinv[src] * dinv[dst]
    h = x @ W
    msg = h[src] * norm[:, None]
    out = jnp.zeros((num_nodes, h.shape[1]), dtype=x.dtype).at[dst].add(msg)
    return out + b


def setup_inputs(seed: int = 0) -> dict:
    key = jax.random.key(seed)
    k_x, k_e, k1, k2, k3, k4, k5, k6 = jax.random.split(key, 8)
    x = jax.random.normal(k_x, (N_NODES, IN_DIM), dtype=jnp.float32)
    edge_index = jax.random.randint(k_e, (2, N_EDGES), 0, N_NODES, dtype=jnp.int64)
    s1 = 1.0 / np.sqrt(IN_DIM)
    s2 = 1.0 / np.sqrt(HID)
    W1 = jax.random.uniform(k1, (IN_DIM, HID), dtype=jnp.float32, minval=-s1, maxval=s1)
    b1 = jax.random.uniform(k2, (HID,), dtype=jnp.float32, minval=-s1, maxval=s1)
    W2 = jax.random.uniform(k3, (HID, HID), dtype=jnp.float32, minval=-s2, maxval=s2)
    b2 = jax.random.uniform(k4, (HID,), dtype=jnp.float32, minval=-s2, maxval=s2)
    Wfc = jax.random.uniform(k5, (HID, OUT_DIM), dtype=jnp.float32, minval=-s2, maxval=s2)
    bfc = jax.random.uniform(k6, (OUT_DIM,), dtype=jnp.float32, minval=-s2, maxval=s2)
    return {"x": x, "edge_index": edge_index, "W1": W1, "b1": b1, "W2": W2, "b2": b2, "Wfc": Wfc, "bfc": bfc}


def reference(x, edge_index, W1, b1, W2, b2, Wfc, bfc):
    num_nodes = x.shape[0]
    h = jax.nn.relu(gcn_conv(x, edge_index, W1, b1, num_nodes))
    h = jax.nn.relu(gcn_conv(h, edge_index, W2, b2, num_nodes))
    pooled = jnp.mean(h, axis=0)
    return jax.nn.sigmoid(pooled @ Wfc + bfc)

if __name__ == "__main__":
    import jax
    _d = setup_inputs()
    print(jax.jit(kernel)(*tuple(_d.values())))

</pallas_src>

<mosaic_0001>
#map = affine_map<(d0, d1) -> (0, 0)>
#map1 = affine_map<(d0, d1) -> (0, 0, 0)>
module attributes {stable_mosaic.version = 14 : i64} {
  func.func @_sc_scatter_rows(%arg0: i32, %arg1: i32, %arg2: memref<10240x16xf32, #tpu.memory_space<hbm>>, %arg3: memref<2x320000xi32, #tpu.memory_space<hbm>>, %arg4: memref<2x10240x16xf32, #tpu.memory_space<hbm>>, %arg5: memref<10x1000xi32, #tpu.memory_space<vmem>>, %arg6: memref<10x1000xi32, #tpu.memory_space<vmem>>, %arg7: memref<1000x16xf32, #tpu.memory_space<vmem>>, %arg8: memref<1000x16xf32, #tpu.memory_space<vmem>>, %arg9: memref<1000x16xf32, #tpu.memory_space<vmem>>, %arg10: memref<1000x16xf32, #tpu.memory_space<vmem>>, %arg11: memref<10240x16xf32, #tpu.memory_space<vmem_shared>>, %arg12: memref<10240x16xf32, #tpu.memory_space<vmem_shared>>, %arg13: memref<!tpu.dma_semaphore, #tpu.memory_space<semaphore_mem>>, %arg14: memref<!tpu.dma_semaphore, #tpu.memory_space<semaphore_mem>>, %arg15: memref<!tpu.dma_semaphore, #tpu.memory_space<semaphore_mem>>, %arg16: memref<!tpu.dma_semaphore, #tpu.memory_space<semaphore_mem>>, %arg17: memref<!tpu.dma_semaphore, #tpu.memory_space<semaphore_mem>>, %arg18: memref<!tpu.dma_semaphore, #tpu.memory_space<semaphore_mem>>, %arg19: memref<!tpu.dma_semaphore, #tpu.memory_space<semaphore_mem>>, %arg20: memref<!tpu.dma_semaphore, #tpu.memory_space<semaphore_mem>>, %arg21: memref<!tpu.dma_semaphore, #tpu.memory_space<semaphore_mem>>, %arg22: memref<!tpu.dma_semaphore, #tpu.memory_space<semaphore_mem>>, %arg23: memref<!tpu.dma_semaphore, #tpu.memory_space<semaphore_mem>>, %arg24: memref<!tpu.dma_semaphore, #tpu.memory_space<semaphore_mem>>, %arg25: memref<!tpu.dma_semaphore, #tpu.memory_space<semaphore_mem>>, %arg26: memref<!tpu.dma_semaphore, #tpu.memory_space<semaphore_mem>>, %arg27: memref<!tpu.dma_semaphore, #tpu.memory_space<semaphore_mem>>, %arg28: memref<!tpu.dma_semaphore, #tpu.memory_space<semaphore_mem>>, %arg29: memref<!tpu.dma_semaphore, #tpu.memory_space<semaphore_mem>>, %arg30: memref<!tpu.dma_semaphore, #tpu.memory_space<semaphore_mem>>, %arg31: memref<!tpu.dma_semaphore, #tpu.memory_space<semaphore_mem>>, %arg32: memref<!tpu.dma_semaphore, #tpu.memory_space<semaphore_mem>>) attributes {dimension_semantics = [#tpu.dimension_semantics<core_parallel>, #tpu.dimension_semantics<subcore_parallel>], iteration_bounds = array<i64: 2, 16>, scalar_prefetch = 0 : i64, scratch_operands = 28 : i64, tpu.core_type = #tpu.core_type<sc_vector_subcore>, window_params = [{transform_indices = #map}, {transform_indices = #map}, {transform_indices = #map1}]} {
    %mul3A = arith.constant 2 : i32
    %mul3A_0 = arith.muli %arg1, %mul3A : i32
    %add3A = arith.addi %mul3A_0, %arg0 : i32
    %mul3A_1 = arith.constant 640 : i32
    %mul3A_2 = arith.muli %arg1, %mul3A_1 : i32
    %mul3A_3 = arith.constant 10000 : i32
    %mul3A_4 = arith.muli %add3A, %mul3A_3 : i32
    %dma_start3A = arith.constant 0 : i32
    %dma_start3A_5 = tpu.memref_slice %arg12[%mul3A_2, %dma_start3A] : memref<10240x16xf32, #tpu.memory_space<vmem_shared>> -> memref<640x16xf32, #tpu.memory_space<vmem_shared>>
    %dma_start3A_6 = arith.constant 0 : i32
    %dma_start3A_7 = tpu.memref_slice %arg2[%mul3A_2, %dma_start3A_6] : memref<10240x16xf32, #tpu.memory_space<hbm>> -> memref<640x16xf32, #tpu.memory_space<hbm>>
    tpu.enqueue_dma source(%dma_start3A_7 : memref<640x16xf32, #tpu.memory_space<hbm>>) target(%dma_start3A_5 : memref<640x16xf32, #tpu.memory_space<vmem_shared>>) target_semaphore(%arg13 : memref<!tpu.dma_semaphore, #tpu.memory_space<semaphore_mem>>)
    %add3A_8 = arith.constant 0 : i32
    %add3A_9 = arith.addi %mul3A_4, %add3A_8 : i32
    %dma_start3A_10 = arith.constant 0 : i32
    %dma_start3A_11 = arith.constant 0 : i32
    %dma_start3A_12 = arith.constant 0 : i32
    %dma_start3A_13 = tpu.memref_slice %arg5[%dma_start3A_11, %dma_start3A_12] : memref<10x1000xi32, #tpu.memory_space<vmem>> -> memref<1x1000xi32, #tpu.memory_space<vmem>>
    %dma_start3A_14 = tpu.memref_squeeze %dma_start3A_13 : memref<1x1000xi32, #tpu.memory_space<vmem>> -> memref<1000xi32, #tpu.memory_space<vmem>>
    %dma_start3A_15 = tpu.memref_slice %arg3[%dma_start3A_10, %add3A_9] : memref<2x320000xi32, #tpu.memory_space<hbm>> -> memref<1x1000xi32, #tpu.memory_space<hbm>>
    %dma_start3A_16 = tpu.memref_squeeze %dma_start3A_15 : memref<1x1000xi32, #tpu.memory_space<hbm>> -> memref<1000xi32, #tpu.memory_space<hbm>>
    %dma_start3A_17 = arith.constant 0 : i32
    %dma_start3A_18 = tpu.memref_slice %arg5[%dma_start3A_11, %dma_start3A_17] : memref<10x1000xi32, #tpu.memory_space<vmem>> -> memref<1x1000xi32, #tpu.memory_space<vmem>>
    %dma_start3A_19 = tpu.memref_squeeze %dma_start3A_18 : memref<1x1000xi32, #tpu.memory_space<vmem>> -> memref<1000xi32, #tpu.memory_space<vmem>>
    %dma_start3A_20 = tpu.memref_slice %arg3[%dma_start3A_10, %add3A_9] : memref<2x320000xi32, #tpu.memory_space<hbm>> -> memref<1x1000xi32, #tpu.memory_space<hbm>>
    %dma_start3A_21 = tpu.memref_squeeze %dma_start3A_20 : memref<1x1000xi32, #tpu.memory_space<hbm>> -> memref<1000xi32, #tpu.memory_space<hbm>>
    tpu.enqueue_dma source(%dma_start3A_21 : memref<1000xi32, #tpu.memory_space<hbm>>) target(%dma_start3A_19 : memref<1000xi32, #tpu.memory_space<vmem>>) target_semaphore(%arg14 : memref<!tpu.dma_semaphore, #tpu.memory_space<semaphore_mem>>)
    %add3A_22 = arith.constant 1000 : i32
    %add3A_23 = arith.addi %mul3A_4, %add3A_22 : i32
    %dma_start3A_24 = arith.constant 0 : i32
    %dma_start3A_25 = arith.constant 1 : i32
    %dma_start3A_26 = arith.constant 0 : i32
    %dma_start3A_27 = tpu.memref_slice %arg5[%dma_start3A_25, %dma_start3A_26] : memref<10x1000xi32, #tpu.memory_space<vmem>> -> memref<1x1000xi32, #tpu.memory_space<vmem>>
    %dma_start3A_28 = tpu.memref_squeeze %dma_start3A_27 : memref<1x1000xi32, #tpu.memory_space<vmem>> -> memref<1000xi32, #tpu.memory_space<vmem>>
    %dma_start3A_29 = tpu.memref_slice %arg3[%dma_start3A_24, %add3A_23] : memref<2x320000xi32, #tpu.memory_space<hbm>> -> memref<1x1000xi32, #tpu.memory_space<hbm>>
    %dma_start3A_30 = tpu.memref_squeeze %dma_start3A_29 : memref<1x1000xi32, #tpu.memory_space<hbm>> -> memref<1000xi32, #tpu.memory_space<hbm>>
    %dma_start3A_31 = arith.constant 0 : i32
    %dma_start3A_32 = tpu.memref_slice %arg5[%dma_start3A_25, %dma_start3A_31] : memref<10x1000xi32, #tpu.memory_space<vmem>> -> memref<1x1000xi32, #tpu.memory_space<vmem>>
    %dma_start3A_33 = tpu.memref_squeeze %dma_start3A_32 : memref<1x1000xi32, #tpu.memory_space<vmem>> -> memref<1000xi32, #tpu.memory_space<vmem>>
    %dma_start3A_34 = tpu.memref_slice %arg3[%dma_start3A_24, %add3A_23] : memref<2x320000xi32, #tpu.memory_space<hbm>> -> memref<1x1000xi32, #tpu.memory_space<hbm>>
    %dma_start3A_35 = tpu.memref_squeeze %dma_start3A_34 : memref<1x1000xi32, #tpu.memory_space<hbm>> -> memref<1000xi32, #tpu.memory_space<hbm>>
    tpu.enqueue_dma source(%dma_start3A_35 : memref<1000xi32, #tpu.memory_space<hbm>>) target(%dma_start3A_33 : memref<1000xi32, #tpu.memory_space<vmem>>) target_semaphore(%arg15 : memref<!tpu.dma_semaphore, #tpu.memory_space<semaphore_mem>>)
    %add3A_36 = arith.constant 2000 : i32
    %add3A_37 = arith.addi %mul3A_4, %add3A_36 : i32
    %dma_start3A_38 = arith.constant 0 : i32
    %dma_start3A_39 = arith.constant 2 : i32
    %dma_start3A_40 = arith.constant 0 : i32
    %dma_start3A_41 = tpu.memref_slice %arg5[%dma_start3A_39, %dma_start3A_40] : memref<10x1000xi32, #tpu.memory_space<vmem>> -> memref<1x1000xi32, #tpu.memory_space<vmem>>
    %dma_start3A_42 = tpu.memref_squeeze %dma_start3A_41 : memref<1x1000xi32, #tpu.memory_space<vmem>> -> memref<1000xi32, #tpu.memory_space<vmem>>
    %dma_start3A_43 = tpu.memref_slice %arg3[%dma_start3A_38, %add3A_37] : memref<2x320000xi32, #tpu.memory_space<hbm>> -> memref<1x1000xi32, #tpu.memory_space<hbm>>
    %dma_start3A_44 = tpu.memref_squeeze %dma_start3A_43 : memref<1x1000xi32, #tpu.memory_space<hbm>> -> memref<1000xi32, #tpu.memory_space<hbm>>
    %dma_start3A_45 = arith.constant 0 : i32
    %dma_start3A_46 = tpu.memref_slice %arg5[%dma_start3A_39, %dma_start3A_45] : memref<10x1000xi32, #tpu.memory_space<vmem>> -> memref<1x1000xi32, #tpu.memory_space<vmem>>
    %dma_start3A_47 = tpu.memref_squeeze %dma_start3A_46 : memref<1x1000xi32, #tpu.memory_space<vmem>> -> memref<1000xi32, #tpu.memory_space<vmem>>
    %dma_start3A_48 = tpu.memref_slice %arg3[%dma_start3A_38, %add3A_37] : memref<2x320000xi32, #tpu.memory_space<hbm>> -> memref<1x1000xi32, #tpu.memory_space<hbm>>
    %dma_start3A_49 = tpu.memref_squeeze %dma_start3A_48 : memref<1x1000xi32, #tpu.memory_space<hbm>> -> memref<1000xi32, #tpu.memory_space<hbm>>
    tpu.enqueue_dma source(%dma_start3A_49 : memref<1000xi32, #tpu.memory_space<hbm>>) target(%dma_start3A_47 : memref<1000xi32, #tpu.memory_space<vmem>>) target_semaphore(%arg16 : memref<!tpu.dma_semaphore, #tpu.memory_space<semaphore_mem>>)
    %add3A_50 = arith.constant 3000 : i32
    %add3A_51 = arith.addi %mul3A_4, %add3A_50 : i32
    %dma_start3A_52 = arith.constant 0 : i32
    %dma_start3A_53 = arith.constant 3 : i32
    %dma_start3A_54 = arith.constant 0 : i32
    %dma_start3A_55 = tpu.memref_slice %arg5[%dma_start3A_53, %dma_start3A_54] : memref<10x1000xi32, #tpu.memory_space<vmem>> -> memref<1x1000xi32, #tpu.memory_space<vmem>>
    %dma_start3A_56 = tpu.memref_squeeze %dma_start3A_55 : memref<1x1000xi32, #tpu.memory_space<vmem>> -> memref<1000xi32, #tpu.memory_space<vmem>>
    %dma_start3A_57 = tpu.memref_slice %arg3[%dma_start3A_52, %add3A_51] : memref<2x320000xi32, #tpu.memory_space<hbm>> -> memref<1x1000xi32, #tpu.memory_space<hbm>>
    %dma_start3A_58 = tpu.memref_squeeze %dma_start3A_57 : memref<1x1000xi32, #tpu.memory_space<hbm>> -> memref<1000xi32, #tpu.memory_space<hbm>>
    %dma_start3A_59 = arith.constant 0 : i32
    %dma_start3A_60 = tpu.memref_slice %arg5[%dma_start3A_53, %dma_start3A_59] : memref<10x1000xi32, #tpu.memory_space<vmem>> -> memref<1x1000xi32, #tpu.memory_space<vmem>>
    %dma_start3A_61 = tpu.memref_squeeze %dma_start3A_60 : memref<1x1000xi32, #tpu.memory_space<vmem>> -> memref<1000xi32, #tpu.memory_space<vmem>>
    %dma_start3A_62 = tpu.memref_slice %arg3[%dma_start3A_52, %add3A_51] : memref<2x320000xi32, #tpu.memory_space<hbm>> -> memref<1x1000xi32, #tpu.memory_space<hbm>>
    %dma_start3A_63 = tpu.memref_squeeze %dma_start3A_62 : memref<1x1000xi32, #tpu.memory_space<hbm>> -> memref<1000xi32, #tpu.memory_space<hbm>>
    tpu.enqueue_dma source(%dma_start3A_63 : memref<1000xi32, #tpu.memory_space<hbm>>) target(%dma_start3A_61 : memref<1000xi32, #tpu.memory_space<vmem>>) target_semaphore(%arg17 : memref<!tpu.dma_semaphore, #tpu.memory_space<semaphore_mem>>)
    %add3A_64 = arith.constant 4000 : i32
    %add3A_65 = arith.addi %mul3A_4, %add3A_64 : i32
    %dma_start3A_66 = arith.constant 0 : i32
    %dma_start3A_67 = arith.constant 4 : i32
    %dma_start3A_68 = arith.constant 0 : i32
    %dma_start3A_69 = tpu.memref_slice %arg5[%dma_start3A_67, %dma_start3A_68] : memref<10x1000xi32, #tpu.memory_space<vmem>> -> memref<1x1000xi32, #tpu.memory_space<vmem>>
    %dma_start3A_70 = tpu.memref_squeeze %dma_start3A_69 : memref<1x1000xi32, #tpu.memory_space<vmem>> -> memref<1000xi32, #tpu.memory_space<vmem>>
    %dma_start3A_71 = tpu.memref_slice %arg3[%dma_start3A_66, %add3A_65] : memref<2x320000xi32, #tpu.memory_space<hbm>> -> memref<1x1000xi32, #tpu.memory_space<hbm>>
    %dma_start3A_72 = tpu.memref_squeeze %dma_start3A_71 : memref<1x1000xi32, #tpu.memory_space<hbm>> -> memref<1000xi32, #tpu.memory_space<hbm>>
    %dma_start3A_73 = arith.constant 0 : i32
    %dma_start3A_74 = tpu.memref_slice %arg5[%dma_start3A_67, %dma_start3A_73] : memref<10x1000xi32, #tpu.memory_space<vmem>> -> memref<1x1000xi32, #tpu.memory_space<vmem>>
    %dma_start3A_75 = tpu.memref_squeeze %dma_start3A_74 : memref<1x1000xi32, #tpu.memory_space<vmem>> -> memref<1000xi32, #tpu.memory_space<vmem>>
    %dma_start3A_76 = tpu.memref_slice %arg3[%dma_start3A_66, %add3A_65] : memref<2x320000xi32, #tpu.memory_space<hbm>> -> memref<1x1000xi32, #tpu.memory_space<hbm>>
    %dma_start3A_77 = tpu.memref_squeeze %dma_start3A_76 : memref<1x1000xi32, #tpu.memory_space<hbm>> -> memref<1000xi32, #tpu.memory_space<hbm>>
    tpu.enqueue_dma source(%dma_start3A_77 : memref<1000xi32, #tpu.memory_space<hbm>>) target(%dma_start3A_75 : memref<1000xi32, #tpu.memory_space<vmem>>) target_semaphore(%arg18 : memref<!tpu.dma_semaphore, #tpu.memory_space<semaphore_mem>>)
    %add3A_78 = arith.constant 5000 : i32
    %add3A_79 = arith.addi %mul3A_4, %add3A_78 : i32
    %dma_start3A_80 = arith.constant 0 : i32
    %dma_start3A_81 = arith.constant 5 : i32
    %dma_start3A_82 = arith.constant 0 : i32
    %dma_start3A_83 = tpu.memref_slice %arg5[%dma_start3A_81, %dma_start3A_82] : memref<10x1000xi32, #tpu.memory_space<vmem>> -> memref<1x1000xi32, #tpu.memory_space<vmem>>
    %dma_start3A_84 = tpu.memref_squeeze %dma_start3A_83 : memref<1x1000xi32, #tpu.memory_space<vmem>> -> memref<1000xi32, #tpu.memory_space<vmem>>
    %dma_start3A_85 = tpu.memref_slice %arg3[%dma_start3A_80, %add3A_79] : memref<2x320000xi32, #tpu.memory_space<hbm>> -> memref<1x1000xi32, #tpu.memory_space<hbm>>
    %dma_start3A_86 = tpu.memref_squeeze %dma_start3A_85 : memref<1x1000xi32, #tpu.memory_space<hbm>> -> memref<1000xi32, #tpu.memory_space<hbm>>
    %dma_start3A_87 = arith.constant 0 : i32
    %dma_start3A_88 = tpu.memref_slice %arg5[%dma_start3A_81, %dma_start3A_87] : memref<10x1000xi32, #tpu.memory_space<vmem>> -> memref<1x1000xi32, #tpu.memory_space<vmem>>
    %dma_start3A_89 = tpu.memref_squeeze %dma_start3A_88 : memref<1x1000xi32, #tpu.memory_space<vmem>> -> memref<1000xi32, #tpu.memory_space<vmem>>
    %dma_start3A_90 = tpu.memref_slice %arg3[%dma_start3A_80, %add3A_79] : memref<2x320000xi32, #tpu.memory_space<hbm>> -> memref<1x1000xi32, #tpu.memory_space<hbm>>
    %dma_start3A_91 = tpu.memref_squeeze %dma_start3A_90 : memref<1x1000xi32, #tpu.memory_space<hbm>> -> memref<1000xi32, #tpu.memory_space<hbm>>
    tpu.enqueue_dma source(%dma_start3A_91 : memref<1000xi32, #tpu.memory_space<hbm>>) target(%dma_start3A_89 : memref<1000xi32, #tpu.memory_space<vmem>>) target_semaphore(%arg19 : memref<!tpu.dma_semaphore, #tpu.memory_space<semaphore_mem>>)
    %add3A_92 = arith.constant 6000 : i32
    %add3A_93 = arith.addi %mul3A_4, %add3A_92 : i32
    %dma_start3A_94 = arith.constant 0 : i32
    %dma_start3A_95 = arith.constant 6 : i32
    %dma_start3A_96 = arith.constant 0 : i32
    %dma_start3A_97 = tpu.memref_slice %arg5[%dma_start3A_95, %dma_start3A_96] : memref<10x1000xi32, #tpu.memory_space<vmem>> -> memref<1x1000xi32, #tpu.memory_space<vmem>>
    %dma_start3A_98 = tpu.memref_squeeze %dma_start3A_97 : memref<1x1000xi32, #tpu.memory_space<vmem>> -> memref<1000xi32, #tpu.memory_space<vmem>>
    %dma_start3A_99 = tpu.memref_slice %arg3[%dma_start3A_94, %add3A_93] : memref<2x320000xi32, #tpu.memory_space<hbm>> -> memref<1x1000xi32, #tpu.memory_space<hbm>>
    %dma_start3A_100 = tpu.memref_squeeze %dma_start3A_99 : memref<1x1000xi32, #tpu.memory_space<hbm>> -> memref<1000xi32, #tpu.memory_space<hbm>>
    %dma_start3A_101 = arith.constant 0 : i32
    %dma_start3A_102 = tpu.memref_slice %arg5[%dma_start3A_95, %dma_start3A_101] : memref<10x1000xi32, #tpu.memory_space<vmem>> -> memref<1x1000xi32, #tpu.memory_space<vmem>>
    %dma_start3A_103 = tpu.memref_squeeze %dma_start3A_102 : memref<1x1000xi32, #tpu.memory_space<vmem>> -> memref<1000xi32, #tpu.memory_space<vmem>>
    %dma_start3A_104 = tpu.memref_slice %arg3[%dma_start3A_94, %add3A_93] : memref<2x320000xi32, #tpu.memory_space<hbm>> -> memref<1x1000xi32, #tpu.memory_space<hbm>>
    %dma_start3A_105 = tpu.memref_squeeze %dma_start3A_104 : memref<1x1000xi32, #tpu.memory_space<hbm>> -> memref<1000xi32, #tpu.memory_space<hbm>>
    tpu.enqueue_dma source(%dma_start3A_105 : memref<1000xi32, #tpu.memory_space<hbm>>) target(%dma_start3A_103 : memref<1000xi32, #tpu.memory_space<vmem>>) target_semaphore(%arg20 : memref<!tpu.dma_semaphore, #tpu.memory_space<semaphore_mem>>)
    %add3A_106 = arith.constant 7000 : i32
    %add3A_107 = arith.addi %mul3A_4, %add3A_106 : i32
    %dma_start3A_108 = arith.constant 0 : i32
    %dma_start3A_109 = arith.constant 7 : i32
    %dma_start3A_110 = arith.constant 0 : i32
    %dma_start3A_111 = tpu.memref_slice %arg5[%dma_start3A_109, %dma_start3A_110] : memref<10x1000xi32, #tpu.memory_space<vmem>> -> memref<1x1000xi32, #tpu.memory_space<vmem>>
    %dma_start3A_112 = tpu.memref_squeeze %dma_start3A_111 : memref<1x1000xi32, #tpu.memory_space<vmem>> -> memref<1000xi32, #tpu.memory_space<vmem>>
    %dma_start3A_113 = tpu.memref_slice %arg3[%dma_start3A_108, %add3A_107] : memref<2x320000xi32, #tpu.memory_space<hbm>> -> memref<1x1000xi32, #tpu.memory_space<hbm>>
    %dma_start3A_114 = tpu.memref_squeeze %dma_start3A_113 : memref<1x1000xi32, #tpu.memory_space<hbm>> -> memref<1000xi32, #tpu.memory_space<hbm>>
    %dma_start3A_115 = arith.constant 0 : i32
    %dma_start3A_116 = tpu.memref_slice %arg5[%dma_start3A_109, %dma_start3A_115] : memref<10x1000xi32, #tpu.memory_space<vmem>> -> memref<1x1000xi32, #tpu.memory_space<vmem>>
    %dma_start3A_117 = tpu.memref_squeeze %dma_start3A_116 : memref<1x1000xi32, #tpu.memory_space<vmem>> -> memref<1000xi32, #tpu.memory_space<vmem>>
    %dma_start3A_118 = tpu.memref_slice %arg3[%dma_start3A_108, %add3A_107] : memref<2x320000xi32, #tpu.memory_space<hbm>> -> memref<1x1000xi32, #tpu.memory_space<hbm>>
    %dma_start3A_119 = tpu.memref_squeeze %dma_start3A_118 : memref<1x1000xi32, #tpu.memory_space<hbm>> -> memref<1000xi32, #tpu.memory_space<hbm>>
    tpu.enqueue_dma source(%dma_start3A_119 : memref<1000xi32, #tpu.memory_space<hbm>>) target(%dma_start3A_117 : memref<1000xi32, #tpu.memory_space<vmem>>) target_semaphore(%arg21 : memref<!tpu.dma_semaphore, #tpu.memory_space<semaphore_mem>>)
    %add3A_120 = arith.constant 8000 : i32
    %add3A_121 = arith.addi %mul3A_4, %add3A_120 : i32
    %dma_start3A_122 = arith.constant 0 : i32
    %dma_start3A_123 = arith.constant 8 : i32
    %dma_start3A_124 = arith.constant 0 : i32
    %dma_start3A_125 = tpu.memref_slice %arg5[%dma_start3A_123, %dma_start3A_124] : memref<10x1000xi32, #tpu.memory_space<vmem>> -> memref<1x1000xi32, #tpu.memory_space<vmem>>
    %dma_start3A_126 = tpu.memref_squeeze %dma_start3A_125 : memref<1x1000xi32, #tpu.memory_space<vmem>> -> memref<1000xi32, #tpu.memory_space<vmem>>
    %dma_start3A_127 = tpu.memref_slice %arg3[%dma_start3A_122, %add3A_121] : memref<2x320000xi32, #tpu.memory_space<hbm>> -> memref<1x1000xi32, #tpu.memory_space<hbm>>
    %dma_start3A_128 = tpu.memref_squeeze %dma_start3A_127 : memref<1x1000xi32, #tpu.memory_space<hbm>> -> memref<1000xi32, #tpu.memory_space<hbm>>
    %dma_start3A_129 = arith.constant 0 : i32
    %dma_start3A_130 = tpu.memref_slice %arg5[%dma_start3A_123, %dma_start3A_129] : memref<10x1000xi32, #tpu.memory_space<vmem>> -> memref<1x1000xi32, #tpu.memory_space<vmem>>
    %dma_start3A_131 = tpu.memref_squeeze %dma_start3A_130 : memref<1x1000xi32, #tpu.memory_space<vmem>> -> memref<1000xi32, #tpu.memory_space<vmem>>
    %dma_start3A_132 = tpu.memref_slice %arg3[%dma_start3A_122, %add3A_121] : memref<2x320000xi32, #tpu.memory_space<hbm>> -> memref<1x1000xi32, #tpu.memory_space<hbm>>
    %dma_start3A_133 = tpu.memref_squeeze %dma_start3A_132 : memref<1x1000xi32, #tpu.memory_space<hbm>> -> memref<1000xi32, #tpu.memory_space<hbm>>
    tpu.enqueue_dma source(%dma_start3A_133 : memref<1000xi32, #tpu.memory_space<hbm>>) target(%dma_start3A_131 : memref<1000xi32, #tpu.memory_space<vmem>>) target_semaphore(%arg22 : memref<!tpu.dma_semaphore, #tpu.memory_space<semaphore_mem>>)
    %add3A_134 = arith.constant 9000 : i32
    %add3A_135 = arith.addi %mul3A_4, %add3A_134 : i32
    %dma_start3A_136 = arith.constant 0 : i32
    %dma_start3A_137 = arith.constant 9 : i32
    %dma_start3A_138 = arith.constant 0 : i32
    %dma_start3A_139 = tpu.memref_slice %arg5[%dma_start3A_137, %dma_start3A_138] : memref<10x1000xi32, #tpu.memory_space<vmem>> -> memref<1x1000xi32, #tpu.memory_space<vmem>>
    %dma_start3A_140 = tpu.memref_squeeze %dma_start3A_139 : memref<1x1000xi32, #tpu.memory_space<vmem>> -> memref<1000xi32, #tpu.memory_space<vmem>>
    %dma_start3A_141 = tpu.memref_slice %arg3[%dma_start3A_136, %add3A_135] : memref<2x320000xi32, #tpu.memory_space<hbm>> -> memref<1x1000xi32, #tpu.memory_space<hbm>>
    %dma_start3A_142 = tpu.memref_squeeze %dma_start3A_141 : memref<1x1000xi32, #tpu.memory_space<hbm>> -> memref<1000xi32, #tpu.memory_space<hbm>>
    %dma_start3A_143 = arith.constant 0 : i32
    %dma_start3A_144 = tpu.memref_slice %arg5[%dma_start3A_137, %dma_start3A_143] : memref<10x1000xi32, #tpu.memory_space<vmem>> -> memref<1x1000xi32, #tpu.memory_space<vmem>>
    %dma_start3A_145 = tpu.memref_squeeze %dma_start3A_144 : memref<1x1000xi32, #tpu.memory_space<vmem>> -> memref<1000xi32, #tpu.memory_space<vmem>>
    %dma_start3A_146 = tpu.memref_slice %arg3[%dma_start3A_136, %add3A_135] : memref<2x320000xi32, #tpu.memory_space<hbm>> -> memref<1x1000xi32, #tpu.memory_space<hbm>>
    %dma_start3A_147 = tpu.memref_squeeze %dma_start3A_146 : memref<1x1000xi32, #tpu.memory_space<hbm>> -> memref<1000xi32, #tpu.memory_space<hbm>>
    tpu.enqueue_dma source(%dma_start3A_147 : memref<1000xi32, #tpu.memory_space<hbm>>) target(%dma_start3A_145 : memref<1000xi32, #tpu.memory_space<vmem>>) target_semaphore(%arg23 : memref<!tpu.dma_semaphore, #tpu.memory_space<semaphore_mem>>)
    %add3A_148 = arith.constant 0 : i32
    %add3A_149 = arith.addi %mul3A_4, %add3A_148 : i32
    %dma_start3A_150 = arith.constant 1 : i32
    %dma_start3A_151 = arith.constant 0 : i32
    %dma_start3A_152 = arith.constant 0 : i32
    %dma_start3A_153 = tpu.memref_slice %arg6[%dma_start3A_151, %dma_start3A_152] : memref<10x1000xi32, #tpu.memory_space<vmem>> -> memref<1x1000xi32, #tpu.memory_space<vmem>>
    %dma_start3A_154 = tpu.memref_squeeze %dma_start3A_153 : memref<1x1000xi32, #tpu.memory_space<vmem>> -> memref<1000xi32, #tpu.memory_space<vmem>>
    %dma_start3A_155 = tpu.memref_slice %arg3[%dma_start3A_150, %add3A_149] : memref<2x320000xi32, #tpu.memory_space<hbm>> -> memref<1x1000xi32, #tpu.memory_space<hbm>>
    %dma_start3A_156 = tpu.memref_squeeze %dma_start3A_155 : memref<1x1000xi32, #tpu.memory_space<hbm>> -> memref<1000xi32, #tpu.memory_space<hbm>>
    %dma_start3A_157 = arith.constant 0 : i32
    %dma_start3A_158 = tpu.memref_slice %arg6[%dma_start3A_151, %dma_start3A_157] : memref<10x1000xi32, #tpu.memory_space<vmem>> -> memref<1x1000xi32, #tpu.memory_space<vmem>>
    %dma_start3A_159 = tpu.memref_squeeze %dma_start3A_158 : memref<1x1000xi32, #tpu.memory_space<vmem>> -> memref<1000xi32, #tpu.memory_space<vmem>>
    %dma_start3A_160 = tpu.memref_slice %arg3[%dma_start3A_150, %add3A_149] : memref<2x320000xi32, #tpu.memory_space<hbm>> -> memref<1x1000xi32, #tpu.memory_space<hbm>>
    %dma_start3A_161 = tpu.memref_squeeze %dma_start3A_160 : memref<1x1000xi32, #tpu.memory_space<hbm>> -> memref<1000xi32, #tpu.memory_space<hbm>>
    tpu.enqueue_dma source(%dma_start3A_161 : memref<1000xi32, #tpu.memory_space<hbm>>) target(%dma_start3A_159 : memref<1000xi32, #tpu.memory_space<vmem>>) target_semaphore(%arg24 : memref<!tpu.dma_semaphore, #tpu.memory_space<semaphore_mem>>)
    %add3A_162 = arith.constant 1000 : i32
    %add3A_163 = arith.addi %mul3A_4, %add3A_162 : i32
    %dma_start3A_164 = arith.constant 1 : i32
    %dma_start3A_165 = arith.constant 1 : i32
    %dma_start3A_166 = arith.constant 0 : i32
    %dma_start3A_167 = tpu.memref_slice %arg6[%dma_start3A_165, %dma_start3A_166] : memref<10x1000xi32, #tpu.memory_space<vmem>> -> memref<1x1000xi32, #tpu.memory_space<vmem>>
    %dma_start3A_168 = tpu.memref_squeeze %dma_start3A_167 : memref<1x1000xi32, #tpu.memory_space<vmem>> -> memref<1000xi32, #tpu.memory_space<vmem>>
    %dma_start3A_169 = tpu.memref_slice %arg3[%dma_start3A_164, %add3A_163] : memref<2x320000xi32, #tpu.memory_space<hbm>> -> memref<1x1000xi32, #tpu.memory_space<hbm>>
    %dma_start3A_170 = tpu.memref_squeeze %dma_start3A_169 : memref<1x1000xi32, #tpu.memory_space<hbm>> -> memref<1000xi32, #tpu.memory_space<hbm>>
    %dma_start3A_171 = arith.constant 0 : i32
    %dma_start3A_172 = tpu.memref_slice %arg6[%dma_start3A_165, %dma_start3A_171] : memref<10x1000xi32, #tpu.memory_space<vmem>> -> memref<1x1000xi32, #tpu.memory_space<vmem>>
    %dma_start3A_173 = tpu.memref_squeeze %dma_start3A_172 : memref<1x1000xi32, #tpu.memory_space<vmem>> -> memref<1000xi32, #tpu.memory_space<vmem>>
    %dma_start3A_174 = tpu.memref_slice %arg3[%dma_start3A_164, %add3A_163] : memref<2x320000xi32, #tpu.memory_space<hbm>> -> memref<1x1000xi32, #tpu.memory_space<hbm>>
    %dma_start3A_175 = tpu.memref_squeeze %dma_start3A_174 : memref<1x1000xi32, #tpu.memory_space<hbm>> -> memref<1000xi32, #tpu.memory_space<hbm>>
    tpu.enqueue_dma source(%dma_start3A_175 : memref<1000xi32, #tpu.memory_space<hbm>>) target(%dma_start3A_173 : memref<1000xi32, #tpu.memory_space<vmem>>) target_semaphore(%arg25 : memref<!tpu.dma_semaphore, #tpu.memory_space<semaphore_mem>>)
    %add3A_176 = arith.constant 2000 : i32
    %add3A_177 = arith.addi %mul3A_4, %add3A_176 : i32
    %dma_start3A_178 = arith.constant 1 : i32
    %dma_start3A_179 = arith.constant 2 : i32
    %dma_start3A_180 = arith.constant 0 : i32
    %dma_start3A_181 = tpu.memref_slice %arg6[%dma_start3A_179, %dma_start3A_180] : memref<10x1000xi32, #tpu.memory_space<vmem>> -> memref<1x1000xi32, #tpu.memory_space<vmem>>
    %dma_start3A_182 = tpu.memref_squeeze %dma_start3A_181 : memref<1x1000xi32, #tpu.memory_space<vmem>> -> memref<1000xi32, #tpu.memory_space<vmem>>
    %dma_start3A_183 = tpu.memref_slice %arg3[%dma_start3A_178, %add3A_177] : memref<2x320000xi32, #tpu.memory_space<hbm>> -> memref<1x1000xi32, #tpu.memory_space<hbm>>
    %dma_start3A_184 = tpu.memref_squeeze %dma_start3A_183 : memref<1x1000xi32, #tpu.memory_space<hbm>> -> memref<1000xi32, #tpu.memory_space<hbm>>
    %dma_start3A_185 = arith.constant 0 : i32
    %dma_start3A_186 = tpu.memref_slice %arg6[%dma_start3A_179, %dma_start3A_185] : memref<10x1000xi32, #tpu.memory_space<vmem>> -> memref<1x1000xi32, #tpu.memory_space<vmem>>
    %dma_start3A_187 = tpu.memref_squeeze %dma_start3A_186 : memref<1x1000xi32, #tpu.memory_space<vmem>> -> memref<1000xi32, #tpu.memory_space<vmem>>
    %dma_start3A_188 = tpu.memref_slice %arg3[%dma_start3A_178, %add3A_177] : memref<2x320000xi32, #tpu.memory_space<hbm>> -> memref<1x1000xi32, #tpu.memory_space<hbm>>
    %dma_start3A_189 = tpu.memref_squeeze %dma_start3A_188 : memref<1x1000xi32, #tpu.memory_space<hbm>> -> memref<1000xi32, #tpu.memory_space<hbm>>
    tpu.enqueue_dma source(%dma_start3A_189 : memref<1000xi32, #tpu.memory_space<hbm>>) target(%dma_start3A_187 : memref<1000xi32, #tpu.memory_space<vmem>>) target_semaphore(%arg26 : memref<!tpu.dma_semaphore, #tpu.memory_space<semaphore_mem>>)
    %add3A_190 = arith.constant 3000 : i32
    %add3A_191 = arith.addi %mul3A_4, %add3A_190 : i32
    %dma_start3A_192 = arith.constant 1 : i32
    %dma_start3A_193 = arith.constant 3 : i32
    %dma_start3A_194 = arith.constant 0 : i32
    %dma_start3A_195 = tpu.memref_slice %arg6[%dma_start3A_193, %dma_start3A_194] : memref<10x1000xi32, #tpu.memory_space<vmem>> -> memref<1x1000xi32, #tpu.memory_space<vmem>>
    %dma_start3A_196 = tpu.memref_squeeze %dma_start3A_195 : memref<1x1000xi32, #tpu.memory_space<vmem>> -> memref<1000xi32, #tpu.memory_space<vmem>>
    %dma_start3A_197 = tpu.memref_slice %arg3[%dma_start3A_192, %add3A_191] : memref<2x320000xi32, #tpu.memory_space<hbm>> -> memref<1x1000xi32, #tpu.memory_space<hbm>>
    %dma_start3A_198 = tpu.memref_squeeze %dma_start3A_197 : memref<1x1000xi32, #tpu.memory_space<hbm>> -> memref<1000xi32, #tpu.memory_space<hbm>>
    %dma_start3A_199 = arith.constant 0 : i32
    %dma_start3A_200 = tpu.memref_slice %arg6[%dma_start3A_193, %dma_start3A_199] : memref<10x1000xi32, #tpu.memory_space<vmem>> -> memref<1x1000xi32, #tpu.memory_space<vmem>>
    %dma_start3A_201 = tpu.memref_squeeze %dma_start3A_200 : memref<1x1000xi32, #tpu.memory_space<vmem>> -> memref<1000xi32, #tpu.memory_space<vmem>>
    %dma_start3A_202 = tpu.memref_slice %arg3[%dma_start3A_192, %add3A_191] : memref<2x320000xi32, #tpu.memory_space<hbm>> -> memref<1x1000xi32, #tpu.memory_space<hbm>>
    %dma_start3A_203 = tpu.memref_squeeze %dma_start3A_202 : memref<1x1000xi32, #tpu.memory_space<hbm>> -> memref<1000xi32, #tpu.memory_space<hbm>>
    tpu.enqueue_dma source(%dma_start3A_203 : memref<1000xi32, #tpu.memory_space<hbm>>) target(%dma_start3A_201 : memref<1000xi32, #tpu.memory_space<vmem>>) target_semaphore(%arg27 : memref<!tpu.dma_semaphore, #tpu.memory_space<semaphore_mem>>)
    %add3A_204 = arith.constant 4000 : i32
    %add3A_205 = arith.addi %mul3A_4, %add3A_204 : i32
    %dma_start3A_206 = arith.constant 1 : i32
    %dma_start3A_207 = arith.constant 4 : i32
    %dma_start3A_208 = arith.constant 0 : i32
    %dma_start3A_209 = tpu.memref_slice %arg6[%dma_start3A_207, %dma_start3A_208] : memref<10x1000xi32, #tpu.memory_space<vmem>> -> memref<1x1000xi32, #tpu.memory_space<vmem>>
    %dma_start3A_210 = tpu.memref_squeeze %dma_start3A_209 : memref<1x1000xi32, #tpu.memory_space<vmem>> -> memref<1000xi32, #tpu.memory_space<vmem>>
    %dma_start3A_211 = tpu.memref_slice %arg3[%dma_start3A_206, %add3A_205] : memref<2x320000xi32, #tpu.memory_space<hbm>> -> memref<1x1000xi32, #tpu.memory_space<hbm>>
    %dma_start3A_212 = tpu.memref_squeeze %dma_start3A_211 : memref<1x1000xi32, #tpu.memory_space<hbm>> -> memref<1000xi32, #tpu.memory_space<hbm>>
    %dma_start3A_213 = arith.constant 0 : i32
    %dma_start3A_214 = tpu.memref_slice %arg6[%dma_start3A_207, %dma_start3A_213] : memref<10x1000xi32, #tpu.memory_space<vmem>> -> memref<1x1000xi32, #tpu.memory_space<vmem>>
    %dma_start3A_215 = tpu.memref_squeeze %dma_start3A_214 : memref<1x1000xi32, #tpu.memory_space<vmem>> -> memref<1000xi32, #tpu.memory_space<vmem>>
    %dma_start3A_216 = tpu.memref_slice %arg3[%dma_start3A_206, %add3A_205] : memref<2x320000xi32, #tpu.memory_space<hbm>> -> memref<1x1000xi32, #tpu.memory_space<hbm>>
    %dma_start3A_217 = tpu.memref_squeeze %dma_start3A_216 : memref<1x1000xi32, #tpu.memory_space<hbm>> -> memref<1000xi32, #tpu.memory_space<hbm>>
    tpu.enqueue_dma source(%dma_start3A_217 : memref<1000xi32, #tpu.memory_space<hbm>>) target(%dma_start3A_215 : memref<1000xi32, #tpu.memory_space<vmem>>) target_semaphore(%arg28 : memref<!tpu.dma_semaphore, #tpu.memory_space<semaphore_mem>>)
    %add3A_218 = arith.constant 5000 : i32
    %add3A_219 = arith.addi %mul3A_4, %add3A_218 : i32
    %dma_start3A_220 = arith.constant 1 : i32
    %dma_start3A_221 = arith.constant 5 : i32
    %dma_start3A_222 = arith.constant 0 : i32
    %dma_start3A_223 = tpu.memref_slice %arg6[%dma_start3A_221, %dma_start3A_222] : memref<10x1000xi32, #tpu.memory_space<vmem>> -> memref<1x1000xi32, #tpu.memory_space<vmem>>
    %dma_start3A_224 = tpu.memref_squeeze %dma_start3A_223 : memref<1x1000xi32, #tpu.memory_space<vmem>> -> memref<1000xi32, #tpu.memory_space<vmem>>
    %dma_start3A_225 = tpu.memref_slice %arg3[%dma_start3A_220, %add3A_219] : memref<2x320000xi32, #tpu.memory_space<hbm>> -> memref<1x1000xi32, #tpu.memory_space<hbm>>
    %dma_start3A_226 = tpu.memref_squeeze %dma_start3A_225 : memref<1x1000xi32, #tpu.memory_space<hbm>> -> memref<1000xi32, #tpu.memory_space<hbm>>
    %dma_start3A_227 = arith.constant 0 : i32
    %dma_start3A_228 = tpu.memref_slice %arg6[%dma_start3A_221, %dma_start3A_227] : memref<10x1000xi32, #tpu.memory_space<vmem>> -> memref<1x1000xi32, #tpu.memory_space<vmem>>
    %dma_start3A_229 = tpu.memref_squeeze %dma_start3A_228 : memref<1x1000xi32, #tpu.memory_space<vmem>> -> memref<1000xi32, #tpu.memory_space<vmem>>
    %dma_start3A_230 = tpu.memref_slice %arg3[%dma_start3A_220, %add3A_219] : memref<2x320000xi32, #tpu.memory_space<hbm>> -> memref<1x1000xi32, #tpu.memory_space<hbm>>
    %dma_start3A_231 = tpu.memref_squeeze %dma_start3A_230 : memref<1x1000xi32, #tpu.memory_space<hbm>> -> memref<1000xi32, #tpu.memory_space<hbm>>
    tpu.enqueue_dma source(%dma_start3A_231 : memref<1000xi32, #tpu.memory_space<hbm>>) target(%dma_start3A_229 : memref<1000xi32, #tpu.memory_space<vmem>>) target_semaphore(%arg29 : memref<!tpu.dma_semaphore, #tpu.memory_space<semaphore_mem>>)
    %add3A_232 = arith.constant 6000 : i32
    %add3A_233 = arith.addi %mul3A_4, %add3A_232 : i32
    %dma_start3A_234 = arith.constant 1 : i32
    %dma_start3A_235 = arith.constant 6 : i32
    %dma_start3A_236 = arith.constant 0 : i32
    %dma_start3A_237 = tpu.memref_slice %arg6[%dma_start3A_235, %dma_start3A_236] : memref<10x1000xi32, #tpu.memory_space<vmem>> -> memref<1x1000xi32, #tpu.memory_space<vmem>>
    %dma_start3A_238 = tpu.memref_squeeze %dma_start3A_237 : memref<1x1000xi32, #tpu.memory_space<vmem>> -> memref<1000xi32, #tpu.memory_space<vmem>>
    %dma_start3A_239 = tpu.memref_slice %arg3[%dma_start3A_234, %add3A_233] : memref<2x320000xi32, #tpu.memory_space<hbm>> -> memref<1x1000xi32, #tpu.memory_space<hbm>>
    %dma_start3A_240 = tpu.memref_squeeze %dma_start3A_239 : memref<1x1000xi32, #tpu.memory_space<hbm>> -> memref<1000xi32, #tpu.memory_space<hbm>>
    %dma_start3A_241 = arith.constant 0 : i32
    %dma_start3A_242 = tpu.memref_slice %arg6[%dma_start3A_235, %dma_start3A_241] : memref<10x1000xi32, #tpu.memory_space<vmem>> -> memref<1x1000xi32, #tpu.memory_space<vmem>>
    %dma_start3A_243 = tpu.memref_squeeze %dma_start3A_242 : memref<1x1000xi32, #tpu.memory_space<vmem>> -> memref<1000xi32, #tpu.memory_space<vmem>>
    %dma_start3A_244 = tpu.memref_slice %arg3[%dma_start3A_234, %add3A_233] : memref<2x320000xi32, #tpu.memory_space<hbm>> -> memref<1x1000xi32, #tpu.memory_space<hbm>>
    %dma_start3A_245 = tpu.memref_squeeze %dma_start3A_244 : memref<1x1000xi32, #tpu.memory_space<hbm>> -> memref<1000xi32, #tpu.memory_space<hbm>>
    tpu.enqueue_dma source(%dma_start3A_245 : memref<1000xi32, #tpu.memory_space<hbm>>) target(%dma_start3A_243 : memref<1000xi32, #tpu.memory_space<vmem>>) target_semaphore(%arg30 : memref<!tpu.dma_semaphore, #tpu.memory_space<semaphore_mem>>)
    %add3A_246 = arith.constant 7000 : i32
    %add3A_247 = arith.addi %mul3A_4, %add3A_246 : i32
    %dma_start3A_248 = arith.constant 1 : i32
    %dma_start3A_249 = arith.constant 7 : i32
    %dma_start3A_250 = arith.constant 0 : i32
    %dma_start3A_251 = tpu.memref_slice %arg6[%dma_start3A_249, %dma_start3A_250] : memref<10x1000xi32, #tpu.memory_space<vmem>> -> memref<1x1000xi32, #tpu.memory_space<vmem>>
    %dma_start3A_252 = tpu.memref_squeeze %dma_start3A_251 : memref<1x1000xi32, #tpu.memory_space<vmem>> -> memref<1000xi32, #tpu.memory_space<vmem>>
    %dma_start3A_253 = tpu.memref_slice %arg3[%dma_start3A_248, %add3A_247] : memref<2x320000xi32, #tpu.memory_space<hbm>> -> memref<1x1000xi32, #tpu.memory_space<hbm>>
    %dma_start3A_254 = tpu.memref_squeeze %dma_start3A_253 : memref<1x1000xi32, #tpu.memory_space<hbm>> -> memref<1000xi32, #tpu.memory_space<hbm>>
    %dma_start3A_255 = arith.constant 0 : i32
    %dma_start3A_256 = tpu.memref_slice %arg6[%dma_start3A_249, %dma_start3A_255] : memref<10x1000xi32, #tpu.memory_space<vmem>> -> memref<1x1000xi32, #tpu.memory_space<vmem>>
    %dma_start3A_257 = tpu.memref_squeeze %dma_start3A_256 : memref<1x1000xi32, #tpu.memory_space<vmem>> -> memref<1000xi32, #tpu.memory_space<vmem>>
    %dma_start3A_258 = tpu.memref_slice %arg3[%dma_start3A_248, %add3A_247] : memref<2x320000xi32, #tpu.memory_space<hbm>> -> memref<1x1000xi32, #tpu.memory_space<hbm>>
    %dma_start3A_259 = tpu.memref_squeeze %dma_start3A_258 : memref<1x1000xi32, #tpu.memory_space<hbm>> -> memref<1000xi32, #tpu.memory_space<hbm>>
    tpu.enqueue_dma source(%dma_start3A_259 : memref<1000xi32, #tpu.memory_space<hbm>>) target(%dma_start3A_257 : memref<1000xi32, #tpu.memory_space<vmem>>) target_semaphore(%arg31 : memref<!tpu.dma_semaphore, #tpu.memory_space<semaphore_mem>>)
    %add3A_260 = arith.constant 8000 : i32
    %add3A_261 = arith.addi %mul3A_4, %add3A_260 : i32
    %dma_start3A_262 = arith.constant 1 : i32
    %dma_start3A_263 = arith.constant 8 : i32
    %dma_start3A_264 = arith.constant 0 : i32
    %dma_start3A_265 = tpu.memref_slice %arg6[%dma_start3A_263, %dma_start3A_264] : memref<10x1000xi32, #tpu.memory_space<vmem>> -> memref<1x1000xi32, #tpu.memory_space<vmem>>
    %dma_start3A_266 = tpu.memref_squeeze %dma_start3A_265 : memref<1x1000xi32, #tpu.memory_space<vmem>> -> memref<1000xi32, #tpu.memory_space<vmem>>
    %dma_start3A_267 = tpu.memref_slice %arg3[%dma_start3A_262, %add3A_261] : memref<2x320000xi32, #tpu.memory_space<hbm>> -> memref<1x1000xi32, #tpu.memory_space<hbm>>
    %dma_start3A_268 = tpu.memref_squeeze %dma_start3A_267 : memref<1x1000xi32, #tpu.memory_space<hbm>> -> memref<1000xi32, #tpu.memory_space<hbm>>
    %dma_start3A_269 = arith.constant 0 : i32
    %dma_start3A_270 = tpu.memref_slice %arg6[%dma_start3A_263, %dma_start3A_269] : memref<10x1000xi32, #tpu.memory_space<vmem>> -> memref<1x1000xi32, #tpu.memory_space<vmem>>
    %dma_start3A_271 = tpu.memref_squeeze %dma_start3A_270 : memref<1x1000xi32, #tpu.memory_space<vmem>> -> memref<1000xi32, #tpu.memory_space<vmem>>
    %dma_start3A_272 = tpu.memref_slice %arg3[%dma_start3A_262, %add3A_261] : memref<2x320000xi32, #tpu.memory_space<hbm>> -> memref<1x1000xi32, #tpu.memory_space<hbm>>
    %dma_start3A_273 = tpu.memref_squeeze %dma_start3A_272 : memref<1x1000xi32, #tpu.memory_space<hbm>> -> memref<1000xi32, #tpu.memory_space<hbm>>
    tpu.enqueue_dma source(%dma_start3A_273 : memref<1000xi32, #tpu.memory_space<hbm>>) target(%dma_start3A_271 : memref<1000xi32, #tpu.memory_space<vmem>>) target_semaphore(%arg32 : memref<!tpu.dma_semaphore, #tpu.memory_space<semaphore_mem>>)
    %add3A_274 = arith.constant 9000 : i32
    %add3A_275 = arith.addi %mul3A_4, %add3A_274 : i32
    %dma_start3A_276 = arith.constant 1 : i32
    %dma_start3A_277 = arith.constant 9 : i32
    %dma_start3A_278 = arith.constant 0 : i32
    %dma_start3A_279 = tpu.memref_slice %arg6[%dma_start3A_277, %dma_start3A_278] : memref<10x1000xi32, #tpu.memory_space<vmem>> -> memref<1x1000xi32, #tpu.memory_space<vmem>>
    %dma_start3A_280 = tpu.memref_squeeze %dma_start3A_279 : memref<1x1000xi32, #tpu.memory_space<vmem>> -> memref<1000xi32, #tpu.memory_space<vmem>>
    %dma_start3A_281 = tpu.memref_slice %arg3[%dma_start3A_276, %add3A_275] : memref<2x320000xi32, #tpu.memory_space<hbm>> -> memref<1x1000xi32, #tpu.memory_space<hbm>>
    %dma_start3A_282 = tpu.memref_squeeze %dma_start3A_281 : memref<1x1000xi32, #tpu.memory_space<hbm>> -> memref<1000xi32, #tpu.memory_space<hbm>>
    %dma_start3A_283 = arith.constant 0 : i32
    %dma_start3A_284 = tpu.memref_slice %arg6[%dma_start3A_277, %dma_start3A_283] : memref<10x1000xi32, #tpu.memory_space<vmem>> -> memref<1x1000xi32, #tpu.memory_space<vmem>>
    %dma_start3A_285 = tpu.memref_squeeze %dma_start3A_284 : memref<1x1000xi32, #tpu.memory_space<vmem>> -> memref<1000xi32, #tpu.memory_space<vmem>>
    %dma_start3A_286 = tpu.memref_slice %arg3[%dma_start3A_276, %add3A_275] : memref<2x320000xi32, #tpu.memory_space<hbm>> -> memref<1x1000xi32, #tpu.memory_space<hbm>>
    %dma_start3A_287 = tpu.memref_squeeze %dma_start3A_286 : memref<1x1000xi32, #tpu.memory_space<hbm>> -> memref<1000xi32, #tpu.memory_space<hbm>>
    tpu.enqueue_dma source(%dma_start3A_287 : memref<1000xi32, #tpu.memory_space<hbm>>) target(%dma_start3A_285 : memref<1000xi32, #tpu.memory_space<vmem>>) target_semaphore(%arg13 : memref<!tpu.dma_semaphore, #tpu.memory_space<semaphore_mem>>)
    %broadcast_in_dim3A = arith.constant 0.000000e+00 : f32
    %broadcast_in_dim3A_288 = vector.broadcast %broadcast_in_dim3A : f32 to vector<16xf32>
    %scan3A = arith.constant 0 : i32
    %scan3A_289 = arith.constant 0 : i32
    %scan3A_290 = arith.constant 1000 : i32
    %scan3A_291 = arith.addi %scan3A_289, %scan3A_290 : i32
    %scan3A_292 = arith.constant 1 : i32
    scf.for %scan3A_818 = %scan3A_289 to %scan3A_291 step %scan3A_292  : i32 {
      %swap3A = arith.index_cast %scan3A_818 : i32 to index
      %swap3A_819 = arith.constant 0 : index
      %swap3A_820 = tpu.vector_load %arg7[%swap3A, %swap3A_819] {strides = array<i32>} : memref<1000x16xf32, #tpu.memory_space<vmem>>, vector<1x16xf32>,
      %swap3A_821 = vector.shape_cast %swap3A_820 : vector<1x16xf32> to vector<16xf32>
      %swap3A_822 = vector.shape_cast %broadcast_in_dim3A_288 : vector<16xf32> to vector<1x16xf32>
      tpu.vector_store %arg7[%swap3A, %swap3A_819], %swap3A_822 {strides = array<i32>} : memref<1000x16xf32, #tpu.memory_space<vmem>>, vector<1x16xf32>,
    }
    %scan3A_293 = arith.constant 1000 : i32
    "tpu.region"() ({
      %run_scoped3A = tpu.sem_alloc : memref<!tpu.dma_semaphore, #tpu.memory_space<semaphore_mem>>
      %dma_start3A_818 = arith.constant 0 : i32
      %dma_start3A_819 = arith.constant 0 : i32
      %dma_start3A_820 = tpu.memref_slice %arg7[%dma_start3A_818, %dma_start3A_819] : memref<1000x16xf32, #tpu.memory_space<vmem>> -> memref<640x16xf32, #tpu.memory_space<vmem>>
      %dma_start3A_821 = arith.constant 0 : i32
      %dma_start3A_822 = tpu.memref_slice %arg11[%mul3A_2, %dma_start3A_821] : memref<10240x16xf32, #tpu.memory_space<vmem_shared>> -> memref<640x16xf32, #tpu.memory_space<vmem_shared>>
      %dma_start3A_823 = arith.constant 0 : i32
      %dma_start3A_824 = tpu.memref_slice %arg11[%mul3A_2, %dma_start3A_823] : memref<10240x16xf32, #tpu.memory_space<vmem_shared>> -> memref<640x16xf32, #tpu.memory_space<vmem_shared>>
      %dma_start3A_825 = arith.constant 0 : i32
      %dma_start3A_826 = arith.constant 0 : i32
      %dma_start3A_827 = tpu.memref_slice %arg7[%dma_start3A_825, %dma_start3A_826] : memref<1000x16xf32, #tpu.memory_space<vmem>> -> memref<640x16xf32, #tpu.memory_space<vmem>>
      tpu.enqueue_dma source(%dma_start3A_827 : memref<640x16xf32, #tpu.memory_space<vmem>>) target(%dma_start3A_824 : memref<640x16xf32, #tpu.memory_space<vmem_shared>>) target_semaphore(%run_scoped3A : memref<!tpu.dma_semaphore, #tpu.memory_space<semaphore_mem>>)
      %dma_wait3A_828 = arith.constant 0 : i32
      %dma_wait3A_829 = arith.constant 0 : i32
      %dma_wait3A_830 = tpu.memref_slice %arg7[%dma_wait3A_828, %dma_wait3A_829] : memref<1000x16xf32, #tpu.memory_space<vmem>> -> memref<640x16xf32, #tpu.memory_space<vmem>>
      %dma_wait3A_831 = arith.constant 0 : i32
      %dma_wait3A_832 = tpu.memref_slice %arg11[%mul3A_2, %dma_wait3A_831] : memref<10240x16xf32, #tpu.memory_space<vmem_shared>> -> memref<640x16xf32, #tpu.memory_space<vmem_shared>>
      %dma_wait3A_833 = arith.constant 0 : i32
      %dma_wait3A_834 = tpu.memref_slice %arg11[%mul3A_2, %dma_wait3A_833] : memref<10240x16xf32, #tpu.memory_space<vmem_shared>> -> memref<640x16xf32, #tpu.memory_space<vmem_shared>>
      %dma_wait3A_835 = arith.constant 0 : i32
      %dma_wait3A_836 = arith.constant 0 : i32
      %dma_wait3A_837 = tpu.memref_slice %arg7[%dma_wait3A_835, %dma_wait3A_836] : memref<1000x16xf32, #tpu.memory_space<vmem>> -> memref<640x16xf32, #tpu.memory_space<vmem>>
      tpu.wait_dma2 semaphore(%run_scoped3A : memref<!tpu.dma_semaphore, #tpu.memory_space<semaphore_mem>>) src(%dma_wait3A_837 : memref<640x16xf32, #tpu.memory_space<vmem>>) dst(%dma_wait3A_834 : memref<640x16xf32, #tpu.memory_space<vmem_shared>>)
      tpu.yield
    }) : () -> ()
    %dma_wait3A = arith.constant 0 : i32
    %dma_wait3A_294 = tpu.memref_slice %arg12[%mul3A_2, %dma_wait3A] : memref<10240x16xf32, #tpu.memory_space<vmem_shared>> -> memref<640x16xf32, #tpu.memory_space<vmem_shared>>
    %dma_wait3A_295 = arith.constant 0 : i32
    %dma_wait3A_296 = tpu.memref_slice %arg2[%mul3A_2, %dma_wait3A_295] : memref<10240x16xf32, #tpu.memory_space<hbm>> -> memref<640x16xf32, #tpu.memory_space<hbm>>
    tpu.wait_dma2 semaphore(%arg13 : memref<!tpu.dma_semaphore, #tpu.memory_space<semaphore_mem>>) src(%dma_wait3A_296 : memref<640x16xf32, #tpu.memory_space<hbm>>) dst(%dma_wait3A_294 : memref<640x16xf32, #tpu.memory_space<vmem_shared>>)
    %dma_wait3A_297 = arith.constant 0 : i32
    %dma_wait3A_298 = arith.constant 0 : i32
    %dma_wait3A_299 = arith.constant 0 : i32
    %dma_wait3A_300 = tpu.memref_slice %arg5[%dma_wait3A_298, %dma_wait3A_299] : memref<10x1000xi32, #tpu.memory_space<vmem>> -> memref<1x1000xi32, #tpu.memory_space<vmem>>
    %dma_wait3A_301 = tpu.memref_squeeze %dma_wait3A_300 : memref<1x1000xi32, #tpu.memory_space<vmem>> -> memref<1000xi32, #tpu.memory_space<vmem>>
    %dma_wait3A_302 = tpu.memref_slice %arg3[%dma_wait3A_297, %add3A_9] : memref<2x320000xi32, #tpu.memory_space<hbm>> -> memref<1x1000xi32, #tpu.memory_space<hbm>>
    %dma_wait3A_303 = tpu.memref_squeeze %dma_wait3A_302 : memref<1x1000xi32, #tpu.memory_space<hbm>> -> memref<1000xi32, #tpu.memory_space<hbm>>
    %dma_wait3A_304 = arith.constant 0 : i32
    %dma_wait3A_305 = tpu.memref_slice %arg5[%dma_wait3A_298, %dma_wait3A_304] : memref<10x1000xi32, #tpu.memory_space<vmem>> -> memref<1x1000xi32, #tpu.memory_space<vmem>>
    %dma_wait3A_306 = tpu.memref_squeeze %dma_wait3A_305 : memref<1x1000xi32, #tpu.memory_space<vmem>> -> memref<1000xi32, #tpu.memory_space<vmem>>
    %dma_wait3A_307 = tpu.memref_slice %arg3[%dma_wait3A_297, %add3A_9] : memref<2x320000xi32, #tpu.memory_space<hbm>> -> memref<1x1000xi32, #tpu.memory_space<hbm>>
    %dma_wait3A_308 = tpu.memref_squeeze %dma_wait3A_307 : memref<1x1000xi32, #tpu.memory_space<hbm>> -> memref<1000xi32, #tpu.memory_space<hbm>>
    tpu.wait_dma2 semaphore(%arg14 : memref<!tpu.dma_semaphore, #tpu.memory_space<semaphore_mem>>) src(%dma_wait3A_308 : memref<1000xi32, #tpu.memory_space<hbm>>) dst(%dma_wait3A_306 : memref<1000xi32, #tpu.memory_space<vmem>>)
    %dma_wait3A_309 = arith.constant 0 : i32
    %dma_wait3A_310 = arith.constant 1 : i32
    %dma_wait3A_311 = arith.constant 0 : i32
    %dma_wait3A_312 = tpu.memref_slice %arg5[%dma_wait3A_310, %dma_wait3A_311] : memref<10x1000xi32, #tpu.memory_space<vmem>> -> memref<1x1000xi32, #tpu.memory_space<vmem>>
    %dma_wait3A_313 = tpu.memref_squeeze %dma_wait3A_312 : memref<1x1000xi32, #tpu.memory_space<vmem>> -> memref<1000xi32, #tpu.memory_space<vmem>>
    %dma_wait3A_314 = tpu.memref_slice %arg3[%dma_wait3A_309, %add3A_23] : memref<2x320000xi32, #tpu.memory_space<hbm>> -> memref<1x1000xi32, #tpu.memory_space<hbm>>
    %dma_wait3A_315 = tpu.memref_squeeze %dma_wait3A_314 : memref<1x1000xi32, #tpu.memory_space<hbm>> -> memref<1000xi32, #tpu.memory_space<hbm>>
    %dma_wait3A_316 = arith.constant 0 : i32
    %dma_wait3A_317 = tpu.memref_slice %arg5[%dma_wait3A_310, %dma_wait3A_316] : memref<10x1000xi32, #tpu.memory_space<vmem>> -> memref<1x1000xi32, #tpu.memory_space<vmem>>
    %dma_wait3A_318 = tpu.memref_squeeze %dma_wait3A_317 : memref<1x1000xi32, #tpu.memory_space<vmem>> -> memref<1000xi32, #tpu.memory_space<vmem>>
    %dma_wait3A_319 = tpu.memref_slice %arg3[%dma_wait3A_309, %add3A_23] : memref<2x320000xi32, #tpu.memory_space<hbm>> -> memref<1x1000xi32, #tpu.memory_space<hbm>>
    %dma_wait3A_320 = tpu.memref_squeeze %dma_wait3A_319 : memref<1x1000xi32, #tpu.memory_space<hbm>> -> memref<1000xi32, #tpu.memory_space<hbm>>
    tpu.wait_dma2 semaphore(%arg15 : memref<!tpu.dma_semaphore, #tpu.memory_space<semaphore_mem>>) src(%dma_wait3A_320 : memref<1000xi32, #tpu.memory_space<hbm>>) dst(%dma_wait3A_318 : memref<1000xi32, #tpu.memory_space<vmem>>)
    %dma_wait3A_321 = arith.constant 0 : i32
    %dma_wait3A_322 = arith.constant 2 : i32
    %dma_wait3A_323 = arith.constant 0 : i32
    %dma_wait3A_324 = tpu.memref_slice %arg5[%dma_wait3A_322, %dma_wait3A_323] : memref<10x1000xi32, #tpu.memory_space<vmem>> -> memref<1x1000xi32, #tpu.memory_space<vmem>>
    %dma_wait3A_325 = tpu.memref_squeeze %dma_wait3A_324 : memref<1x1000xi32, #tpu.memory_space<vmem>> -> memref<1000xi32, #tpu.memory_space<vmem>>
    %dma_wait3A_326 = tpu.memref_slice %arg3[%dma_wait3A_321, %add3A_37] : memref<2x320000xi32, #tpu.memory_space<hbm>> -> memref<1x1000xi32, #tpu.memory_space<hbm>>
    %dma_wait3A_327 = tpu.memref_squeeze %dma_wait3A_326 : memref<1x1000xi32, #tpu.memory_space<hbm>> -> memref<1000xi32, #tpu.memory_space<hbm>>
    %dma_wait3A_328 = arith.constant 0 : i32
    %dma_wait3A_329 = tpu.memref_slice %arg5[%dma_wait3A_322, %dma_wait3A_328] : memref<10x1000xi32, #tpu.memory_space<vmem>> -> memref<1x1000xi32, #tpu.memory_space<vmem>>
    %dma_wait3A_330 = tpu.memref_squeeze %dma_wait3A_329 : memref<1x1000xi32, #tpu.memory_space<vmem>> -> memref<1000xi32, #tpu.memory_space<vmem>>
    %dma_wait3A_331 = tpu.memref_slice %arg3[%dma_wait3A_321, %add3A_37] : memref<2x320000xi32, #tpu.memory_space<hbm>> -> memref<1x1000xi32, #tpu.memory_space<hbm>>
    %dma_wait3A_332 = tpu.memref_squeeze %dma_wait3A_331 : memref<1x1000xi32, #tpu.memory_space<hbm>> -> memref<1000xi32, #tpu.memory_space<hbm>>
    tpu.wait_dma2 semaphore(%arg16 : memref<!tpu.dma_semaphore, #tpu.memory_space<semaphore_mem>>) src(%dma_wait3A_332 : memref<1000xi32, #tpu.memory_space<hbm>>) dst(%dma_wait3A_330 : memref<1000xi32, #tpu.memory_space<vmem>>)
    %dma_wait3A_333 = arith.constant 0 : i32
    %dma_wait3A_334 = arith.constant 3 : i32
    %dma_wait3A_335 = arith.constant 0 : i32
    %dma_wait3A_336 = tpu.memref_slice %arg5[%dma_wait3A_334, %dma_wait3A_335] : memref<10x1000xi32, #tpu.memory_space<vmem>> -> memref<1x1000xi32, #tpu.memory_space<vmem>>
    %dma_wait3A_337 = tpu.memref_squeeze %dma_wait3A_336 : memref<1x1000xi32, #tpu.memory_space<vmem>> -> memref<1000xi32, #tpu.memory_space<vmem>>
    %dma_wait3A_338 = tpu.memref_slice %arg3[%dma_wait3A_333, %add3A_51] : memref<2x320000xi32, #tpu.memory_space<hbm>> -> memref<1x1000xi32, #tpu.memory_space<hbm>>
    %dma_wait3A_339 = tpu.memref_squeeze %dma_wait3A_338 : memref<1x1000xi32, #tpu.memory_space<hbm>> -> memref<1000xi32, #tpu.memory_space<hbm>>
    %dma_wait3A_340 = arith.constant 0 : i32
    %dma_wait3A_341 = tpu.memref_slice %arg5[%dma_wait3A_334, %dma_wait3A_340] : memref<10x1000xi32, #tpu.memory_space<vmem>> -> memref<1x1000xi32, #tpu.memory_space<vmem>>
    %dma_wait3A_342 = tpu.memref_squeeze %dma_wait3A_341 : memref<1x1000xi32, #tpu.memory_space<vmem>> -> memref<1000xi32, #tpu.memory_space<vmem>>
    %dma_wait3A_343 = tpu.memref_slice %arg3[%dma_wait3A_333, %add3A_51] : memref<2x320000xi32, #tpu.memory_space<hbm>> -> memref<1x1000xi32, #tpu.memory_space<hbm>>
    %dma_wait3A_344 = tpu.memref_squeeze %dma_wait3A_343 : memref<1x1000xi32, #tpu.memory_space<hbm>> -> memref<1000xi32, #tpu.memory_space<hbm>>
    tpu.wait_dma2 semaphore(%arg17 : memref<!tpu.dma_semaphore, #tpu.memory_space<semaphore_mem>>) src(%dma_wait3A_344 : memref<1000xi32, #tpu.memory_space<hbm>>) dst(%dma_wait3A_342 : memref<1000xi32, #tpu.memory_space<vmem>>)
    %dma_wait3A_345 = arith.constant 0 : i32
    %dma_wait3A_346 = arith.constant 4 : i32
    %dma_wait3A_347 = arith.constant 0 : i32
    %dma_wait3A_348 = tpu.memref_slice %arg5[%dma_wait3A_346, %dma_wait3A_347] : memref<10x1000xi32, #tpu.memory_space<vmem>> -> memref<1x1000xi32, #tpu.memory_space<vmem>>
    %dma_wait3A_349 = tpu.memref_squeeze %dma_wait3A_348 : memref<1x1000xi32, #tpu.memory_space<vmem>> -> memref<1000xi32, #tpu.memory_space<vmem>>
    %dma_wait3A_350 = tpu.memref_slice %arg3[%dma_wait3A_345, %add3A_65] : memref<2x320000xi32, #tpu.memory_space<hbm>> -> memref<1x1000xi32, #tpu.memory_space<hbm>>
    %dma_wait3A_351 = tpu.memref_squeeze %dma_wait3A_350 : memref<1x1000xi32, #tpu.memory_space<hbm>> -> memref<1000xi32, #tpu.memory_space<hbm>>
    %dma_wait3A_352 = arith.constant 0 : i32
    %dma_wait3A_353 = tpu.memref_slice %arg5[%dma_wait3A_346, %dma_wait3A_352] : memref<10x1000xi32, #tpu.memory_space<vmem>> -> memref<1x1000xi32, #tpu.memory_space<vmem>>
    %dma_wait3A_354 = tpu.memref_squeeze %dma_wait3A_353 : memref<1x1000xi32, #tpu.memory_space<vmem>> -> memref<1000xi32, #tpu.memory_space<vmem>>
    %dma_wait3A_355 = tpu.memref_slice %arg3[%dma_wait3A_345, %add3A_65] : memref<2x320000xi32, #tpu.memory_space<hbm>> -> memref<1x1000xi32, #tpu.memory_space<hbm>>
    %dma_wait3A_356 = tpu.memref_squeeze %dma_wait3A_355 : memref<1x1000xi32, #tpu.memory_space<hbm>> -> memref<1000xi32, #tpu.memory_space<hbm>>
    tpu.wait_dma2 semaphore(%arg18 : memref<!tpu.dma_semaphore, #tpu.memory_space<semaphore_mem>>) src(%dma_wait3A_356 : memref<1000xi32, #tpu.memory_space<hbm>>) dst(%dma_wait3A_354 : memref<1000xi32, #tpu.memory_space<vmem>>)
    %dma_wait3A_357 = arith.constant 0 : i32
    %dma_wait3A_358 = arith.constant 5 : i32
    %dma_wait3A_359 = arith.constant 0 : i32
    %dma_wait3A_360 = tpu.memref_slice %arg5[%dma_wait3A_358, %dma_wait3A_359] : memref<10x1000xi32, #tpu.memory_space<vmem>> -> memref<1x1000xi32, #tpu.memory_space<vmem>>
    %dma_wait3A_361 = tpu.memref_squeeze %dma_wait3A_360 : memref<1x1000xi32, #tpu.memory_space<vmem>> -> memref<1000xi32, #tpu.memory_space<vmem>>
    %dma_wait3A_362 = tpu.memref_slice %arg3[%dma_wait3A_357, %add3A_79] : memref<2x320000xi32, #tpu.memory_space<hbm>> -> memref<1x1000xi32, #tpu.memory_space<hbm>>
    %dma_wait3A_363 = tpu.memref_squeeze %dma_wait3A_362 : memref<1x1000xi32, #tpu.memory_space<hbm>> -> memref<1000xi32, #tpu.memory_space<hbm>>
    %dma_wait3A_364 = arith.constant 0 : i32
    %dma_wait3A_365 = tpu.memref_slice %arg5[%dma_wait3A_358, %dma_wait3A_364] : memref<10x1000xi32, #tpu.memory_space<vmem>> -> memref<1x1000xi32, #tpu.memory_space<vmem>>
    %dma_wait3A_366 = tpu.memref_squeeze %dma_wait3A_365 : memref<1x1000xi32, #tpu.memory_space<vmem>> -> memref<1000xi32, #tpu.memory_space<vmem>>
    %dma_wait3A_367 = tpu.memref_slice %arg3[%dma_wait3A_357, %add3A_79] : memref<2x320000xi32, #tpu.memory_space<hbm>> -> memref<1x1000xi32, #tpu.memory_space<hbm>>
    %dma_wait3A_368 = tpu.memref_squeeze %dma_wait3A_367 : memref<1x1000xi32, #tpu.memory_space<hbm>> -> memref<1000xi32, #tpu.memory_space<hbm>>
    tpu.wait_dma2 semaphore(%arg19 : memref<!tpu.dma_semaphore, #tpu.memory_space<semaphore_mem>>) src(%dma_wait3A_368 : memref<1000xi32, #tpu.memory_space<hbm>>) dst(%dma_wait3A_366 : memref<1000xi32, #tpu.memory_space<vmem>>)
    %dma_wait3A_369 = arith.constant 0 : i32
    %dma_wait3A_370 = arith.constant 6 : i32
    %dma_wait3A_371 = arith.constant 0 : i32
    %dma_wait3A_372 = tpu.memref_slice %arg5[%dma_wait3A_370, %dma_wait3A_371] : memref<10x1000xi32, #tpu.memory_space<vmem>> -> memref<1x1000xi32, #tpu.memory_space<vmem>>
    %dma_wait3A_373 = tpu.memref_squeeze %dma_wait3A_372 : memref<1x1000xi32, #tpu.memory_space<vmem>> -> memref<1000xi32, #tpu.memory_space<vmem>>
    %dma_wait3A_374 = tpu.memref_slice %arg3[%dma_wait3A_369, %add3A_93] : memref<2x320000xi32, #tpu.memory_space<hbm>> -> memref<1x1000xi32, #tpu.memory_space<hbm>>
    %dma_wait3A_375 = tpu.memref_squeeze %dma_wait3A_374 : memref<1x1000xi32, #tpu.memory_space<hbm>> -> memref<1000xi32, #tpu.memory_space<hbm>>
    %dma_wait3A_376 = arith.constant 0 : i32
    %dma_wait3A_377 = tpu.memref_slice %arg5[%dma_wait3A_370, %dma_wait3A_376] : memref<10x1000xi32, #tpu.memory_space<vmem>> -> memref<1x1000xi32, #tpu.memory_space<vmem>>
    %dma_wait3A_378 = tpu.memref_squeeze %dma_wait3A_377 : memref<1x1000xi32, #tpu.memory_space<vmem>> -> memref<1000xi32, #tpu.memory_space<vmem>>
    %dma_wait3A_379 = tpu.memref_slice %arg3[%dma_wait3A_369, %add3A_93] : memref<2x320000xi32, #tpu.memory_space<hbm>> -> memref<1x1000xi32, #tpu.memory_space<hbm>>
    %dma_wait3A_380 = tpu.memref_squeeze %dma_wait3A_379 : memref<1x1000xi32, #tpu.memory_space<hbm>> -> memref<1000xi32, #tpu.memory_space<hbm>>
    tpu.wait_dma2 semaphore(%arg20 : memref<!tpu.dma_semaphore, #tpu.memory_space<semaphore_mem>>) src(%dma_wait3A_380 : memref<1000xi32, #tpu.memory_space<hbm>>) dst(%dma_wait3A_378 : memref<1000xi32, #tpu.memory_space<vmem>>)
    %dma_wait3A_381 = arith.constant 0 : i32
    %dma_wait3A_382 = arith.constant 7 : i32
    %dma_wait3A_383 = arith.constant 0 : i32
    %dma_wait3A_384 = tpu.memref_slice %arg5[%dma_wait3A_382, %dma_wait3A_383] : memref<10x1000xi32, #tpu.memory_space<vmem>> -> memref<1x1000xi32, #tpu.memory_space<vmem>>
    %dma_wait3A_385 = tpu.memref_squeeze %dma_wait3A_384 : memref<1x1000xi32, #tpu.memory_space<vmem>> -> memref<1000xi32, #tpu.memory_space<vmem>>
    %dma_wait3A_386 = tpu.memref_slice %arg3[%dma_wait3A_381, %add3A_107] : memref<2x320000xi32, #tpu.memory_space<hbm>> -> memref<1x1000xi32, #tpu.memory_space<hbm>>
    %dma_wait3A_387 = tpu.memref_squeeze %dma_wait3A_386 : memref<1x1000xi32, #tpu.memory_space<hbm>> -> memref<1000xi32, #tpu.memory_space<hbm>>
    %dma_wait3A_388 = arith.constant 0 : i32
    %dma_wait3A_389 = tpu.memref_slice %arg5[%dma_wait3A_382, %dma_wait3A_388] : memref<10x1000xi32, #tpu.memory_space<vmem>> -> memref<1x1000xi32, #tpu.memory_space<vmem>>
    %dma_wait3A_390 = tpu.memref_squeeze %dma_wait3A_389 : memref<1x1000xi32, #tpu.memory_space<vmem>> -> memref<1000xi32, #tpu.memory_space<vmem>>
    %dma_wait3A_391 = tpu.memref_slice %arg3[%dma_wait3A_381, %add3A_107] : memref<2x320000xi32, #tpu.memory_space<hbm>> -> memref<1x1000xi32, #tpu.memory_space<hbm>>
    %dma_wait3A_392 = tpu.memref_squeeze %dma_wait3A_391 : memref<1x1000xi32, #tpu.memory_space<hbm>> -> memref<1000xi32, #tpu.memory_space<hbm>>
    tpu.wait_dma2 semaphore(%arg21 : memref<!tpu.dma_semaphore, #tpu.memory_space<semaphore_mem>>) src(%dma_wait3A_392 : memref<1000xi32, #tpu.memory_space<hbm>>) dst(%dma_wait3A_390 : memref<1000xi32, #tpu.memory_space<vmem>>)
    %dma_wait3A_393 = arith.constant 0 : i32
    %dma_wait3A_394 = arith.constant 8 : i32
    %dma_wait3A_395 = arith.constant 0 : i32
    %dma_wait3A_396 = tpu.memref_slice %arg5[%dma_wait3A_394, %dma_wait3A_395] : memref<10x1000xi32, #tpu.memory_space<vmem>> -> memref<1x1000xi32, #tpu.memory_space<vmem>>
    %dma_wait3A_397 = tpu.memref_squeeze %dma_wait3A_396 : memref<1x1000xi32, #tpu.memory_space<vmem>> -> memref<1000xi32, #tpu.memory_space<vmem>>
    %dma_wait3A_398 = tpu.memref_slice %arg3[%dma_wait3A_393, %add3A_121] : memref<2x320000xi32, #tpu.memory_space<hbm>> -> memref<1x1000xi32, #tpu.memory_space<hbm>>
    %dma_wait3A_399 = tpu.memref_squeeze %dma_wait3A_398 : memref<1x1000xi32, #tpu.memory_space<hbm>> -> memref<1000xi32, #tpu.memory_space<hbm>>
    %dma_wait3A_400 = arith.constant 0 : i32
    %dma_wait3A_401 = tpu.memref_slice %arg5[%dma_wait3A_394, %dma_wait3A_400] : memref<10x1000xi32, #tpu.memory_space<vmem>> -> memref<1x1000xi32, #tpu.memory_space<vmem>>
    %dma_wait3A_402 = tpu.memref_squeeze %dma_wait3A_401 : memref<1x1000xi32, #tpu.memory_space<vmem>> -> memref<1000xi32, #tpu.memory_space<vmem>>
    %dma_wait3A_403 = tpu.memref_slice %arg3[%dma_wait3A_393, %add3A_121] : memref<2x320000xi32, #tpu.memory_space<hbm>> -> memref<1x1000xi32, #tpu.memory_space<hbm>>
    %dma_wait3A_404 = tpu.memref_squeeze %dma_wait3A_403 : memref<1x1000xi32, #tpu.memory_space<hbm>> -> memref<1000xi32, #tpu.memory_space<hbm>>
    tpu.wait_dma2 semaphore(%arg22 : memref<!tpu.dma_semaphore, #tpu.memory_space<semaphore_mem>>) src(%dma_wait3A_404 : memref<1000xi32, #tpu.memory_space<hbm>>) dst(%dma_wait3A_402 : memref<1000xi32, #tpu.memory_space<vmem>>)
    %dma_wait3A_405 = arith.constant 0 : i32
    %dma_wait3A_406 = arith.constant 9 : i32
    %dma_wait3A_407 = arith.constant 0 : i32
    %dma_wait3A_408 = tpu.memref_slice %arg5[%dma_wait3A_406, %dma_wait3A_407] : memref<10x1000xi32, #tpu.memory_space<vmem>> -> memref<1x1000xi32, #tpu.memory_space<vmem>>
    %dma_wait3A_409 = tpu.memref_squeeze %dma_wait3A_408 : memref<1x1000xi32, #tpu.memory_space<vmem>> -> memref<1000xi32, #tpu.memory_space<vmem>>
    %dma_wait3A_410 = tpu.memref_slice %arg3[%dma_wait3A_405, %add3A_135] : memref<2x320000xi32, #tpu.memory_space<hbm>> -> memref<1x1000xi32, #tpu.memory_space<hbm>>
    %dma_wait3A_411 = tpu.memref_squeeze %dma_wait3A_410 : memref<1x1000xi32, #tpu.memory_space<hbm>> -> memref<1000xi32, #tpu.memory_space<hbm>>
    %dma_wait3A_412 = arith.constant 0 : i32
    %dma_wait3A_413 = tpu.memref_slice %arg5[%dma_wait3A_406, %dma_wait3A_412] : memref<10x1000xi32, #tpu.memory_space<vmem>> -> memref<1x1000xi32, #tpu.memory_space<vmem>>
    %dma_wait3A_414 = tpu.memref_squeeze %dma_wait3A_413 : memref<1x1000xi32, #tpu.memory_space<vmem>> -> memref<1000xi32, #tpu.memory_space<vmem>>
    %dma_wait3A_415 = tpu.memref_slice %arg3[%dma_wait3A_405, %add3A_135] : memref<2x320000xi32, #tpu.memory_space<hbm>> -> memref<1x1000xi32, #tpu.memory_space<hbm>>
    %dma_wait3A_416 = tpu.memref_squeeze %dma_wait3A_415 : memref<1x1000xi32, #tpu.memory_space<hbm>> -> memref<1000xi32, #tpu.memory_space<hbm>>
    tpu.wait_dma2 semaphore(%arg23 : memref<!tpu.dma_semaphore, #tpu.memory_space<semaphore_mem>>) src(%dma_wait3A_416 : memref<1000xi32, #tpu.memory_space<hbm>>) dst(%dma_wait3A_414 : memref<1000xi32, #tpu.memory_space<vmem>>)
    %dma_wait3A_417 = arith.constant 1 : i32
    %dma_wait3A_418 = arith.constant 0 : i32
    %dma_wait3A_419 = arith.constant 0 : i32
    %dma_wait3A_420 = tpu.memref_slice %arg6[%dma_wait3A_418, %dma_wait3A_419] : memref<10x1000xi32, #tpu.memory_space<vmem>> -> memref<1x1000xi32, #tpu.memory_space<vmem>>
    %dma_wait3A_421 = tpu.memref_squeeze %dma_wait3A_420 : memref<1x1000xi32, #tpu.memory_space<vmem>> -> memref<1000xi32, #tpu.memory_space<vmem>>
    %dma_wait3A_422 = tpu.memref_slice %arg3[%dma_wait3A_417, %add3A_149] : memref<2x320000xi32, #tpu.memory_space<hbm>> -> memref<1x1000xi32, #tpu.memory_space<hbm>>
    %dma_wait3A_423 = tpu.memref_squeeze %dma_wait3A_422 : memref<1x1000xi32, #tpu.memory_space<hbm>> -> memref<1000xi32, #tpu.memory_space<hbm>>
    %dma_wait3A_424 = arith.constant 0 : i32
    %dma_wait3A_425 = tpu.memref_slice %arg6[%dma_wait3A_418, %dma_wait3A_424] : memref<10x1000xi32, #tpu.memory_space<vmem>> -> memref<1x1000xi32, #tpu.memory_space<vmem>>
    %dma_wait3A_426 = tpu.memref_squeeze %dma_wait3A_425 : memref<1x1000xi32, #tpu.memory_space<vmem>> -> memref<1000xi32, #tpu.memory_space<vmem>>
    %dma_wait3A_427 = tpu.memref_slice %arg3[%dma_wait3A_417, %add3A_149] : memref<2x320000xi32, #tpu.memory_space<hbm>> -> memref<1x1000xi32, #tpu.memory_space<hbm>>
    %dma_wait3A_428 = tpu.memref_squeeze %dma_wait3A_427 : memref<1x1000xi32, #tpu.memory_space<hbm>> -> memref<1000xi32, #tpu.memory_space<hbm>>
    tpu.wait_dma2 semaphore(%arg24 : memref<!tpu.dma_semaphore, #tpu.memory_space<semaphore_mem>>) src(%dma_wait3A_428 : memref<1000xi32, #tpu.memory_space<hbm>>) dst(%dma_wait3A_426 : memref<1000xi32, #tpu.memory_space<vmem>>)
    %dma_wait3A_429 = arith.constant 1 : i32
    %dma_wait3A_430 = arith.constant 1 : i32
    %dma_wait3A_431 = arith.constant 0 : i32
    %dma_wait3A_432 = tpu.memref_slice %arg6[%dma_wait3A_430, %dma_wait3A_431] : memref<10x1000xi32, #tpu.memory_space<vmem>> -> memref<1x1000xi32, #tpu.memory_space<vmem>>
    %dma_wait3A_433 = tpu.memref_squeeze %dma_wait3A_432 : memref<1x1000xi32, #tpu.memory_space<vmem>> -> memref<1000xi32, #tpu.memory_space<vmem>>
    %dma_wait3A_434 = tpu.memref_slice %arg3[%dma_wait3A_429, %add3A_163] : memref<2x320000xi32, #tpu.memory_space<hbm>> -> memref<1x1000xi32, #tpu.memory_space<hbm>>
    %dma_wait3A_435 = tpu.memref_squeeze %dma_wait3A_434 : memref<1x1000xi32, #tpu.memory_space<hbm>> -> memref<1000xi32, #tpu.memory_space<hbm>>
    %dma_wait3A_436 = arith.constant 0 : i32
    %dma_wait3A_437 = tpu.memref_slice %arg6[%dma_wait3A_430, %dma_wait3A_436] : memref<10x1000xi32, #tpu.memory_space<vmem>> -> memref<1x1000xi32, #tpu.memory_space<vmem>>
    %dma_wait3A_438 = tpu.memref_squeeze %dma_wait3A_437 : memref<1x1000xi32, #tpu.memory_space<vmem>> -> memref<1000xi32, #tpu.memory_space<vmem>>
    %dma_wait3A_439 = tpu.memref_slice %arg3[%dma_wait3A_429, %add3A_163] : memref<2x320000xi32, #tpu.memory_space<hbm>> -> memref<1x1000xi32, #tpu.memory_space<hbm>>
    %dma_wait3A_440 = tpu.memref_squeeze %dma_wait3A_439 : memref<1x1000xi32, #tpu.memory_space<hbm>> -> memref<1000xi32, #tpu.memory_space<hbm>>
    tpu.wait_dma2 semaphore(%arg25 : memref<!tpu.dma_semaphore, #tpu.memory_space<semaphore_mem>>) src(%dma_wait3A_440 : memref<1000xi32, #tpu.memory_space<hbm>>) dst(%dma_wait3A_438 : memref<1000xi32, #tpu.memory_space<vmem>>)
    %dma_wait3A_441 = arith.constant 1 : i32
    %dma_wait3A_442 = arith.constant 2 : i32
    %dma_wait3A_443 = arith.constant 0 : i32
    %dma_wait3A_444 = tpu.memref_slice %arg6[%dma_wait3A_442, %dma_wait3A_443] : memref<10x1000xi32, #tpu.memory_space<vmem>> -> memref<1x1000xi32, #tpu.memory_space<vmem>>
    %dma_wait3A_445 = tpu.memref_squeeze %dma_wait3A_444 : memref<1x1000xi32, #tpu.memory_space<vmem>> -> memref<1000xi32, #tpu.memory_space<vmem>>
    %dma_wait3A_446 = tpu.memref_slice %arg3[%dma_wait3A_441, %add3A_177] : memref<2x320000xi32, #tpu.memory_space<hbm>> -> memref<1x1000xi32, #tpu.memory_space<hbm>>
    %dma_wait3A_447 = tpu.memref_squeeze %dma_wait3A_446 : memref<1x1000xi32, #tpu.memory_space<hbm>> -> memref<1000xi32, #tpu.memory_space<hbm>>
    %dma_wait3A_448 = arith.constant 0 : i32
    %dma_wait3A_449 = tpu.memref_slice %arg6[%dma_wait3A_442, %dma_wait3A_448] : memref<10x1000xi32, #tpu.memory_space<vmem>> -> memref<1x1000xi32, #tpu.memory_space<vmem>>
    %dma_wait3A_450 = tpu.memref_squeeze %dma_wait3A_449 : memref<1x1000xi32, #tpu.memory_space<vmem>> -> memref<1000xi32, #tpu.memory_space<vmem>>
    %dma_wait3A_451 = tpu.memref_slice %arg3[%dma_wait3A_441, %add3A_177] : memref<2x320000xi32, #tpu.memory_space<hbm>> -> memref<1x1000xi32, #tpu.memory_space<hbm>>
    %dma_wait3A_452 = tpu.memref_squeeze %dma_wait3A_451 : memref<1x1000xi32, #tpu.memory_space<hbm>> -> memref<1000xi32, #tpu.memory_space<hbm>>
    tpu.wait_dma2 semaphore(%arg26 : memref<!tpu.dma_semaphore, #tpu.memory_space<semaphore_mem>>) src(%dma_wait3A_452 : memref<1000xi32, #tpu.memory_space<hbm>>) dst(%dma_wait3A_450 : memref<1000xi32, #tpu.memory_space<vmem>>)
    %dma_wait3A_453 = arith.constant 1 : i32
    %dma_wait3A_454 = arith.constant 3 : i32
    %dma_wait3A_455 = arith.constant 0 : i32
    %dma_wait3A_456 = tpu.memref_slice %arg6[%dma_wait3A_454, %dma_wait3A_455] : memref<10x1000xi32, #tpu.memory_space<vmem>> -> memref<1x1000xi32, #tpu.memory_space<vmem>>
    %dma_wait3A_457 = tpu.memref_squeeze %dma_wait3A_456 : memref<1x1000xi32, #tpu.memory_space<vmem>> -> memref<1000xi32, #tpu.memory_space<vmem>>
    %dma_wait3A_458 = tpu.memref_slice %arg3[%dma_wait3A_453, %add3A_191] : memref<2x320000xi32, #tpu.memory_space<hbm>> -> memref<1x1000xi32, #tpu.memory_space<hbm>>
    %dma_wait3A_459 = tpu.memref_squeeze %dma_wait3A_458 : memref<1x1000xi32, #tpu.memory_space<hbm>> -> memref<1000xi32, #tpu.memory_space<hbm>>
    %dma_wait3A_460 = arith.constant 0 : i32
    %dma_wait3A_461 = tpu.memref_slice %arg6[%dma_wait3A_454, %dma_wait3A_460] : memref<10x1000xi32, #tpu.memory_space<vmem>> -> memref<1x1000xi32, #tpu.memory_space<vmem>>
    %dma_wait3A_462 = tpu.memref_squeeze %dma_wait3A_461 : memref<1x1000xi32, #tpu.memory_space<vmem>> -> memref<1000xi32, #tpu.memory_space<vmem>>
    %dma_wait3A_463 = tpu.memref_slice %arg3[%dma_wait3A_453, %add3A_191] : memref<2x320000xi32, #tpu.memory_space<hbm>> -> memref<1x1000xi32, #tpu.memory_space<hbm>>
    %dma_wait3A_464 = tpu.memref_squeeze %dma_wait3A_463 : memref<1x1000xi32, #tpu.memory_space<hbm>> -> memref<1000xi32, #tpu.memory_space<hbm>>
    tpu.wait_dma2 semaphore(%arg27 : memref<!tpu.dma_semaphore, #tpu.memory_space<semaphore_mem>>) src(%dma_wait3A_464 : memref<1000xi32, #tpu.memory_space<hbm>>) dst(%dma_wait3A_462 : memref<1000xi32, #tpu.memory_space<vmem>>)
    %dma_wait3A_465 = arith.constant 1 : i32
    %dma_wait3A_466 = arith.constant 4 : i32
    %dma_wait3A_467 = arith.constant 0 : i32
    %dma_wait3A_468 = tpu.memref_slice %arg6[%dma_wait3A_466, %dma_wait3A_467] : memref<10x1000xi32, #tpu.memory_space<vmem>> -> memref<1x1000xi32, #tpu.memory_space<vmem>>
    %dma_wait3A_469 = tpu.memref_squeeze %dma_wait3A_468 : memref<1x1000xi32, #tpu.memory_space<vmem>> -> memref<1000xi32, #tpu.memory_space<vmem>>
    %dma_wait3A_470 = tpu.memref_slice %arg3[%dma_wait3A_465, %add3A_205] : memref<2x320000xi32, #tpu.memory_space<hbm>> -> memref<1x1000xi32, #tpu.memory_space<hbm>>
    %dma_wait3A_471 = tpu.memref_squeeze %dma_wait3A_470 : memref<1x1000xi32, #tpu.memory_space<hbm>> -> memref<1000xi32, #tpu.memory_space<hbm>>
    %dma_wait3A_472 = arith.constant 0 : i32
    %dma_wait3A_473 = tpu.memref_slice %arg6[%dma_wait3A_466, %dma_wait3A_472] : memref<10x1000xi32, #tpu.memory_space<vmem>> -> memref<1x1000xi32, #tpu.memory_space<vmem>>
    %dma_wait3A_474 = tpu.memref_squeeze %dma_wait3A_473 : memref<1x1000xi32, #tpu.memory_space<vmem>> -> memref<1000xi32, #tpu.memory_space<vmem>>
    %dma_wait3A_475 = tpu.memref_slice %arg3[%dma_wait3A_465, %add3A_205] : memref<2x320000xi32, #tpu.memory_space<hbm>> -> memref<1x1000xi32, #tpu.memory_space<hbm>>
    %dma_wait3A_476 = tpu.memref_squeeze %dma_wait3A_475 : memref<1x1000xi32, #tpu.memory_space<hbm>> -> memref<1000xi32, #tpu.memory_space<hbm>>
    tpu.wait_dma2 semaphore(%arg28 : memref<!tpu.dma_semaphore, #tpu.memory_space<semaphore_mem>>) src(%dma_wait3A_476 : memref<1000xi32, #tpu.memory_space<hbm>>) dst(%dma_wait3A_474 : memref<1000xi32, #tpu.memory_space<vmem>>)
    %dma_wait3A_477 = arith.constant 1 : i32
    %dma_wait3A_478 = arith.constant 5 : i32
    %dma_wait3A_479 = arith.constant 0 : i32
    %dma_wait3A_480 = tpu.memref_slice %arg6[%dma_wait3A_478, %dma_wait3A_479] : memref<10x1000xi32, #tpu.memory_space<vmem>> -> memref<1x1000xi32, #tpu.memory_space<vmem>>
    %dma_wait3A_481 = tpu.memref_squeeze %dma_wait3A_480 : memref<1x1000xi32, #tpu.memory_space<vmem>> -> memref<1000xi32, #tpu.memory_space<vmem>>
    %dma_wait3A_482 = tpu.memref_slice %arg3[%dma_wait3A_477, %add3A_219] : memref<2x320000xi32, #tpu.memory_space<hbm>> -> memref<1x1000xi32, #tpu.memory_space<hbm>>
    %dma_wait3A_483 = tpu.memref_squeeze %dma_wait3A_482 : memref<1x1000xi32, #tpu.memory_space<hbm>> -> memref<1000xi32, #tpu.memory_space<hbm>>
    %dma_wait3A_484 = arith.constant 0 : i32
    %dma_wait3A_485 = tpu.memref_slice %arg6[%dma_wait3A_478, %dma_wait3A_484] : memref<10x1000xi32, #tpu.memory_space<vmem>> -> memref<1x1000xi32, #tpu.memory_space<vmem>>
    %dma_wait3A_486 = tpu.memref_squeeze %dma_wait3A_485 : memref<1x1000xi32, #tpu.memory_space<vmem>> -> memref<1000xi32, #tpu.memory_space<vmem>>
    %dma_wait3A_487 = tpu.memref_slice %arg3[%dma_wait3A_477, %add3A_219] : memref<2x320000xi32, #tpu.memory_space<hbm>> -> memref<1x1000xi32, #tpu.memory_space<hbm>>
    %dma_wait3A_488 = tpu.memref_squeeze %dma_wait3A_487 : memref<1x1000xi32, #tpu.memory_space<hbm>> -> memref<1000xi32, #tpu.memory_space<hbm>>
    tpu.wait_dma2 semaphore(%arg29 : memref<!tpu.dma_semaphore, #tpu.memory_space<semaphore_mem>>) src(%dma_wait3A_488 : memref<1000xi32, #tpu.memory_space<hbm>>) dst(%dma_wait3A_486 : memref<1000xi32, #tpu.memory_space<vmem>>)
    %dma_wait3A_489 = arith.constant 1 : i32
    %dma_wait3A_490 = arith.constant 6 : i32
    %dma_wait3A_491 = arith.constant 0 : i32
    %dma_wait3A_492 = tpu.memref_slice %arg6[%dma_wait3A_490, %dma_wait3A_491] : memref<10x1000xi32, #tpu.memory_space<vmem>> -> memref<1x1000xi32, #tpu.memory_space<vmem>>
    %dma_wait3A_493 = tpu.memref_squeeze %dma_wait3A_492 : memref<1x1000xi32, #tpu.memory_space<vmem>> -> memref<1000xi32, #tpu.memory_space<vmem>>
    %dma_wait3A_494 = tpu.memref_slice %arg3[%dma_wait3A_489, %add3A_233] : memref<2x320000xi32, #tpu.memory_space<hbm>> -> memref<1x1000xi32, #tpu.memory_space<hbm>>
    %dma_wait3A_495 = tpu.memref_squeeze %dma_wait3A_494 : memref<1x1000xi32, #tpu.memory_space<hbm>> -> memref<1000xi32, #tpu.memory_space<hbm>>
    %dma_wait3A_496 = arith.constant 0 : i32
    %dma_wait3A_497 = tpu.memref_slice %arg6[%dma_wait3A_490, %dma_wait3A_496] : memref<10x1000xi32, #tpu.memory_space<vmem>> -> memref<1x1000xi32, #tpu.memory_space<vmem>>
    %dma_wait3A_498 = tpu.memref_squeeze %dma_wait3A_497 : memref<1x1000xi32, #tpu.memory_space<vmem>> -> memref<1000xi32, #tpu.memory_space<vmem>>
    %dma_wait3A_499 = tpu.memref_slice %arg3[%dma_wait3A_489, %add3A_233] : memref<2x320000xi32, #tpu.memory_space<hbm>> -> memref<1x1000xi32, #tpu.memory_space<hbm>>
    %dma_wait3A_500 = tpu.memref_squeeze %dma_wait3A_499 : memref<1x1000xi32, #tpu.memory_space<hbm>> -> memref<1000xi32, #tpu.memory_space<hbm>>
    tpu.wait_dma2 semaphore(%arg30 : memref<!tpu.dma_semaphore, #tpu.memory_space<semaphore_mem>>) src(%dma_wait3A_500 : memref<1000xi32, #tpu.memory_space<hbm>>) dst(%dma_wait3A_498 : memref<1000xi32, #tpu.memory_space<vmem>>)
    %dma_wait3A_501 = arith.constant 1 : i32
    %dma_wait3A_502 = arith.constant 7 : i32
    %dma_wait3A_503 = arith.constant 0 : i32
    %dma_wait3A_504 = tpu.memref_slice %arg6[%dma_wait3A_502, %dma_wait3A_503] : memref<10x1000xi32, #tpu.memory_space<vmem>> -> memref<1x1000xi32, #tpu.memory_space<vmem>>
    %dma_wait3A_505 = tpu.memref_squeeze %dma_wait3A_504 : memref<1x1000xi32, #tpu.memory_space<vmem>> -> memref<1000xi32, #tpu.memory_space<vmem>>
    %dma_wait3A_506 = tpu.memref_slice %arg3[%dma_wait3A_501, %add3A_247] : memref<2x320000xi32, #tpu.memory_space<hbm>> -> memref<1x1000xi32, #tpu.memory_space<hbm>>
    %dma_wait3A_507 = tpu.memref_squeeze %dma_wait3A_506 : memref<1x1000xi32, #tpu.memory_space<hbm>> -> memref<1000xi32, #tpu.memory_space<hbm>>
    %dma_wait3A_508 = arith.constant 0 : i32
    %dma_wait3A_509 = tpu.memref_slice %arg6[%dma_wait3A_502, %dma_wait3A_508] : memref<10x1000xi32, #tpu.memory_space<vmem>> -> memref<1x1000xi32, #tpu.memory_space<vmem>>
    %dma_wait3A_510 = tpu.memref_squeeze %dma_wait3A_509 : memref<1x1000xi32, #tpu.memory_space<vmem>> -> memref<1000xi32, #tpu.memory_space<vmem>>
    %dma_wait3A_511 = tpu.memref_slice %arg3[%dma_wait3A_501, %add3A_247] : memref<2x320000xi32, #tpu.memory_space<hbm>> -> memref<1x1000xi32, #tpu.memory_space<hbm>>
    %dma_wait3A_512 = tpu.memref_squeeze %dma_wait3A_511 : memref<1x1000xi32, #tpu.memory_space<hbm>> -> memref<1000xi32, #tpu.memory_space<hbm>>
    tpu.wait_dma2 semaphore(%arg31 : memref<!tpu.dma_semaphore, #tpu.memory_space<semaphore_mem>>) src(%dma_wait3A_512 : memref<1000xi32, #tpu.memory_space<hbm>>) dst(%dma_wait3A_510 : memref<1000xi32, #tpu.memory_space<vmem>>)
    %dma_wait3A_513 = arith.constant 1 : i32
    %dma_wait3A_514 = arith.constant 8 : i32
    %dma_wait3A_515 = arith.constant 0 : i32
    %dma_wait3A_516 = tpu.memref_slice %arg6[%dma_wait3A_514, %dma_wait3A_515] : memref<10x1000xi32, #tpu.memory_space<vmem>> -> memref<1x1000xi32, #tpu.memory_space<vmem>>
    %dma_wait3A_517 = tpu.memref_squeeze %dma_wait3A_516 : memref<1x1000xi32, #tpu.memory_space<vmem>> -> memref<1000xi32, #tpu.memory_space<vmem>>
    %dma_wait3A_518 = tpu.memref_slice %arg3[%dma_wait3A_513, %add3A_261] : memref<2x320000xi32, #tpu.memory_space<hbm>> -> memref<1x1000xi32, #tpu.memory_space<hbm>>
    %dma_wait3A_519 = tpu.memref_squeeze %dma_wait3A_518 : memref<1x1000xi32, #tpu.memory_space<hbm>> -> memref<1000xi32, #tpu.memory_space<hbm>>
    %dma_wait3A_520 = arith.constant 0 : i32
    %dma_wait3A_521 = tpu.memref_slice %arg6[%dma_wait3A_514, %dma_wait3A_520] : memref<10x1000xi32, #tpu.memory_space<vmem>> -> memref<1x1000xi32, #tpu.memory_space<vmem>>
    %dma_wait3A_522 = tpu.memref_squeeze %dma_wait3A_521 : memref<1x1000xi32, #tpu.memory_space<vmem>> -> memref<1000xi32, #tpu.memory_space<vmem>>
    %dma_wait3A_523 = tpu.memref_slice %arg3[%dma_wait3A_513, %add3A_261] : memref<2x320000xi32, #tpu.memory_space<hbm>> -> memref<1x1000xi32, #tpu.memory_space<hbm>>
    %dma_wait3A_524 = tpu.memref_squeeze %dma_wait3A_523 : memref<1x1000xi32, #tpu.memory_space<hbm>> -> memref<1000xi32, #tpu.memory_space<hbm>>
    tpu.wait_dma2 semaphore(%arg32 : memref<!tpu.dma_semaphore, #tpu.memory_space<semaphore_mem>>) src(%dma_wait3A_524 : memref<1000xi32, #tpu.memory_space<hbm>>) dst(%dma_wait3A_522 : memref<1000xi32, #tpu.memory_space<vmem>>)
    %dma_wait3A_525 = arith.constant 1 : i32
    %dma_wait3A_526 = arith.constant 9 : i32
    %dma_wait3A_527 = arith.constant 0 : i32
    %dma_wait3A_528 = tpu.memref_slice %arg6[%dma_wait3A_526, %dma_wait3A_527] : memref<10x1000xi32, #tpu.memory_space<vmem>> -> memref<1x1000xi32, #tpu.memory_space<vmem>>
    %dma_wait3A_529 = tpu.memref_squeeze %dma_wait3A_528 : memref<1x1000xi32, #tpu.memory_space<vmem>> -> memref<1000xi32, #tpu.memory_space<vmem>>
    %dma_wait3A_530 = tpu.memref_slice %arg3[%dma_wait3A_525, %add3A_275] : memref<2x320000xi32, #tpu.memory_space<hbm>> -> memref<1x1000xi32, #tpu.memory_space<hbm>>
    %dma_wait3A_531 = tpu.memref_squeeze %dma_wait3A_530 : memref<1x1000xi32, #tpu.memory_space<hbm>> -> memref<1000xi32, #tpu.memory_space<hbm>>
    %dma_wait3A_532 = arith.constant 0 : i32
    %dma_wait3A_533 = tpu.memref_slice %arg6[%dma_wait3A_526, %dma_wait3A_532] : memref<10x1000xi32, #tpu.memory_space<vmem>> -> memref<1x1000xi32, #tpu.memory_space<vmem>>
    %dma_wait3A_534 = tpu.memref_squeeze %dma_wait3A_533 : memref<1x1000xi32, #tpu.memory_space<vmem>> -> memref<1000xi32, #tpu.memory_space<vmem>>
    %dma_wait3A_535 = tpu.memref_slice %arg3[%dma_wait3A_525, %add3A_275] : memref<2x320000xi32, #tpu.memory_space<hbm>> -> memref<1x1000xi32, #tpu.memory_space<hbm>>
    %dma_wait3A_536 = tpu.memref_squeeze %dma_wait3A_535 : memref<1x1000xi32, #tpu.memory_space<hbm>> -> memref<1000xi32, #tpu.memory_space<hbm>>
    tpu.wait_dma2 semaphore(%arg13 : memref<!tpu.dma_semaphore, #tpu.memory_space<semaphore_mem>>) src(%dma_wait3A_536 : memref<1000xi32, #tpu.memory_space<hbm>>) dst(%dma_wait3A_534 : memref<1000xi32, #tpu.memory_space<vmem>>)
    %barrier3A = arith.constant 0 : index
    tpu.barrier barrier_id(%barrier3A)
    %dma_start3A_537 = arith.constant 0 : i32
    %dma_start3A_538 = arith.constant 0 : i32
    %dma_start3A_539 = tpu.memref_slice %arg5[%dma_start3A_537, %dma_start3A_538] : memref<10x1000xi32, #tpu.memory_space<vmem>> -> memref<1x1000xi32, #tpu.memory_space<vmem>>
    %dma_start3A_540 = tpu.memref_squeeze %dma_start3A_539 : memref<1x1000xi32, #tpu.memory_space<vmem>> -> memref<1000xi32, #tpu.memory_space<vmem>>
    %dma_start3A_541 = arith.constant 0 : i32
    %dma_start3A_542 = arith.constant 0 : i32
    %dma_start3A_543 = tpu.memref_slice %arg12[%dma_start3A_541, %dma_start3A_542] : memref<10240x16xf32, #tpu.memory_space<vmem_shared>> -> memref<10240x16xf32, #tpu.memory_space<vmem_shared>>
    tpu.enqueue_indirect_dma source(%dma_start3A_543 : memref<10240x16xf32, #tpu.memory_space<vmem_shared>>) target(%arg7 : memref<1000x16xf32, #tpu.memory_space<vmem>>) offsets(%dma_start3A_540 : memref<1000xi32, #tpu.memory_space<vmem>>) semaphore(%arg13 : memref<!tpu.dma_semaphore, #tpu.memory_space<semaphore_mem>>)
    %dma_start3A_544 = arith.constant 1 : i32
    %dma_start3A_545 = arith.constant 0 : i32
    %dma_start3A_546 = tpu.memref_slice %arg5[%dma_start3A_544, %dma_start3A_545] : memref<10x1000xi32, #tpu.memory_space<vmem>> -> memref<1x1000xi32, #tpu.memory_space<vmem>>
    %dma_start3A_547 = tpu.memref_squeeze %dma_start3A_546 : memref<1x1000xi32, #tpu.memory_space<vmem>> -> memref<1000xi32, #tpu.memory_space<vmem>>
    %dma_start3A_548 = arith.constant 0 : i32
    %dma_start3A_549 = arith.constant 0 : i32
    %dma_start3A_550 = tpu.memref_slice %arg12[%dma_start3A_548, %dma_start3A_549] : memref<10240x16xf32, #tpu.memory_space<vmem_shared>> -> memref<10240x16xf32, #tpu.memory_space<vmem_shared>>
    tpu.enqueue_indirect_dma source(%dma_start3A_550 : memref<10240x16xf32, #tpu.memory_space<vmem_shared>>) target(%arg8 : memref<1000x16xf32, #tpu.memory_space<vmem>>) offsets(%dma_start3A_547 : memref<1000xi32, #tpu.memory_space<vmem>>) semaphore(%arg14 : memref<!tpu.dma_semaphore, #tpu.memory_space<semaphore_mem>>)
    %dma_wait3A_551 = arith.constant 0 : i32
    %dma_wait3A_552 = arith.constant 0 : i32
    %dma_wait3A_553 = tpu.memref_slice %arg5[%dma_wait3A_551, %dma_wait3A_552] : memref<10x1000xi32, #tpu.memory_space<vmem>> -> memref<1x1000xi32, #tpu.memory_space<vmem>>
    %dma_wait3A_554 = tpu.memref_squeeze %dma_wait3A_553 : memref<1x1000xi32, #tpu.memory_space<vmem>> -> memref<1000xi32, #tpu.memory_space<vmem>>
    %dma_wait3A_555 = arith.constant 0 : i32
    %dma_wait3A_556 = arith.constant 0 : i32
    %dma_wait3A_557 = tpu.memref_slice %arg12[%dma_wait3A_555, %dma_wait3A_556] : memref<10240x16xf32, #tpu.memory_space<vmem_shared>> -> memref<10240x16xf32, #tpu.memory_space<vmem_shared>>
    tpu.wait_indirect_dma semaphore(%arg13 : memref<!tpu.dma_semaphore, #tpu.memory_space<semaphore_mem>>) src(%dma_wait3A_557 : memref<10240x16xf32, #tpu.memory_space<vmem_shared>>) dst(%arg7 : memref<1000x16xf32, #tpu.memory_space<vmem>>)
    %dma_start3A_558 = arith.constant 0 : i32
    %dma_start3A_559 = arith.constant 0 : i32
    %dma_start3A_560 = tpu.memref_slice %arg6[%dma_start3A_558, %dma_start3A_559] : memref<10x1000xi32, #tpu.memory_space<vmem>> -> memref<1x1000xi32, #tpu.memory_space<vmem>>
    %dma_start3A_561 = tpu.memref_squeeze %dma_start3A_560 : memref<1x1000xi32, #tpu.memory_space<vmem>> -> memref<1000xi32, #tpu.memory_space<vmem>>
    %dma_start3A_562 = arith.constant 0 : i32
    %dma_start3A_563 = arith.constant 0 : i32
    %dma_start3A_564 = tpu.memref_slice %arg11[%dma_start3A_562, %dma_start3A_563] : memref<10240x16xf32, #tpu.memory_space<vmem_shared>> -> memref<10240x16xf32, #tpu.memory_space<vmem_shared>>
    tpu.enqueue_indirect_dma source(%arg7 : memref<1000x16xf32, #tpu.memory_space<vmem>>) target(%dma_start3A_564 : memref<10240x16xf32, #tpu.memory_space<vmem_shared>>) offsets(%dma_start3A_561 : memref<1000xi32, #tpu.memory_space<vmem>>) semaphore(%arg23 : memref<!tpu.dma_semaphore, #tpu.memory_space<semaphore_mem>>) {add = true}
    %dma_start3A_565 = arith.constant 2 : i32
    %dma_start3A_566 = arith.constant 0 : i32
    %dma_start3A_567 = tpu.memref_slice %arg5[%dma_start3A_565, %dma_start3A_566] : memref<10x1000xi32, #tpu.memory_space<vmem>> -> memref<1x1000xi32, #tpu.memory_space<vmem>>
    %dma_start3A_568 = tpu.memref_squeeze %dma_start3A_567 : memref<1x1000xi32, #tpu.memory_space<vmem>> -> memref<1000xi32, #tpu.memory_space<vmem>>
    %dma_start3A_569 = arith.constant 0 : i32
    %dma_start3A_570 = arith.constant 0 : i32
    %dma_start3A_571 = tpu.memref_slice %arg12[%dma_start3A_569, %dma_start3A_570] : memref<10240x16xf32, #tpu.memory_space<vmem_shared>> -> memref<10240x16xf32, #tpu.memory_space<vmem_shared>>
    tpu.enqueue_indirect_dma source(%dma_start3A_571 : memref<10240x16xf32, #tpu.memory_space<vmem_shared>>) target(%arg9 : memref<1000x16xf32, #tpu.memory_space<vmem>>) offsets(%dma_start3A_568 : memref<1000xi32, #tpu.memory_space<vmem>>) semaphore(%arg15 : memref<!tpu.dma_semaphore, #tpu.memory_space<semaphore_mem>>)
    %dma_wait3A_572 = arith.constant 1 : i32
    %dma_wait3A_573 = arith.constant 0 : i32
    %dma_wait3A_574 = tpu.memref_slice %arg5[%dma_wait3A_572, %dma_wait3A_573] : memref<10x1000xi32, #tpu.memory_space<vmem>> -> memref<1x1000xi32, #tpu.memory_space<vmem>>
    %dma_wait3A_575 = tpu.memref_squeeze %dma_wait3A_574 : memref<1x1000xi32, #tpu.memory_space<vmem>> -> memref<1000xi32, #tpu.memory_space<vmem>>
    %dma_wait3A_576 = arith.constant 0 : i32
    %dma_wait3A_577 = arith.constant 0 : i32
    %dma_wait3A_578 = tpu.memref_slice %arg12[%dma_wait3A_576, %dma_wait3A_577] : memref<10240x16xf32, #tpu.memory_space<vmem_shared>> -> memref<10240x16xf32, #tpu.memory_space<vmem_shared>>
    tpu.wait_indirect_dma semaphore(%arg14 : memref<!tpu.dma_semaphore, #tpu.memory_space<semaphore_mem>>) src(%dma_wait3A_578 : memref<10240x16xf32, #tpu.memory_space<vmem_shared>>) dst(%arg8 : memref<1000x16xf32, #tpu.memory_space<vmem>>)
    %dma_start3A_579 = arith.constant 1 : i32
    %dma_start3A_580 = arith.constant 0 : i32
    %dma_start3A_581 = tpu.memref_slice %arg6[%dma_start3A_579, %dma_start3A_580] : memref<10x1000xi32, #tpu.memory_space<vmem>> -> memref<1x1000xi32, #tpu.memory_space<vmem>>
    %dma_start3A_582 = tpu.memref_squeeze %dma_start3A_581 : memref<1x1000xi32, #tpu.memory_space<vmem>> -> memref<1000xi32, #tpu.memory_space<vmem>>
    %dma_start3A_583 = arith.constant 0 : i32
    %dma_start3A_584 = arith.constant 0 : i32
    %dma_start3A_585 = tpu.memref_slice %arg11[%dma_start3A_583, %dma_start3A_584] : memref<10240x16xf32, #tpu.memory_space<vmem_shared>> -> memref<10240x16xf32, #tpu.memory_space<vmem_shared>>
    tpu.enqueue_indirect_dma source(%arg8 : memref<1000x16xf32, #tpu.memory_space<vmem>>) target(%dma_start3A_585 : memref<10240x16xf32, #tpu.memory_space<vmem_shared>>) offsets(%dma_start3A_582 : memref<1000xi32, #tpu.memory_space<vmem>>) semaphore(%arg24 : memref<!tpu.dma_semaphore, #tpu.memory_space<semaphore_mem>>) {add = true}
    %dma_start3A_586 = arith.constant 3 : i32
    %dma_start3A_587 = arith.constant 0 : i32
    %dma_start3A_588 = tpu.memref_slice %arg5[%dma_start3A_586, %dma_start3A_587] : memref<10x1000xi32, #tpu.memory_space<vmem>> -> memref<1x1000xi32, #tpu.memory_space<vmem>>
    %dma_start3A_589 = tpu.memref_squeeze %dma_start3A_588 : memref<1x1000xi32, #tpu.memory_space<vmem>> -> memref<1000xi32, #tpu.memory_space<vmem>>
    %dma_start3A_590 = arith.constant 0 : i32
    %dma_start3A_591 = arith.constant 0 : i32
    %dma_start3A_592 = tpu.memref_slice %arg12[%dma_start3A_590, %dma_start3A_591] : memref<10240x16xf32, #tpu.memory_space<vmem_shared>> -> memref<10240x16xf32, #tpu.memory_space<vmem_shared>>
    tpu.enqueue_indirect_dma source(%dma_start3A_592 : memref<10240x16xf32, #tpu.memory_space<vmem_shared>>) target(%arg10 : memref<1000x16xf32, #tpu.memory_space<vmem>>) offsets(%dma_start3A_589 : memref<1000xi32, #tpu.memory_space<vmem>>) semaphore(%arg16 : memref<!tpu.dma_semaphore, #tpu.memory_space<semaphore_mem>>)
    %dma_wait3A_593 = arith.constant 2 : i32
    %dma_wait3A_594 = arith.constant 0 : i32
    %dma_wait3A_595 = tpu.memref_slice %arg5[%dma_wait3A_593, %dma_wait3A_594] : memref<10x1000xi32, #tpu.memory_space<vmem>> -> memref<1x1000xi32, #tpu.memory_space<vmem>>
    %dma_wait3A_596 = tpu.memref_squeeze %dma_wait3A_595 : memref<1x1000xi32, #tpu.memory_space<vmem>> -> memref<1000xi32, #tpu.memory_space<vmem>>
    %dma_wait3A_597 = arith.constant 0 : i32
    %dma_wait3A_598 = arith.constant 0 : i32
    %dma_wait3A_599 = tpu.memref_slice %arg12[%dma_wait3A_597, %dma_wait3A_598] : memref<10240x16xf32, #tpu.memory_space<vmem_shared>> -> memref<10240x16xf32, #tpu.memory_space<vmem_shared>>
    tpu.wait_indirect_dma semaphore(%arg15 : memref<!tpu.dma_semaphore, #tpu.memory_space<semaphore_mem>>) src(%dma_wait3A_599 : memref<10240x16xf32, #tpu.memory_space<vmem_shared>>) dst(%arg9 : memref<1000x16xf32, #tpu.memory_space<vmem>>)
    %dma_start3A_600 = arith.constant 2 : i32
    %dma_start3A_601 = arith.constant 0 : i32
    %dma_start3A_602 = tpu.memref_slice %arg6[%dma_start3A_600, %dma_start3A_601] : memref<10x1000xi32, #tpu.memory_space<vmem>> -> memref<1x1000xi32, #tpu.memory_space<vmem>>
    %dma_start3A_603 = tpu.memref_squeeze %dma_start3A_602 : memref<1x1000xi32, #tpu.memory_space<vmem>> -> memref<1000xi32, #tpu.memory_space<vmem>>
    %dma_start3A_604 = arith.constant 0 : i32
    %dma_start3A_605 = arith.constant 0 : i32
    %dma_start3A_606 = tpu.memref_slice %arg11[%dma_start3A_604, %dma_start3A_605] : memref<10240x16xf32, #tpu.memory_space<vmem_shared>> -> memref<10240x16xf32, #tpu.memory_space<vmem_shared>>
    tpu.enqueue_indirect_dma source(%arg9 : memref<1000x16xf32, #tpu.memory_space<vmem>>) target(%dma_start3A_606 : memref<10240x16xf32, #tpu.memory_space<vmem_shared>>) offsets(%dma_start3A_603 : memref<1000xi32, #tpu.memory_space<vmem>>) semaphore(%arg25 : memref<!tpu.dma_semaphore, #tpu.memory_space<semaphore_mem>>) {add = true}
    %dma_wait3A_607 = arith.constant 0 : i32
    %dma_wait3A_608 = arith.constant 0 : i32
    %dma_wait3A_609 = tpu.memref_slice %arg6[%dma_wait3A_607, %dma_wait3A_608] : memref<10x1000xi32, #tpu.memory_space<vmem>> -> memref<1x1000xi32, #tpu.memory_space<vmem>>
    %dma_wait3A_610 = tpu.memref_squeeze %dma_wait3A_609 : memref<1x1000xi32, #tpu.memory_space<vmem>> -> memref<1000xi32, #tpu.memory_space<vmem>>
    %dma_wait3A_611 = arith.constant 0 : i32
    %dma_wait3A_612 = arith.constant 0 : i32
    %dma_wait3A_613 = tpu.memref_slice %arg11[%dma_wait3A_611, %dma_wait3A_612] : memref<10240x16xf32, #tpu.memory_space<vmem_shared>> -> memref<10240x16xf32, #tpu.memory_space<vmem_shared>>
    tpu.wait_indirect_dma semaphore(%arg23 : memref<!tpu.dma_semaphore, #tpu.memory_space<semaphore_mem>>) src(%arg7 : memref<1000x16xf32, #tpu.memory_space<vmem>>) dst(%dma_wait3A_613 : memref<10240x16xf32, #tpu.memory_space<vmem_shared>>)
    %dma_start3A_614 = arith.constant 4 : i32
    %dma_start3A_615 = arith.constant 0 : i32
    %dma_start3A_616 = tpu.memref_slice %arg5[%dma_start3A_614, %dma_start3A_615] : memref<10x1000xi32, #tpu.memory_space<vmem>> -> memref<1x1000xi32, #tpu.memory_space<vmem>>
    %dma_start3A_617 = tpu.memref_squeeze %dma_start3A_616 : memref<1x1000xi32, #tpu.memory_space<vmem>> -> memref<1000xi32, #tpu.memory_space<vmem>>
    %dma_start3A_618 = arith.constant 0 : i32
    %dma_start3A_619 = arith.constant 0 : i32
    %dma_start3A_620 = tpu.memref_slice %arg12[%dma_start3A_618, %dma_start3A_619] : memref<10240x16xf32, #tpu.memory_space<vmem_shared>> -> memref<10240x16xf32, #tpu.memory_space<vmem_shared>>
    tpu.enqueue_indirect_dma source(%dma_start3A_620 : memref<10240x16xf32, #tpu.memory_space<vmem_shared>>) target(%arg7 : memref<1000x16xf32, #tpu.memory_space<vmem>>) offsets(%dma_start3A_617 : memref<1000xi32, #tpu.memory_space<vmem>>) semaphore(%arg17 : memref<!tpu.dma_semaphore, #tpu.memory_space<semaphore_mem>>)
    %dma_wait3A_621 = arith.constant 3 : i32
    %dma_wait3A_622 = arith.constant 0 : i32
    %dma_wait3A_623 = tpu.memref_slice %arg5[%dma_wait3A_621, %dma_wait3A_622] : memref<10x1000xi32, #tpu.memory_space<vmem>> -> memref<1x1000xi32, #tpu.memory_space<vmem>>
    %dma_wait3A_624 = tpu.memref_squeeze %dma_wait3A_623 : memref<1x1000xi32, #tpu.memory_space<vmem>> -> memref<1000xi32, #tpu.memory_space<vmem>>
    %dma_wait3A_625 = arith.constant 0 : i32
    %dma_wait3A_626 = arith.constant 0 : i32
    %dma_wait3A_627 = tpu.memref_slice %arg12[%dma_wait3A_625, %dma_wait3A_626] : memref<10240x16xf32, #tpu.memory_space<vmem_shared>> -> memref<10240x16xf32, #tpu.memory_space<vmem_shared>>
    tpu.wait_indirect_dma semaphore(%arg16 : memref<!tpu.dma_semaphore, #tpu.memory_space<semaphore_mem>>) src(%dma_wait3A_627 : memref<10240x16xf32, #tpu.memory_space<vmem_shared>>) dst(%arg10 : memref<1000x16xf32, #tpu.memory_space<vmem>>)
    %dma_start3A_628 = arith.constant 3 : i32
    %dma_start3A_629 = arith.constant 0 : i32
    %dma_start3A_630 = tpu.memref_slice %arg6[%dma_start3A_628, %dma_start3A_629] : memref<10x1000xi32, #tpu.memory_space<vmem>> -> memref<1x1000xi32, #tpu.memory_space<vmem>>
    %dma_start3A_631 = tpu.memref_squeeze %dma_start3A_630 : memref<1x1000xi32, #tpu.memory_space<vmem>> -> memref<1000xi32, #tpu.memory_space<vmem>>
    %dma_start3A_632 = arith.constant 0 : i32
    %dma_start3A_633 = arith.constant 0 : i32
    %dma_start3A_634 = tpu.memref_slice %arg11[%dma_start3A_632, %dma_start3A_633] : memref<10240x16xf32, #tpu.memory_space<vmem_shared>> -> memref<10240x16xf32, #tpu.memory_space<vmem_shared>>
    tpu.enqueue_indirect_dma source(%arg10 : memref<1000x16xf32, #tpu.memory_space<vmem>>) target(%dma_start3A_634 : memref<10240x16xf32, #tpu.memory_space<vmem_shared>>) offsets(%dma_start3A_631 : memref<1000xi32, #tpu.memory_space<vmem>>) semaphore(%arg26 : memref<!tpu.dma_semaphore, #tpu.memory_space<semaphore_mem>>) {add = true}
    %dma_wait3A_635 = arith.constant 1 : i32
    %dma_wait3A_636 = arith.constant 0 : i32
    %dma_wait3A_637 = tpu.memref_slice %arg6[%dma_wait3A_635, %dma_wait3A_636] : memref<10x1000xi32, #tpu.memory_space<vmem>> -> memref<1x1000xi32, #tpu.memory_space<vmem>>
    %dma_wait3A_638 = tpu.memref_squeeze %dma_wait3A_637 : memref<1x1000xi32, #tpu.memory_space<vmem>> -> memref<1000xi32, #tpu.memory_space<vmem>>
    %dma_wait3A_639 = arith.constant 0 : i32
    %dma_wait3A_640 = arith.constant 0 : i32
    %dma_wait3A_641 = tpu.memref_slice %arg11[%dma_wait3A_639, %dma_wait3A_640] : memref<10240x16xf32, #tpu.memory_space<vmem_shared>> -> memref<10240x16xf32, #tpu.memory_space<vmem_shared>>
    tpu.wait_indirect_dma semaphore(%arg24 : memref<!tpu.dma_semaphore, #tpu.memory_space<semaphore_mem>>) src(%arg8 : memref<1000x16xf32, #tpu.memory_space<vmem>>) dst(%dma_wait3A_641 : memref<10240x16xf32, #tpu.memory_space<vmem_shared>>)
    %dma_start3A_642 = arith.constant 5 : i32
    %dma_start3A_643 = arith.constant 0 : i32
    %dma_start3A_644 = tpu.memref_slice %arg5[%dma_start3A_642, %dma_start3A_643] : memref<10x1000xi32, #tpu.memory_space<vmem>> -> memref<1x1000xi32, #tpu.memory_space<vmem>>
    %dma_start3A_645 = tpu.memref_squeeze %dma_start3A_644 : memref<1x1000xi32, #tpu.memory_space<vmem>> -> memref<1000xi32, #tpu.memory_space<vmem>>
    %dma_start3A_646 = arith.constant 0 : i32
    %dma_start3A_647 = arith.constant 0 : i32
    %dma_start3A_648 = tpu.memref_slice %arg12[%dma_start3A_646, %dma_start3A_647] : memref<10240x16xf32, #tpu.memory_space<vmem_shared>> -> memref<10240x16xf32, #tpu.memory_space<vmem_shared>>
    tpu.enqueue_indirect_dma source(%dma_start3A_648 : memref<10240x16xf32, #tpu.memory_space<vmem_shared>>) target(%arg8 : memref<1000x16xf32, #tpu.memory_space<vmem>>) offsets(%dma_start3A_645 : memref<1000xi32, #tpu.memory_space<vmem>>) semaphore(%arg18 : memref<!tpu.dma_semaphore, #tpu.memory_space<semaphore_mem>>)
    %dma_wait3A_649 = arith.constant 4 : i32
    %dma_wait3A_650 = arith.constant 0 : i32
    %dma_wait3A_651 = tpu.memref_slice %arg5[%dma_wait3A_649, %dma_wait3A_650] : memref<10x1000xi32, #tpu.memory_space<vmem>> -> memref<1x1000xi32, #tpu.memory_space<vmem>>
    %dma_wait3A_652 = tpu.memref_squeeze %dma_wait3A_651 : memref<1x1000xi32, #tpu.memory_space<vmem>> -> memref<1000xi32, #tpu.memory_space<vmem>>
    %dma_wait3A_653 = arith.constant 0 : i32
    %dma_wait3A_654 = arith.constant 0 : i32
    %dma_wait3A_655 = tpu.memref_slice %arg12[%dma_wait3A_653, %dma_wait3A_654] : memref<10240x16xf32, #tpu.memory_space<vmem_shared>> -> memref<10240x16xf32, #tpu.memory_space<vmem_shared>>
    tpu.wait_indirect_dma semaphore(%arg17 : memref<!tpu.dma_semaphore, #tpu.memory_space<semaphore_mem>>) src(%dma_wait3A_655 : memref<10240x16xf32, #tpu.memory_space<vmem_shared>>) dst(%arg7 : memref<1000x16xf32, #tpu.memory_space<vmem>>)
    %dma_start3A_656 = arith.constant 4 : i32
    %dma_start3A_657 = arith.constant 0 : i32
    %dma_start3A_658 = tpu.memref_slice %arg6[%dma_start3A_656, %dma_start3A_657] : memref<10x1000xi32, #tpu.memory_space<vmem>> -> memref<1x1000xi32, #tpu.memory_space<vmem>>
    %dma_start3A_659 = tpu.memref_squeeze %dma_start3A_658 : memref<1x1000xi32, #tpu.memory_space<vmem>> -> memref<1000xi32, #tpu.memory_space<vmem>>
    %dma_start3A_660 = arith.constant 0 : i32
    %dma_start3A_661 = arith.constant 0 : i32
    %dma_start3A_662 = tpu.memref_slice %arg11[%dma_start3A_660, %dma_start3A_661] : memref<10240x16xf32, #tpu.memory_space<vmem_shared>> -> memref<10240x16xf32, #tpu.memory_space<vmem_shared>>
    tpu.enqueue_indirect_dma source(%arg7 : memref<1000x16xf32, #tpu.memory_space<vmem>>) target(%dma_start3A_662 : memref<10240x16xf32, #tpu.memory_space<vmem_shared>>) offsets(%dma_start3A_659 : memref<1000xi32, #tpu.memory_space<vmem>>) semaphore(%arg27 : memref<!tpu.dma_semaphore, #tpu.memory_space<semaphore_mem>>) {add = true}
    %dma_wait3A_663 = arith.constant 2 : i32
    %dma_wait3A_664 = arith.constant 0 : i32
    %dma_wait3A_665 = tpu.memref_slice %arg6[%dma_wait3A_663, %dma_wait3A_664] : memref<10x1000xi32, #tpu.memory_space<vmem>> -> memref<1x1000xi32, #tpu.memory_space<vmem>>
    %dma_wait3A_666 = tpu.memref_squeeze %dma_wait3A_665 : memref<1x1000xi32, #tpu.memory_space<vmem>> -> memref<1000xi32, #tpu.memory_space<vmem>>
    %dma_wait3A_667 = arith.constant 0 : i32
    %dma_wait3A_668 = arith.constant 0 : i32
    %dma_wait3A_669 = tpu.memref_slice %arg11[%dma_wait3A_667, %dma_wait3A_668] : memref<10240x16xf32, #tpu.memory_space<vmem_shared>> -> memref<10240x16xf32, #tpu.memory_space<vmem_shared>>
    tpu.wait_indirect_dma semaphore(%arg25 : memref<!tpu.dma_semaphore, #tpu.memory_space<semaphore_mem>>) src(%arg9 : memref<1000x16xf32, #tpu.memory_space<vmem>>) dst(%dma_wait3A_669 : memref<10240x16xf32, #tpu.memory_space<vmem_shared>>)
    %dma_start3A_670 = arith.constant 6 : i32
    %dma_start3A_671 = arith.constant 0 : i32
    %dma_start3A_672 = tpu.memref_slice %arg5[%dma_start3A_670, %dma_start3A_671] : memref<10x1000xi32, #tpu.memory_space<vmem>> -> memref<1x1000xi32, #tpu.memory_space<vmem>>
    %dma_start3A_673 = tpu.memref_squeeze %dma_start3A_672 : memref<1x1000xi32, #tpu.memory_space<vmem>> -> memref<1000xi32, #tpu.memory_space<vmem>>
    %dma_start3A_674 = arith.constant 0 : i32
    %dma_start3A_675 = arith.constant 0 : i32
    %dma_start3A_676 = tpu.memref_slice %arg12[%dma_start3A_674, %dma_start3A_675] : memref<10240x16xf32, #tpu.memory_space<vmem_shared>> -> memref<10240x16xf32, #tpu.memory_space<vmem_shared>>
    tpu.enqueue_indirect_dma source(%dma_start3A_676 : memref<10240x16xf32, #tpu.memory_space<vmem_shared>>) target(%arg9 : memref<1000x16xf32, #tpu.memory_space<vmem>>) offsets(%dma_start3A_673 : memref<1000xi32, #tpu.memory_space<vmem>>) semaphore(%arg19 : memref<!tpu.dma_semaphore, #tpu.memory_space<semaphore_mem>>)
    %dma_wait3A_677 = arith.constant 5 : i32
    %dma_wait3A_678 = arith.constant 0 : i32
    %dma_wait3A_679 = tpu.memref_slice %arg5[%dma_wait3A_677, %dma_wait3A_678] : memref<10x1000xi32, #tpu.memory_space<vmem>> -> memref<1x1000xi32, #tpu.memory_space<vmem>>
    %dma_wait3A_680 = tpu.memref_squeeze %dma_wait3A_679 : memref<1x1000xi32, #tpu.memory_space<vmem>> -> memref<1000xi32, #tpu.memory_space<vmem>>
    %dma_wait3A_681 = arith.constant 0 : i32
    %dma_wait3A_682 = arith.constant 0 : i32
    %dma_wait3A_683 = tpu.memref_slice %arg12[%dma_wait3A_681, %dma_wait3A_682] : memref<10240x16xf32, #tpu.memory_space<vmem_shared>> -> memref<10240x16xf32, #tpu.memory_space<vmem_shared>>
    tpu.wait_indirect_dma semaphore(%arg18 : memref<!tpu.dma_semaphore, #tpu.memory_space<semaphore_mem>>) src(%dma_wait3A_683 : memref<10240x16xf32, #tpu.memory_space<vmem_shared>>) dst(%arg8 : memref<1000x16xf32, #tpu.memory_space<vmem>>)
    %dma_start3A_684 = arith.constant 5 : i32
    %dma_start3A_685 = arith.constant 0 : i32
    %dma_start3A_686 = tpu.memref_slice %arg6[%dma_start3A_684, %dma_start3A_685] : memref<10x1000xi32, #tpu.memory_space<vmem>> -> memref<1x1000xi32, #tpu.memory_space<vmem>>
    %dma_start3A_687 = tpu.memref_squeeze %dma_start3A_686 : memref<1x1000xi32, #tpu.memory_space<vmem>> -> memref<1000xi32, #tpu.memory_space<vmem>>
    %dma_start3A_688 = arith.constant 0 : i32
    %dma_start3A_689 = arith.constant 0 : i32
    %dma_start3A_690 = tpu.memref_slice %arg11[%dma_start3A_688, %dma_start3A_689] : memref<10240x16xf32, #tpu.memory_space<vmem_shared>> -> memref<10240x16xf32, #tpu.memory_space<vmem_shared>>
    tpu.enqueue_indirect_dma source(%arg8 : memref<1000x16xf32, #tpu.memory_space<vmem>>) target(%dma_start3A_690 : memref<10240x16xf32, #tpu.memory_space<vmem_shared>>) offsets(%dma_start3A_687 : memref<1000xi32, #tpu.memory_space<vmem>>) semaphore(%arg28 : memref<!tpu.dma_semaphore, #tpu.memory_space<semaphore_mem>>) {add = true}
    %dma_wait3A_691 = arith.constant 3 : i32
    %dma_wait3A_692 = arith.constant 0 : i32
    %dma_wait3A_693 = tpu.memref_slice %arg6[%dma_wait3A_691, %dma_wait3A_692] : memref<10x1000xi32, #tpu.memory_space<vmem>> -> memref<1x1000xi32, #tpu.memory_space<vmem>>
    %dma_wait3A_694 = tpu.memref_squeeze %dma_wait3A_693 : memref<1x1000xi32, #tpu.memory_space<vmem>> -> memref<1000xi32, #tpu.memory_space<vmem>>
    %dma_wait3A_695 = arith.constant 0 : i32
    %dma_wait3A_696 = arith.constant 0 : i32
    %dma_wait3A_697 = tpu.memref_slice %arg11[%dma_wait3A_695, %dma_wait3A_696] : memref<10240x16xf32, #tpu.memory_space<vmem_shared>> -> memref<10240x16xf32, #tpu.memory_space<vmem_shared>>
    tpu.wait_indirect_dma semaphore(%arg26 : memref<!tpu.dma_semaphore, #tpu.memory_space<semaphore_mem>>) src(%arg10 : memref<1000x16xf32, #tpu.memory_space<vmem>>) dst(%dma_wait3A_697 : memref<10240x16xf32, #tpu.memory_space<vmem_shared>>)
    %dma_start3A_698 = arith.constant 7 : i32
    %dma_start3A_699 = arith.constant 0 : i32
    %dma_start3A_700 = tpu.memref_slice %arg5[%dma_start3A_698, %dma_start3A_699] : memref<10x1000xi32, #tpu.memory_space<vmem>> -> memref<1x1000xi32, #tpu.memory_space<vmem>>
    %dma_start3A_701 = tpu.memref_squeeze %dma_start3A_700 : memref<1x1000xi32, #tpu.memory_space<vmem>> -> memref<1000xi32, #tpu.memory_space<vmem>>
    %dma_start3A_702 = arith.constant 0 : i32
    %dma_start3A_703 = arith.constant 0 : i32
    %dma_start3A_704 = tpu.memref_slice %arg12[%dma_start3A_702, %dma_start3A_703] : memref<10240x16xf32, #tpu.memory_space<vmem_shared>> -> memref<10240x16xf32, #tpu.memory_space<vmem_shared>>
    tpu.enqueue_indirect_dma source(%dma_start3A_704 : memref<10240x16xf32, #tpu.memory_space<vmem_shared>>) target(%arg10 : memref<1000x16xf32, #tpu.memory_space<vmem>>) offsets(%dma_start3A_701 : memref<1000xi32, #tpu.memory_space<vmem>>) semaphore(%arg20 : memref<!tpu.dma_semaphore, #tpu.memory_space<semaphore_mem>>)
    %dma_wait3A_705 = arith.constant 6 : i32
    %dma_wait3A_706 = arith.constant 0 : i32
    %dma_wait3A_707 = tpu.memref_slice %arg5[%dma_wait3A_705, %dma_wait3A_706] : memref<10x1000xi32, #tpu.memory_space<vmem>> -> memref<1x1000xi32, #tpu.memory_space<vmem>>
    %dma_wait3A_708 = tpu.memref_squeeze %dma_wait3A_707 : memref<1x1000xi32, #tpu.memory_space<vmem>> -> memref<1000xi32, #tpu.memory_space<vmem>>
    %dma_wait3A_709 = arith.constant 0 : i32
    %dma_wait3A_710 = arith.constant 0 : i32
    %dma_wait3A_711 = tpu.memref_slice %arg12[%dma_wait3A_709, %dma_wait3A_710] : memref<10240x16xf32, #tpu.memory_space<vmem_shared>> -> memref<10240x16xf32, #tpu.memory_space<vmem_shared>>
    tpu.wait_indirect_dma semaphore(%arg19 : memref<!tpu.dma_semaphore, #tpu.memory_space<semaphore_mem>>) src(%dma_wait3A_711 : memref<10240x16xf32, #tpu.memory_space<vmem_shared>>) dst(%arg9 : memref<1000x16xf32, #tpu.memory_space<vmem>>)
    %dma_start3A_712 = arith.constant 6 : i32
    %dma_start3A_713 = arith.constant 0 : i32
    %dma_start3A_714 = tpu.memref_slice %arg6[%dma_start3A_712, %dma_start3A_713] : memref<10x1000xi32, #tpu.memory_space<vmem>> -> memref<1x1000xi32, #tpu.memory_space<vmem>>
    %dma_start3A_715 = tpu.memref_squeeze %dma_start3A_714 : memref<1x1000xi32, #tpu.memory_space<vmem>> -> memref<1000xi32, #tpu.memory_space<vmem>>
    %dma_start3A_716 = arith.constant 0 : i32
    %dma_start3A_717 = arith.constant 0 : i32
    %dma_start3A_718 = tpu.memref_slice %arg11[%dma_start3A_716, %dma_start3A_717] : memref<10240x16xf32, #tpu.memory_space<vmem_shared>> -> memref<10240x16xf32, #tpu.memory_space<vmem_shared>>
    tpu.enqueue_indirect_dma source(%arg9 : memref<1000x16xf32, #tpu.memory_space<vmem>>) target(%dma_start3A_718 : memref<10240x16xf32, #tpu.memory_space<vmem_shared>>) offsets(%dma_start3A_715 : memref<1000xi32, #tpu.memory_space<vmem>>) semaphore(%arg29 : memref<!tpu.dma_semaphore, #tpu.memory_space<semaphore_mem>>) {add = true}
    %dma_wait3A_719 = arith.constant 4 : i32
    %dma_wait3A_720 = arith.constant 0 : i32
    %dma_wait3A_721 = tpu.memref_slice %arg6[%dma_wait3A_719, %dma_wait3A_720] : memref<10x1000xi32, #tpu.memory_space<vmem>> -> memref<1x1000xi32, #tpu.memory_space<vmem>>
    %dma_wait3A_722 = tpu.memref_squeeze %dma_wait3A_721 : memref<1x1000xi32, #tpu.memory_space<vmem>> -> memref<1000xi32, #tpu.memory_space<vmem>>
    %dma_wait3A_723 = arith.constant 0 : i32
    %dma_wait3A_724 = arith.constant 0 : i32
    %dma_wait3A_725 = tpu.memref_slice %arg11[%dma_wait3A_723, %dma_wait3A_724] : memref<10240x16xf32, #tpu.memory_space<vmem_shared>> -> memref<10240x16xf32, #tpu.memory_space<vmem_shared>>
    tpu.wait_indirect_dma semaphore(%arg27 : memref<!tpu.dma_semaphore, #tpu.memory_space<semaphore_mem>>) src(%arg7 : memref<1000x16xf32, #tpu.memory_space<vmem>>) dst(%dma_wait3A_725 : memref<10240x16xf32, #tpu.memory_space<vmem_shared>>)
    %dma_start3A_726 = arith.constant 8 : i32
    %dma_start3A_727 = arith.constant 0 : i32
    %dma_start3A_728 = tpu.memref_slice %arg5[%dma_start3A_726, %dma_start3A_727] : memref<10x1000xi32, #tpu.memory_space<vmem>> -> memref<1x1000xi32, #tpu.memory_space<vmem>>
    %dma_start3A_729 = tpu.memref_squeeze %dma_start3A_728 : memref<1x1000xi32, #tpu.memory_space<vmem>> -> memref<1000xi32, #tpu.memory_space<vmem>>
    %dma_start3A_730 = arith.constant 0 : i32
    %dma_start3A_731 = arith.constant 0 : i32
    %dma_start3A_732 = tpu.memref_slice %arg12[%dma_start3A_730, %dma_start3A_731] : memref<10240x16xf32, #tpu.memory_space<vmem_shared>> -> memref<10240x16xf32, #tpu.memory_space<vmem_shared>>
    tpu.enqueue_indirect_dma source(%dma_start3A_732 : memref<10240x16xf32, #tpu.memory_space<vmem_shared>>) target(%arg7 : memref<1000x16xf32, #tpu.memory_space<vmem>>) offsets(%dma_start3A_729 : memref<1000xi32, #tpu.memory_space<vmem>>) semaphore(%arg21 : memref<!tpu.dma_semaphore, #tpu.memory_space<semaphore_mem>>)
    %dma_wait3A_733 = arith.constant 7 : i32
    %dma_wait3A_734 = arith.constant 0 : i32
    %dma_wait3A_735 = tpu.memref_slice %arg5[%dma_wait3A_733, %dma_wait3A_734] : memref<10x1000xi32, #tpu.memory_space<vmem>> -> memref<1x1000xi32, #tpu.memory_space<vmem>>
    %dma_wait3A_736 = tpu.memref_squeeze %dma_wait3A_735 : memref<1x1000xi32, #tpu.memory_space<vmem>> -> memref<1000xi32, #tpu.memory_space<vmem>>
    %dma_wait3A_737 = arith.constant 0 : i32
    %dma_wait3A_738 = arith.constant 0 : i32
    %dma_wait3A_739 = tpu.memref_slice %arg12[%dma_wait3A_737, %dma_wait3A_738] : memref<10240x16xf32, #tpu.memory_space<vmem_shared>> -> memref<10240x16xf32, #tpu.memory_space<vmem_shared>>
    tpu.wait_indirect_dma semaphore(%arg20 : memref<!tpu.dma_semaphore, #tpu.memory_space<semaphore_mem>>) src(%dma_wait3A_739 : memref<10240x16xf32, #tpu.memory_space<vmem_shared>>) dst(%arg10 : memref<1000x16xf32, #tpu.memory_space<vmem>>)
    %dma_start3A_740 = arith.constant 7 : i32
    %dma_start3A_741 = arith.constant 0 : i32
    %dma_start3A_742 = tpu.memref_slice %arg6[%dma_start3A_740, %dma_start3A_741] : memref<10x1000xi32, #tpu.memory_space<vmem>> -> memref<1x1000xi32, #tpu.memory_space<vmem>>
    %dma_start3A_743 = tpu.memref_squeeze %dma_start3A_742 : memref<1x1000xi32, #tpu.memory_space<vmem>> -> memref<1000xi32, #tpu.memory_space<vmem>>
    %dma_start3A_744 = arith.constant 0 : i32
    %dma_start3A_745 = arith.constant 0 : i32
    %dma_start3A_746 = tpu.memref_slice %arg11[%dma_start3A_744, %dma_start3A_745] : memref<10240x16xf32, #tpu.memory_space<vmem_shared>> -> memref<10240x16xf32, #tpu.memory_space<vmem_shared>>
    tpu.enqueue_indirect_dma source(%arg10 : memref<1000x16xf32, #tpu.memory_space<vmem>>) target(%dma_start3A_746 : memref<10240x16xf32, #tpu.memory_space<vmem_shared>>) offsets(%dma_start3A_743 : memref<1000xi32, #tpu.memory_space<vmem>>) semaphore(%arg30 : memref<!tpu.dma_semaphore, #tpu.memory_space<semaphore_mem>>) {add = true}
    %dma_wait3A_747 = arith.constant 5 : i32
    %dma_wait3A_748 = arith.constant 0 : i32
    %dma_wait3A_749 = tpu.memref_slice %arg6[%dma_wait3A_747, %dma_wait3A_748] : memref<10x1000xi32, #tpu.memory_space<vmem>> -> memref<1x1000xi32, #tpu.memory_space<vmem>>
    %dma_wait3A_750 = tpu.memref_squeeze %dma_wait3A_749 : memref<1x1000xi32, #tpu.memory_space<vmem>> -> memref<1000xi32, #tpu.memory_space<vmem>>
    %dma_wait3A_751 = arith.constant 0 : i32
    %dma_wait3A_752 = arith.constant 0 : i32
    %dma_wait3A_753 = tpu.memref_slice %arg11[%dma_wait3A_751, %dma_wait3A_752] : memref<10240x16xf32, #tpu.memory_space<vmem_shared>> -> memref<10240x16xf32, #tpu.memory_space<vmem_shared>>
    tpu.wait_indirect_dma semaphore(%arg28 : memref<!tpu.dma_semaphore, #tpu.memory_space<semaphore_mem>>) src(%arg8 : memref<1000x16xf32, #tpu.memory_space<vmem>>) dst(%dma_wait3A_753 : memref<10240x16xf32, #tpu.memory_space<vmem_shared>>)
    %dma_start3A_754 = arith.constant 9 : i32
    %dma_start3A_755 = arith.constant 0 : i32
    %dma_start3A_756 = tpu.memref_slice %arg5[%dma_start3A_754, %dma_start3A_755] : memref<10x1000xi32, #tpu.memory_space<vmem>> -> memref<1x1000xi32, #tpu.memory_space<vmem>>
    %dma_start3A_757 = tpu.memref_squeeze %dma_start3A_756 : memref<1x1000xi32, #tpu.memory_space<vmem>> -> memref<1000xi32, #tpu.memory_space<vmem>>
    %dma_start3A_758 = arith.constant 0 : i32
    %dma_start3A_759 = arith.constant 0 : i32
    %dma_start3A_760 = tpu.memref_slice %arg12[%dma_start3A_758, %dma_start3A_759] : memref<10240x16xf32, #tpu.memory_space<vmem_shared>> -> memref<10240x16xf32, #tpu.memory_space<vmem_shared>>
    tpu.enqueue_indirect_dma source(%dma_start3A_760 : memref<10240x16xf32, #tpu.memory_space<vmem_shared>>) target(%arg8 : memref<1000x16xf32, #tpu.memory_space<vmem>>) offsets(%dma_start3A_757 : memref<1000xi32, #tpu.memory_space<vmem>>) semaphore(%arg22 : memref<!tpu.dma_semaphore, #tpu.memory_space<semaphore_mem>>)
    %dma_wait3A_761 = arith.constant 8 : i32
    %dma_wait3A_762 = arith.constant 0 : i32
    %dma_wait3A_763 = tpu.memref_slice %arg5[%dma_wait3A_761, %dma_wait3A_762] : memref<10x1000xi32, #tpu.memory_space<vmem>> -> memref<1x1000xi32, #tpu.memory_space<vmem>>
    %dma_wait3A_764 = tpu.memref_squeeze %dma_wait3A_763 : memref<1x1000xi32, #tpu.memory_space<vmem>> -> memref<1000xi32, #tpu.memory_space<vmem>>
    %dma_wait3A_765 = arith.constant 0 : i32
    %dma_wait3A_766 = arith.constant 0 : i32
    %dma_wait3A_767 = tpu.memref_slice %arg12[%dma_wait3A_765, %dma_wait3A_766] : memref<10240x16xf32, #tpu.memory_space<vmem_shared>> -> memref<10240x16xf32, #tpu.memory_space<vmem_shared>>
    tpu.wait_indirect_dma semaphore(%arg21 : memref<!tpu.dma_semaphore, #tpu.memory_space<semaphore_mem>>) src(%dma_wait3A_767 : memref<10240x16xf32, #tpu.memory_space<vmem_shared>>) dst(%arg7 : memref<1000x16xf32, #tpu.memory_space<vmem>>)
    %dma_start3A_768 = arith.constant 8 : i32
    %dma_start3A_769 = arith.constant 0 : i32
    %dma_start3A_770 = tpu.memref_slice %arg6[%dma_start3A_768, %dma_start3A_769] : memref<10x1000xi32, #tpu.memory_space<vmem>> -> memref<1x1000xi32, #tpu.memory_space<vmem>>
    %dma_start3A_771 = tpu.memref_squeeze %dma_start3A_770 : memref<1x1000xi32, #tpu.memory_space<vmem>> -> memref<1000xi32, #tpu.memory_space<vmem>>
    %dma_start3A_772 = arith.constant 0 : i32
    %dma_start3A_773 = arith.constant 0 : i32
    %dma_start3A_774 = tpu.memref_slice %arg11[%dma_start3A_772, %dma_start3A_773] : memref<10240x16xf32, #tpu.memory_space<vmem_shared>> -> memref<10240x16xf32, #tpu.memory_space<vmem_shared>>
    tpu.enqueue_indirect_dma source(%arg7 : memref<1000x16xf32, #tpu.memory_space<vmem>>) target(%dma_start3A_774 : memref<10240x16xf32, #tpu.memory_space<vmem_shared>>) offsets(%dma_start3A_771 : memref<1000xi32, #tpu.memory_space<vmem>>) semaphore(%arg31 : memref<!tpu.dma_semaphore, #tpu.memory_space<semaphore_mem>>) {add = true}
    %dma_wait3A_775 = arith.constant 9 : i32
    %dma_wait3A_776 = arith.constant 0 : i32
    %dma_wait3A_777 = tpu.memref_slice %arg5[%dma_wait3A_775, %dma_wait3A_776] : memref<10x1000xi32, #tpu.memory_space<vmem>> -> memref<1x1000xi32, #tpu.memory_space<vmem>>
    %dma_wait3A_778 = tpu.memref_squeeze %dma_wait3A_777 : memref<1x1000xi32, #tpu.memory_space<vmem>> -> memref<1000xi32, #tpu.memory_space<vmem>>
    %dma_wait3A_779 = arith.constant 0 : i32
    %dma_wait3A_780 = arith.constant 0 : i32
    %dma_wait3A_781 = tpu.memref_slice %arg12[%dma_wait3A_779, %dma_wait3A_780] : memref<10240x16xf32, #tpu.memory_space<vmem_shared>> -> memref<10240x16xf32, #tpu.memory_space<vmem_shared>>
    tpu.wait_indirect_dma semaphore(%arg22 : memref<!tpu.dma_semaphore, #tpu.memory_space<semaphore_mem>>) src(%dma_wait3A_781 : memref<10240x16xf32, #tpu.memory_space<vmem_shared>>) dst(%arg8 : memref<1000x16xf32, #tpu.memory_space<vmem>>)
    %dma_start3A_782 = arith.constant 9 : i32
    %dma_start3A_783 = arith.constant 0 : i32
    %dma_start3A_784 = tpu.memref_slice %arg6[%dma_start3A_782, %dma_start3A_783] : memref<10x1000xi32, #tpu.memory_space<vmem>> -> memref<1x1000xi32, #tpu.memory_space<vmem>>
    %dma_start3A_785 = tpu.memref_squeeze %dma_start3A_784 : memref<1x1000xi32, #tpu.memory_space<vmem>> -> memref<1000xi32, #tpu.memory_space<vmem>>
    %dma_start3A_786 = arith.constant 0 : i32
    %dma_start3A_787 = arith.constant 0 : i32
    %dma_start3A_788 = tpu.memref_slice %arg11[%dma_start3A_786, %dma_start3A_787] : memref<10240x16xf32, #tpu.memory_space<vmem_shared>> -> memref<10240x16xf32, #tpu.memory_space<vmem_shared>>
    tpu.enqueue_indirect_dma source(%arg8 : memref<1000x16xf32, #tpu.memory_space<vmem>>) target(%dma_start3A_788 : memref<10240x16xf32, #tpu.memory_space<vmem_shared>>) offsets(%dma_start3A_785 : memref<1000xi32, #tpu.memory_space<vmem>>) semaphore(%arg32 : memref<!tpu.dma_semaphore, #tpu.memory_space<semaphore_mem>>) {add = true}
    %dma_wait3A_789 = arith.constant 6 : i32
    %dma_wait3A_790 = arith.constant 0 : i32
    %dma_wait3A_791 = tpu.memref_slice %arg6[%dma_wait3A_789, %dma_wait3A_790] : memref<10x1000xi32, #tpu.memory_space<vmem>> -> memref<1x1000xi32, #tpu.memory_space<vmem>>
    %dma_wait3A_792 = tpu.memref_squeeze %dma_wait3A_791 : memref<1x1000xi32, #tpu.memory_space<vmem>> -> memref<1000xi32, #tpu.memory_space<vmem>>
    %dma_wait3A_793 = arith.constant 0 : i32
    %dma_wait3A_794 = arith.constant 0 : i32
    %dma_wait3A_795 = tpu.memref_slice %arg11[%dma_wait3A_793, %dma_wait3A_794] : memref<10240x16xf32, #tpu.memory_space<vmem_shared>> -> memref<10240x16xf32, #tpu.memory_space<vmem_shared>>
    tpu.wait_indirect_dma semaphore(%arg29 : memref<!tpu.dma_semaphore, #tpu.memory_space<semaphore_mem>>) src(%arg9 : memref<1000x16xf32, #tpu.memory_space<vmem>>) dst(%dma_wait3A_795 : memref<10240x16xf32, #tpu.memory_space<vmem_shared>>)
    %dma_wait3A_796 = arith.constant 7 : i32
    %dma_wait3A_797 = arith.constant 0 : i32
    %dma_wait3A_798 = tpu.memref_slice %arg6[%dma_wait3A_796, %dma_wait3A_797] : memref<10x1000xi32, #tpu.memory_space<vmem>> -> memref<1x1000xi32, #tpu.memory_space<vmem>>
    %dma_wait3A_799 = tpu.memref_squeeze %dma_wait3A_798 : memref<1x1000xi32, #tpu.memory_space<vmem>> -> memref<1000xi32, #tpu.memory_space<vmem>>
    %dma_wait3A_800 = arith.constant 0 : i32
    %dma_wait3A_801 = arith.constant 0 : i32
    %dma_wait3A_802 = tpu.memref_slice %arg11[%dma_wait3A_800, %dma_wait3A_801] : memref<10240x16xf32, #tpu.memory_space<vmem_shared>> -> memref<10240x16xf32, #tpu.memory_space<vmem_shared>>
    tpu.wait_indirect_dma semaphore(%arg30 : memref<!tpu.dma_semaphore, #tpu.memory_space<semaphore_mem>>) src(%arg10 : memref<1000x16xf32, #tpu.memory_space<vmem>>) dst(%dma_wait3A_802 : memref<10240x16xf32, #tpu.memory_space<vmem_shared>>)
    %dma_wait3A_803 = arith.constant 8 : i32
    %dma_wait3A_804 = arith.constant 0 : i32
    %dma_wait3A_805 = tpu.memref_slice %arg6[%dma_wait3A_803, %dma_wait3A_804] : memref<10x1000xi32, #tpu.memory_space<vmem>> -> memref<1x1000xi32, #tpu.memory_space<vmem>>
    %dma_wait3A_806 = tpu.memref_squeeze %dma_wait3A_805 : memref<1x1000xi32, #tpu.memory_space<vmem>> -> memref<1000xi32, #tpu.memory_space<vmem>>
    %dma_wait3A_807 = arith.constant 0 : i32
    %dma_wait3A_808 = arith.constant 0 : i32
    %dma_wait3A_809 = tpu.memref_slice %arg11[%dma_wait3A_807, %dma_wait3A_808] : memref<10240x16xf32, #tpu.memory_space<vmem_shared>> -> memref<10240x16xf32, #tpu.memory_space<vmem_shared>>
    tpu.wait_indirect_dma semaphore(%arg31 : memref<!tpu.dma_semaphore, #tpu.memory_space<semaphore_mem>>) src(%arg7 : memref<1000x16xf32, #tpu.memory_space<vmem>>) dst(%dma_wait3A_809 : memref<10240x16xf32, #tpu.memory_space<vmem_shared>>)
    %dma_wait3A_810 = arith.constant 9 : i32
    %dma_wait3A_811 = arith.constant 0 : i32
    %dma_wait3A_812 = tpu.memref_slice %arg6[%dma_wait3A_810, %dma_wait3A_811] : memref<10x1000xi32, #tpu.memory_space<vmem>> -> memref<1x1000xi32, #tpu.memory_space<vmem>>
    %dma_wait3A_813 = tpu.memref_squeeze %dma_wait3A_812 : memref<1x1000xi32, #tpu.memory_space<vmem>> -> memref<1000xi32, #tpu.memory_space<vmem>>
    %dma_wait3A_814 = arith.constant 0 : i32
    %dma_wait3A_815 = arith.constant 0 : i32
    %dma_wait3A_816 = tpu.memref_slice %arg11[%dma_wait3A_814, %dma_wait3A_815] : memref<10240x16xf32, #tpu.memory_space<vmem_shared>> -> memref<10240x16xf32, #tpu.memory_space<vmem_shared>>
    tpu.wait_indirect_dma semaphore(%arg32 : memref<!tpu.dma_semaphore, #tpu.memory_space<semaphore_mem>>) src(%arg8 : memref<1000x16xf32, #tpu.memory_space<vmem>>) dst(%dma_wait3A_816 : memref<10240x16xf32, #tpu.memory_space<vmem_shared>>)
    %barrier3A_817 = arith.constant 0 : index
    tpu.barrier barrier_id(%barrier3A_817)
    "tpu.region"() ({
      %run_scoped3A = tpu.sem_alloc : memref<!tpu.dma_semaphore, #tpu.memory_space<semaphore_mem>>
      %dma_start3A_818 = arith.constant 0 : i32
      %dma_start3A_819 = tpu.memref_slice %arg4[%arg0, %mul3A_2, %dma_start3A_818] : memref<2x10240x16xf32, #tpu.memory_space<hbm>> -> memref<1x640x16xf32, #tpu.memory_space<hbm>>
      %dma_start3A_820 = tpu.memref_squeeze %dma_start3A_819 : memref<1x640x16xf32, #tpu.memory_space<hbm>> -> memref<640x16xf32, #tpu.memory_space<hbm>>
      %dma_start3A_821 = arith.constant 0 : i32
      %dma_start3A_822 = tpu.memref_slice %arg11[%mul3A_2, %dma_start3A_821] : memref<10240x16xf32, #tpu.memory_space<vmem_shared>> -> memref<640x16xf32, #tpu.memory_space<vmem_shared>>
      tpu.enqueue_dma source(%dma_start3A_822 : memref<640x16xf32, #tpu.memory_space<vmem_shared>>) target(%dma_start3A_820 : memref<640x16xf32, #tpu.memory_space<hbm>>) target_semaphore(%run_scoped3A : memref<!tpu.dma_semaphore, #tpu.memory_space<semaphore_mem>>)
      %dma_wait3A_823 = arith.constant 0 : i32
      %dma_wait3A_824 = tpu.memref_slice %arg4[%arg0, %mul3A_2, %dma_wait3A_823] : memref<2x10240x16xf32, #tpu.memory_space<hbm>> -> memref<1x640x16xf32, #tpu.memory_space<hbm>>
      %dma_wait3A_825 = tpu.memref_squeeze %dma_wait3A_824 : memref<1x640x16xf32, #tpu.memory_space<hbm>> -> memref<640x16xf32, #tpu.memory_space<hbm>>
      %dma_wait3A_826 = arith.constant 0 : i32
      %dma_wait3A_827 = tpu.memref_slice %arg11[%mul3A_2, %dma_wait3A_826] : memref<10240x16xf32, #tpu.memory_space<vmem_shared>> -> memref<640x16xf32, #tpu.memory_space<vmem_shared>>
      tpu.wait_dma2 semaphore(%run_scoped3A : memref<!tpu.dma_semaphore, #tpu.memory_space<semaphore_mem>>) src(%dma_wait3A_827 : memref<640x16xf32, #tpu.memory_space<vmem_shared>>) dst(%dma_wait3A_825 : memref<640x16xf32, #tpu.memory_space<hbm>>)
      tpu.yield
    }) : () -> ()
    return
  }
}

#map = affine_map<(d0, d1) -> (0, 0)>
#map1 = affine_map<(d0, d1) -> (0, 0, 0)>
module attributes {stable_mosaic.version = 14 : i64} {
  func.func @_sc_counts(%arg0: i32, %arg1: i32, %arg2: memref<2x320000xi32, #tpu.memory_space<hbm>>, %arg3: memref<2x10240x16xf32, #tpu.memory_space<hbm>>, %arg4: memref<10x1000xi32, #tpu.memory_space<vmem>>, %arg5: memref<1000xf32, #tpu.memory_space<vmem>>, %arg6: memref<640x16xf32, #tpu.memory_space<vmem>>, %arg7: memref<10240xf32, #tpu.memory_space<vmem_shared>>, %arg8: memref<!tpu.dma_semaphore, #tpu.memory_space<semaphore_mem>>, %arg9: memref<!tpu.dma_semaphore, #tpu.memory_space<semaphore_mem>>, %arg10: memref<!tpu.dma_semaphore, #tpu.memory_space<semaphore_mem>>, %arg11: memref<!tpu.dma_semaphore, #tpu.memory_space<semaphore_mem>>, %arg12: memref<!tpu.dma_semaphore, #tpu.memory_space<semaphore_mem>>, %arg13: memref<!tpu.dma_semaphore, #tpu.memory_space<semaphore_mem>>, %arg14: memref<!tpu.dma_semaphore, #tpu.memory_space<semaphore_mem>>, %arg15: memref<!tpu.dma_semaphore, #tpu.memory_space<semaphore_mem>>, %arg16: memref<!tpu.dma_semaphore, #tpu.memory_space<semaphore_mem>>, %arg17: memref<!tpu.dma_semaphore, #tpu.memory_space<semaphore_mem>>) attributes {dimension_semantics = [#tpu.dimension_semantics<core_parallel>, #tpu.dimension_semantics<subcore_parallel>], iteration_bounds = array<i64: 2, 16>, scalar_prefetch = 0 : i64, scratch_operands = 14 : i64, tpu.core_type = #tpu.core_type<sc_vector_subcore>, window_params = [{transform_indices = #map}, {transform_indices = #map1}]} {
    %mul3A = arith.constant 2 : i32
    %mul3A_0 = arith.muli %arg1, %mul3A : i32
    %add3A = arith.addi %mul3A_0, %arg0 : i32
    %mul3A_1 = arith.constant 640 : i32
    %mul3A_2 = arith.muli %arg1, %mul3A_1 : i32
    %mul3A_3 = arith.constant 10000 : i32
    %mul3A_4 = arith.muli %add3A, %mul3A_3 : i32
    %broadcast_in_dim3A = arith.constant 0.000000e+00 : f32
    %broadcast_in_dim3A_5 = vector.broadcast %broadcast_in_dim3A : f32 to vector<16xf32>
    %broadcast_in_dim3A_6 = arith.constant 1.000000e+00 : f32
    %broadcast_in_dim3A_7 = vector.broadcast %broadcast_in_dim3A_6 : f32 to vector<16xf32>
    %add3A_8 = arith.constant 0 : i32
    %add3A_9 = arith.addi %mul3A_4, %add3A_8 : i32
    %dma_start3A = arith.constant 1 : i32
    %dma_start3A_10 = arith.constant 0 : i32
    %dma_start3A_11 = arith.constant 0 : i32
    %dma_start3A_12 = tpu.memref_slice %arg4[%dma_start3A_10, %dma_start3A_11] : memref<10x1000xi32, #tpu.memory_space<vmem>> -> memref<1x1000xi32, #tpu.memory_space<vmem>>
    %dma_start3A_13 = tpu.memref_squeeze %dma_start3A_12 : memref<1x1000xi32, #tpu.memory_space<vmem>> -> memref<1000xi32, #tpu.memory_space<vmem>>
    %dma_start3A_14 = tpu.memref_slice %arg2[%dma_start3A, %add3A_9] : memref<2x320000xi32, #tpu.memory_space<hbm>> -> memref<1x1000xi32, #tpu.memory_space<hbm>>
    %dma_start3A_15 = tpu.memref_squeeze %dma_start3A_14 : memref<1x1000xi32, #tpu.memory_space<hbm>> -> memref<1000xi32, #tpu.memory_space<hbm>>
    %dma_start3A_16 = arith.constant 0 : i32
    %dma_start3A_17 = tpu.memref_slice %arg4[%dma_start3A_10, %dma_start3A_16] : memref<10x1000xi32, #tpu.memory_space<vmem>> -> memref<1x1000xi32, #tpu.memory_space<vmem>>
    %dma_start3A_18 = tpu.memref_squeeze %dma_start3A_17 : memref<1x1000xi32, #tpu.memory_space<vmem>> -> memref<1000xi32, #tpu.memory_space<vmem>>
    %dma_start3A_19 = tpu.memref_slice %arg2[%dma_start3A, %add3A_9] : memref<2x320000xi32, #tpu.memory_space<hbm>> -> memref<1x1000xi32, #tpu.memory_space<hbm>>
    %dma_start3A_20 = tpu.memref_squeeze %dma_start3A_19 : memref<1x1000xi32, #tpu.memory_space<hbm>> -> memref<1000xi32, #tpu.memory_space<hbm>>
    tpu.enqueue_dma source(%dma_start3A_20 : memref<1000xi32, #tpu.memory_space<hbm>>) target(%dma_start3A_18 : memref<1000xi32, #tpu.memory_space<vmem>>) target_semaphore(%arg8 : memref<!tpu.dma_semaphore, #tpu.memory_space<semaphore_mem>>)
    %add3A_21 = arith.constant 1000 : i32
    %add3A_22 = arith.addi %mul3A_4, %add3A_21 : i32
    %dma_start3A_23 = arith.constant 1 : i32
    %dma_start3A_24 = arith.constant 1 : i32
    %dma_start3A_25 = arith.constant 0 : i32
    %dma_start3A_26 = tpu.memref_slice %arg4[%dma_start3A_24, %dma_start3A_25] : memref<10x1000xi32, #tpu.memory_space<vmem>> -> memref<1x1000xi32, #tpu.memory_space<vmem>>
    %dma_start3A_27 = tpu.memref_squeeze %dma_start3A_26 : memref<1x1000xi32, #tpu.memory_space<vmem>> -> memref<1000xi32, #tpu.memory_space<vmem>>
    %dma_start3A_28 = tpu.memref_slice %arg2[%dma_start3A_23, %add3A_22] : memref<2x320000xi32, #tpu.memory_space<hbm>> -> memref<1x1000xi32, #tpu.memory_space<hbm>>
    %dma_start3A_29 = tpu.memref_squeeze %dma_start3A_28 : memref<1x1000xi32, #tpu.memory_space<hbm>> -> memref<1000xi32, #tpu.memory_space<hbm>>
    %dma_start3A_30 = arith.constant 0 : i32
    %dma_start3A_31 = tpu.memref_slice %arg4[%dma_start3A_24, %dma_start3A_30] : memref<10x1000xi32, #tpu.memory_space<vmem>> -> memref<1x1000xi32, #tpu.memory_space<vmem>>
    %dma_start3A_32 = tpu.memref_squeeze %dma_start3A_31 : memref<1x1000xi32, #tpu.memory_space<vmem>> -> memref<1000xi32, #tpu.memory_space<vmem>>
    %dma_start3A_33 = tpu.memref_slice %arg2[%dma_start3A_23, %add3A_22] : memref<2x320000xi32, #tpu.memory_space<hbm>> -> memref<1x1000xi32, #tpu.memory_space<hbm>>
    %dma_start3A_34 = tpu.memref_squeeze %dma_start3A_33 : memref<1x1000xi32, #tpu.memory_space<hbm>> -> memref<1000xi32, #tpu.memory_space<hbm>>
    tpu.enqueue_dma source(%dma_start3A_34 : memref<1000xi32, #tpu.memory_space<hbm>>) target(%dma_start3A_32 : memref<1000xi32, #tpu.memory_space<vmem>>) target_semaphore(%arg9 : memref<!tpu.dma_semaphore, #tpu.memory_space<semaphore_mem>>)
    %add3A_35 = arith.constant 2000 : i32
    %add3A_36 = arith.addi %mul3A_4, %add3A_35 : i32
    %dma_start3A_37 = arith.constant 1 : i32
    %dma_start3A_38 = arith.constant 2 : i32
    %dma_start3A_39 = arith.constant 0 : i32
    %dma_start3A_40 = tpu.memref_slice %arg4[%dma_start3A_38, %dma_start3A_39] : memref<10x1000xi32, #tpu.memory_space<vmem>> -> memref<1x1000xi32, #tpu.memory_space<vmem>>
    %dma_start3A_41 = tpu.memref_squeeze %dma_start3A_40 : memref<1x1000xi32, #tpu.memory_space<vmem>> -> memref<1000xi32, #tpu.memory_space<vmem>>
    %dma_start3A_42 = tpu.memref_slice %arg2[%dma_start3A_37, %add3A_36] : memref<2x320000xi32, #tpu.memory_space<hbm>> -> memref<1x1000xi32, #tpu.memory_space<hbm>>
    %dma_start3A_43 = tpu.memref_squeeze %dma_start3A_42 : memref<1x1000xi32, #tpu.memory_space<hbm>> -> memref<1000xi32, #tpu.memory_space<hbm>>
    %dma_start3A_44 = arith.constant 0 : i32
    %dma_start3A_45 = tpu.memref_slice %arg4[%dma_start3A_38, %dma_start3A_44] : memref<10x1000xi32, #tpu.memory_space<vmem>> -> memref<1x1000xi32, #tpu.memory_space<vmem>>
    %dma_start3A_46 = tpu.memref_squeeze %dma_start3A_45 : memref<1x1000xi32, #tpu.memory_space<vmem>> -> memref<1000xi32, #tpu.memory_space<vmem>>
    %dma_start3A_47 = tpu.memref_slice %arg2[%dma_start3A_37, %add3A_36] : memref<2x320000xi32, #tpu.memory_space<hbm>> -> memref<1x1000xi32, #tpu.memory_space<hbm>>
    %dma_start3A_48 = tpu.memref_squeeze %dma_start3A_47 : memref<1x1000xi32, #tpu.memory_space<hbm>> -> memref<1000xi32, #tpu.memory_space<hbm>>
    tpu.enqueue_dma source(%dma_start3A_48 : memref<1000xi32, #tpu.memory_space<hbm>>) target(%dma_start3A_46 : memref<1000xi32, #tpu.memory_space<vmem>>) target_semaphore(%arg10 : memref<!tpu.dma_semaphore, #tpu.memory_space<semaphore_mem>>)
    %add3A_49 = arith.constant 3000 : i32
    %add3A_50 = arith.addi %mul3A_4, %add3A_49 : i32
    %dma_start3A_51 = arith.constant 1 : i32
    %dma_start3A_52 = arith.constant 3 : i32
    %dma_start3A_53 = arith.constant 0 : i32
    %dma_start3A_54 = tpu.memref_slice %arg4[%dma_start3A_52, %dma_start3A_53] : memref<10x1000xi32, #tpu.memory_space<vmem>> -> memref<1x1000xi32, #tpu.memory_space<vmem>>
    %dma_start3A_55 = tpu.memref_squeeze %dma_start3A_54 : memref<1x1000xi32, #tpu.memory_space<vmem>> -> memref<1000xi32, #tpu.memory_space<vmem>>
    %dma_start3A_56 = tpu.memref_slice %arg2[%dma_start3A_51, %add3A_50] : memref<2x320000xi32, #tpu.memory_space<hbm>> -> memref<1x1000xi32, #tpu.memory_space<hbm>>
    %dma_start3A_57 = tpu.memref_squeeze %dma_start3A_56 : memref<1x1000xi32, #tpu.memory_space<hbm>> -> memref<1000xi32, #tpu.memory_space<hbm>>
    %dma_start3A_58 = arith.constant 0 : i32
    %dma_start3A_59 = tpu.memref_slice %arg4[%dma_start3A_52, %dma_start3A_58] : memref<10x1000xi32, #tpu.memory_space<vmem>> -> memref<1x1000xi32, #tpu.memory_space<vmem>>
    %dma_start3A_60 = tpu.memref_squeeze %dma_start3A_59 : memref<1x1000xi32, #tpu.memory_space<vmem>> -> memref<1000xi32, #tpu.memory_space<vmem>>
    %dma_start3A_61 = tpu.memref_slice %arg2[%dma_start3A_51, %add3A_50] : memref<2x320000xi32, #tpu.memory_space<hbm>> -> memref<1x1000xi32, #tpu.memory_space<hbm>>
    %dma_start3A_62 = tpu.memref_squeeze %dma_start3A_61 : memref<1x1000xi32, #tpu.memory_space<hbm>> -> memref<1000xi32, #tpu.memory_space<hbm>>
    tpu.enqueue_dma source(%dma_start3A_62 : memref<1000xi32, #tpu.memory_space<hbm>>) target(%dma_start3A_60 : memref<1000xi32, #tpu.memory_space<vmem>>) target_semaphore(%arg11 : memref<!tpu.dma_semaphore, #tpu.memory_space<semaphore_mem>>)
    %add3A_63 = arith.constant 4000 : i32
    %add3A_64 = arith.addi %mul3A_4, %add3A_63 : i32
    %dma_start3A_65 = arith.constant 1 : i32
    %dma_start3A_66 = arith.constant 4 : i32
    %dma_start3A_67 = arith.constant 0 : i32
    %dma_start3A_68 = tpu.memref_slice %arg4[%dma_start3A_66, %dma_start3A_67] : memref<10x1000xi32, #tpu.memory_space<vmem>> -> memref<1x1000xi32, #tpu.memory_space<vmem>>
    %dma_start3A_69 = tpu.memref_squeeze %dma_start3A_68 : memref<1x1000xi32, #tpu.memory_space<vmem>> -> memref<1000xi32, #tpu.memory_space<vmem>>
    %dma_start3A_70 = tpu.memref_slice %arg2[%dma_start3A_65, %add3A_64] : memref<2x320000xi32, #tpu.memory_space<hbm>> -> memref<1x1000xi32, #tpu.memory_space<hbm>>
    %dma_start3A_71 = tpu.memref_squeeze %dma_start3A_70 : memref<1x1000xi32, #tpu.memory_space<hbm>> -> memref<1000xi32, #tpu.memory_space<hbm>>
    %dma_start3A_72 = arith.constant 0 : i32
    %dma_start3A_73 = tpu.memref_slice %arg4[%dma_start3A_66, %dma_start3A_72] : memref<10x1000xi32, #tpu.memory_space<vmem>> -> memref<1x1000xi32, #tpu.memory_space<vmem>>
    %dma_start3A_74 = tpu.memref_squeeze %dma_start3A_73 : memref<1x1000xi32, #tpu.memory_space<vmem>> -> memref<1000xi32, #tpu.memory_space<vmem>>
    %dma_start3A_75 = tpu.memref_slice %arg2[%dma_start3A_65, %add3A_64] : memref<2x320000xi32, #tpu.memory_space<hbm>> -> memref<1x1000xi32, #tpu.memory_space<hbm>>
    %dma_start3A_76 = tpu.memref_squeeze %dma_start3A_75 : memref<1x1000xi32, #tpu.memory_space<hbm>> -> memref<1000xi32, #tpu.memory_space<hbm>>
    tpu.enqueue_dma source(%dma_start3A_76 : memref<1000xi32, #tpu.memory_space<hbm>>) target(%dma_start3A_74 : memref<1000xi32, #tpu.memory_space<vmem>>) target_semaphore(%arg12 : memref<!tpu.dma_semaphore, #tpu.memory_space<semaphore_mem>>)
    %add3A_77 = arith.constant 5000 : i32
    %add3A_78 = arith.addi %mul3A_4, %add3A_77 : i32
    %dma_start3A_79 = arith.constant 1 : i32
    %dma_start3A_80 = arith.constant 5 : i32
    %dma_start3A_81 = arith.constant 0 : i32
    %dma_start3A_82 = tpu.memref_slice %arg4[%dma_start3A_80, %dma_start3A_81] : memref<10x1000xi32, #tpu.memory_space<vmem>> -> memref<1x1000xi32, #tpu.memory_space<vmem>>
    %dma_start3A_83 = tpu.memref_squeeze %dma_start3A_82 : memref<1x1000xi32, #tpu.memory_space<vmem>> -> memref<1000xi32, #tpu.memory_space<vmem>>
    %dma_start3A_84 = tpu.memref_slice %arg2[%dma_start3A_79, %add3A_78] : memref<2x320000xi32, #tpu.memory_space<hbm>> -> memref<1x1000xi32, #tpu.memory_space<hbm>>
    %dma_start3A_85 = tpu.memref_squeeze %dma_start3A_84 : memref<1x1000xi32, #tpu.memory_space<hbm>> -> memref<1000xi32, #tpu.memory_space<hbm>>
    %dma_start3A_86 = arith.constant 0 : i32
    %dma_start3A_87 = tpu.memref_slice %arg4[%dma_start3A_80, %dma_start3A_86] : memref<10x1000xi32, #tpu.memory_space<vmem>> -> memref<1x1000xi32, #tpu.memory_space<vmem>>
    %dma_start3A_88 = tpu.memref_squeeze %dma_start3A_87 : memref<1x1000xi32, #tpu.memory_space<vmem>> -> memref<1000xi32, #tpu.memory_space<vmem>>
    %dma_start3A_89 = tpu.memref_slice %arg2[%dma_start3A_79, %add3A_78] : memref<2x320000xi32, #tpu.memory_space<hbm>> -> memref<1x1000xi32, #tpu.memory_space<hbm>>
    %dma_start3A_90 = tpu.memref_squeeze %dma_start3A_89 : memref<1x1000xi32, #tpu.memory_space<hbm>> -> memref<1000xi32, #tpu.memory_space<hbm>>
    tpu.enqueue_dma source(%dma_start3A_90 : memref<1000xi32, #tpu.memory_space<hbm>>) target(%dma_start3A_88 : memref<1000xi32, #tpu.memory_space<vmem>>) target_semaphore(%arg13 : memref<!tpu.dma_semaphore, #tpu.memory_space<semaphore_mem>>)
    %add3A_91 = arith.constant 6000 : i32
    %add3A_92 = arith.addi %mul3A_4, %add3A_91 : i32
    %dma_start3A_93 = arith.constant 1 : i32
    %dma_start3A_94 = arith.constant 6 : i32
    %dma_start3A_95 = arith.constant 0 : i32
    %dma_start3A_96 = tpu.memref_slice %arg4[%dma_start3A_94, %dma_start3A_95] : memref<10x1000xi32, #tpu.memory_space<vmem>> -> memref<1x1000xi32, #tpu.memory_space<vmem>>
    %dma_start3A_97 = tpu.memref_squeeze %dma_start3A_96 : memref<1x1000xi32, #tpu.memory_space<vmem>> -> memref<1000xi32, #tpu.memory_space<vmem>>
    %dma_start3A_98 = tpu.memref_slice %arg2[%dma_start3A_93, %add3A_92] : memref<2x320000xi32, #tpu.memory_space<hbm>> -> memref<1x1000xi32, #tpu.memory_space<hbm>>
    %dma_start3A_99 = tpu.memref_squeeze %dma_start3A_98 : memref<1x1000xi32, #tpu.memory_space<hbm>> -> memref<1000xi32, #tpu.memory_space<hbm>>
    %dma_start3A_100 = arith.constant 0 : i32
    %dma_start3A_101 = tpu.memref_slice %arg4[%dma_start3A_94, %dma_start3A_100] : memref<10x1000xi32, #tpu.memory_space<vmem>> -> memref<1x1000xi32, #tpu.memory_space<vmem>>
    %dma_start3A_102 = tpu.memref_squeeze %dma_start3A_101 : memref<1x1000xi32, #tpu.memory_space<vmem>> -> memref<1000xi32, #tpu.memory_space<vmem>>
    %dma_start3A_103 = tpu.memref_slice %arg2[%dma_start3A_93, %add3A_92] : memref<2x320000xi32, #tpu.memory_space<hbm>> -> memref<1x1000xi32, #tpu.memory_space<hbm>>
    %dma_start3A_104 = tpu.memref_squeeze %dma_start3A_103 : memref<1x1000xi32, #tpu.memory_space<hbm>> -> memref<1000xi32, #tpu.memory_space<hbm>>
    tpu.enqueue_dma source(%dma_start3A_104 : memref<1000xi32, #tpu.memory_space<hbm>>) target(%dma_start3A_102 : memref<1000xi32, #tpu.memory_space<vmem>>) target_semaphore(%arg14 : memref<!tpu.dma_semaphore, #tpu.memory_space<semaphore_mem>>)
    %add3A_105 = arith.constant 7000 : i32
    %add3A_106 = arith.addi %mul3A_4, %add3A_105 : i32
    %dma_start3A_107 = arith.constant 1 : i32
    %dma_start3A_108 = arith.constant 7 : i32
    %dma_start3A_109 = arith.constant 0 : i32
    %dma_start3A_110 = tpu.memref_slice %arg4[%dma_start3A_108, %dma_start3A_109] : memref<10x1000xi32, #tpu.memory_space<vmem>> -> memref<1x1000xi32, #tpu.memory_space<vmem>>
    %dma_start3A_111 = tpu.memref_squeeze %dma_start3A_110 : memref<1x1000xi32, #tpu.memory_space<vmem>> -> memref<1000xi32, #tpu.memory_space<vmem>>
    %dma_start3A_112 = tpu.memref_slice %arg2[%dma_start3A_107, %add3A_106] : memref<2x320000xi32, #tpu.memory_space<hbm>> -> memref<1x1000xi32, #tpu.memory_space<hbm>>
    %dma_start3A_113 = tpu.memref_squeeze %dma_start3A_112 : memref<1x1000xi32, #tpu.memory_space<hbm>> -> memref<1000xi32, #tpu.memory_space<hbm>>
    %dma_start3A_114 = arith.constant 0 : i32
    %dma_start3A_115 = tpu.memref_slice %arg4[%dma_start3A_108, %dma_start3A_114] : memref<10x1000xi32, #tpu.memory_space<vmem>> -> memref<1x1000xi32, #tpu.memory_space<vmem>>
    %dma_start3A_116 = tpu.memref_squeeze %dma_start3A_115 : memref<1x1000xi32, #tpu.memory_space<vmem>> -> memref<1000xi32, #tpu.memory_space<vmem>>
    %dma_start3A_117 = tpu.memref_slice %arg2[%dma_start3A_107, %add3A_106] : memref<2x320000xi32, #tpu.memory_space<hbm>> -> memref<1x1000xi32, #tpu.memory_space<hbm>>
    %dma_start3A_118 = tpu.memref_squeeze %dma_start3A_117 : memref<1x1000xi32, #tpu.memory_space<hbm>> -> memref<1000xi32, #tpu.memory_space<hbm>>
    tpu.enqueue_dma source(%dma_start3A_118 : memref<1000xi32, #tpu.memory_space<hbm>>) target(%dma_start3A_116 : memref<1000xi32, #tpu.memory_space<vmem>>) target_semaphore(%arg15 : memref<!tpu.dma_semaphore, #tpu.memory_space<semaphore_mem>>)
    %add3A_119 = arith.constant 8000 : i32
    %add3A_120 = arith.addi %mul3A_4, %add3A_119 : i32
    %dma_start3A_121 = arith.constant 1 : i32
    %dma_start3A_122 = arith.constant 8 : i32
    %dma_start3A_123 = arith.constant 0 : i32
    %dma_start3A_124 = tpu.memref_slice %arg4[%dma_start3A_122, %dma_start3A_123] : memref<10x1000xi32, #tpu.memory_space<vmem>> -> memref<1x1000xi32, #tpu.memory_space<vmem>>
    %dma_start3A_125 = tpu.memref_squeeze %dma_start3A_124 : memref<1x1000xi32, #tpu.memory_space<vmem>> -> memref<1000xi32, #tpu.memory_space<vmem>>
    %dma_start3A_126 = tpu.memref_slice %arg2[%dma_start3A_121, %add3A_120] : memref<2x320000xi32, #tpu.memory_space<hbm>> -> memref<1x1000xi32, #tpu.memory_space<hbm>>
    %dma_start3A_127 = tpu.memref_squeeze %dma_start3A_126 : memref<1x1000xi32, #tpu.memory_space<hbm>> -> memref<1000xi32, #tpu.memory_space<hbm>>
    %dma_start3A_128 = arith.constant 0 : i32
    %dma_start3A_129 = tpu.memref_slice %arg4[%dma_start3A_122, %dma_start3A_128] : memref<10x1000xi32, #tpu.memory_space<vmem>> -> memref<1x1000xi32, #tpu.memory_space<vmem>>
    %dma_start3A_130 = tpu.memref_squeeze %dma_start3A_129 : memref<1x1000xi32, #tpu.memory_space<vmem>> -> memref<1000xi32, #tpu.memory_space<vmem>>
    %dma_start3A_131 = tpu.memref_slice %arg2[%dma_start3A_121, %add3A_120] : memref<2x320000xi32, #tpu.memory_space<hbm>> -> memref<1x1000xi32, #tpu.memory_space<hbm>>
    %dma_start3A_132 = tpu.memref_squeeze %dma_start3A_131 : memref<1x1000xi32, #tpu.memory_space<hbm>> -> memref<1000xi32, #tpu.memory_space<hbm>>
    tpu.enqueue_dma source(%dma_start3A_132 : memref<1000xi32, #tpu.memory_space<hbm>>) target(%dma_start3A_130 : memref<1000xi32, #tpu.memory_space<vmem>>) target_semaphore(%arg16 : memref<!tpu.dma_semaphore, #tpu.memory_space<semaphore_mem>>)
    %add3A_133 = arith.constant 9000 : i32
    %add3A_134 = arith.addi %mul3A_4, %add3A_133 : i32
    %dma_start3A_135 = arith.constant 1 : i32
    %dma_start3A_136 = arith.constant 9 : i32
    %dma_start3A_137 = arith.constant 0 : i32
    %dma_start3A_138 = tpu.memref_slice %arg4[%dma_start3A_136, %dma_start3A_137] : memref<10x1000xi32, #tpu.memory_space<vmem>> -> memref<1x1000xi32, #tpu.memory_space<vmem>>
    %dma_start3A_139 = tpu.memref_squeeze %dma_start3A_138 : memref<1x1000xi32, #tpu.memory_space<vmem>> -> memref<1000xi32, #tpu.memory_space<vmem>>
    %dma_start3A_140 = tpu.memref_slice %arg2[%dma_start3A_135, %add3A_134] : memref<2x320000xi32, #tpu.memory_space<hbm>> -> memref<1x1000xi32, #tpu.memory_space<hbm>>
    %dma_start3A_141 = tpu.memref_squeeze %dma_start3A_140 : memref<1x1000xi32, #tpu.memory_space<hbm>> -> memref<1000xi32, #tpu.memory_space<hbm>>
    %dma_start3A_142 = arith.constant 0 : i32
    %dma_start3A_143 = tpu.memref_slice %arg4[%dma_start3A_136, %dma_start3A_142] : memref<10x1000xi32, #tpu.memory_space<vmem>> -> memref<1x1000xi32, #tpu.memory_space<vmem>>
    %dma_start3A_144 = tpu.memref_squeeze %dma_start3A_143 : memref<1x1000xi32, #tpu.memory_space<vmem>> -> memref<1000xi32, #tpu.memory_space<vmem>>
    %dma_start3A_145 = tpu.memref_slice %arg2[%dma_start3A_135, %add3A_134] : memref<2x320000xi32, #tpu.memory_space<hbm>> -> memref<1x1000xi32, #tpu.memory_space<hbm>>
    %dma_start3A_146 = tpu.memref_squeeze %dma_start3A_145 : memref<1x1000xi32, #tpu.memory_space<hbm>> -> memref<1000xi32, #tpu.memory_space<hbm>>
    tpu.enqueue_dma source(%dma_start3A_146 : memref<1000xi32, #tpu.memory_space<hbm>>) target(%dma_start3A_144 : memref<1000xi32, #tpu.memory_space<vmem>>) target_semaphore(%arg17 : memref<!tpu.dma_semaphore, #tpu.memory_space<semaphore_mem>>)
    %swap3A = arith.constant 0 : index
    %swap3A_147 = tpu.vector_load %arg5[%swap3A] {strides = array<i32>} : memref<1000xf32, #tpu.memory_space<vmem>>, vector<16xf32>,
    %swap3A_148 = vector.shape_cast %swap3A_147 : vector<16xf32> to vector<16xf32>
    %swap3A_149 = vector.shape_cast %broadcast_in_dim3A_5 : vector<16xf32> to vector<16xf32>
    tpu.vector_store %arg5[%swap3A], %swap3A_149 {strides = array<i32>} : memref<1000xf32, #tpu.memory_space<vmem>>, vector<16xf32>,
    %swap3A_150 = arith.constant 16 : index
    %swap3A_151 = tpu.vector_load %arg5[%swap3A_150] {strides = array<i32>} : memref<1000xf32, #tpu.memory_space<vmem>>, vector<16xf32>,
    %swap3A_152 = vector.shape_cast %swap3A_151 : vector<16xf32> to vector<16xf32>
    %swap3A_153 = vector.shape_cast %broadcast_in_dim3A_5 : vector<16xf32> to vector<16xf32>
    tpu.vector_store %arg5[%swap3A_150], %swap3A_153 {strides = array<i32>} : memref<1000xf32, #tpu.memory_space<vmem>>, vector<16xf32>,
    %swap3A_154 = arith.constant 32 : index
    %swap3A_155 = tpu.vector_load %arg5[%swap3A_154] {strides = array<i32>} : memref<1000xf32, #tpu.memory_space<vmem>>, vector<16xf32>,
    %swap3A_156 = vector.shape_cast %swap3A_155 : vector<16xf32> to vector<16xf32>
    %swap3A_157 = vector.shape_cast %broadcast_in_dim3A_5 : vector<16xf32> to vector<16xf32>
    tpu.vector_store %arg5[%swap3A_154], %swap3A_157 {strides = array<i32>} : memref<1000xf32, #tpu.memory_space<vmem>>, vector<16xf32>,
    %swap3A_158 = arith.constant 48 : index
    %swap3A_159 = tpu.vector_load %arg5[%swap3A_158] {strides = array<i32>} : memref<1000xf32, #tpu.memory_space<vmem>>, vector<16xf32>,
    %swap3A_160 = vector.shape_cast %swap3A_159 : vector<16xf32> to vector<16xf32>
    %swap3A_161 = vector.shape_cast %broadcast_in_dim3A_5 : vector<16xf32> to vector<16xf32>
    tpu.vector_store %arg5[%swap3A_158], %swap3A_161 {strides = array<i32>} : memref<1000xf32, #tpu.memory_space<vmem>>, vector<16xf32>,
    %swap3A_162 = arith.constant 64 : index
    %swap3A_163 = tpu.vector_load %arg5[%swap3A_162] {strides = array<i32>} : memref<1000xf32, #tpu.memory_space<vmem>>, vector<16xf32>,
    %swap3A_164 = vector.shape_cast %swap3A_163 : vector<16xf32> to vector<16xf32>
    %swap3A_165 = vector.shape_cast %broadcast_in_dim3A_5 : vector<16xf32> to vector<16xf32>
    tpu.vector_store %arg5[%swap3A_162], %swap3A_165 {strides = array<i32>} : memref<1000xf32, #tpu.memory_space<vmem>>, vector<16xf32>,
    %swap3A_166 = arith.constant 80 : index
    %swap3A_167 = tpu.vector_load %arg5[%swap3A_166] {strides = array<i32>} : memref<1000xf32, #tpu.memory_space<vmem>>, vector<16xf32>,
    %swap3A_168 = vector.shape_cast %swap3A_167 : vector<16xf32> to vector<16xf32>
    %swap3A_169 = vector.shape_cast %broadcast_in_dim3A_5 : vector<16xf32> to vector<16xf32>
    tpu.vector_store %arg5[%swap3A_166], %swap3A_169 {strides = array<i32>} : memref<1000xf32, #tpu.memory_space<vmem>>, vector<16xf32>,
    %swap3A_170 = arith.constant 96 : index
    %swap3A_171 = tpu.vector_load %arg5[%swap3A_170] {strides = array<i32>} : memref<1000xf32, #tpu.memory_space<vmem>>, vector<16xf32>,
    %swap3A_172 = vector.shape_cast %swap3A_171 : vector<16xf32> to vector<16xf32>
    %swap3A_173 = vector.shape_cast %broadcast_in_dim3A_5 : vector<16xf32> to vector<16xf32>
    tpu.vector_store %arg5[%swap3A_170], %swap3A_173 {strides = array<i32>} : memref<1000xf32, #tpu.memory_space<vmem>>, vector<16xf32>,
    %swap3A_174 = arith.constant 112 : index
    %swap3A_175 = tpu.vector_load %arg5[%swap3A_174] {strides = array<i32>} : memref<1000xf32, #tpu.memory_space<vmem>>, vector<16xf32>,
    %swap3A_176 = vector.shape_cast %swap3A_175 : vector<16xf32> to vector<16xf32>
    %swap3A_177 = vector.shape_cast %broadcast_in_dim3A_5 : vector<16xf32> to vector<16xf32>
    tpu.vector_store %arg5[%swap3A_174], %swap3A_177 {strides = array<i32>} : memref<1000xf32, #tpu.memory_space<vmem>>, vector<16xf32>,
    %swap3A_178 = arith.constant 128 : index
    %swap3A_179 = tpu.vector_load %arg5[%swap3A_178] {strides = array<i32>} : memref<1000xf32, #tpu.memory_space<vmem>>, vector<16xf32>,
    %swap3A_180 = vector.shape_cast %swap3A_179 : vector<16xf32> to vector<16xf32>
    %swap3A_181 = vector.shape_cast %broadcast_in_dim3A_5 : vector<16xf32> to vector<16xf32>
    tpu.vector_store %arg5[%swap3A_178], %swap3A_181 {strides = array<i32>} : memref<1000xf32, #tpu.memory_space<vmem>>, vector<16xf32>,
    %swap3A_182 = arith.constant 144 : index
    %swap3A_183 = tpu.vector_load %arg5[%swap3A_182] {strides = array<i32>} : memref<1000xf32, #tpu.memory_space<vmem>>, vector<16xf32>,
    %swap3A_184 = vector.shape_cast %swap3A_183 : vector<16xf32> to vector<16xf32>
    %swap3A_185 = vector.shape_cast %broadcast_in_dim3A_5 : vector<16xf32> to vector<16xf32>
    tpu.vector_store %arg5[%swap3A_182], %swap3A_185 {strides = array<i32>} : memref<1000xf32, #tpu.memory_space<vmem>>, vector<16xf32>,
    %swap3A_186 = arith.constant 160 : index
    %swap3A_187 = tpu.vector_load %arg5[%swap3A_186] {strides = array<i32>} : memref<1000xf32, #tpu.memory_space<vmem>>, vector<16xf32>,
    %swap3A_188 = vector.shape_cast %swap3A_187 : vector<16xf32> to vector<16xf32>
    %swap3A_189 = vector.shape_cast %broadcast_in_dim3A_5 : vector<16xf32> to vector<16xf32>
    tpu.vector_store %arg5[%swap3A_186], %swap3A_189 {strides = array<i32>} : memref<1000xf32, #tpu.memory_space<vmem>>, vector<16xf32>,
    %swap3A_190 = arith.constant 176 : index
    %swap3A_191 = tpu.vector_load %arg5[%swap3A_190] {strides = array<i32>} : memref<1000xf32, #tpu.memory_space<vmem>>, vector<16xf32>,
    %swap3A_192 = vector.shape_cast %swap3A_191 : vector<16xf32> to vector<16xf32>
    %swap3A_193 = vector.shape_cast %broadcast_in_dim3A_5 : vector<16xf32> to vector<16xf32>
    tpu.vector_store %arg5[%swap3A_190], %swap3A_193 {strides = array<i32>} : memref<1000xf32, #tpu.memory_space<vmem>>, vector<16xf32>,
    %swap3A_194 = arith.constant 192 : index
    %swap3A_195 = tpu.vector_load %arg5[%swap3A_194] {strides = array<i32>} : memref<1000xf32, #tpu.memory_space<vmem>>, vector<16xf32>,
    %swap3A_196 = vector.shape_cast %swap3A_195 : vector<16xf32> to vector<16xf32>
    %swap3A_197 = vector.shape_cast %broadcast_in_dim3A_5 : vector<16xf32> to vector<16xf32>
    tpu.vector_store %arg5[%swap3A_194], %swap3A_197 {strides = array<i32>} : memref<1000xf32, #tpu.memory_space<vmem>>, vector<16xf32>,
    %swap3A_198 = arith.constant 208 : index
    %swap3A_199 = tpu.vector_load %arg5[%swap3A_198] {strides = array<i32>} : memref<1000xf32, #tpu.memory_space<vmem>>, vector<16xf32>,
    %swap3A_200 = vector.shape_cast %swap3A_199 : vector<16xf32> to vector<16xf32>
    %swap3A_201 = vector.shape_cast %broadcast_in_dim3A_5 : vector<16xf32> to vector<16xf32>
    tpu.vector_store %arg5[%swap3A_198], %swap3A_201 {strides = array<i32>} : memref<1000xf32, #tpu.memory_space<vmem>>, vector<16xf32>,
    %swap3A_202 = arith.constant 224 : index
    %swap3A_203 = tpu.vector_load %arg5[%swap3A_202] {strides = array<i32>} : memref<1000xf32, #tpu.memory_space<vmem>>, vector<16xf32>,
    %swap3A_204 = vector.shape_cast %swap3A_203 : vector<16xf32> to vector<16xf32>
    %swap3A_205 = vector.shape_cast %broadcast_in_dim3A_5 : vector<16xf32> to vector<16xf32>
    tpu.vector_store %arg5[%swap3A_202], %swap3A_205 {strides = array<i32>} : memref<1000xf32, #tpu.memory_space<vmem>>, vector<16xf32>,
    %swap3A_206 = arith.constant 240 : index
    %swap3A_207 = tpu.vector_load %arg5[%swap3A_206] {strides = array<i32>} : memref<1000xf32, #tpu.memory_space<vmem>>, vector<16xf32>,
    %swap3A_208 = vector.shape_cast %swap3A_207 : vector<16xf32> to vector<16xf32>
    %swap3A_209 = vector.shape_cast %broadcast_in_dim3A_5 : vector<16xf32> to vector<16xf32>
    tpu.vector_store %arg5[%swap3A_206], %swap3A_209 {strides = array<i32>} : memref<1000xf32, #tpu.memory_space<vmem>>, vector<16xf32>,
    %swap3A_210 = arith.constant 256 : index
    %swap3A_211 = tpu.vector_load %arg5[%swap3A_210] {strides = array<i32>} : memref<1000xf32, #tpu.memory_space<vmem>>, vector<16xf32>,
    %swap3A_212 = vector.shape_cast %swap3A_211 : vector<16xf32> to vector<16xf32>
    %swap3A_213 = vector.shape_cast %broadcast_in_dim3A_5 : vector<16xf32> to vector<16xf32>
    tpu.vector_store %arg5[%swap3A_210], %swap3A_213 {strides = array<i32>} : memref<1000xf32, #tpu.memory_space<vmem>>, vector<16xf32>,
    %swap3A_214 = arith.constant 272 : index
    %swap3A_215 = tpu.vector_load %arg5[%swap3A_214] {strides = array<i32>} : memref<1000xf32, #tpu.memory_space<vmem>>, vector<16xf32>,
    %swap3A_216 = vector.shape_cast %swap3A_215 : vector<16xf32> to vector<16xf32>
    %swap3A_217 = vector.shape_cast %broadcast_in_dim3A_5 : vector<16xf32> to vector<16xf32>
    tpu.vector_store %arg5[%swap3A_214], %swap3A_217 {strides = array<i32>} : memref<1000xf32, #tpu.memory_space<vmem>>, vector<16xf32>,
    %swap3A_218 = arith.constant 288 : index
    %swap3A_219 = tpu.vector_load %arg5[%swap3A_218] {strides = array<i32>} : memref<1000xf32, #tpu.memory_space<vmem>>, vector<16xf32>,
    %swap3A_220 = vector.shape_cast %swap3A_219 : vector<16xf32> to vector<16xf32>
    %swap3A_221 = vector.shape_cast %broadcast_in_dim3A_5 : vector<16xf32> to vector<16xf32>
    tpu.vector_store %arg5[%swap3A_218], %swap3A_221 {strides = array<i32>} : memref<1000xf32, #tpu.memory_space<vmem>>, vector<16xf32>,
    %swap3A_222 = arith.constant 304 : index
    %swap3A_223 = tpu.vector_load %arg5[%swap3A_222] {strides = array<i32>} : memref<1000xf32, #tpu.memory_space<vmem>>, vector<16xf32>,
    %swap3A_224 = vector.shape_cast %swap3A_223 : vector<16xf32> to vector<16xf32>
    %swap3A_225 = vector.shape_cast %broadcast_in_dim3A_5 : vector<16xf32> to vector<16xf32>
    tpu.vector_store %arg5[%swap3A_222], %swap3A_225 {strides = array<i32>} : memref<1000xf32, #tpu.memory_space<vmem>>, vector<16xf32>,
    %swap3A_226 = arith.constant 320 : index
    %swap3A_227 = tpu.vector_load %arg5[%swap3A_226] {strides = array<i32>} : memref<1000xf32, #tpu.memory_space<vmem>>, vector<16xf32>,
    %swap3A_228 = vector.shape_cast %swap3A_227 : vector<16xf32> to vector<16xf32>
    %swap3A_229 = vector.shape_cast %broadcast_in_dim3A_5 : vector<16xf32> to vector<16xf32>
    tpu.vector_store %arg5[%swap3A_226], %swap3A_229 {strides = array<i32>} : memref<1000xf32, #tpu.memory_space<vmem>>, vector<16xf32>,
    %swap3A_230 = arith.constant 336 : index
    %swap3A_231 = tpu.vector_load %arg5[%swap3A_230] {strides = array<i32>} : memref<1000xf32, #tpu.memory_space<vmem>>, vector<16xf32>,
    %swap3A_232 = vector.shape_cast %swap3A_231 : vector<16xf32> to vector<16xf32>
    %swap3A_233 = vector.shape_cast %broadcast_in_dim3A_5 : vector<16xf32> to vector<16xf32>
    tpu.vector_store %arg5[%swap3A_230], %swap3A_233 {strides = array<i32>} : memref<1000xf32, #tpu.memory_space<vmem>>, vector<16xf32>,
    %swap3A_234 = arith.constant 352 : index
    %swap3A_235 = tpu.vector_load %arg5[%swap3A_234] {strides = array<i32>} : memref<1000xf32, #tpu.memory_space<vmem>>, vector<16xf32>,
    %swap3A_236 = vector.shape_cast %swap3A_235 : vector<16xf32> to vector<16xf32>
    %swap3A_237 = vector.shape_cast %broadcast_in_dim3A_5 : vector<16xf32> to vector<16xf32>
    tpu.vector_store %arg5[%swap3A_234], %swap3A_237 {strides = array<i32>} : memref<1000xf32, #tpu.memory_space<vmem>>, vector<16xf32>,
    %swap3A_238 = arith.constant 368 : index
    %swap3A_239 = tpu.vector_load %arg5[%swap3A_238] {strides = array<i32>} : memref<1000xf32, #tpu.memory_space<vmem>>, vector<16xf32>,
    %swap3A_240 = vector.shape_cast %swap3A_239 : vector<16xf32> to vector<16xf32>
    %swap3A_241 = vector.shape_cast %broadcast_in_dim3A_5 : vector<16xf32> to vector<16xf32>
    tpu.vector_store %arg5[%swap3A_238], %swap3A_241 {strides = array<i32>} : memref<1000xf32, #tpu.memory_space<vmem>>, vector<16xf32>,
    %swap3A_242 = arith.constant 384 : index
    %swap3A_243 = tpu.vector_load %arg5[%swap3A_242] {strides = array<i32>} : memref<1000xf32, #tpu.memory_space<vmem>>, vector<16xf32>,
    %swap3A_244 = vector.shape_cast %swap3A_243 : vector<16xf32> to vector<16xf32>
    %swap3A_245 = vector.shape_cast %broadcast_in_dim3A_5 : vector<16xf32> to vector<16xf32>
    tpu.vector_store %arg5[%swap3A_242], %swap3A_245 {strides = array<i32>} : memref<1000xf32, #tpu.memory_space<vmem>>, vector<16xf32>,
    %swap3A_246 = arith.constant 400 : index
    %swap3A_247 = tpu.vector_load %arg5[%swap3A_246] {strides = array<i32>} : memref<1000xf32, #tpu.memory_space<vmem>>, vector<16xf32>,
    %swap3A_248 = vector.shape_cast %swap3A_247 : vector<16xf32> to vector<16xf32>
    %swap3A_249 = vector.shape_cast %broadcast_in_dim3A_5 : vector<16xf32> to vector<16xf32>
    tpu.vector_store %arg5[%swap3A_246], %swap3A_249 {strides = array<i32>} : memref<1000xf32, #tpu.memory_space<vmem>>, vector<16xf32>,
    %swap3A_250 = arith.constant 416 : index
    %swap3A_251 = tpu.vector_load %arg5[%swap3A_250] {strides = array<i32>} : memref<1000xf32, #tpu.memory_space<vmem>>, vector<16xf32>,
    %swap3A_252 = vector.shape_cast %swap3A_251 : vector<16xf32> to vector<16xf32>
    %swap3A_253 = vector.shape_cast %broadcast_in_dim3A_5 : vector<16xf32> to vector<16xf32>
    tpu.vector_store %arg5[%swap3A_250], %swap3A_253 {strides = array<i32>} : memref<1000xf32, #tpu.memory_space<vmem>>, vector<16xf32>,
    %swap3A_254 = arith.constant 432 : index
    %swap3A_255 = tpu.vector_load %arg5[%swap3A_254] {strides = array<i32>} : memref<1000xf32, #tpu.memory_space<vmem>>, vector<16xf32>,
    %swap3A_256 = vector.shape_cast %swap3A_255 : vector<16xf32> to vector<16xf32>
    %swap3A_257 = vector.shape_cast %broadcast_in_dim3A_5 : vector<16xf32> to vector<16xf32>
    tpu.vector_store %arg5[%swap3A_254], %swap3A_257 {strides = array<i32>} : memref<1000xf32, #tpu.memory_space<vmem>>, vector<16xf32>,
    %swap3A_258 = arith.constant 448 : index
    %swap3A_259 = tpu.vector_load %arg5[%swap3A_258] {strides = array<i32>} : memref<1000xf32, #tpu.memory_space<vmem>>, vector<16xf32>,
    %swap3A_260 = vector.shape_cast %swap3A_259 : vector<16xf32> to vector<16xf32>
    %swap3A_261 = vector.shape_cast %broadcast_in_dim3A_5 : vector<16xf32> to vector<16xf32>
    tpu.vector_store %arg5[%swap3A_258], %swap3A_261 {strides = array<i32>} : memref<1000xf32, #tpu.memory_space<vmem>>, vector<16xf32>,
    %swap3A_262 = arith.constant 464 : index
    %swap3A_263 = tpu.vector_load %arg5[%swap3A_262] {strides = array<i32>} : memref<1000xf32, #tpu.memory_space<vmem>>, vector<16xf32>,
    %swap3A_264 = vector.shape_cast %swap3A_263 : vector<16xf32> to vector<16xf32>
    %swap3A_265 = vector.shape_cast %broadcast_in_dim3A_5 : vector<16xf32> to vector<16xf32>
    tpu.vector_store %arg5[%swap3A_262], %swap3A_265 {strides = array<i32>} : memref<1000xf32, #tpu.memory_space<vmem>>, vector<16xf32>,
    %swap3A_266 = arith.constant 480 : index
    %swap3A_267 = tpu.vector_load %arg5[%swap3A_266] {strides = array<i32>} : memref<1000xf32, #tpu.memory_space<vmem>>, vector<16xf32>,
    %swap3A_268 = vector.shape_cast %swap3A_267 : vector<16xf32> to vector<16xf32>
    %swap3A_269 = vector.shape_cast %broadcast_in_dim3A_5 : vector<16xf32> to vector<16xf32>
    tpu.vector_store %arg5[%swap3A_266], %swap3A_269 {strides = array<i32>} : memref<1000xf32, #tpu.memory_space<vmem>>, vector<16xf32>,
    %swap3A_270 = arith.constant 496 : index
    %swap3A_271 = tpu.vector_load %arg5[%swap3A_270] {strides = array<i32>} : memref<1000xf32, #tpu.memory_space<vmem>>, vector<16xf32>,
    %swap3A_272 = vector.shape_cast %swap3A_271 : vector<16xf32> to vector<16xf32>
    %swap3A_273 = vector.shape_cast %broadcast_in_dim3A_5 : vector<16xf32> to vector<16xf32>
    tpu.vector_store %arg5[%swap3A_270], %swap3A_273 {strides = array<i32>} : memref<1000xf32, #tpu.memory_space<vmem>>, vector<16xf32>,
    %swap3A_274 = arith.constant 512 : index
    %swap3A_275 = tpu.vector_load %arg5[%swap3A_274] {strides = array<i32>} : memref<1000xf32, #tpu.memory_space<vmem>>, vector<16xf32>,
    %swap3A_276 = vector.shape_cast %swap3A_275 : vector<16xf32> to vector<16xf32>
    %swap3A_277 = vector.shape_cast %broadcast_in_dim3A_5 : vector<16xf32> to vector<16xf32>
    tpu.vector_store %arg5[%swap3A_274], %swap3A_277 {strides = array<i32>} : memref<1000xf32, #tpu.memory_space<vmem>>, vector<16xf32>,
    %swap3A_278 = arith.constant 528 : index
    %swap3A_279 = tpu.vector_load %arg5[%swap3A_278] {strides = array<i32>} : memref<1000xf32, #tpu.memory_space<vmem>>, vector<16xf32>,
    %swap3A_280 = vector.shape_cast %swap3A_279 : vector<16xf32> to vector<16xf32>
    %swap3A_281 = vector.shape_cast %broadcast_in_dim3A_5 : vector<16xf32> to vector<16xf32>
    tpu.vector_store %arg5[%swap3A_278], %swap3A_281 {strides = array<i32>} : memref<1000xf32, #tpu.memory_space<vmem>>, vector<16xf32>,
    %swap3A_282 = arith.constant 544 : index
    %swap3A_283 = tpu.vector_load %arg5[%swap3A_282] {strides = array<i32>} : memref<1000xf32, #tpu.memory_space<vmem>>, vector<16xf32>,
    %swap3A_284 = vector.shape_cast %swap3A_283 : vector<16xf32> to vector<16xf32>
    %swap3A_285 = vector.shape_cast %broadcast_in_dim3A_5 : vector<16xf32> to vector<16xf32>
    tpu.vector_store %arg5[%swap3A_282], %swap3A_285 {strides = array<i32>} : memref<1000xf32, #tpu.memory_space<vmem>>, vector<16xf32>,
    %swap3A_286 = arith.constant 560 : index
    %swap3A_287 = tpu.vector_load %arg5[%swap3A_286] {strides = array<i32>} : memref<1000xf32, #tpu.memory_space<vmem>>, vector<16xf32>,
    %swap3A_288 = vector.shape_cast %swap3A_287 : vector<16xf32> to vector<16xf32>
    %swap3A_289 = vector.shape_cast %broadcast_in_dim3A_5 : vector<16xf32> to vector<16xf32>
    tpu.vector_store %arg5[%swap3A_286], %swap3A_289 {strides = array<i32>} : memref<1000xf32, #tpu.memory_space<vmem>>, vector<16xf32>,
    %swap3A_290 = arith.constant 576 : index
    %swap3A_291 = tpu.vector_load %arg5[%swap3A_290] {strides = array<i32>} : memref<1000xf32, #tpu.memory_space<vmem>>, vector<16xf32>,
    %swap3A_292 = vector.shape_cast %swap3A_291 : vector<16xf32> to vector<16xf32>
    %swap3A_293 = vector.shape_cast %broadcast_in_dim3A_5 : vector<16xf32> to vector<16xf32>
    tpu.vector_store %arg5[%swap3A_290], %swap3A_293 {strides = array<i32>} : memref<1000xf32, #tpu.memory_space<vmem>>, vector<16xf32>,
    %swap3A_294 = arith.constant 592 : index
    %swap3A_295 = tpu.vector_load %arg5[%swap3A_294] {strides = array<i32>} : memref<1000xf32, #tpu.memory_space<vmem>>, vector<16xf32>,
    %swap3A_296 = vector.shape_cast %swap3A_295 : vector<16xf32> to vector<16xf32>
    %swap3A_297 = vector.shape_cast %broadcast_in_dim3A_5 : vector<16xf32> to vector<16xf32>
    tpu.vector_store %arg5[%swap3A_294], %swap3A_297 {strides = array<i32>} : memref<1000xf32, #tpu.memory_space<vmem>>, vector<16xf32>,
    %swap3A_298 = arith.constant 608 : index
    %swap3A_299 = tpu.vector_load %arg5[%swap3A_298] {strides = array<i32>} : memref<1000xf32, #tpu.memory_space<vmem>>, vector<16xf32>,
    %swap3A_300 = vector.shape_cast %swap3A_299 : vector<16xf32> to vector<16xf32>
    %swap3A_301 = vector.shape_cast %broadcast_in_dim3A_5 : vector<16xf32> to vector<16xf32>
    tpu.vector_store %arg5[%swap3A_298], %swap3A_301 {strides = array<i32>} : memref<1000xf32, #tpu.memory_space<vmem>>, vector<16xf32>,
    %swap3A_302 = arith.constant 624 : index
    %swap3A_303 = tpu.vector_load %arg5[%swap3A_302] {strides = array<i32>} : memref<1000xf32, #tpu.memory_space<vmem>>, vector<16xf32>,
    %swap3A_304 = vector.shape_cast %swap3A_303 : vector<16xf32> to vector<16xf32>
    %swap3A_305 = vector.shape_cast %broadcast_in_dim3A_5 : vector<16xf32> to vector<16xf32>
    tpu.vector_store %arg5[%swap3A_302], %swap3A_305 {strides = array<i32>} : memref<1000xf32, #tpu.memory_space<vmem>>, vector<16xf32>,
    "tpu.region"() ({
      %run_scoped3A = tpu.sem_alloc : memref<!tpu.dma_semaphore, #tpu.memory_space<semaphore_mem>>
      %dma_start3A_803 = arith.constant 0 : i32
      %dma_start3A_804 = tpu.memref_slice %arg5[%dma_start3A_803] : memref<1000xf32, #tpu.memory_space<vmem>> -> memref<640xf32, #tpu.memory_space<vmem>>
      %dma_start3A_805 = tpu.memref_slice %arg7[%mul3A_2] : memref<10240xf32, #tpu.memory_space<vmem_shared>> -> memref<640xf32, #tpu.memory_space<vmem_shared>>
      %dma_start3A_806 = tpu.memref_slice %arg7[%mul3A_2] : memref<10240xf32, #tpu.memory_space<vmem_shared>> -> memref<640xf32, #tpu.memory_space<vmem_shared>>
      %dma_start3A_807 = arith.constant 0 : i32
      %dma_start3A_808 = tpu.memref_slice %arg5[%dma_start3A_807] : memref<1000xf32, #tpu.memory_space<vmem>> -> memref<640xf32, #tpu.memory_space<vmem>>
      tpu.enqueue_dma source(%dma_start3A_808 : memref<640xf32, #tpu.memory_space<vmem>>) target(%dma_start3A_806 : memref<640xf32, #tpu.memory_space<vmem_shared>>) target_semaphore(%run_scoped3A : memref<!tpu.dma_semaphore, #tpu.memory_space<semaphore_mem>>)
      %dma_wait3A_809 = arith.constant 0 : i32
      %dma_wait3A_810 = tpu.memref_slice %arg5[%dma_wait3A_809] : memref<1000xf32, #tpu.memory_space<vmem>> -> memref<640xf32, #tpu.memory_space<vmem>>
      %dma_wait3A_811 = tpu.memref_slice %arg7[%mul3A_2] : memref<10240xf32, #tpu.memory_space<vmem_shared>> -> memref<640xf32, #tpu.memory_space<vmem_shared>>
      %dma_wait3A_812 = tpu.memref_slice %arg7[%mul3A_2] : memref<10240xf32, #tpu.memory_space<vmem_shared>> -> memref<640xf32, #tpu.memory_space<vmem_shared>>
      %dma_wait3A_813 = arith.constant 0 : i32
      %dma_wait3A_814 = tpu.memref_slice %arg5[%dma_wait3A_813] : memref<1000xf32, #tpu.memory_space<vmem>> -> memref<640xf32, #tpu.memory_space<vmem>>
      tpu.wait_dma2 semaphore(%run_scoped3A : memref<!tpu.dma_semaphore, #tpu.memory_space<semaphore_mem>>) src(%dma_wait3A_814 : memref<640xf32, #tpu.memory_space<vmem>>) dst(%dma_wait3A_812 : memref<640xf32, #tpu.memory_space<vmem_shared>>)
      tpu.yield
    }) : () -> ()
    %swap3A_306 = arith.constant 0 : index
    %swap3A_307 = tpu.vector_load %arg5[%swap3A_306] {strides = array<i32>} : memref<1000xf32, #tpu.memory_space<vmem>>, vector<16xf32>,
    %swap3A_308 = vector.shape_cast %swap3A_307 : vector<16xf32> to vector<16xf32>
    %swap3A_309 = vector.shape_cast %broadcast_in_dim3A_7 : vector<16xf32> to vector<16xf32>
    tpu.vector_store %arg5[%swap3A_306], %swap3A_309 {strides = array<i32>} : memref<1000xf32, #tpu.memory_space<vmem>>, vector<16xf32>,
    %swap3A_310 = arith.constant 16 : index
    %swap3A_311 = tpu.vector_load %arg5[%swap3A_310] {strides = array<i32>} : memref<1000xf32, #tpu.memory_space<vmem>>, vector<16xf32>,
    %swap3A_312 = vector.shape_cast %swap3A_311 : vector<16xf32> to vector<16xf32>
    %swap3A_313 = vector.shape_cast %broadcast_in_dim3A_7 : vector<16xf32> to vector<16xf32>
    tpu.vector_store %arg5[%swap3A_310], %swap3A_313 {strides = array<i32>} : memref<1000xf32, #tpu.memory_space<vmem>>, vector<16xf32>,
    %swap3A_314 = arith.constant 32 : index
    %swap3A_315 = tpu.vector_load %arg5[%swap3A_314] {strides = array<i32>} : memref<1000xf32, #tpu.memory_space<vmem>>, vector<16xf32>,
    %swap3A_316 = vector.shape_cast %swap3A_315 : vector<16xf32> to vector<16xf32>
    %swap3A_317 = vector.shape_cast %broadcast_in_dim3A_7 : vector<16xf32> to vector<16xf32>
    tpu.vector_store %arg5[%swap3A_314], %swap3A_317 {strides = array<i32>} : memref<1000xf32, #tpu.memory_space<vmem>>, vector<16xf32>,
    %swap3A_318 = arith.constant 48 : index
    %swap3A_319 = tpu.vector_load %arg5[%swap3A_318] {strides = array<i32>} : memref<1000xf32, #tpu.memory_space<vmem>>, vector<16xf32>,
    %swap3A_320 = vector.shape_cast %swap3A_319 : vector<16xf32> to vector<16xf32>
    %swap3A_321 = vector.shape_cast %broadcast_in_dim3A_7 : vector<16xf32> to vector<16xf32>
    tpu.vector_store %arg5[%swap3A_318], %swap3A_321 {strides = array<i32>} : memref<1000xf32, #tpu.memory_space<vmem>>, vector<16xf32>,
    %swap3A_322 = arith.constant 64 : index
    %swap3A_323 = tpu.vector_load %arg5[%swap3A_322] {strides = array<i32>} : memref<1000xf32, #tpu.memory_space<vmem>>, vector<16xf32>,
    %swap3A_324 = vector.shape_cast %swap3A_323 : vector<16xf32> to vector<16xf32>
    %swap3A_325 = vector.shape_cast %broadcast_in_dim3A_7 : vector<16xf32> to vector<16xf32>
    tpu.vector_store %arg5[%swap3A_322], %swap3A_325 {strides = array<i32>} : memref<1000xf32, #tpu.memory_space<vmem>>, vector<16xf32>,
    %swap3A_326 = arith.constant 80 : index
    %swap3A_327 = tpu.vector_load %arg5[%swap3A_326] {strides = array<i32>} : memref<1000xf32, #tpu.memory_space<vmem>>, vector<16xf32>,
    %swap3A_328 = vector.shape_cast %swap3A_327 : vector<16xf32> to vector<16xf32>
    %swap3A_329 = vector.shape_cast %broadcast_in_dim3A_7 : vector<16xf32> to vector<16xf32>
    tpu.vector_store %arg5[%swap3A_326], %swap3A_329 {strides = array<i32>} : memref<1000xf32, #tpu.memory_space<vmem>>, vector<16xf32>,
    %swap3A_330 = arith.constant 96 : index
    %swap3A_331 = tpu.vector_load %arg5[%swap3A_330] {strides = array<i32>} : memref<1000xf32, #tpu.memory_space<vmem>>, vector<16xf32>,
    %swap3A_332 = vector.shape_cast %swap3A_331 : vector<16xf32> to vector<16xf32>
    %swap3A_333 = vector.shape_cast %broadcast_in_dim3A_7 : vector<16xf32> to vector<16xf32>
    tpu.vector_store %arg5[%swap3A_330], %swap3A_333 {strides = array<i32>} : memref<1000xf32, #tpu.memory_space<vmem>>, vector<16xf32>,
    %swap3A_334 = arith.constant 112 : index
    %swap3A_335 = tpu.vector_load %arg5[%swap3A_334] {strides = array<i32>} : memref<1000xf32, #tpu.memory_space<vmem>>, vector<16xf32>,
    %swap3A_336 = vector.shape_cast %swap3A_335 : vector<16xf32> to vector<16xf32>
    %swap3A_337 = vector.shape_cast %broadcast_in_dim3A_7 : vector<16xf32> to vector<16xf32>
    tpu.vector_store %arg5[%swap3A_334], %swap3A_337 {strides = array<i32>} : memref<1000xf32, #tpu.memory_space<vmem>>, vector<16xf32>,
    %swap3A_338 = arith.constant 128 : index
    %swap3A_339 = tpu.vector_load %arg5[%swap3A_338] {strides = array<i32>} : memref<1000xf32, #tpu.memory_space<vmem>>, vector<16xf32>,
    %swap3A_340 = vector.shape_cast %swap3A_339 : vector<16xf32> to vector<16xf32>
    %swap3A_341 = vector.shape_cast %broadcast_in_dim3A_7 : vector<16xf32> to vector<16xf32>
    tpu.vector_store %arg5[%swap3A_338], %swap3A_341 {strides = array<i32>} : memref<1000xf32, #tpu.memory_space<vmem>>, vector<16xf32>,
    %swap3A_342 = arith.constant 144 : index
    %swap3A_343 = tpu.vector_load %arg5[%swap3A_342] {strides = array<i32>} : memref<1000xf32, #tpu.memory_space<vmem>>, vector<16xf32>,
    %swap3A_344 = vector.shape_cast %swap3A_343 : vector<16xf32> to vector<16xf32>
    %swap3A_345 = vector.shape_cast %broadcast_in_dim3A_7 : vector<16xf32> to vector<16xf32>
    tpu.vector_store %arg5[%swap3A_342], %swap3A_345 {strides = array<i32>} : memref<1000xf32, #tpu.memory_space<vmem>>, vector<16xf32>,
    %swap3A_346 = arith.constant 160 : index
    %swap3A_347 = tpu.vector_load %arg5[%swap3A_346] {strides = array<i32>} : memref<1000xf32, #tpu.memory_space<vmem>>, vector<16xf32>,
    %swap3A_348 = vector.shape_cast %swap3A_347 : vector<16xf32> to vector<16xf32>
    %swap3A_349 = vector.shape_cast %broadcast_in_dim3A_7 : vector<16xf32> to vector<16xf32>
    tpu.vector_store %arg5[%swap3A_346], %swap3A_349 {strides = array<i32>} : memref<1000xf32, #tpu.memory_space<vmem>>, vector<16xf32>,
    %swap3A_350 = arith.constant 176 : index
    %swap3A_351 = tpu.vector_load %arg5[%swap3A_350] {strides = array<i32>} : memref<1000xf32, #tpu.memory_space<vmem>>, vector<16xf32>,
    %swap3A_352 = vector.shape_cast %swap3A_351 : vector<16xf32> to vector<16xf32>
    %swap3A_353 = vector.shape_cast %broadcast_in_dim3A_7 : vector<16xf32> to vector<16xf32>
    tpu.vector_store %arg5[%swap3A_350], %swap3A_353 {strides = array<i32>} : memref<1000xf32, #tpu.memory_space<vmem>>, vector<16xf32>,
    %swap3A_354 = arith.constant 192 : index
    %swap3A_355 = tpu.vector_load %arg5[%swap3A_354] {strides = array<i32>} : memref<1000xf32, #tpu.memory_space<vmem>>, vector<16xf32>,
    %swap3A_356 = vector.shape_cast %swap3A_355 : vector<16xf32> to vector<16xf32>
    %swap3A_357 = vector.shape_cast %broadcast_in_dim3A_7 : vector<16xf32> to vector<16xf32>
    tpu.vector_store %arg5[%swap3A_354], %swap3A_357 {strides = array<i32>} : memref<1000xf32, #tpu.memory_space<vmem>>, vector<16xf32>,
    %swap3A_358 = arith.constant 208 : index
    %swap3A_359 = tpu.vector_load %arg5[%swap3A_358] {strides = array<i32>} : memref<1000xf32, #tpu.memory_space<vmem>>, vector<16xf32>,
    %swap3A_360 = vector.shape_cast %swap3A_359 : vector<16xf32> to vector<16xf32>
    %swap3A_361 = vector.shape_cast %broadcast_in_dim3A_7 : vector<16xf32> to vector<16xf32>
    tpu.vector_store %arg5[%swap3A_358], %swap3A_361 {strides = array<i32>} : memref<1000xf32, #tpu.memory_space<vmem>>, vector<16xf32>,
    %swap3A_362 = arith.constant 224 : index
    %swap3A_363 = tpu.vector_load %arg5[%swap3A_362] {strides = array<i32>} : memref<1000xf32, #tpu.memory_space<vmem>>, vector<16xf32>,
    %swap3A_364 = vector.shape_cast %swap3A_363 : vector<16xf32> to vector<16xf32>
    %swap3A_365 = vector.shape_cast %broadcast_in_dim3A_7 : vector<16xf32> to vector<16xf32>
    tpu.vector_store %arg5[%swap3A_362], %swap3A_365 {strides = array<i32>} : memref<1000xf32, #tpu.memory_space<vmem>>, vector<16xf32>,
    %swap3A_366 = arith.constant 240 : index
    %swap3A_367 = tpu.vector_load %arg5[%swap3A_366] {strides = array<i32>} : memref<1000xf32, #tpu.memory_space<vmem>>, vector<16xf32>,
    %swap3A_368 = vector.shape_cast %swap3A_367 : vector<16xf32> to vector<16xf32>
    %swap3A_369 = vector.shape_cast %broadcast_in_dim3A_7 : vector<16xf32> to vector<16xf32>
    tpu.vector_store %arg5[%swap3A_366], %swap3A_369 {strides = array<i32>} : memref<1000xf32, #tpu.memory_space<vmem>>, vector<16xf32>,
    %swap3A_370 = arith.constant 256 : index
    %swap3A_371 = tpu.vector_load %arg5[%swap3A_370] {strides = array<i32>} : memref<1000xf32, #tpu.memory_space<vmem>>, vector<16xf32>,
    %swap3A_372 = vector.shape_cast %swap3A_371 : vector<16xf32> to vector<16xf32>
    %swap3A_373 = vector.shape_cast %broadcast_in_dim3A_7 : vector<16xf32> to vector<16xf32>
    tpu.vector_store %arg5[%swap3A_370], %swap3A_373 {strides = array<i32>} : memref<1000xf32, #tpu.memory_space<vmem>>, vector<16xf32>,
    %swap3A_374 = arith.constant 272 : index
    %swap3A_375 = tpu.vector_load %arg5[%swap3A_374] {strides = array<i32>} : memref<1000xf32, #tpu.memory_space<vmem>>, vector<16xf32>,
    %swap3A_376 = vector.shape_cast %swap3A_375 : vector<16xf32> to vector<16xf32>
    %swap3A_377 = vector.shape_cast %broadcast_in_dim3A_7 : vector<16xf32> to vector<16xf32>
    tpu.vector_store %arg5[%swap3A_374], %swap3A_377 {strides = array<i32>} : memref<1000xf32, #tpu.memory_space<vmem>>, vector<16xf32>,
    %swap3A_378 = arith.constant 288 : index
    %swap3A_379 = tpu.vector_load %arg5[%swap3A_378] {strides = array<i32>} : memref<1000xf32, #tpu.memory_space<vmem>>, vector<16xf32>,
    %swap3A_380 = vector.shape_cast %swap3A_379 : vector<16xf32> to vector<16xf32>
    %swap3A_381 = vector.shape_cast %broadcast_in_dim3A_7 : vector<16xf32> to vector<16xf32>
    tpu.vector_store %arg5[%swap3A_378], %swap3A_381 {strides = array<i32>} : memref<1000xf32, #tpu.memory_space<vmem>>, vector<16xf32>,
    %swap3A_382 = arith.constant 304 : index
    %swap3A_383 = tpu.vector_load %arg5[%swap3A_382] {strides = array<i32>} : memref<1000xf32, #tpu.memory_space<vmem>>, vector<16xf32>,
    %swap3A_384 = vector.shape_cast %swap3A_383 : vector<16xf32> to vector<16xf32>
    %swap3A_385 = vector.shape_cast %broadcast_in_dim3A_7 : vector<16xf32> to vector<16xf32>
    tpu.vector_store %arg5[%swap3A_382], %swap3A_385 {strides = array<i32>} : memref<1000xf32, #tpu.memory_space<vmem>>, vector<16xf32>,
    %swap3A_386 = arith.constant 320 : index
    %swap3A_387 = tpu.vector_load %arg5[%swap3A_386] {strides = array<i32>} : memref<1000xf32, #tpu.memory_space<vmem>>, vector<16xf32>,
    %swap3A_388 = vector.shape_cast %swap3A_387 : vector<16xf32> to vector<16xf32>
    %swap3A_389 = vector.shape_cast %broadcast_in_dim3A_7 : vector<16xf32> to vector<16xf32>
    tpu.vector_store %arg5[%swap3A_386], %swap3A_389 {strides = array<i32>} : memref<1000xf32, #tpu.memory_space<vmem>>, vector<16xf32>,
    %swap3A_390 = arith.constant 336 : index
    %swap3A_391 = tpu.vector_load %arg5[%swap3A_390] {strides = array<i32>} : memref<1000xf32, #tpu.memory_space<vmem>>, vector<16xf32>,
    %swap3A_392 = vector.shape_cast %swap3A_391 : vector<16xf32> to vector<16xf32>
    %swap3A_393 = vector.shape_cast %broadcast_in_dim3A_7 : vector<16xf32> to vector<16xf32>
    tpu.vector_store %arg5[%swap3A_390], %swap3A_393 {strides = array<i32>} : memref<1000xf32, #tpu.memory_space<vmem>>, vector<16xf32>,
    %swap3A_394 = arith.constant 352 : index
    %swap3A_395 = tpu.vector_load %arg5[%swap3A_394] {strides = array<i32>} : memref<1000xf32, #tpu.memory_space<vmem>>, vector<16xf32>,
    %swap3A_396 = vector.shape_cast %swap3A_395 : vector<16xf32> to vector<16xf32>
    %swap3A_397 = vector.shape_cast %broadcast_in_dim3A_7 : vector<16xf32> to vector<16xf32>
    tpu.vector_store %arg5[%swap3A_394], %swap3A_397 {strides = array<i32>} : memref<1000xf32, #tpu.memory_space<vmem>>, vector<16xf32>,
    %swap3A_398 = arith.constant 368 : index
    %swap3A_399 = tpu.vector_load %arg5[%swap3A_398] {strides = array<i32>} : memref<1000xf32, #tpu.memory_space<vmem>>, vector<16xf32>,
    %swap3A_400 = vector.shape_cast %swap3A_399 : vector<16xf32> to vector<16xf32>
    %swap3A_401 = vector.shape_cast %broadcast_in_dim3A_7 : vector<16xf32> to vector<16xf32>
    tpu.vector_store %arg5[%swap3A_398], %swap3A_401 {strides = array<i32>} : memref<1000xf32, #tpu.memory_space<vmem>>, vector<16xf32>,
    %swap3A_402 = arith.constant 384 : index
    %swap3A_403 = tpu.vector_load %arg5[%swap3A_402] {strides = array<i32>} : memref<1000xf32, #tpu.memory_space<vmem>>, vector<16xf32>,
    %swap3A_404 = vector.shape_cast %swap3A_403 : vector<16xf32> to vector<16xf32>
    %swap3A_405 = vector.shape_cast %broadcast_in_dim3A_7 : vector<16xf32> to vector<16xf32>
    tpu.vector_store %arg5[%swap3A_402], %swap3A_405 {strides = array<i32>} : memref<1000xf32, #tpu.memory_space<vmem>>, vector<16xf32>,
    %swap3A_406 = arith.constant 400 : index
    %swap3A_407 = tpu.vector_load %arg5[%swap3A_406] {strides = array<i32>} : memref<1000xf32, #tpu.memory_space<vmem>>, vector<16xf32>,
    %swap3A_408 = vector.shape_cast %swap3A_407 : vector<16xf32> to vector<16xf32>
    %swap3A_409 = vector.shape_cast %broadcast_in_dim3A_7 : vector<16xf32> to vector<16xf32>
    tpu.vector_store %arg5[%swap3A_406], %swap3A_409 {strides = array<i32>} : memref<1000xf32, #tpu.memory_space<vmem>>, vector<16xf32>,
    %swap3A_410 = arith.constant 416 : index
    %swap3A_411 = tpu.vector_load %arg5[%swap3A_410] {strides = array<i32>} : memref<1000xf32, #tpu.memory_space<vmem>>, vector<16xf32>,
    %swap3A_412 = vector.shape_cast %swap3A_411 : vector<16xf32> to vector<16xf32>
    %swap3A_413 = vector.shape_cast %broadcast_in_dim3A_7 : vector<16xf32> to vector<16xf32>
    tpu.vector_store %arg5[%swap3A_410], %swap3A_413 {strides = array<i32>} : memref<1000xf32, #tpu.memory_space<vmem>>, vector<16xf32>,
    %swap3A_414 = arith.constant 432 : index
    %swap3A_415 = tpu.vector_load %arg5[%swap3A_414] {strides = array<i32>} : memref<1000xf32, #tpu.memory_space<vmem>>, vector<16xf32>,
    %swap3A_416 = vector.shape_cast %swap3A_415 : vector<16xf32> to vector<16xf32>
    %swap3A_417 = vector.shape_cast %broadcast_in_dim3A_7 : vector<16xf32> to vector<16xf32>
    tpu.vector_store %arg5[%swap3A_414], %swap3A_417 {strides = array<i32>} : memref<1000xf32, #tpu.memory_space<vmem>>, vector<16xf32>,
    %swap3A_418 = arith.constant 448 : index
    %swap3A_419 = tpu.vector_load %arg5[%swap3A_418] {strides = array<i32>} : memref<1000xf32, #tpu.memory_space<vmem>>, vector<16xf32>,
    %swap3A_420 = vector.shape_cast %swap3A_419 : vector<16xf32> to vector<16xf32>
    %swap3A_421 = vector.shape_cast %broadcast_in_dim3A_7 : vector<16xf32> to vector<16xf32>
    tpu.vector_store %arg5[%swap3A_418], %swap3A_421 {strides = array<i32>} : memref<1000xf32, #tpu.memory_space<vmem>>, vector<16xf32>,
    %swap3A_422 = arith.constant 464 : index
    %swap3A_423 = tpu.vector_load %arg5[%swap3A_422] {strides = array<i32>} : memref<1000xf32, #tpu.memory_space<vmem>>, vector<16xf32>,
    %swap3A_424 = vector.shape_cast %swap3A_423 : vector<16xf32> to vector<16xf32>
    %swap3A_425 = vector.shape_cast %broadcast_in_dim3A_7 : vector<16xf32> to vector<16xf32>
    tpu.vector_store %arg5[%swap3A_422], %swap3A_425 {strides = array<i32>} : memref<1000xf32, #tpu.memory_space<vmem>>, vector<16xf32>,
    %swap3A_426 = arith.constant 480 : index
    %swap3A_427 = tpu.vector_load %arg5[%swap3A_426] {strides = array<i32>} : memref<1000xf32, #tpu.memory_space<vmem>>, vector<16xf32>,
    %swap3A_428 = vector.shape_cast %swap3A_427 : vector<16xf32> to vector<16xf32>
    %swap3A_429 = vector.shape_cast %broadcast_in_dim3A_7 : vector<16xf32> to vector<16xf32>
    tpu.vector_store %arg5[%swap3A_426], %swap3A_429 {strides = array<i32>} : memref<1000xf32, #tpu.memory_space<vmem>>, vector<16xf32>,
    %swap3A_430 = arith.constant 496 : index
    %swap3A_431 = tpu.vector_load %arg5[%swap3A_430] {strides = array<i32>} : memref<1000xf32, #tpu.memory_space<vmem>>, vector<16xf32>,
    %swap3A_432 = vector.shape_cast %swap3A_431 : vector<16xf32> to vector<16xf32>
    %swap3A_433 = vector.shape_cast %broadcast_in_dim3A_7 : vector<16xf32> to vector<16xf32>
    tpu.vector_store %arg5[%swap3A_430], %swap3A_433 {strides = array<i32>} : memref<1000xf32, #tpu.memory_space<vmem>>, vector<16xf32>,
    %swap3A_434 = arith.constant 512 : index
    %swap3A_435 = tpu.vector_load %arg5[%swap3A_434] {strides = array<i32>} : memref<1000xf32, #tpu.memory_space<vmem>>, vector<16xf32>,
    %swap3A_436 = vector.shape_cast %swap3A_435 : vector<16xf32> to vector<16xf32>
    %swap3A_437 = vector.shape_cast %broadcast_in_dim3A_7 : vector<16xf32> to vector<16xf32>
    tpu.vector_store %arg5[%swap3A_434], %swap3A_437 {strides = array<i32>} : memref<1000xf32, #tpu.memory_space<vmem>>, vector<16xf32>,
    %swap3A_438 = arith.constant 528 : index
    %swap3A_439 = tpu.vector_load %arg5[%swap3A_438] {strides = array<i32>} : memref<1000xf32, #tpu.memory_space<vmem>>, vector<16xf32>,
    %swap3A_440 = vector.shape_cast %swap3A_439 : vector<16xf32> to vector<16xf32>
    %swap3A_441 = vector.shape_cast %broadcast_in_dim3A_7 : vector<16xf32> to vector<16xf32>
    tpu.vector_store %arg5[%swap3A_438], %swap3A_441 {strides = array<i32>} : memref<1000xf32, #tpu.memory_space<vmem>>, vector<16xf32>,
    %swap3A_442 = arith.constant 544 : index
    %swap3A_443 = tpu.vector_load %arg5[%swap3A_442] {strides = array<i32>} : memref<1000xf32, #tpu.memory_space<vmem>>, vector<16xf32>,
    %swap3A_444 = vector.shape_cast %swap3A_443 : vector<16xf32> to vector<16xf32>
    %swap3A_445 = vector.shape_cast %broadcast_in_dim3A_7 : vector<16xf32> to vector<16xf32>
    tpu.vector_store %arg5[%swap3A_442], %swap3A_445 {strides = array<i32>} : memref<1000xf32, #tpu.memory_space<vmem>>, vector<16xf32>,
    %swap3A_446 = arith.constant 560 : index
    %swap3A_447 = tpu.vector_load %arg5[%swap3A_446] {strides = array<i32>} : memref<1000xf32, #tpu.memory_space<vmem>>, vector<16xf32>,
    %swap3A_448 = vector.shape_cast %swap3A_447 : vector<16xf32> to vector<16xf32>
    %swap3A_449 = vector.shape_cast %broadcast_in_dim3A_7 : vector<16xf32> to vector<16xf32>
    tpu.vector_store %arg5[%swap3A_446], %swap3A_449 {strides = array<i32>} : memref<1000xf32, #tpu.memory_space<vmem>>, vector<16xf32>,
    %swap3A_450 = arith.constant 576 : index
    %swap3A_451 = tpu.vector_load %arg5[%swap3A_450] {strides = array<i32>} : memref<1000xf32, #tpu.memory_space<vmem>>, vector<16xf32>,
    %swap3A_452 = vector.shape_cast %swap3A_451 : vector<16xf32> to vector<16xf32>
    %swap3A_453 = vector.shape_cast %broadcast_in_dim3A_7 : vector<16xf32> to vector<16xf32>
    tpu.vector_store %arg5[%swap3A_450], %swap3A_453 {strides = array<i32>} : memref<1000xf32, #tpu.memory_space<vmem>>, vector<16xf32>,
    %swap3A_454 = arith.constant 592 : index
    %swap3A_455 = tpu.vector_load %arg5[%swap3A_454] {strides = array<i32>} : memref<1000xf32, #tpu.memory_space<vmem>>, vector<16xf32>,
    %swap3A_456 = vector.shape_cast %swap3A_455 : vector<16xf32> to vector<16xf32>
    %swap3A_457 = vector.shape_cast %broadcast_in_dim3A_7 : vector<16xf32> to vector<16xf32>
    tpu.vector_store %arg5[%swap3A_454], %swap3A_457 {strides = array<i32>} : memref<1000xf32, #tpu.memory_space<vmem>>, vector<16xf32>,
    %swap3A_458 = arith.constant 608 : index
    %swap3A_459 = tpu.vector_load %arg5[%swap3A_458] {strides = array<i32>} : memref<1000xf32, #tpu.memory_space<vmem>>, vector<16xf32>,
    %swap3A_460 = vector.shape_cast %swap3A_459 : vector<16xf32> to vector<16xf32>
    %swap3A_461 = vector.shape_cast %broadcast_in_dim3A_7 : vector<16xf32> to vector<16xf32>
    tpu.vector_store %arg5[%swap3A_458], %swap3A_461 {strides = array<i32>} : memref<1000xf32, #tpu.memory_space<vmem>>, vector<16xf32>,
    %swap3A_462 = arith.constant 624 : index
    %swap3A_463 = tpu.vector_load %arg5[%swap3A_462] {strides = array<i32>} : memref<1000xf32, #tpu.memory_space<vmem>>, vector<16xf32>,
    %swap3A_464 = vector.shape_cast %swap3A_463 : vector<16xf32> to vector<16xf32>
    %swap3A_465 = vector.shape_cast %broadcast_in_dim3A_7 : vector<16xf32> to vector<16xf32>
    tpu.vector_store %arg5[%swap3A_462], %swap3A_465 {strides = array<i32>} : memref<1000xf32, #tpu.memory_space<vmem>>, vector<16xf32>,
    %swap3A_466 = arith.constant 640 : index
    %swap3A_467 = tpu.vector_load %arg5[%swap3A_466] {strides = array<i32>} : memref<1000xf32, #tpu.memory_space<vmem>>, vector<16xf32>,
    %swap3A_468 = vector.shape_cast %swap3A_467 : vector<16xf32> to vector<16xf32>
    %swap3A_469 = vector.shape_cast %broadcast_in_dim3A_7 : vector<16xf32> to vector<16xf32>
    tpu.vector_store %arg5[%swap3A_466], %swap3A_469 {strides = array<i32>} : memref<1000xf32, #tpu.memory_space<vmem>>, vector<16xf32>,
    %swap3A_470 = arith.constant 656 : index
    %swap3A_471 = tpu.vector_load %arg5[%swap3A_470] {strides = array<i32>} : memref<1000xf32, #tpu.memory_space<vmem>>, vector<16xf32>,
    %swap3A_472 = vector.shape_cast %swap3A_471 : vector<16xf32> to vector<16xf32>
    %swap3A_473 = vector.shape_cast %broadcast_in_dim3A_7 : vector<16xf32> to vector<16xf32>
    tpu.vector_store %arg5[%swap3A_470], %swap3A_473 {strides = array<i32>} : memref<1000xf32, #tpu.memory_space<vmem>>, vector<16xf32>,
    %swap3A_474 = arith.constant 672 : index
    %swap3A_475 = tpu.vector_load %arg5[%swap3A_474] {strides = array<i32>} : memref<1000xf32, #tpu.memory_space<vmem>>, vector<16xf32>,
    %swap3A_476 = vector.shape_cast %swap3A_475 : vector<16xf32> to vector<16xf32>
    %swap3A_477 = vector.shape_cast %broadcast_in_dim3A_7 : vector<16xf32> to vector<16xf32>
    tpu.vector_store %arg5[%swap3A_474], %swap3A_477 {strides = array<i32>} : memref<1000xf32, #tpu.memory_space<vmem>>, vector<16xf32>,
    %swap3A_478 = arith.constant 688 : index
    %swap3A_479 = tpu.vector_load %arg5[%swap3A_478] {strides = array<i32>} : memref<1000xf32, #tpu.memory_space<vmem>>, vector<16xf32>,
    %swap3A_480 = vector.shape_cast %swap3A_479 : vector<16xf32> to vector<16xf32>
    %swap3A_481 = vector.shape_cast %broadcast_in_dim3A_7 : vector<16xf32> to vector<16xf32>
    tpu.vector_store %arg5[%swap3A_478], %swap3A_481 {strides = array<i32>} : memref<1000xf32, #tpu.memory_space<vmem>>, vector<16xf32>,
    %swap3A_482 = arith.constant 704 : index
    %swap3A_483 = tpu.vector_load %arg5[%swap3A_482] {strides = array<i32>} : memref<1000xf32, #tpu.memory_space<vmem>>, vector<16xf32>,
    %swap3A_484 = vector.shape_cast %swap3A_483 : vector<16xf32> to vector<16xf32>
    %swap3A_485 = vector.shape_cast %broadcast_in_dim3A_7 : vector<16xf32> to vector<16xf32>
    tpu.vector_store %arg5[%swap3A_482], %swap3A_485 {strides = array<i32>} : memref<1000xf32, #tpu.memory_space<vmem>>, vector<16xf32>,
    %swap3A_486 = arith.constant 720 : index
    %swap3A_487 = tpu.vector_load %arg5[%swap3A_486] {strides = array<i32>} : memref<1000xf32, #tpu.memory_space<vmem>>, vector<16xf32>,
    %swap3A_488 = vector.shape_cast %swap3A_487 : vector<16xf32> to vector<16xf32>
    %swap3A_489 = vector.shape_cast %broadcast_in_dim3A_7 : vector<16xf32> to vector<16xf32>
    tpu.vector_store %arg5[%swap3A_486], %swap3A_489 {strides = array<i32>} : memref<1000xf32, #tpu.memory_space<vmem>>, vector<16xf32>,
    %swap3A_490 = arith.constant 736 : index
    %swap3A_491 = tpu.vector_load %arg5[%swap3A_490] {strides = array<i32>} : memref<1000xf32, #tpu.memory_space<vmem>>, vector<16xf32>,
    %swap3A_492 = vector.shape_cast %swap3A_491 : vector<16xf32> to vector<16xf32>
    %swap3A_493 = vector.shape_cast %broadcast_in_dim3A_7 : vector<16xf32> to vector<16xf32>
    tpu.vector_store %arg5[%swap3A_490], %swap3A_493 {strides = array<i32>} : memref<1000xf32, #tpu.memory_space<vmem>>, vector<16xf32>,
    %swap3A_494 = arith.constant 752 : index
    %swap3A_495 = tpu.vector_load %arg5[%swap3A_494] {strides = array<i32>} : memref<1000xf32, #tpu.memory_space<vmem>>, vector<16xf32>,
    %swap3A_496 = vector.shape_cast %swap3A_495 : vector<16xf32> to vector<16xf32>
    %swap3A_497 = vector.shape_cast %broadcast_in_dim3A_7 : vector<16xf32> to vector<16xf32>
    tpu.vector_store %arg5[%swap3A_494], %swap3A_497 {strides = array<i32>} : memref<1000xf32, #tpu.memory_space<vmem>>, vector<16xf32>,
    %swap3A_498 = arith.constant 768 : index
    %swap3A_499 = tpu.vector_load %arg5[%swap3A_498] {strides = array<i32>} : memref<1000xf32, #tpu.memory_space<vmem>>, vector<16xf32>,
    %swap3A_500 = vector.shape_cast %swap3A_499 : vector<16xf32> to vector<16xf32>
    %swap3A_501 = vector.shape_cast %broadcast_in_dim3A_7 : vector<16xf32> to vector<16xf32>
    tpu.vector_store %arg5[%swap3A_498], %swap3A_501 {strides = array<i32>} : memref<1000xf32, #tpu.memory_space<vmem>>, vector<16xf32>,
    %swap3A_502 = arith.constant 784 : index
    %swap3A_503 = tpu.vector_load %arg5[%swap3A_502] {strides = array<i32>} : memref<1000xf32, #tpu.memory_space<vmem>>, vector<16xf32>,
    %swap3A_504 = vector.shape_cast %swap3A_503 : vector<16xf32> to vector<16xf32>
    %swap3A_505 = vector.shape_cast %broadcast_in_dim3A_7 : vector<16xf32> to vector<16xf32>
    tpu.vector_store %arg5[%swap3A_502], %swap3A_505 {strides = array<i32>} : memref<1000xf32, #tpu.memory_space<vmem>>, vector<16xf32>,
    %swap3A_506 = arith.constant 800 : index
    %swap3A_507 = tpu.vector_load %arg5[%swap3A_506] {strides = array<i32>} : memref<1000xf32, #tpu.memory_space<vmem>>, vector<16xf32>,
    %swap3A_508 = vector.shape_cast %swap3A_507 : vector<16xf32> to vector<16xf32>
    %swap3A_509 = vector.shape_cast %broadcast_in_dim3A_7 : vector<16xf32> to vector<16xf32>
    tpu.vector_store %arg5[%swap3A_506], %swap3A_509 {strides = array<i32>} : memref<1000xf32, #tpu.memory_space<vmem>>, vector<16xf32>,
    %swap3A_510 = arith.constant 816 : index
    %swap3A_511 = tpu.vector_load %arg5[%swap3A_510] {strides = array<i32>} : memref<1000xf32, #tpu.memory_space<vmem>>, vector<16xf32>,
    %swap3A_512 = vector.shape_cast %swap3A_511 : vector<16xf32> to vector<16xf32>
    %swap3A_513 = vector.shape_cast %broadcast_in_dim3A_7 : vector<16xf32> to vector<16xf32>
    tpu.vector_store %arg5[%swap3A_510], %swap3A_513 {strides = array<i32>} : memref<1000xf32, #tpu.memory_space<vmem>>, vector<16xf32>,
    %swap3A_514 = arith.constant 832 : index
    %swap3A_515 = tpu.vector_load %arg5[%swap3A_514] {strides = array<i32>} : memref<1000xf32, #tpu.memory_space<vmem>>, vector<16xf32>,
    %swap3A_516 = vector.shape_cast %swap3A_515 : vector<16xf32> to vector<16xf32>
    %swap3A_517 = vector.shape_cast %broadcast_in_dim3A_7 : vector<16xf32> to vector<16xf32>
    tpu.vector_store %arg5[%swap3A_514], %swap3A_517 {strides = array<i32>} : memref<1000xf32, #tpu.memory_space<vmem>>, vector<16xf32>,
    %swap3A_518 = arith.constant 848 : index
    %swap3A_519 = tpu.vector_load %arg5[%swap3A_518] {strides = array<i32>} : memref<1000xf32, #tpu.memory_space<vmem>>, vector<16xf32>,
    %swap3A_520 = vector.shape_cast %swap3A_519 : vector<16xf32> to vector<16xf32>
    %swap3A_521 = vector.shape_cast %broadcast_in_dim3A_7 : vector<16xf32> to vector<16xf32>
    tpu.vector_store %arg5[%swap3A_518], %swap3A_521 {strides = array<i32>} : memref<1000xf32, #tpu.memory_space<vmem>>, vector<16xf32>,
    %swap3A_522 = arith.constant 864 : index
    %swap3A_523 = tpu.vector_load %arg5[%swap3A_522] {strides = array<i32>} : memref<1000xf32, #tpu.memory_space<vmem>>, vector<16xf32>,
    %swap3A_524 = vector.shape_cast %swap3A_523 : vector<16xf32> to vector<16xf32>
    %swap3A_525 = vector.shape_cast %broadcast_in_dim3A_7 : vector<16xf32> to vector<16xf32>
    tpu.vector_store %arg5[%swap3A_522], %swap3A_525 {strides = array<i32>} : memref<1000xf32, #tpu.memory_space<vmem>>, vector<16xf32>,
    %swap3A_526 = arith.constant 880 : index
    %swap3A_527 = tpu.vector_load %arg5[%swap3A_526] {strides = array<i32>} : memref<1000xf32, #tpu.memory_space<vmem>>, vector<16xf32>,
    %swap3A_528 = vector.shape_cast %swap3A_527 : vector<16xf32> to vector<16xf32>
    %swap3A_529 = vector.shape_cast %broadcast_in_dim3A_7 : vector<16xf32> to vector<16xf32>
    tpu.vector_store %arg5[%swap3A_526], %swap3A_529 {strides = array<i32>} : memref<1000xf32, #tpu.memory_space<vmem>>, vector<16xf32>,
    %swap3A_530 = arith.constant 896 : index
    %swap3A_531 = tpu.vector_load %arg5[%swap3A_530] {strides = array<i32>} : memref<1000xf32, #tpu.memory_space<vmem>>, vector<16xf32>,
    %swap3A_532 = vector.shape_cast %swap3A_531 : vector<16xf32> to vector<16xf32>
    %swap3A_533 = vector.shape_cast %broadcast_in_dim3A_7 : vector<16xf32> to vector<16xf32>
    tpu.vector_store %arg5[%swap3A_530], %swap3A_533 {strides = array<i32>} : memref<1000xf32, #tpu.memory_space<vmem>>, vector<16xf32>,
    %swap3A_534 = arith.constant 912 : index
    %swap3A_535 = tpu.vector_load %arg5[%swap3A_534] {strides = array<i32>} : memref<1000xf32, #tpu.memory_space<vmem>>, vector<16xf32>,
    %swap3A_536 = vector.shape_cast %swap3A_535 : vector<16xf32> to vector<16xf32>
    %swap3A_537 = vector.shape_cast %broadcast_in_dim3A_7 : vector<16xf32> to vector<16xf32>
    tpu.vector_store %arg5[%swap3A_534], %swap3A_537 {strides = array<i32>} : memref<1000xf32, #tpu.memory_space<vmem>>, vector<16xf32>,
    %swap3A_538 = arith.constant 928 : index
    %swap3A_539 = tpu.vector_load %arg5[%swap3A_538] {strides = array<i32>} : memref<1000xf32, #tpu.memory_space<vmem>>, vector<16xf32>,
    %swap3A_540 = vector.shape_cast %swap3A_539 : vector<16xf32> to vector<16xf32>
    %swap3A_541 = vector.shape_cast %broadcast_in_dim3A_7 : vector<16xf32> to vector<16xf32>
    tpu.vector_store %arg5[%swap3A_538], %swap3A_541 {strides = array<i32>} : memref<1000xf32, #tpu.memory_space<vmem>>, vector<16xf32>,
    %swap3A_542 = arith.constant 944 : index
    %swap3A_543 = tpu.vector_load %arg5[%swap3A_542] {strides = array<i32>} : memref<1000xf32, #tpu.memory_space<vmem>>, vector<16xf32>,
    %swap3A_544 = vector.shape_cast %swap3A_543 : vector<16xf32> to vector<16xf32>
    %swap3A_545 = vector.shape_cast %broadcast_in_dim3A_7 : vector<16xf32> to vector<16xf32>
    tpu.vector_store %arg5[%swap3A_542], %swap3A_545 {strides = array<i32>} : memref<1000xf32, #tpu.memory_space<vmem>>, vector<16xf32>,
    %swap3A_546 = arith.constant 960 : index
    %swap3A_547 = tpu.vector_load %arg5[%swap3A_546] {strides = array<i32>} : memref<1000xf32, #tpu.memory_space<vmem>>, vector<16xf32>,
    %swap3A_548 = vector.shape_cast %swap3A_547 : vector<16xf32> to vector<16xf32>
    %swap3A_549 = vector.shape_cast %broadcast_in_dim3A_7 : vector<16xf32> to vector<16xf32>
    tpu.vector_store %arg5[%swap3A_546], %swap3A_549 {strides = array<i32>} : memref<1000xf32, #tpu.memory_space<vmem>>, vector<16xf32>,
    %swap3A_550 = arith.constant 976 : index
    %swap3A_551 = tpu.vector_load %arg5[%swap3A_550] {strides = array<i32>} : memref<1000xf32, #tpu.memory_space<vmem>>, vector<16xf32>,
    %swap3A_552 = vector.shape_cast %swap3A_551 : vector<16xf32> to vector<16xf32>
    %swap3A_553 = vector.shape_cast %broadcast_in_dim3A_7 : vector<16xf32> to vector<16xf32>
    tpu.vector_store %arg5[%swap3A_550], %swap3A_553 {strides = array<i32>} : memref<1000xf32, #tpu.memory_space<vmem>>, vector<16xf32>,
    %swap3A_554 = arith.constant 984 : index
    %swap3A_555 = tpu.vector_load %arg5[%swap3A_554] {strides = array<i32>} : memref<1000xf32, #tpu.memory_space<vmem>>, vector<16xf32>,
    %swap3A_556 = vector.shape_cast %swap3A_555 : vector<16xf32> to vector<16xf32>
    %swap3A_557 = vector.shape_cast %broadcast_in_dim3A_7 : vector<16xf32> to vector<16xf32>
    tpu.vector_store %arg5[%swap3A_554], %swap3A_557 {strides = array<i32>} : memref<1000xf32, #tpu.memory_space<vmem>>, vector<16xf32>,
    %dma_wait3A = arith.constant 1 : i32
    %dma_wait3A_558 = arith.constant 0 : i32
    %dma_wait3A_559 = arith.constant 0 : i32
    %dma_wait3A_560 = tpu.memref_slice %arg4[%dma_wait3A_558, %dma_wait3A_559] : memref<10x1000xi32, #tpu.memory_space<vmem>> -> memref<1x1000xi32, #tpu.memory_space<vmem>>
    %dma_wait3A_561 = tpu.memref_squeeze %dma_wait3A_560 : memref<1x1000xi32, #tpu.memory_space<vmem>> -> memref<1000xi32, #tpu.memory_space<vmem>>
    %dma_wait3A_562 = tpu.memref_slice %arg2[%dma_wait3A, %add3A_9] : memref<2x320000xi32, #tpu.memory_space<hbm>> -> memref<1x1000xi32, #tpu.memory_space<hbm>>
    %dma_wait3A_563 = tpu.memref_squeeze %dma_wait3A_562 : memref<1x1000xi32, #tpu.memory_space<hbm>> -> memref<1000xi32, #tpu.memory_space<hbm>>
    %dma_wait3A_564 = arith.constant 0 : i32
    %dma_wait3A_565 = tpu.memref_slice %arg4[%dma_wait3A_558, %dma_wait3A_564] : memref<10x1000xi32, #tpu.memory_space<vmem>> -> memref<1x1000xi32, #tpu.memory_space<vmem>>
    %dma_wait3A_566 = tpu.memref_squeeze %dma_wait3A_565 : memref<1x1000xi32, #tpu.memory_space<vmem>> -> memref<1000xi32, #tpu.memory_space<vmem>>
    %dma_wait3A_567 = tpu.memref_slice %arg2[%dma_wait3A, %add3A_9] : memref<2x320000xi32, #tpu.memory_space<hbm>> -> memref<1x1000xi32, #tpu.memory_space<hbm>>
    %dma_wait3A_568 = tpu.memref_squeeze %dma_wait3A_567 : memref<1x1000xi32, #tpu.memory_space<hbm>> -> memref<1000xi32, #tpu.memory_space<hbm>>
    tpu.wait_dma2 semaphore(%arg8 : memref<!tpu.dma_semaphore, #tpu.memory_space<semaphore_mem>>) src(%dma_wait3A_568 : memref<1000xi32, #tpu.memory_space<hbm>>) dst(%dma_wait3A_566 : memref<1000xi32, #tpu.memory_space<vmem>>)
    %dma_wait3A_569 = arith.constant 1 : i32
    %dma_wait3A_570 = arith.constant 1 : i32
    %dma_wait3A_571 = arith.constant 0 : i32
    %dma_wait3A_572 = tpu.memref_slice %arg4[%dma_wait3A_570, %dma_wait3A_571] : memref<10x1000xi32, #tpu.memory_space<vmem>> -> memref<1x1000xi32, #tpu.memory_space<vmem>>
    %dma_wait3A_573 = tpu.memref_squeeze %dma_wait3A_572 : memref<1x1000xi32, #tpu.memory_space<vmem>> -> memref<1000xi32, #tpu.memory_space<vmem>>
    %dma_wait3A_574 = tpu.memref_slice %arg2[%dma_wait3A_569, %add3A_22] : memref<2x320000xi32, #tpu.memory_space<hbm>> -> memref<1x1000xi32, #tpu.memory_space<hbm>>
    %dma_wait3A_575 = tpu.memref_squeeze %dma_wait3A_574 : memref<1x1000xi32, #tpu.memory_space<hbm>> -> memref<1000xi32, #tpu.memory_space<hbm>>
    %dma_wait3A_576 = arith.constant 0 : i32
    %dma_wait3A_577 = tpu.memref_slice %arg4[%dma_wait3A_570, %dma_wait3A_576] : memref<10x1000xi32, #tpu.memory_space<vmem>> -> memref<1x1000xi32, #tpu.memory_space<vmem>>
    %dma_wait3A_578 = tpu.memref_squeeze %dma_wait3A_577 : memref<1x1000xi32, #tpu.memory_space<vmem>> -> memref<1000xi32, #tpu.memory_space<vmem>>
    %dma_wait3A_579 = tpu.memref_slice %arg2[%dma_wait3A_569, %add3A_22] : memref<2x320000xi32, #tpu.memory_space<hbm>> -> memref<1x1000xi32, #tpu.memory_space<hbm>>
    %dma_wait3A_580 = tpu.memref_squeeze %dma_wait3A_579 : memref<1x1000xi32, #tpu.memory_space<hbm>> -> memref<1000xi32, #tpu.memory_space<hbm>>
    tpu.wait_dma2 semaphore(%arg9 : memref<!tpu.dma_semaphore, #tpu.memory_space<semaphore_mem>>) src(%dma_wait3A_580 : memref<1000xi32, #tpu.memory_space<hbm>>) dst(%dma_wait3A_578 : memref<1000xi32, #tpu.memory_space<vmem>>)
    %dma_wait3A_581 = arith.constant 1 : i32
    %dma_wait3A_582 = arith.constant 2 : i32
    %dma_wait3A_583 = arith.constant 0 : i32
    %dma_wait3A_584 = tpu.memref_slice %arg4[%dma_wait3A_582, %dma_wait3A_583] : memref<10x1000xi32, #tpu.memory_space<vmem>> -> memref<1x1000xi32, #tpu.memory_space<vmem>>
    %dma_wait3A_585 = tpu.memref_squeeze %dma_wait3A_584 : memref<1x1000xi32, #tpu.memory_space<vmem>> -> memref<1000xi32, #tpu.memory_space<vmem>>
    %dma_wait3A_586 = tpu.memref_slice %arg2[%dma_wait3A_581, %add3A_36] : memref<2x320000xi32, #tpu.memory_space<hbm>> -> memref<1x1000xi32, #tpu.memory_space<hbm>>
    %dma_wait3A_587 = tpu.memref_squeeze %dma_wait3A_586 : memref<1x1000xi32, #tpu.memory_space<hbm>> -> memref<1000xi32, #tpu.memory_space<hbm>>
    %dma_wait3A_588 = arith.constant 0 : i32
    %dma_wait3A_589 = tpu.memref_slice %arg4[%dma_wait3A_582, %dma_wait3A_588] : memref<10x1000xi32, #tpu.memory_space<vmem>> -> memref<1x1000xi32, #tpu.memory_space<vmem>>
    %dma_wait3A_590 = tpu.memref_squeeze %dma_wait3A_589 : memref<1x1000xi32, #tpu.memory_space<vmem>> -> memref<1000xi32, #tpu.memory_space<vmem>>
    %dma_wait3A_591 = tpu.memref_slice %arg2[%dma_wait3A_581, %add3A_36] : memref<2x320000xi32, #tpu.memory_space<hbm>> -> memref<1x1000xi32, #tpu.memory_space<hbm>>
    %dma_wait3A_592 = tpu.memref_squeeze %dma_wait3A_591 : memref<1x1000xi32, #tpu.memory_space<hbm>> -> memref<1000xi32, #tpu.memory_space<hbm>>
    tpu.wait_dma2 semaphore(%arg10 : memref<!tpu.dma_semaphore, #tpu.memory_space<semaphore_mem>>) src(%dma_wait3A_592 : memref<1000xi32, #tpu.memory_space<hbm>>) dst(%dma_wait3A_590 : memref<1000xi32, #tpu.memory_space<vmem>>)
    %dma_wait3A_593 = arith.constant 1 : i32
    %dma_wait3A_594 = arith.constant 3 : i32
    %dma_wait3A_595 = arith.constant 0 : i32
    %dma_wait3A_596 = tpu.memref_slice %arg4[%dma_wait3A_594, %dma_wait3A_595] : memref<10x1000xi32, #tpu.memory_space<vmem>> -> memref<1x1000xi32, #tpu.memory_space<vmem>>
    %dma_wait3A_597 = tpu.memref_squeeze %dma_wait3A_596 : memref<1x1000xi32, #tpu.memory_space<vmem>> -> memref<1000xi32, #tpu.memory_space<vmem>>
    %dma_wait3A_598 = tpu.memref_slice %arg2[%dma_wait3A_593, %add3A_50] : memref<2x320000xi32, #tpu.memory_space<hbm>> -> memref<1x1000xi32, #tpu.memory_space<hbm>>
    %dma_wait3A_599 = tpu.memref_squeeze %dma_wait3A_598 : memref<1x1000xi32, #tpu.memory_space<hbm>> -> memref<1000xi32, #tpu.memory_space<hbm>>
    %dma_wait3A_600 = arith.constant 0 : i32
    %dma_wait3A_601 = tpu.memref_slice %arg4[%dma_wait3A_594, %dma_wait3A_600] : memref<10x1000xi32, #tpu.memory_space<vmem>> -> memref<1x1000xi32, #tpu.memory_space<vmem>>
    %dma_wait3A_602 = tpu.memref_squeeze %dma_wait3A_601 : memref<1x1000xi32, #tpu.memory_space<vmem>> -> memref<1000xi32, #tpu.memory_space<vmem>>
    %dma_wait3A_603 = tpu.memref_slice %arg2[%dma_wait3A_593, %add3A_50] : memref<2x320000xi32, #tpu.memory_space<hbm>> -> memref<1x1000xi32, #tpu.memory_space<hbm>>
    %dma_wait3A_604 = tpu.memref_squeeze %dma_wait3A_603 : memref<1x1000xi32, #tpu.memory_space<hbm>> -> memref<1000xi32, #tpu.memory_space<hbm>>
    tpu.wait_dma2 semaphore(%arg11 : memref<!tpu.dma_semaphore, #tpu.memory_space<semaphore_mem>>) src(%dma_wait3A_604 : memref<1000xi32, #tpu.memory_space<hbm>>) dst(%dma_wait3A_602 : memref<1000xi32, #tpu.memory_space<vmem>>)
    %dma_wait3A_605 = arith.constant 1 : i32
    %dma_wait3A_606 = arith.constant 4 : i32
    %dma_wait3A_607 = arith.constant 0 : i32
    %dma_wait3A_608 = tpu.memref_slice %arg4[%dma_wait3A_606, %dma_wait3A_607] : memref<10x1000xi32, #tpu.memory_space<vmem>> -> memref<1x1000xi32, #tpu.memory_space<vmem>>
    %dma_wait3A_609 = tpu.memref_squeeze %dma_wait3A_608 : memref<1x1000xi32, #tpu.memory_space<vmem>> -> memref<1000xi32, #tpu.memory_space<vmem>>
    %dma_wait3A_610 = tpu.memref_slice %arg2[%dma_wait3A_605, %add3A_64] : memref<2x320000xi32, #tpu.memory_space<hbm>> -> memref<1x1000xi32, #tpu.memory_space<hbm>>
    %dma_wait3A_611 = tpu.memref_squeeze %dma_wait3A_610 : memref<1x1000xi32, #tpu.memory_space<hbm>> -> memref<1000xi32, #tpu.memory_space<hbm>>
    %dma_wait3A_612 = arith.constant 0 : i32
    %dma_wait3A_613 = tpu.memref_slice %arg4[%dma_wait3A_606, %dma_wait3A_612] : memref<10x1000xi32, #tpu.memory_space<vmem>> -> memref<1x1000xi32, #tpu.memory_space<vmem>>
    %dma_wait3A_614 = tpu.memref_squeeze %dma_wait3A_613 : memref<1x1000xi32, #tpu.memory_space<vmem>> -> memref<1000xi32, #tpu.memory_space<vmem>>
    %dma_wait3A_615 = tpu.memref_slice %arg2[%dma_wait3A_605, %add3A_64] : memref<2x320000xi32, #tpu.memory_space<hbm>> -> memref<1x1000xi32, #tpu.memory_space<hbm>>
    %dma_wait3A_616 = tpu.memref_squeeze %dma_wait3A_615 : memref<1x1000xi32, #tpu.memory_space<hbm>> -> memref<1000xi32, #tpu.memory_space<hbm>>
    tpu.wait_dma2 semaphore(%arg12 : memref<!tpu.dma_semaphore, #tpu.memory_space<semaphore_mem>>) src(%dma_wait3A_616 : memref<1000xi32, #tpu.memory_space<hbm>>) dst(%dma_wait3A_614 : memref<1000xi32, #tpu.memory_space<vmem>>)
    %dma_wait3A_617 = arith.constant 1 : i32
    %dma_wait3A_618 = arith.constant 5 : i32
    %dma_wait3A_619 = arith.constant 0 : i32
    %dma_wait3A_620 = tpu.memref_slice %arg4[%dma_wait3A_618, %dma_wait3A_619] : memref<10x1000xi32, #tpu.memory_space<vmem>> -> memref<1x1000xi32, #tpu.memory_space<vmem>>
    %dma_wait3A_621 = tpu.memref_squeeze %dma_wait3A_620 : memref<1x1000xi32, #tpu.memory_space<vmem>> -> memref<1000xi32, #tpu.memory_space<vmem>>
    %dma_wait3A_622 = tpu.memref_slice %arg2[%dma_wait3A_617, %add3A_78] : memref<2x320000xi32, #tpu.memory_space<hbm>> -> memref<1x1000xi32, #tpu.memory_space<hbm>>
    %dma_wait3A_623 = tpu.memref_squeeze %dma_wait3A_622 : memref<1x1000xi32, #tpu.memory_space<hbm>> -> memref<1000xi32, #tpu.memory_space<hbm>>
    %dma_wait3A_624 = arith.constant 0 : i32
    %dma_wait3A_625 = tpu.memref_slice %arg4[%dma_wait3A_618, %dma_wait3A_624] : memref<10x1000xi32, #tpu.memory_space<vmem>> -> memref<1x1000xi32, #tpu.memory_space<vmem>>
    %dma_wait3A_626 = tpu.memref_squeeze %dma_wait3A_625 : memref<1x1000xi32, #tpu.memory_space<vmem>> -> memref<1000xi32, #tpu.memory_space<vmem>>
    %dma_wait3A_627 = tpu.memref_slice %arg2[%dma_wait3A_617, %add3A_78] : memref<2x320000xi32, #tpu.memory_space<hbm>> -> memref<1x1000xi32, #tpu.memory_space<hbm>>
    %dma_wait3A_628 = tpu.memref_squeeze %dma_wait3A_627 : memref<1x1000xi32, #tpu.memory_space<hbm>> -> memref<1000xi32, #tpu.memory_space<hbm>>
    tpu.wait_dma2 semaphore(%arg13 : memref<!tpu.dma_semaphore, #tpu.memory_space<semaphore_mem>>) src(%dma_wait3A_628 : memref<1000xi32, #tpu.memory_space<hbm>>) dst(%dma_wait3A_626 : memref<1000xi32, #tpu.memory_space<vmem>>)
    %dma_wait3A_629 = arith.constant 1 : i32
    %dma_wait3A_630 = arith.constant 6 : i32
    %dma_wait3A_631 = arith.constant 0 : i32
    %dma_wait3A_632 = tpu.memref_slice %arg4[%dma_wait3A_630, %dma_wait3A_631] : memref<10x1000xi32, #tpu.memory_space<vmem>> -> memref<1x1000xi32, #tpu.memory_space<vmem>>
    %dma_wait3A_633 = tpu.memref_squeeze %dma_wait3A_632 : memref<1x1000xi32, #tpu.memory_space<vmem>> -> memref<1000xi32, #tpu.memory_space<vmem>>
    %dma_wait3A_634 = tpu.memref_slice %arg2[%dma_wait3A_629, %add3A_92] : memref<2x320000xi32, #tpu.memory_space<hbm>> -> memref<1x1000xi32, #tpu.memory_space<hbm>>
    %dma_wait3A_635 = tpu.memref_squeeze %dma_wait3A_634 : memref<1x1000xi32, #tpu.memory_space<hbm>> -> memref<1000xi32, #tpu.memory_space<hbm>>
    %dma_wait3A_636 = arith.constant 0 : i32
    %dma_wait3A_637 = tpu.memref_slice %arg4[%dma_wait3A_630, %dma_wait3A_636] : memref<10x1000xi32, #tpu.memory_space<vmem>> -> memref<1x1000xi32, #tpu.memory_space<vmem>>
    %dma_wait3A_638 = tpu.memref_squeeze %dma_wait3A_637 : memref<1x1000xi32, #tpu.memory_space<vmem>> -> memref<1000xi32, #tpu.memory_space<vmem>>
    %dma_wait3A_639 = tpu.memref_slice %arg2[%dma_wait3A_629, %add3A_92] : memref<2x320000xi32, #tpu.memory_space<hbm>> -> memref<1x1000xi32, #tpu.memory_space<hbm>>
    %dma_wait3A_640 = tpu.memref_squeeze %dma_wait3A_639 : memref<1x1000xi32, #tpu.memory_space<hbm>> -> memref<1000xi32, #tpu.memory_space<hbm>>
    tpu.wait_dma2 semaphore(%arg14 : memref<!tpu.dma_semaphore, #tpu.memory_space<semaphore_mem>>) src(%dma_wait3A_640 : memref<1000xi32, #tpu.memory_space<hbm>>) dst(%dma_wait3A_638 : memref<1000xi32, #tpu.memory_space<vmem>>)
    %dma_wait3A_641 = arith.constant 1 : i32
    %dma_wait3A_642 = arith.constant 7 : i32
    %dma_wait3A_643 = arith.constant 0 : i32
    %dma_wait3A_644 = tpu.memref_slice %arg4[%dma_wait3A_642, %dma_wait3A_643] : memref<10x1000xi32, #tpu.memory_space<vmem>> -> memref<1x1000xi32, #tpu.memory_space<vmem>>
    %dma_wait3A_645 = tpu.memref_squeeze %dma_wait3A_644 : memref<1x1000xi32, #tpu.memory_space<vmem>> -> memref<1000xi32, #tpu.memory_space<vmem>>
    %dma_wait3A_646 = tpu.memref_slice %arg2[%dma_wait3A_641, %add3A_106] : memref<2x320000xi32, #tpu.memory_space<hbm>> -> memref<1x1000xi32, #tpu.memory_space<hbm>>
    %dma_wait3A_647 = tpu.memref_squeeze %dma_wait3A_646 : memref<1x1000xi32, #tpu.memory_space<hbm>> -> memref<1000xi32, #tpu.memory_space<hbm>>
    %dma_wait3A_648 = arith.constant 0 : i32
    %dma_wait3A_649 = tpu.memref_slice %arg4[%dma_wait3A_642, %dma_wait3A_648] : memref<10x1000xi32, #tpu.memory_space<vmem>> -> memref<1x1000xi32, #tpu.memory_space<vmem>>
    %dma_wait3A_650 = tpu.memref_squeeze %dma_wait3A_649 : memref<1x1000xi32, #tpu.memory_space<vmem>> -> memref<1000xi32, #tpu.memory_space<vmem>>
    %dma_wait3A_651 = tpu.memref_slice %arg2[%dma_wait3A_641, %add3A_106] : memref<2x320000xi32, #tpu.memory_space<hbm>> -> memref<1x1000xi32, #tpu.memory_space<hbm>>
    %dma_wait3A_652 = tpu.memref_squeeze %dma_wait3A_651 : memref<1x1000xi32, #tpu.memory_space<hbm>> -> memref<1000xi32, #tpu.memory_space<hbm>>
    tpu.wait_dma2 semaphore(%arg15 : memref<!tpu.dma_semaphore, #tpu.memory_space<semaphore_mem>>) src(%dma_wait3A_652 : memref<1000xi32, #tpu.memory_space<hbm>>) dst(%dma_wait3A_650 : memref<1000xi32, #tpu.memory_space<vmem>>)
    %dma_wait3A_653 = arith.constant 1 : i32
    %dma_wait3A_654 = arith.constant 8 : i32
    %dma_wait3A_655 = arith.constant 0 : i32
    %dma_wait3A_656 = tpu.memref_slice %arg4[%dma_wait3A_654, %dma_wait3A_655] : memref<10x1000xi32, #tpu.memory_space<vmem>> -> memref<1x1000xi32, #tpu.memory_space<vmem>>
    %dma_wait3A_657 = tpu.memref_squeeze %dma_wait3A_656 : memref<1x1000xi32, #tpu.memory_space<vmem>> -> memref<1000xi32, #tpu.memory_space<vmem>>
    %dma_wait3A_658 = tpu.memref_slice %arg2[%dma_wait3A_653, %add3A_120] : memref<2x320000xi32, #tpu.memory_space<hbm>> -> memref<1x1000xi32, #tpu.memory_space<hbm>>
    %dma_wait3A_659 = tpu.memref_squeeze %dma_wait3A_658 : memref<1x1000xi32, #tpu.memory_space<hbm>> -> memref<1000xi32, #tpu.memory_space<hbm>>
    %dma_wait3A_660 = arith.constant 0 : i32
    %dma_wait3A_661 = tpu.memref_slice %arg4[%dma_wait3A_654, %dma_wait3A_660] : memref<10x1000xi32, #tpu.memory_space<vmem>> -> memref<1x1000xi32, #tpu.memory_space<vmem>>
    %dma_wait3A_662 = tpu.memref_squeeze %dma_wait3A_661 : memref<1x1000xi32, #tpu.memory_space<vmem>> -> memref<1000xi32, #tpu.memory_space<vmem>>
    %dma_wait3A_663 = tpu.memref_slice %arg2[%dma_wait3A_653, %add3A_120] : memref<2x320000xi32, #tpu.memory_space<hbm>> -> memref<1x1000xi32, #tpu.memory_space<hbm>>
    %dma_wait3A_664 = tpu.memref_squeeze %dma_wait3A_663 : memref<1x1000xi32, #tpu.memory_space<hbm>> -> memref<1000xi32, #tpu.memory_space<hbm>>
    tpu.wait_dma2 semaphore(%arg16 : memref<!tpu.dma_semaphore, #tpu.memory_space<semaphore_mem>>) src(%dma_wait3A_664 : memref<1000xi32, #tpu.memory_space<hbm>>) dst(%dma_wait3A_662 : memref<1000xi32, #tpu.memory_space<vmem>>)
    %dma_wait3A_665 = arith.constant 1 : i32
    %dma_wait3A_666 = arith.constant 9 : i32
    %dma_wait3A_667 = arith.constant 0 : i32
    %dma_wait3A_668 = tpu.memref_slice %arg4[%dma_wait3A_666, %dma_wait3A_667] : memref<10x1000xi32, #tpu.memory_space<vmem>> -> memref<1x1000xi32, #tpu.memory_space<vmem>>
    %dma_wait3A_669 = tpu.memref_squeeze %dma_wait3A_668 : memref<1x1000xi32, #tpu.memory_space<vmem>> -> memref<1000xi32, #tpu.memory_space<vmem>>
    %dma_wait3A_670 = tpu.memref_slice %arg2[%dma_wait3A_665, %add3A_134] : memref<2x320000xi32, #tpu.memory_space<hbm>> -> memref<1x1000xi32, #tpu.memory_space<hbm>>
    %dma_wait3A_671 = tpu.memref_squeeze %dma_wait3A_670 : memref<1x1000xi32, #tpu.memory_space<hbm>> -> memref<1000xi32, #tpu.memory_space<hbm>>
    %dma_wait3A_672 = arith.constant 0 : i32
    %dma_wait3A_673 = tpu.memref_slice %arg4[%dma_wait3A_666, %dma_wait3A_672] : memref<10x1000xi32, #tpu.memory_space<vmem>> -> memref<1x1000xi32, #tpu.memory_space<vmem>>
    %dma_wait3A_674 = tpu.memref_squeeze %dma_wait3A_673 : memref<1x1000xi32, #tpu.memory_space<vmem>> -> memref<1000xi32, #tpu.memory_space<vmem>>
    %dma_wait3A_675 = tpu.memref_slice %arg2[%dma_wait3A_665, %add3A_134] : memref<2x320000xi32, #tpu.memory_space<hbm>> -> memref<1x1000xi32, #tpu.memory_space<hbm>>
    %dma_wait3A_676 = tpu.memref_squeeze %dma_wait3A_675 : memref<1x1000xi32, #tpu.memory_space<hbm>> -> memref<1000xi32, #tpu.memory_space<hbm>>
    tpu.wait_dma2 semaphore(%arg17 : memref<!tpu.dma_semaphore, #tpu.memory_space<semaphore_mem>>) src(%dma_wait3A_676 : memref<1000xi32, #tpu.memory_space<hbm>>) dst(%dma_wait3A_674 : memref<1000xi32, #tpu.memory_space<vmem>>)
    %barrier3A = arith.constant 0 : index
    tpu.barrier barrier_id(%barrier3A)
    %dma_start3A_677 = arith.constant 0 : i32
    %dma_start3A_678 = arith.constant 0 : i32
    %dma_start3A_679 = tpu.memref_slice %arg4[%dma_start3A_677, %dma_start3A_678] : memref<10x1000xi32, #tpu.memory_space<vmem>> -> memref<1x1000xi32, #tpu.memory_space<vmem>>
    %dma_start3A_680 = tpu.memref_squeeze %dma_start3A_679 : memref<1x1000xi32, #tpu.memory_space<vmem>> -> memref<1000xi32, #tpu.memory_space<vmem>>
    %dma_start3A_681 = arith.constant 0 : i32
    %dma_start3A_682 = tpu.memref_slice %arg7[%dma_start3A_681] : memref<10240xf32, #tpu.memory_space<vmem_shared>> -> memref<10240xf32, #tpu.memory_space<vmem_shared>>
    tpu.enqueue_indirect_dma source(%arg5 : memref<1000xf32, #tpu.memory_space<vmem>>) target(%dma_start3A_682 : memref<10240xf32, #tpu.memory_space<vmem_shared>>) offsets(%dma_start3A_680 : memref<1000xi32, #tpu.memory_space<vmem>>) semaphore(%arg8 : memref<!tpu.dma_semaphore, #tpu.memory_space<semaphore_mem>>) {add = true}
    %dma_start3A_683 = arith.constant 1 : i32
    %dma_start3A_684 = arith.constant 0 : i32
    %dma_start3A_685 = tpu.memref_slice %arg4[%dma_start3A_683, %dma_start3A_684] : memref<10x1000xi32, #tpu.memory_space<vmem>> -> memref<1x1000xi32, #tpu.memory_space<vmem>>
    %dma_start3A_686 = tpu.memref_squeeze %dma_start3A_685 : memref<1x1000xi32, #tpu.memory_space<vmem>> -> memref<1000xi32, #tpu.memory_space<vmem>>
    %dma_start3A_687 = arith.constant 0 : i32
    %dma_start3A_688 = tpu.memref_slice %arg7[%dma_start3A_687] : memref<10240xf32, #tpu.memory_space<vmem_shared>> -> memref<10240xf32, #tpu.memory_space<vmem_shared>>
    tpu.enqueue_indirect_dma source(%arg5 : memref<1000xf32, #tpu.memory_space<vmem>>) target(%dma_start3A_688 : memref<10240xf32, #tpu.memory_space<vmem_shared>>) offsets(%dma_start3A_686 : memref<1000xi32, #tpu.memory_space<vmem>>) semaphore(%arg9 : memref<!tpu.dma_semaphore, #tpu.memory_space<semaphore_mem>>) {add = true}
    %dma_start3A_689 = arith.constant 2 : i32
    %dma_start3A_690 = arith.constant 0 : i32
    %dma_start3A_691 = tpu.memref_slice %arg4[%dma_start3A_689, %dma_start3A_690] : memref<10x1000xi32, #tpu.memory_space<vmem>> -> memref<1x1000xi32, #tpu.memory_space<vmem>>
    %dma_start3A_692 = tpu.memref_squeeze %dma_start3A_691 : memref<1x1000xi32, #tpu.memory_space<vmem>> -> memref<1000xi32, #tpu.memory_space<vmem>>
    %dma_start3A_693 = arith.constant 0 : i32
    %dma_start3A_694 = tpu.memref_slice %arg7[%dma_start3A_693] : memref<10240xf32, #tpu.memory_space<vmem_shared>> -> memref<10240xf32, #tpu.memory_space<vmem_shared>>
    tpu.enqueue_indirect_dma source(%arg5 : memref<1000xf32, #tpu.memory_space<vmem>>) target(%dma_start3A_694 : memref<10240xf32, #tpu.memory_space<vmem_shared>>) offsets(%dma_start3A_692 : memref<1000xi32, #tpu.memory_space<vmem>>) semaphore(%arg10 : memref<!tpu.dma_semaphore, #tpu.memory_space<semaphore_mem>>) {add = true}
    %dma_start3A_695 = arith.constant 3 : i32
    %dma_start3A_696 = arith.constant 0 : i32
    %dma_start3A_697 = tpu.memref_slice %arg4[%dma_start3A_695, %dma_start3A_696] : memref<10x1000xi32, #tpu.memory_space<vmem>> -> memref<1x1000xi32, #tpu.memory_space<vmem>>
    %dma_start3A_698 = tpu.memref_squeeze %dma_start3A_697 : memref<1x1000xi32, #tpu.memory_space<vmem>> -> memref<1000xi32, #tpu.memory_space<vmem>>
    %dma_start3A_699 = arith.constant 0 : i32
    %dma_start3A_700 = tpu.memref_slice %arg7[%dma_start3A_699] : memref<10240xf32, #tpu.memory_space<vmem_shared>> -> memref<10240xf32, #tpu.memory_space<vmem_shared>>
    tpu.enqueue_indirect_dma source(%arg5 : memref<1000xf32, #tpu.memory_space<vmem>>) target(%dma_start3A_700 : memref<10240xf32, #tpu.memory_space<vmem_shared>>) offsets(%dma_start3A_698 : memref<1000xi32, #tpu.memory_space<vmem>>) semaphore(%arg11 : memref<!tpu.dma_semaphore, #tpu.memory_space<semaphore_mem>>) {add = true}
    %dma_start3A_701 = arith.constant 4 : i32
    %dma_start3A_702 = arith.constant 0 : i32
    %dma_start3A_703 = tpu.memref_slice %arg4[%dma_start3A_701, %dma_start3A_702] : memref<10x1000xi32, #tpu.memory_space<vmem>> -> memref<1x1000xi32, #tpu.memory_space<vmem>>
    %dma_start3A_704 = tpu.memref_squeeze %dma_start3A_703 : memref<1x1000xi32, #tpu.memory_space<vmem>> -> memref<1000xi32, #tpu.memory_space<vmem>>
    %dma_start3A_705 = arith.constant 0 : i32
    %dma_start3A_706 = tpu.memref_slice %arg7[%dma_start3A_705] : memref<10240xf32, #tpu.memory_space<vmem_shared>> -> memref<10240xf32, #tpu.memory_space<vmem_shared>>
    tpu.enqueue_indirect_dma source(%arg5 : memref<1000xf32, #tpu.memory_space<vmem>>) target(%dma_start3A_706 : memref<10240xf32, #tpu.memory_space<vmem_shared>>) offsets(%dma_start3A_704 : memref<1000xi32, #tpu.memory_space<vmem>>) semaphore(%arg12 : memref<!tpu.dma_semaphore, #tpu.memory_space<semaphore_mem>>) {add = true}
    %dma_start3A_707 = arith.constant 5 : i32
    %dma_start3A_708 = arith.constant 0 : i32
    %dma_start3A_709 = tpu.memref_slice %arg4[%dma_start3A_707, %dma_start3A_708] : memref<10x1000xi32, #tpu.memory_space<vmem>> -> memref<1x1000xi32, #tpu.memory_space<vmem>>
    %dma_start3A_710 = tpu.memref_squeeze %dma_start3A_709 : memref<1x1000xi32, #tpu.memory_space<vmem>> -> memref<1000xi32, #tpu.memory_space<vmem>>
    %dma_start3A_711 = arith.constant 0 : i32
    %dma_start3A_712 = tpu.memref_slice %arg7[%dma_start3A_711] : memref<10240xf32, #tpu.memory_space<vmem_shared>> -> memref<10240xf32, #tpu.memory_space<vmem_shared>>
    tpu.enqueue_indirect_dma source(%arg5 : memref<1000xf32, #tpu.memory_space<vmem>>) target(%dma_start3A_712 : memref<10240xf32, #tpu.memory_space<vmem_shared>>) offsets(%dma_start3A_710 : memref<1000xi32, #tpu.memory_space<vmem>>) semaphore(%arg13 : memref<!tpu.dma_semaphore, #tpu.memory_space<semaphore_mem>>) {add = true}
    %dma_start3A_713 = arith.constant 6 : i32
    %dma_start3A_714 = arith.constant 0 : i32
    %dma_start3A_715 = tpu.memref_slice %arg4[%dma_start3A_713, %dma_start3A_714] : memref<10x1000xi32, #tpu.memory_space<vmem>> -> memref<1x1000xi32, #tpu.memory_space<vmem>>
    %dma_start3A_716 = tpu.memref_squeeze %dma_start3A_715 : memref<1x1000xi32, #tpu.memory_space<vmem>> -> memref<1000xi32, #tpu.memory_space<vmem>>
    %dma_start3A_717 = arith.constant 0 : i32
    %dma_start3A_718 = tpu.memref_slice %arg7[%dma_start3A_717] : memref<10240xf32, #tpu.memory_space<vmem_shared>> -> memref<10240xf32, #tpu.memory_space<vmem_shared>>
    tpu.enqueue_indirect_dma source(%arg5 : memref<1000xf32, #tpu.memory_space<vmem>>) target(%dma_start3A_718 : memref<10240xf32, #tpu.memory_space<vmem_shared>>) offsets(%dma_start3A_716 : memref<1000xi32, #tpu.memory_space<vmem>>) semaphore(%arg14 : memref<!tpu.dma_semaphore, #tpu.memory_space<semaphore_mem>>) {add = true}
    %dma_start3A_719 = arith.constant 7 : i32
    %dma_start3A_720 = arith.constant 0 : i32
    %dma_start3A_721 = tpu.memref_slice %arg4[%dma_start3A_719, %dma_start3A_720] : memref<10x1000xi32, #tpu.memory_space<vmem>> -> memref<1x1000xi32, #tpu.memory_space<vmem>>
    %dma_start3A_722 = tpu.memref_squeeze %dma_start3A_721 : memref<1x1000xi32, #tpu.memory_space<vmem>> -> memref<1000xi32, #tpu.memory_space<vmem>>
    %dma_start3A_723 = arith.constant 0 : i32
    %dma_start3A_724 = tpu.memref_slice %arg7[%dma_start3A_723] : memref<10240xf32, #tpu.memory_space<vmem_shared>> -> memref<10240xf32, #tpu.memory_space<vmem_shared>>
    tpu.enqueue_indirect_dma source(%arg5 : memref<1000xf32, #tpu.memory_space<vmem>>) target(%dma_start3A_724 : memref<10240xf32, #tpu.memory_space<vmem_shared>>) offsets(%dma_start3A_722 : memref<1000xi32, #tpu.memory_space<vmem>>) semaphore(%arg15 : memref<!tpu.dma_semaphore, #tpu.memory_space<semaphore_mem>>) {add = true}
    %dma_start3A_725 = arith.constant 8 : i32
    %dma_start3A_726 = arith.constant 0 : i32
    %dma_start3A_727 = tpu.memref_slice %arg4[%dma_start3A_725, %dma_start3A_726] : memref<10x1000xi32, #tpu.memory_space<vmem>> -> memref<1x1000xi32, #tpu.memory_space<vmem>>
    %dma_start3A_728 = tpu.memref_squeeze %dma_start3A_727 : memref<1x1000xi32, #tpu.memory_space<vmem>> -> memref<1000xi32, #tpu.memory_space<vmem>>
    %dma_start3A_729 = arith.constant 0 : i32
    %dma_start3A_730 = tpu.memref_slice %arg7[%dma_start3A_729] : memref<10240xf32, #tpu.memory_space<vmem_shared>> -> memref<10240xf32, #tpu.memory_space<vmem_shared>>
    tpu.enqueue_indirect_dma source(%arg5 : memref<1000xf32, #tpu.memory_space<vmem>>) target(%dma_start3A_730 : memref<10240xf32, #tpu.memory_space<vmem_shared>>) offsets(%dma_start3A_728 : memref<1000xi32, #tpu.memory_space<vmem>>) semaphore(%arg16 : memref<!tpu.dma_semaphore, #tpu.memory_space<semaphore_mem>>) {add = true}
    %dma_start3A_731 = arith.constant 9 : i32
    %dma_start3A_732 = arith.constant 0 : i32
    %dma_start3A_733 = tpu.memref_slice %arg4[%dma_start3A_731, %dma_start3A_732] : memref<10x1000xi32, #tpu.memory_space<vmem>> -> memref<1x1000xi32, #tpu.memory_space<vmem>>
    %dma_start3A_734 = tpu.memref_squeeze %dma_start3A_733 : memref<1x1000xi32, #tpu.memory_space<vmem>> -> memref<1000xi32, #tpu.memory_space<vmem>>
    %dma_start3A_735 = arith.constant 0 : i32
    %dma_start3A_736 = tpu.memref_slice %arg7[%dma_start3A_735] : memref<10240xf32, #tpu.memory_space<vmem_shared>> -> memref<10240xf32, #tpu.memory_space<vmem_shared>>
    tpu.enqueue_indirect_dma source(%arg5 : memref<1000xf32, #tpu.memory_space<vmem>>) target(%dma_start3A_736 : memref<10240xf32, #tpu.memory_space<vmem_shared>>) offsets(%dma_start3A_734 : memref<1000xi32, #tpu.memory_space<vmem>>) semaphore(%arg17 : memref<!tpu.dma_semaphore, #tpu.memory_space<semaphore_mem>>) {add = true}
    %dma_wait3A_737 = arith.constant 0 : i32
    %dma_wait3A_738 = arith.constant 0 : i32
    %dma_wait3A_739 = tpu.memref_slice %arg4[%dma_wait3A_737, %dma_wait3A_738] : memref<10x1000xi32, #tpu.memory_space<vmem>> -> memref<1x1000xi32, #tpu.memory_space<vmem>>
    %dma_wait3A_740 = tpu.memref_squeeze %dma_wait3A_739 : memref<1x1000xi32, #tpu.memory_space<vmem>> -> memref<1000xi32, #tpu.memory_space<vmem>>
    %dma_wait3A_741 = arith.constant 0 : i32
    %dma_wait3A_742 = tpu.memref_slice %arg7[%dma_wait3A_741] : memref<10240xf32, #tpu.memory_space<vmem_shared>> -> memref<10240xf32, #tpu.memory_space<vmem_shared>>
    tpu.wait_indirect_dma semaphore(%arg8 : memref<!tpu.dma_semaphore, #tpu.memory_space<semaphore_mem>>) src(%arg5 : memref<1000xf32, #tpu.memory_space<vmem>>) dst(%dma_wait3A_742 : memref<10240xf32, #tpu.memory_space<vmem_shared>>)
    %dma_wait3A_743 = arith.constant 1 : i32
    %dma_wait3A_744 = arith.constant 0 : i32
    %dma_wait3A_745 = tpu.memref_slice %arg4[%dma_wait3A_743, %dma_wait3A_744] : memref<10x1000xi32, #tpu.memory_space<vmem>> -> memref<1x1000xi32, #tpu.memory_space<vmem>>
    %dma_wait3A_746 = tpu.memref_squeeze %dma_wait3A_745 : memref<1x1000xi32, #tpu.memory_space<vmem>> -> memref<1000xi32, #tpu.memory_space<vmem>>
    %dma_wait3A_747 = arith.constant 0 : i32
    %dma_wait3A_748 = tpu.memref_slice %arg7[%dma_wait3A_747] : memref<10240xf32, #tpu.memory_space<vmem_shared>> -> memref<10240xf32, #tpu.memory_space<vmem_shared>>
    tpu.wait_indirect_dma semaphore(%arg9 : memref<!tpu.dma_semaphore, #tpu.memory_space<semaphore_mem>>) src(%arg5 : memref<1000xf32, #tpu.memory_space<vmem>>) dst(%dma_wait3A_748 : memref<10240xf32, #tpu.memory_space<vmem_shared>>)
    %dma_wait3A_749 = arith.constant 2 : i32
    %dma_wait3A_750 = arith.constant 0 : i32
    %dma_wait3A_751 = tpu.memref_slice %arg4[%dma_wait3A_749, %dma_wait3A_750] : memref<10x1000xi32, #tpu.memory_space<vmem>> -> memref<1x1000xi32, #tpu.memory_space<vmem>>
    %dma_wait3A_752 = tpu.memref_squeeze %dma_wait3A_751 : memref<1x1000xi32, #tpu.memory_space<vmem>> -> memref<1000xi32, #tpu.memory_space<vmem>>
    %dma_wait3A_753 = arith.constant 0 : i32
    %dma_wait3A_754 = tpu.memref_slice %arg7[%dma_wait3A_753] : memref<10240xf32, #tpu.memory_space<vmem_shared>> -> memref<10240xf32, #tpu.memory_space<vmem_shared>>
    tpu.wait_indirect_dma semaphore(%arg10 : memref<!tpu.dma_semaphore, #tpu.memory_space<semaphore_mem>>) src(%arg5 : memref<1000xf32, #tpu.memory_space<vmem>>) dst(%dma_wait3A_754 : memref<10240xf32, #tpu.memory_space<vmem_shared>>)
    %dma_wait3A_755 = arith.constant 3 : i32
    %dma_wait3A_756 = arith.constant 0 : i32
    %dma_wait3A_757 = tpu.memref_slice %arg4[%dma_wait3A_755, %dma_wait3A_756] : memref<10x1000xi32, #tpu.memory_space<vmem>> -> memref<1x1000xi32, #tpu.memory_space<vmem>>
    %dma_wait3A_758 = tpu.memref_squeeze %dma_wait3A_757 : memref<1x1000xi32, #tpu.memory_space<vmem>> -> memref<1000xi32, #tpu.memory_space<vmem>>
    %dma_wait3A_759 = arith.constant 0 : i32
    %dma_wait3A_760 = tpu.memref_slice %arg7[%dma_wait3A_759] : memref<10240xf32, #tpu.memory_space<vmem_shared>> -> memref<10240xf32, #tpu.memory_space<vmem_shared>>
    tpu.wait_indirect_dma semaphore(%arg11 : memref<!tpu.dma_semaphore, #tpu.memory_space<semaphore_mem>>) src(%arg5 : memref<1000xf32, #tpu.memory_space<vmem>>) dst(%dma_wait3A_760 : memref<10240xf32, #tpu.memory_space<vmem_shared>>)
    %dma_wait3A_761 = arith.constant 4 : i32
    %dma_wait3A_762 = arith.constant 0 : i32
    %dma_wait3A_763 = tpu.memref_slice %arg4[%dma_wait3A_761, %dma_wait3A_762] : memref<10x1000xi32, #tpu.memory_space<vmem>> -> memref<1x1000xi32, #tpu.memory_space<vmem>>
    %dma_wait3A_764 = tpu.memref_squeeze %dma_wait3A_763 : memref<1x1000xi32, #tpu.memory_space<vmem>> -> memref<1000xi32, #tpu.memory_space<vmem>>
    %dma_wait3A_765 = arith.constant 0 : i32
    %dma_wait3A_766 = tpu.memref_slice %arg7[%dma_wait3A_765] : memref<10240xf32, #tpu.memory_space<vmem_shared>> -> memref<10240xf32, #tpu.memory_space<vmem_shared>>
    tpu.wait_indirect_dma semaphore(%arg12 : memref<!tpu.dma_semaphore, #tpu.memory_space<semaphore_mem>>) src(%arg5 : memref<1000xf32, #tpu.memory_space<vmem>>) dst(%dma_wait3A_766 : memref<10240xf32, #tpu.memory_space<vmem_shared>>)
    %dma_wait3A_767 = arith.constant 5 : i32
    %dma_wait3A_768 = arith.constant 0 : i32
    %dma_wait3A_769 = tpu.memref_slice %arg4[%dma_wait3A_767, %dma_wait3A_768] : memref<10x1000xi32, #tpu.memory_space<vmem>> -> memref<1x1000xi32, #tpu.memory_space<vmem>>
    %dma_wait3A_770 = tpu.memref_squeeze %dma_wait3A_769 : memref<1x1000xi32, #tpu.memory_space<vmem>> -> memref<1000xi32, #tpu.memory_space<vmem>>
    %dma_wait3A_771 = arith.constant 0 : i32
    %dma_wait3A_772 = tpu.memref_slice %arg7[%dma_wait3A_771] : memref<10240xf32, #tpu.memory_space<vmem_shared>> -> memref<10240xf32, #tpu.memory_space<vmem_shared>>
    tpu.wait_indirect_dma semaphore(%arg13 : memref<!tpu.dma_semaphore, #tpu.memory_space<semaphore_mem>>) src(%arg5 : memref<1000xf32, #tpu.memory_space<vmem>>) dst(%dma_wait3A_772 : memref<10240xf32, #tpu.memory_space<vmem_shared>>)
    %dma_wait3A_773 = arith.constant 6 : i32
    %dma_wait3A_774 = arith.constant 0 : i32
    %dma_wait3A_775 = tpu.memref_slice %arg4[%dma_wait3A_773, %dma_wait3A_774] : memref<10x1000xi32, #tpu.memory_space<vmem>> -> memref<1x1000xi32, #tpu.memory_space<vmem>>
    %dma_wait3A_776 = tpu.memref_squeeze %dma_wait3A_775 : memref<1x1000xi32, #tpu.memory_space<vmem>> -> memref<1000xi32, #tpu.memory_space<vmem>>
    %dma_wait3A_777 = arith.constant 0 : i32
    %dma_wait3A_778 = tpu.memref_slice %arg7[%dma_wait3A_777] : memref<10240xf32, #tpu.memory_space<vmem_shared>> -> memref<10240xf32, #tpu.memory_space<vmem_shared>>
    tpu.wait_indirect_dma semaphore(%arg14 : memref<!tpu.dma_semaphore, #tpu.memory_space<semaphore_mem>>) src(%arg5 : memref<1000xf32, #tpu.memory_space<vmem>>) dst(%dma_wait3A_778 : memref<10240xf32, #tpu.memory_space<vmem_shared>>)
    %dma_wait3A_779 = arith.constant 7 : i32
    %dma_wait3A_780 = arith.constant 0 : i32
    %dma_wait3A_781 = tpu.memref_slice %arg4[%dma_wait3A_779, %dma_wait3A_780] : memref<10x1000xi32, #tpu.memory_space<vmem>> -> memref<1x1000xi32, #tpu.memory_space<vmem>>
    %dma_wait3A_782 = tpu.memref_squeeze %dma_wait3A_781 : memref<1x1000xi32, #tpu.memory_space<vmem>> -> memref<1000xi32, #tpu.memory_space<vmem>>
    %dma_wait3A_783 = arith.constant 0 : i32
    %dma_wait3A_784 = tpu.memref_slice %arg7[%dma_wait3A_783] : memref<10240xf32, #tpu.memory_space<vmem_shared>> -> memref<10240xf32, #tpu.memory_space<vmem_shared>>
    tpu.wait_indirect_dma semaphore(%arg15 : memref<!tpu.dma_semaphore, #tpu.memory_space<semaphore_mem>>) src(%arg5 : memref<1000xf32, #tpu.memory_space<vmem>>) dst(%dma_wait3A_784 : memref<10240xf32, #tpu.memory_space<vmem_shared>>)
    %dma_wait3A_785 = arith.constant 8 : i32
    %dma_wait3A_786 = arith.constant 0 : i32
    %dma_wait3A_787 = tpu.memref_slice %arg4[%dma_wait3A_785, %dma_wait3A_786] : memref<10x1000xi32, #tpu.memory_space<vmem>> -> memref<1x1000xi32, #tpu.memory_space<vmem>>
    %dma_wait3A_788 = tpu.memref_squeeze %dma_wait3A_787 : memref<1x1000xi32, #tpu.memory_space<vmem>> -> memref<1000xi32, #tpu.memory_space<vmem>>
    %dma_wait3A_789 = arith.constant 0 : i32
    %dma_wait3A_790 = tpu.memref_slice %arg7[%dma_wait3A_789] : memref<10240xf32, #tpu.memory_space<vmem_shared>> -> memref<10240xf32, #tpu.memory_space<vmem_shared>>
    tpu.wait_indirect_dma semaphore(%arg16 : memref<!tpu.dma_semaphore, #tpu.memory_space<semaphore_mem>>) src(%arg5 : memref<1000xf32, #tpu.memory_space<vmem>>) dst(%dma_wait3A_790 : memref<10240xf32, #tpu.memory_space<vmem_shared>>)
    %dma_wait3A_791 = arith.constant 9 : i32
    %dma_wait3A_792 = arith.constant 0 : i32
    %dma_wait3A_793 = tpu.memref_slice %arg4[%dma_wait3A_791, %dma_wait3A_792] : memref<10x1000xi32, #tpu.memory_space<vmem>> -> memref<1x1000xi32, #tpu.memory_space<vmem>>
    %dma_wait3A_794 = tpu.memref_squeeze %dma_wait3A_793 : memref<1x1000xi32, #tpu.memory_space<vmem>> -> memref<1000xi32, #tpu.memory_space<vmem>>
    %dma_wait3A_795 = arith.constant 0 : i32
    %dma_wait3A_796 = tpu.memref_slice %arg7[%dma_wait3A_795] : memref<10240xf32, #tpu.memory_space<vmem_shared>> -> memref<10240xf32, #tpu.memory_space<vmem_shared>>
    tpu.wait_indirect_dma semaphore(%arg17 : memref<!tpu.dma_semaphore, #tpu.memory_space<semaphore_mem>>) src(%arg5 : memref<1000xf32, #tpu.memory_space<vmem>>) dst(%dma_wait3A_796 : memref<10240xf32, #tpu.memory_space<vmem_shared>>)
    %barrier3A_797 = arith.constant 0 : index
    tpu.barrier barrier_id(%barrier3A_797)
    "tpu.region"() ({
      %run_scoped3A = tpu.sem_alloc : memref<!tpu.dma_semaphore, #tpu.memory_space<semaphore_mem>>
      %dma_start3A_803 = arith.constant 0 : i32
      %dma_start3A_804 = tpu.memref_slice %arg5[%dma_start3A_803] : memref<1000xf32, #tpu.memory_space<vmem>> -> memref<640xf32, #tpu.memory_space<vmem>>
      %dma_start3A_805 = tpu.memref_slice %arg7[%mul3A_2] : memref<10240xf32, #tpu.memory_space<vmem_shared>> -> memref<640xf32, #tpu.memory_space<vmem_shared>>
      %dma_start3A_806 = arith.constant 0 : i32
      %dma_start3A_807 = tpu.memref_slice %arg5[%dma_start3A_806] : memref<1000xf32, #tpu.memory_space<vmem>> -> memref<640xf32, #tpu.memory_space<vmem>>
      %dma_start3A_808 = tpu.memref_slice %arg7[%mul3A_2] : memref<10240xf32, #tpu.memory_space<vmem_shared>> -> memref<640xf32, #tpu.memory_space<vmem_shared>>
      tpu.enqueue_dma source(%dma_start3A_808 : memref<640xf32, #tpu.memory_space<vmem_shared>>) target(%dma_start3A_807 : memref<640xf32, #tpu.memory_space<vmem>>) target_semaphore(%run_scoped3A : memref<!tpu.dma_semaphore, #tpu.memory_space<semaphore_mem>>)
      %dma_wait3A_809 = arith.constant 0 : i32
      %dma_wait3A_810 = tpu.memref_slice %arg5[%dma_wait3A_809] : memref<1000xf32, #tpu.memory_space<vmem>> -> memref<640xf32, #tpu.memory_space<vmem>>
      %dma_wait3A_811 = tpu.memref_slice %arg7[%mul3A_2] : memref<10240xf32, #tpu.memory_space<vmem_shared>> -> memref<640xf32, #tpu.memory_space<vmem_shared>>
      %dma_wait3A_812 = arith.constant 0 : i32
      %dma_wait3A_813 = tpu.memref_slice %arg5[%dma_wait3A_812] : memref<1000xf32, #tpu.memory_space<vmem>> -> memref<640xf32, #tpu.memory_space<vmem>>
      %dma_wait3A_814 = tpu.memref_slice %arg7[%mul3A_2] : memref<10240xf32, #tpu.memory_space<vmem_shared>> -> memref<640xf32, #tpu.memory_space<vmem_shared>>
      tpu.wait_dma2 semaphore(%run_scoped3A : memref<!tpu.dma_semaphore, #tpu.memory_space<semaphore_mem>>) src(%dma_wait3A_814 : memref<640xf32, #tpu.memory_space<vmem_shared>>) dst(%dma_wait3A_813 : memref<640xf32, #tpu.memory_space<vmem>>)
      tpu.yield
    }) : () -> ()
    %scan3A = arith.constant 0 : i32
    %scan3A_798 = arith.constant 0 : i32
    %scan3A_799 = arith.constant 40 : i32
    %scan3A_800 = arith.addi %scan3A_798, %scan3A_799 : i32
    %scan3A_801 = arith.constant 1 : i32
    scf.for %scan3A_803 = %scan3A_798 to %scan3A_800 step %scan3A_801  : i32 {
      %mul3A_804 = arith.constant 16 : i32
      %mul3A_805 = arith.muli %scan3A_803, %mul3A_804 : i32
      %get3A = arith.index_cast %mul3A_805 : i32 to index
      %get3A_806 = tpu.vector_load %arg5[%get3A] {strides = array<i32>} : memref<1000xf32, #tpu.memory_space<vmem>>, vector<16xf32>,
      %get3A_807 = vector.shape_cast %get3A_806 : vector<16xf32> to vector<16xf32>
      %slice3A = vector.extract_strided_slice %get3A_807 {offsets = [0], sizes = [1], strides = [1]} : vector<16xf32> to vector<1xf32>
      %squeeze3A = vector.extract %slice3A[0] : f32 from vector<1xf32>
      %broadcast_in_dim3A_808 = vector.broadcast %squeeze3A : f32 to vector<16xf32>
      %mul3A_809 = arith.constant 16 : i32
      %mul3A_810 = arith.muli %scan3A_803, %mul3A_809 : i32
      %add3A_811 = arith.constant 0 : i32
      %add3A_812 = arith.addi %mul3A_810, %add3A_811 : i32
      %swap3A_813 = arith.index_cast %add3A_812 : i32 to index
      %swap3A_814 = arith.constant 0 : index
      %swap3A_815 = tpu.vector_load %arg6[%swap3A_813, %swap3A_814] {strides = array<i32>} : memref<640x16xf32, #tpu.memory_space<vmem>>, vector<1x16xf32>,
      %swap3A_816 = vector.shape_cast %swap3A_815 : vector<1x16xf32> to vector<16xf32>
      %swap3A_817 = vector.shape_cast %broadcast_in_dim3A_808 : vector<16xf32> to vector<1x16xf32>
      tpu.vector_store %arg6[%swap3A_813, %swap3A_814], %swap3A_817 {strides = array<i32>} : memref<640x16xf32, #tpu.memory_space<vmem>>, vector<1x16xf32>,
      %slice3A_818 = vector.extract_strided_slice %get3A_807 {offsets = [1], sizes = [1], strides = [1]} : vector<16xf32> to vector<1xf32>
      %squeeze3A_819 = vector.extract %slice3A_818[0] : f32 from vector<1xf32>
      %broadcast_in_dim3A_820 = vector.broadcast %squeeze3A_819 : f32 to vector<16xf32>
      %mul3A_821 = arith.constant 16 : i32
      %mul3A_822 = arith.muli %scan3A_803, %mul3A_821 : i32
      %add3A_823 = arith.constant 1 : i32
      %add3A_824 = arith.addi %mul3A_822, %add3A_823 : i32
      %swap3A_825 = arith.index_cast %add3A_824 : i32 to index
      %swap3A_826 = arith.constant 0 : index
      %swap3A_827 = tpu.vector_load %arg6[%swap3A_825, %swap3A_826] {strides = array<i32>} : memref<640x16xf32, #tpu.memory_space<vmem>>, vector<1x16xf32>,
      %swap3A_828 = vector.shape_cast %swap3A_827 : vector<1x16xf32> to vector<16xf32>
      %swap3A_829 = vector.shape_cast %broadcast_in_dim3A_820 : vector<16xf32> to vector<1x16xf32>
      tpu.vector_store %arg6[%swap3A_825, %swap3A_826], %swap3A_829 {strides = array<i32>} : memref<640x16xf32, #tpu.memory_space<vmem>>, vector<1x16xf32>,
      %slice3A_830 = vector.extract_strided_slice %get3A_807 {offsets = [2], sizes = [1], strides = [1]} : vector<16xf32> to vector<1xf32>
      %squeeze3A_831 = vector.extract %slice3A_830[0] : f32 from vector<1xf32>
      %broadcast_in_dim3A_832 = vector.broadcast %squeeze3A_831 : f32 to vector<16xf32>
      %mul3A_833 = arith.constant 16 : i32
      %mul3A_834 = arith.muli %scan3A_803, %mul3A_833 : i32
      %add3A_835 = arith.constant 2 : i32
      %add3A_836 = arith.addi %mul3A_834, %add3A_835 : i32
      %swap3A_837 = arith.index_cast %add3A_836 : i32 to index
      %swap3A_838 = arith.constant 0 : index
      %swap3A_839 = tpu.vector_load %arg6[%swap3A_837, %swap3A_838] {strides = array<i32>} : memref<640x16xf32, #tpu.memory_space<vmem>>, vector<1x16xf32>,
      %swap3A_840 = vector.shape_cast %swap3A_839 : vector<1x16xf32> to vector<16xf32>
      %swap3A_841 = vector.shape_cast %broadcast_in_dim3A_832 : vector<16xf32> to vector<1x16xf32>
      tpu.vector_store %arg6[%swap3A_837, %swap3A_838], %swap3A_841 {strides = array<i32>} : memref<640x16xf32, #tpu.memory_space<vmem>>, vector<1x16xf32>,
      %slice3A_842 = vector.extract_strided_slice %get3A_807 {offsets = [3], sizes = [1], strides = [1]} : vector<16xf32> to vector<1xf32>
      %squeeze3A_843 = vector.extract %slice3A_842[0] : f32 from vector<1xf32>
      %broadcast_in_dim3A_844 = vector.broadcast %squeeze3A_843 : f32 to vector<16xf32>
      %mul3A_845 = arith.constant 16 : i32
      %mul3A_846 = arith.muli %scan3A_803, %mul3A_845 : i32
      %add3A_847 = arith.constant 3 : i32
      %add3A_848 = arith.addi %mul3A_846, %add3A_847 : i32
      %swap3A_849 = arith.index_cast %add3A_848 : i32 to index
      %swap3A_850 = arith.constant 0 : index
      %swap3A_851 = tpu.vector_load %arg6[%swap3A_849, %swap3A_850] {strides = array<i32>} : memref<640x16xf32, #tpu.memory_space<vmem>>, vector<1x16xf32>,
      %swap3A_852 = vector.shape_cast %swap3A_851 : vector<1x16xf32> to vector<16xf32>
      %swap3A_853 = vector.shape_cast %broadcast_in_dim3A_844 : vector<16xf32> to vector<1x16xf32>
      tpu.vector_store %arg6[%swap3A_849, %swap3A_850], %swap3A_853 {strides = array<i32>} : memref<640x16xf32, #tpu.memory_space<vmem>>, vector<1x16xf32>,
      %slice3A_854 = vector.extract_strided_slice %get3A_807 {offsets = [4], sizes = [1], strides = [1]} : vector<16xf32> to vector<1xf32>
      %squeeze3A_855 = vector.extract %slice3A_854[0] : f32 from vector<1xf32>
      %broadcast_in_dim3A_856 = vector.broadcast %squeeze3A_855 : f32 to vector<16xf32>
      %mul3A_857 = arith.constant 16 : i32
      %mul3A_858 = arith.muli %scan3A_803, %mul3A_857 : i32
      %add3A_859 = arith.constant 4 : i32
      %add3A_860 = arith.addi %mul3A_858, %add3A_859 : i32
      %swap3A_861 = arith.index_cast %add3A_860 : i32 to index
      %swap3A_862 = arith.constant 0 : index
      %swap3A_863 = tpu.vector_load %arg6[%swap3A_861, %swap3A_862] {strides = array<i32>} : memref<640x16xf32, #tpu.memory_space<vmem>>, vector<1x16xf32>,
      %swap3A_864 = vector.shape_cast %swap3A_863 : vector<1x16xf32> to vector<16xf32>
      %swap3A_865 = vector.shape_cast %broadcast_in_dim3A_856 : vector<16xf32> to vector<1x16xf32>
      tpu.vector_store %arg6[%swap3A_861, %swap3A_862], %swap3A_865 {strides = array<i32>} : memref<640x16xf32, #tpu.memory_space<vmem>>, vector<1x16xf32>,
      %slice3A_866 = vector.extract_strided_slice %get3A_807 {offsets = [5], sizes = [1], strides = [1]} : vector<16xf32> to vector<1xf32>
      %squeeze3A_867 = vector.extract %slice3A_866[0] : f32 from vector<1xf32>
      %broadcast_in_dim3A_868 = vector.broadcast %squeeze3A_867 : f32 to vector<16xf32>
      %mul3A_869 = arith.constant 16 : i32
      %mul3A_870 = arith.muli %scan3A_803, %mul3A_869 : i32
      %add3A_871 = arith.constant 5 : i32
      %add3A_872 = arith.addi %mul3A_870, %add3A_871 : i32
      %swap3A_873 = arith.index_cast %add3A_872 : i32 to index
      %swap3A_874 = arith.constant 0 : index
      %swap3A_875 = tpu.vector_load %arg6[%swap3A_873, %swap3A_874] {strides = array<i32>} : memref<640x16xf32, #tpu.memory_space<vmem>>, vector<1x16xf32>,
      %swap3A_876 = vector.shape_cast %swap3A_875 : vector<1x16xf32> to vector<16xf32>
      %swap3A_877 = vector.shape_cast %broadcast_in_dim3A_868 : vector<16xf32> to vector<1x16xf32>
      tpu.vector_store %arg6[%swap3A_873, %swap3A_874], %swap3A_877 {strides = array<i32>} : memref<640x16xf32, #tpu.memory_space<vmem>>, vector<1x16xf32>,
      %slice3A_878 = vector.extract_strided_slice %get3A_807 {offsets = [6], sizes = [1], strides = [1]} : vector<16xf32> to vector<1xf32>
      %squeeze3A_879 = vector.extract %slice3A_878[0] : f32 from vector<1xf32>
      %broadcast_in_dim3A_880 = vector.broadcast %squeeze3A_879 : f32 to vector<16xf32>
      %mul3A_881 = arith.constant 16 : i32
      %mul3A_882 = arith.muli %scan3A_803, %mul3A_881 : i32
      %add3A_883 = arith.constant 6 : i32
      %add3A_884 = arith.addi %mul3A_882, %add3A_883 : i32
      %swap3A_885 = arith.index_cast %add3A_884 : i32 to index
      %swap3A_886 = arith.constant 0 : index
      %swap3A_887 = tpu.vector_load %arg6[%swap3A_885, %swap3A_886] {strides = array<i32>} : memref<640x16xf32, #tpu.memory_space<vmem>>, vector<1x16xf32>,
      %swap3A_888 = vector.shape_cast %swap3A_887 : vector<1x16xf32> to vector<16xf32>
      %swap3A_889 = vector.shape_cast %broadcast_in_dim3A_880 : vector<16xf32> to vector<1x16xf32>
      tpu.vector_store %arg6[%swap3A_885, %swap3A_886], %swap3A_889 {strides = array<i32>} : memref<640x16xf32, #tpu.memory_space<vmem>>, vector<1x16xf32>,
      %slice3A_890 = vector.extract_strided_slice %get3A_807 {offsets = [7], sizes = [1], strides = [1]} : vector<16xf32> to vector<1xf32>
      %squeeze3A_891 = vector.extract %slice3A_890[0] : f32 from vector<1xf32>
      %broadcast_in_dim3A_892 = vector.broadcast %squeeze3A_891 : f32 to vector<16xf32>
      %mul3A_893 = arith.constant 16 : i32
      %mul3A_894 = arith.muli %scan3A_803, %mul3A_893 : i32
      %add3A_895 = arith.constant 7 : i32
      %add3A_896 = arith.addi %mul3A_894, %add3A_895 : i32
      %swap3A_897 = arith.index_cast %add3A_896 : i32 to index
      %swap3A_898 = arith.constant 0 : index
      %swap3A_899 = tpu.vector_load %arg6[%swap3A_897, %swap3A_898] {strides = array<i32>} : memref<640x16xf32, #tpu.memory_space<vmem>>, vector<1x16xf32>,
      %swap3A_900 = vector.shape_cast %swap3A_899 : vector<1x16xf32> to vector<16xf32>
      %swap3A_901 = vector.shape_cast %broadcast_in_dim3A_892 : vector<16xf32> to vector<1x16xf32>
      tpu.vector_store %arg6[%swap3A_897, %swap3A_898], %swap3A_901 {strides = array<i32>} : memref<640x16xf32, #tpu.memory_space<vmem>>, vector<1x16xf32>,
      %slice3A_902 = vector.extract_strided_slice %get3A_807 {offsets = [8], sizes = [1], strides = [1]} : vector<16xf32> to vector<1xf32>
      %squeeze3A_903 = vector.extract %slice3A_902[0] : f32 from vector<1xf32>
      %broadcast_in_dim3A_904 = vector.broadcast %squeeze3A_903 : f32 to vector<16xf32>
      %mul3A_905 = arith.constant 16 : i32
      %mul3A_906 = arith.muli %scan3A_803, %mul3A_905 : i32
      %add3A_907 = arith.constant 8 : i32
      %add3A_908 = arith.addi %mul3A_906, %add3A_907 : i32
      %swap3A_909 = arith.index_cast %add3A_908 : i32 to index
      %swap3A_910 = arith.constant 0 : index
      %swap3A_911 = tpu.vector_load %arg6[%swap3A_909, %swap3A_910] {strides = array<i32>} : memref<640x16xf32, #tpu.memory_space<vmem>>, vector<1x16xf32>,
      %swap3A_912 = vector.shape_cast %swap3A_911 : vector<1x16xf32> to vector<16xf32>
      %swap3A_913 = vector.shape_cast %broadcast_in_dim3A_904 : vector<16xf32> to vector<1x16xf32>
      tpu.vector_store %arg6[%swap3A_909, %swap3A_910], %swap3A_913 {strides = array<i32>} : memref<640x16xf32, #tpu.memory_space<vmem>>, vector<1x16xf32>,
      %slice3A_914 = vector.extract_strided_slice %get3A_807 {offsets = [9], sizes = [1], strides = [1]} : vector<16xf32> to vector<1xf32>
      %squeeze3A_915 = vector.extract %slice3A_914[0] : f32 from vector<1xf32>
      %broadcast_in_dim3A_916 = vector.broadcast %squeeze3A_915 : f32 to vector<16xf32>
      %mul3A_917 = arith.constant 16 : i32
      %mul3A_918 = arith.muli %scan3A_803, %mul3A_917 : i32
      %add3A_919 = arith.constant 9 : i32
      %add3A_920 = arith.addi %mul3A_918, %add3A_919 : i32
      %swap3A_921 = arith.index_cast %add3A_920 : i32 to index
      %swap3A_922 = arith.constant 0 : index
      %swap3A_923 = tpu.vector_load %arg6[%swap3A_921, %swap3A_922] {strides = array<i32>} : memref<640x16xf32, #tpu.memory_space<vmem>>, vector<1x16xf32>,
      %swap3A_924 = vector.shape_cast %swap3A_923 : vector<1x16xf32> to vector<16xf32>
      %swap3A_925 = vector.shape_cast %broadcast_in_dim3A_916 : vector<16xf32> to vector<1x16xf32>
      tpu.vector_store %arg6[%swap3A_921, %swap3A_922], %swap3A_925 {strides = array<i32>} : memref<640x16xf32, #tpu.memory_space<vmem>>, vector<1x16xf32>,
      %slice3A_926 = vector.extract_strided_slice %get3A_807 {offsets = [10], sizes = [1], strides = [1]} : vector<16xf32> to vector<1xf32>
      %squeeze3A_927 = vector.extract %slice3A_926[0] : f32 from vector<1xf32>
      %broadcast_in_dim3A_928 = vector.broadcast %squeeze3A_927 : f32 to vector<16xf32>
      %mul3A_929 = arith.constant 16 : i32
      %mul3A_930 = arith.muli %scan3A_803, %mul3A_929 : i32
      %add3A_931 = arith.constant 10 : i32
      %add3A_932 = arith.addi %mul3A_930, %add3A_931 : i32
      %swap3A_933 = arith.index_cast %add3A_932 : i32 to index
      %swap3A_934 = arith.constant 0 : index
      %swap3A_935 = tpu.vector_load %arg6[%swap3A_933, %swap3A_934] {strides = array<i32>} : memref<640x16xf32, #tpu.memory_space<vmem>>, vector<1x16xf32>,
      %swap3A_936 = vector.shape_cast %swap3A_935 : vector<1x16xf32> to vector<16xf32>
      %swap3A_937 = vector.shape_cast %broadcast_in_dim3A_928 : vector<16xf32> to vector<1x16xf32>
      tpu.vector_store %arg6[%swap3A_933, %swap3A_934], %swap3A_937 {strides = array<i32>} : memref<640x16xf32, #tpu.memory_space<vmem>>, vector<1x16xf32>,
      %slice3A_938 = vector.extract_strided_slice %get3A_807 {offsets = [11], sizes = [1], strides = [1]} : vector<16xf32> to vector<1xf32>
      %squeeze3A_939 = vector.extract %slice3A_938[0] : f32 from vector<1xf32>
      %broadcast_in_dim3A_940 = vector.broadcast %squeeze3A_939 : f32 to vector<16xf32>
      %mul3A_941 = arith.constant 16 : i32
      %mul3A_942 = arith.muli %scan3A_803, %mul3A_941 : i32
      %add3A_943 = arith.constant 11 : i32
      %add3A_944 = arith.addi %mul3A_942, %add3A_943 : i32
      %swap3A_945 = arith.index_cast %add3A_944 : i32 to index
      %swap3A_946 = arith.constant 0 : index
      %swap3A_947 = tpu.vector_load %arg6[%swap3A_945, %swap3A_946] {strides = array<i32>} : memref<640x16xf32, #tpu.memory_space<vmem>>, vector<1x16xf32>,
      %swap3A_948 = vector.shape_cast %swap3A_947 : vector<1x16xf32> to vector<16xf32>
      %swap3A_949 = vector.shape_cast %broadcast_in_dim3A_940 : vector<16xf32> to vector<1x16xf32>
      tpu.vector_store %arg6[%swap3A_945, %swap3A_946], %swap3A_949 {strides = array<i32>} : memref<640x16xf32, #tpu.memory_space<vmem>>, vector<1x16xf32>,
      %slice3A_950 = vector.extract_strided_slice %get3A_807 {offsets = [12], sizes = [1], strides = [1]} : vector<16xf32> to vector<1xf32>
      %squeeze3A_951 = vector.extract %slice3A_950[0] : f32 from vector<1xf32>
      %broadcast_in_dim3A_952 = vector.broadcast %squeeze3A_951 : f32 to vector<16xf32>
      %mul3A_953 = arith.constant 16 : i32
      %mul3A_954 = arith.muli %scan3A_803, %mul3A_953 : i32
      %add3A_955 = arith.constant 12 : i32
      %add3A_956 = arith.addi %mul3A_954, %add3A_955 : i32
      %swap3A_957 = arith.index_cast %add3A_956 : i32 to index
      %swap3A_958 = arith.constant 0 : index
      %swap3A_959 = tpu.vector_load %arg6[%swap3A_957, %swap3A_958] {strides = array<i32>} : memref<640x16xf32, #tpu.memory_space<vmem>>, vector<1x16xf32>,
      %swap3A_960 = vector.shape_cast %swap3A_959 : vector<1x16xf32> to vector<16xf32>
      %swap3A_961 = vector.shape_cast %broadcast_in_dim3A_952 : vector<16xf32> to vector<1x16xf32>
      tpu.vector_store %arg6[%swap3A_957, %swap3A_958], %swap3A_961 {strides = array<i32>} : memref<640x16xf32, #tpu.memory_space<vmem>>, vector<1x16xf32>,
      %slice3A_962 = vector.extract_strided_slice %get3A_807 {offsets = [13], sizes = [1], strides = [1]} : vector<16xf32> to vector<1xf32>
      %squeeze3A_963 = vector.extract %slice3A_962[0] : f32 from vector<1xf32>
      %broadcast_in_dim3A_964 = vector.broadcast %squeeze3A_963 : f32 to vector<16xf32>
      %mul3A_965 = arith.constant 16 : i32
      %mul3A_966 = arith.muli %scan3A_803, %mul3A_965 : i32
      %add3A_967 = arith.constant 13 : i32
      %add3A_968 = arith.addi %mul3A_966, %add3A_967 : i32
      %swap3A_969 = arith.index_cast %add3A_968 : i32 to index
      %swap3A_970 = arith.constant 0 : index
      %swap3A_971 = tpu.vector_load %arg6[%swap3A_969, %swap3A_970] {strides = array<i32>} : memref<640x16xf32, #tpu.memory_space<vmem>>, vector<1x16xf32>,
      %swap3A_972 = vector.shape_cast %swap3A_971 : vector<1x16xf32> to vector<16xf32>
      %swap3A_973 = vector.shape_cast %broadcast_in_dim3A_964 : vector<16xf32> to vector<1x16xf32>
      tpu.vector_store %arg6[%swap3A_969, %swap3A_970], %swap3A_973 {strides = array<i32>} : memref<640x16xf32, #tpu.memory_space<vmem>>, vector<1x16xf32>,
      %slice3A_974 = vector.extract_strided_slice %get3A_807 {offsets = [14], sizes = [1], strides = [1]} : vector<16xf32> to vector<1xf32>
      %squeeze3A_975 = vector.extract %slice3A_974[0] : f32 from vector<1xf32>
      %broadcast_in_dim3A_976 = vector.broadcast %squeeze3A_975 : f32 to vector<16xf32>
      %mul3A_977 = arith.constant 16 : i32
      %mul3A_978 = arith.muli %scan3A_803, %mul3A_977 : i32
      %add3A_979 = arith.constant 14 : i32
      %add3A_980 = arith.addi %mul3A_978, %add3A_979 : i32
      %swap3A_981 = arith.index_cast %add3A_980 : i32 to index
      %swap3A_982 = arith.constant 0 : index
      %swap3A_983 = tpu.vector_load %arg6[%swap3A_981, %swap3A_982] {strides = array<i32>} : memref<640x16xf32, #tpu.memory_space<vmem>>, vector<1x16xf32>,
      %swap3A_984 = vector.shape_cast %swap3A_983 : vector<1x16xf32> to vector<16xf32>
      %swap3A_985 = vector.shape_cast %broadcast_in_dim3A_976 : vector<16xf32> to vector<1x16xf32>
      tpu.vector_store %arg6[%swap3A_981, %swap3A_982], %swap3A_985 {strides = array<i32>} : memref<640x16xf32, #tpu.memory_space<vmem>>, vector<1x16xf32>,
      %slice3A_986 = vector.extract_strided_slice %get3A_807 {offsets = [15], sizes = [1], strides = [1]} : vector<16xf32> to vector<1xf32>
      %squeeze3A_987 = vector.extract %slice3A_986[0] : f32 from vector<1xf32>
      %broadcast_in_dim3A_988 = vector.broadcast %squeeze3A_987 : f32 to vector<16xf32>
      %mul3A_989 = arith.constant 16 : i32
      %mul3A_990 = arith.muli %scan3A_803, %mul3A_989 : i32
      %add3A_991 = arith.constant 15 : i32
      %add3A_992 = arith.addi %mul3A_990, %add3A_991 : i32
      %swap3A_993 = arith.index_cast %add3A_992 : i32 to index
      %swap3A_994 = arith.constant 0 : index
      %swap3A_995 = tpu.vector_load %arg6[%swap3A_993, %swap3A_994] {strides = array<i32>} : memref<640x16xf32, #tpu.memory_space<vmem>>, vector<1x16xf32>,
      %swap3A_996 = vector.shape_cast %swap3A_995 : vector<1x16xf32> to vector<16xf32>
      %swap3A_997 = vector.shape_cast %broadcast_in_dim3A_988 : vector<16xf32> to vector<1x16xf32>
      tpu.vector_store %arg6[%swap3A_993, %swap3A_994], %swap3A_997 {strides = array<i32>} : memref<640x16xf32, #tpu.memory_space<vmem>>, vector<1x16xf32>,
    }
    %scan3A_802 = arith.constant 40 : i32
    "tpu.region"() ({
      %run_scoped3A = tpu.sem_alloc : memref<!tpu.dma_semaphore, #tpu.memory_space<semaphore_mem>>
      %dma_start3A_803 = arith.constant 0 : i32
      %dma_start3A_804 = tpu.memref_slice %arg3[%arg0, %mul3A_2, %dma_start3A_803] : memref<2x10240x16xf32, #tpu.memory_space<hbm>> -> memref<1x640x16xf32, #tpu.memory_space<hbm>>
      %dma_start3A_805 = tpu.memref_squeeze %dma_start3A_804 : memref<1x640x16xf32, #tpu.memory_space<hbm>> -> memref<640x16xf32, #tpu.memory_space<hbm>>
      %dma_start3A_806 = arith.constant 0 : i32
      %dma_start3A_807 = tpu.memref_slice %arg3[%arg0, %mul3A_2, %dma_start3A_806] : memref<2x10240x16xf32, #tpu.memory_space<hbm>> -> memref<1x640x16xf32, #tpu.memory_space<hbm>>
      %dma_start3A_808 = tpu.memref_squeeze %dma_start3A_807 : memref<1x640x16xf32, #tpu.memory_space<hbm>> -> memref<640x16xf32, #tpu.memory_space<hbm>>
      tpu.enqueue_dma source(%arg6 : memref<640x16xf32, #tpu.memory_space<vmem>>) target(%dma_start3A_808 : memref<640x16xf32, #tpu.memory_space<hbm>>) target_semaphore(%run_scoped3A : memref<!tpu.dma_semaphore, #tpu.memory_space<semaphore_mem>>)
      %dma_wait3A_809 = arith.constant 0 : i32
      %dma_wait3A_810 = tpu.memref_slice %arg3[%arg0, %mul3A_2, %dma_wait3A_809] : memref<2x10240x16xf32, #tpu.memory_space<hbm>> -> memref<1x640x16xf32, #tpu.memory_space<hbm>>
      %dma_wait3A_811 = tpu.memref_squeeze %dma_wait3A_810 : memref<1x640x16xf32, #tpu.memory_space<hbm>> -> memref<640x16xf32, #tpu.memory_space<hbm>>
      %dma_wait3A_812 = arith.constant 0 : i32
      %dma_wait3A_813 = tpu.memref_slice %arg3[%arg0, %mul3A_2, %dma_wait3A_812] : memref<2x10240x16xf32, #tpu.memory_space<hbm>> -> memref<1x640x16xf32, #tpu.memory_space<hbm>>
      %dma_wait3A_814 = tpu.memref_squeeze %dma_wait3A_813 : memref<1x640x16xf32, #tpu.memory_space<hbm>> -> memref<640x16xf32, #tpu.memory_space<hbm>>
      tpu.wait_dma2 semaphore(%run_scoped3A : memref<!tpu.dma_semaphore, #tpu.memory_space<semaphore_mem>>) src(%arg6 : memref<640x16xf32, #tpu.memory_space<vmem>>) dst(%dma_wait3A_814 : memref<640x16xf32, #tpu.memory_space<hbm>>)
      tpu.yield
    }) : () -> ()
    return
  }
}

#map = affine_map<(d0, d1) -> (0, 0)>
#map1 = affine_map<(d0, d1) -> (0, 0, 0)>
module attributes {stable_mosaic.version = 14 : i64} {
  func.func @_sc_scatter_rows(%arg0: i32, %arg1: i32, %arg2: memref<10240x16xf32, #tpu.memory_space<hbm>>, %arg3: memref<2x320000xi32, #tpu.memory_space<hbm>>, %arg4: memref<2x10240x16xf32, #tpu.memory_space<hbm>>, %arg5: memref<10x1000xi32, #tpu.memory_space<vmem>>, %arg6: memref<10x1000xi32, #tpu.memory_space<vmem>>, %arg7: memref<1000x16xf32, #tpu.memory_space<vmem>>, %arg8: memref<1000x16xf32, #tpu.memory_space<vmem>>, %arg9: memref<1000x16xf32, #tpu.memory_space<vmem>>, %arg10: memref<1000x16xf32, #tpu.memory_space<vmem>>, %arg11: memref<10240x16xf32, #tpu.memory_space<vmem_shared>>, %arg12: memref<10240x16xf32, #tpu.memory_space<vmem_shared>>, %arg13: memref<!tpu.dma_semaphore, #tpu.memory_space<semaphore_mem>>, %arg14: memref<!tpu.dma_semaphore, #tpu.memory_space<semaphore_mem>>, %arg15: memref<!tpu.dma_semaphore, #tpu.memory_space<semaphore_mem>>, %arg16: memref<!tpu.dma_semaphore, #tpu.memory_space<semaphore_mem>>, %arg17: memref<!tpu.dma_semaphore, #tpu.memory_space<semaphore_mem>>, %arg18: memref<!tpu.dma_semaphore, #tpu.memory_space<semaphore_mem>>, %arg19: memref<!tpu.dma_semaphore, #tpu.memory_space<semaphore_mem>>, %arg20: memref<!tpu.dma_semaphore, #tpu.memory_space<semaphore_mem>>, %arg21: memref<!tpu.dma_semaphore, #tpu.memory_space<semaphore_mem>>, %arg22: memref<!tpu.dma_semaphore, #tpu.memory_space<semaphore_mem>>, %arg23: memref<!tpu.dma_semaphore, #tpu.memory_space<semaphore_mem>>, %arg24: memref<!tpu.dma_semaphore, #tpu.memory_space<semaphore_mem>>, %arg25: memref<!tpu.dma_semaphore, #tpu.memory_space<semaphore_mem>>, %arg26: memref<!tpu.dma_semaphore, #tpu.memory_space<semaphore_mem>>, %arg27: memref<!tpu.dma_semaphore, #tpu.memory_space<semaphore_mem>>, %arg28: memref<!tpu.dma_semaphore, #tpu.memory_space<semaphore_mem>>, %arg29: memref<!tpu.dma_semaphore, #tpu.memory_space<semaphore_mem>>, %arg30: memref<!tpu.dma_semaphore, #tpu.memory_space<semaphore_mem>>, %arg31: memref<!tpu.dma_semaphore, #tpu.memory_space<semaphore_mem>>, %arg32: memref<!tpu.dma_semaphore, #tpu.memory_space<semaphore_mem>>) attributes {dimension_semantics = [#tpu.dimension_semantics<core_parallel>, #tpu.dimension_semantics<subcore_parallel>], iteration_bounds = array<i64: 2, 16>, scalar_prefetch = 0 : i64, scratch_operands = 28 : i64, tpu.core_type = #tpu.core_type<sc_vector_subcore>, window_params = [{transform_indices = #map}, {transform_indices = #map}, {transform_indices = #map1}]} {
    %mul3A = arith.constant 2 : i32
    %mul3A_0 = arith.muli %arg1, %mul3A : i32
    %add3A = arith.addi %mul3A_0, %arg0 : i32
    %mul3A_1 = arith.constant 640 : i32
    %mul3A_2 = arith.muli %arg1, %mul3A_1 : i32
    %mul3A_3 = arith.constant 10000 : i32
    %mul3A_4 = arith.muli %add3A, %mul3A_3 : i32
    %dma_start3A = arith.constant 0 : i32
    %dma_start3A_5 = tpu.memref_slice %arg12[%mul3A_2, %dma_start3A] : memref<10240x16xf32, #tpu.memory_space<vmem_shared>> -> memref<640x16xf32, #tpu.memory_space<vmem_shared>>
    %dma_start3A_6 = arith.constant 0 : i32
    %dma_start3A_7 = tpu.memref_slice %arg2[%mul3A_2, %dma_start3A_6] : memref<10240x16xf32, #tpu.memory_space<hbm>> -> memref<640x16xf32, #tpu.memory_space<hbm>>
    tpu.enqueue_dma source(%dma_start3A_7 : memref<640x16xf32, #tpu.memory_space<hbm>>) target(%dma_start3A_5 : memref<640x16xf32, #tpu.memory_space<vmem_shared>>) target_semaphore(%arg13 : memref<!tpu.dma_semaphore, #tpu.memory_space<semaphore_mem>>)
    %add3A_8 = arith.constant 0 : i32
    %add3A_9 = arith.addi %mul3A_4, %add3A_8 : i32
    %dma_start3A_10 = arith.constant 0 : i32
    %dma_start3A_11 = arith.constant 0 : i32
    %dma_start3A_12 = arith.constant 0 : i32
    %dma_start3A_13 = tpu.memref_slice %arg5[%dma_start3A_11, %dma_start3A_12] : memref<10x1000xi32, #tpu.memory_space<vmem>> -> memref<1x1000xi32, #tpu.memory_space<vmem>>
    %dma_start3A_14 = tpu.memref_squeeze %dma_start3A_13 : memref<1x1000xi32, #tpu.memory_space<vmem>> -> memref<1000xi32, #tpu.memory_space<vmem>>
    %dma_start3A_15 = tpu.memref_slice %arg3[%dma_start3A_10, %add3A_9] : memref<2x320000xi32, #tpu.memory_space<hbm>> -> memref<1x1000xi32, #tpu.memory_space<hbm>>
    %dma_start3A_16 = tpu.memref_squeeze %dma_start3A_15 : memref<1x1000xi32, #tpu.memory_space<hbm>> -> memref<1000xi32, #tpu.memory_space<hbm>>
    %dma_start3A_17 = arith.constant 0 : i32
    %dma_start3A_18 = tpu.memref_slice %arg5[%dma_start3A_11, %dma_start3A_17] : memref<10x1000xi32, #tpu.memory_space<vmem>> -> memref<1x1000xi32, #tpu.memory_space<vmem>>
    %dma_start3A_19 = tpu.memref_squeeze %dma_start3A_18 : memref<1x1000xi32, #tpu.memory_space<vmem>> -> memref<1000xi32, #tpu.memory_space<vmem>>
    %dma_start3A_20 = tpu.memref_slice %arg3[%dma_start3A_10, %add3A_9] : memref<2x320000xi32, #tpu.memory_space<hbm>> -> memref<1x1000xi32, #tpu.memory_space<hbm>>
    %dma_start3A_21 = tpu.memref_squeeze %dma_start3A_20 : memref<1x1000xi32, #tpu.memory_space<hbm>> -> memref<1000xi32, #tpu.memory_space<hbm>>
    tpu.enqueue_dma source(%dma_start3A_21 : memref<1000xi32, #tpu.memory_space<hbm>>) target(%dma_start3A_19 : memref<1000xi32, #tpu.memory_space<vmem>>) target_semaphore(%arg14 : memref<!tpu.dma_semaphore, #tpu.memory_space<semaphore_mem>>)
    %add3A_22 = arith.constant 1000 : i32
    %add3A_23 = arith.addi %mul3A_4, %add3A_22 : i32
    %dma_start3A_24 = arith.constant 0 : i32
    %dma_start3A_25 = arith.constant 1 : i32
    %dma_start3A_26 = arith.constant 0 : i32
    %dma_start3A_27 = tpu.memref_slice %arg5[%dma_start3A_25, %dma_start3A_26] : memref<10x1000xi32, #tpu.memory_space<vmem>> -> memref<1x1000xi32, #tpu.memory_space<vmem>>
    %dma_start3A_28 = tpu.memref_squeeze %dma_start3A_27 : memref<1x1000xi32, #tpu.memory_space<vmem>> -> memref<1000xi32, #tpu.memory_space<vmem>>
    %dma_start3A_29 = tpu.memref_slice %arg3[%dma_start3A_24, %add3A_23] : memref<2x320000xi32, #tpu.memory_space<hbm>> -> memref<1x1000xi32, #tpu.memory_space<hbm>>
    %dma_start3A_30 = tpu.memref_squeeze %dma_start3A_29 : memref<1x1000xi32, #tpu.memory_space<hbm>> -> memref<1000xi32, #tpu.memory_space<hbm>>
    %dma_start3A_31 = arith.constant 0 : i32
    %dma_start3A_32 = tpu.memref_slice %arg5[%dma_start3A_25, %dma_start3A_31] : memref<10x1000xi32, #tpu.memory_space<vmem>> -> memref<1x1000xi32, #tpu.memory_space<vmem>>
    %dma_start3A_33 = tpu.memref_squeeze %dma_start3A_32 : memref<1x1000xi32, #tpu.memory_space<vmem>> -> memref<1000xi32, #tpu.memory_space<vmem>>
    %dma_start3A_34 = tpu.memref_slice %arg3[%dma_start3A_24, %add3A_23] : memref<2x320000xi32, #tpu.memory_space<hbm>> -> memref<1x1000xi32, #tpu.memory_space<hbm>>
    %dma_start3A_35 = tpu.memref_squeeze %dma_start3A_34 : memref<1x1000xi32, #tpu.memory_space<hbm>> -> memref<1000xi32, #tpu.memory_space<hbm>>
    tpu.enqueue_dma source(%dma_start3A_35 : memref<1000xi32, #tpu.memory_space<hbm>>) target(%dma_start3A_33 : memref<1000xi32, #tpu.memory_space<vmem>>) target_semaphore(%arg15 : memref<!tpu.dma_semaphore, #tpu.memory_space<semaphore_mem>>)
    %add3A_36 = arith.constant 2000 : i32
    %add3A_37 = arith.addi %mul3A_4, %add3A_36 : i32
    %dma_start3A_38 = arith.constant 0 : i32
    %dma_start3A_39 = arith.constant 2 : i32
    %dma_start3A_40 = arith.constant 0 : i32
    %dma_start3A_41 = tpu.memref_slice %arg5[%dma_start3A_39, %dma_start3A_40] : memref<10x1000xi32, #tpu.memory_space<vmem>> -> memref<1x1000xi32, #tpu.memory_space<vmem>>
    %dma_start3A_42 = tpu.memref_squeeze %dma_start3A_41 : memref<1x1000xi32, #tpu.memory_space<vmem>> -> memref<1000xi32, #tpu.memory_space<vmem>>
    %dma_start3A_43 = tpu.memref_slice %arg3[%dma_start3A_38, %add3A_37] : memref<2x320000xi32, #tpu.memory_space<hbm>> -> memref<1x1000xi32, #tpu.memory_space<hbm>>
    %dma_start3A_44 = tpu.memref_squeeze %dma_start3A_43 : memref<1x1000xi32, #tpu.memory_space<hbm>> -> memref<1000xi32, #tpu.memory_space<hbm>>
    %dma_start3A_45 = arith.constant 0 : i32
    %dma_start3A_46 = tpu.memref_slice %arg5[%dma_start3A_39, %dma_start3A_45] : memref<10x1000xi32, #tpu.memory_space<vmem>> -> memref<1x1000xi32, #tpu.memory_space<vmem>>
    %dma_start3A_47 = tpu.memref_squeeze %dma_start3A_46 : memref<1x1000xi32, #tpu.memory_space<vmem>> -> memref<1000xi32, #tpu.memory_space<vmem>>
    %dma_start3A_48 = tpu.memref_slice %arg3[%dma_start3A_38, %add3A_37] : memref<2x320000xi32, #tpu.memory_space<hbm>> -> memref<1x1000xi32, #tpu.memory_space<hbm>>
    %dma_start3A_49 = tpu.memref_squeeze %dma_start3A_48 : memref<1x1000xi32, #tpu.memory_space<hbm>> -> memref<1000xi32, #tpu.memory_space<hbm>>
    tpu.enqueue_dma source(%dma_start3A_49 : memref<1000xi32, #tpu.memory_space<hbm>>) target(%dma_start3A_47 : memref<1000xi32, #tpu.memory_space<vmem>>) target_semaphore(%arg16 : memref<!tpu.dma_semaphore, #tpu.memory_space<semaphore_mem>>)
    %add3A_50 = arith.constant 3000 : i32
    %add3A_51 = arith.addi %mul3A_4, %add3A_50 : i32
    %dma_start3A_52 = arith.constant 0 : i32
    %dma_start3A_53 = arith.constant 3 : i32
    %dma_start3A_54 = arith.constant 0 : i32
    %dma_start3A_55 = tpu.memref_slice %arg5[%dma_start3A_53, %dma_start3A_54] : memref<10x1000xi32, #tpu.memory_space<vmem>> -> memref<1x1000xi32, #tpu.memory_space<vmem>>
    %dma_start3A_56 = tpu.memref_squeeze %dma_start3A_55 : memref<1x1000xi32, #tpu.memory_space<vmem>> -> memref<1000xi32, #tpu.memory_space<vmem>>
    %dma_start3A_57 = tpu.memref_slice %arg3[%dma_start3A_52, %add3A_51] : memref<2x320000xi32, #tpu.memory_space<hbm>> -> memref<1x1000xi32, #tpu.memory_space<hbm>>
    %dma_start3A_58 = tpu.memref_squeeze %dma_start3A_57 : memref<1x1000xi32, #tpu.memory_space<hbm>> -> memref<1000xi32, #tpu.memory_space<hbm>>
    %dma_start3A_59 = arith.constant 0 : i32
    %dma_start3A_60 = tpu.memref_slice %arg5[%dma_start3A_53, %dma_start3A_59] : memref<10x1000xi32, #tpu.memory_space<vmem>> -> memref<1x1000xi32, #tpu.memory_space<vmem>>
    %dma_start3A_61 = tpu.memref_squeeze %dma_start3A_60 : memref<1x1000xi32, #tpu.memory_space<vmem>> -> memref<1000xi32, #tpu.memory_space<vmem>>
    %dma_start3A_62 = tpu.memref_slice %arg3[%dma_start3A_52, %add3A_51] : memref<2x320000xi32, #tpu.memory_space<hbm>> -> memref<1x1000xi32, #tpu.memory_space<hbm>>
    %dma_start3A_63 = tpu.memref_squeeze %dma_start3A_62 : memref<1x1000xi32, #tpu.memory_space<hbm>> -> memref<1000xi32, #tpu.memory_space<hbm>>
    tpu.enqueue_dma source(%dma_start3A_63 : memref<1000xi32, #tpu.memory_space<hbm>>) target(%dma_start3A_61 : memref<1000xi32, #tpu.memory_space<vmem>>) target_semaphore(%arg17 : memref<!tpu.dma_semaphore, #tpu.memory_space<semaphore_mem>>)
    %add3A_64 = arith.constant 4000 : i32
    %add3A_65 = arith.addi %mul3A_4, %add3A_64 : i32
    %dma_start3A_66 = arith.constant 0 : i32
    %dma_start3A_67 = arith.constant 4 : i32
    %dma_start3A_68 = arith.constant 0 : i32
    %dma_start3A_69 = tpu.memref_slice %arg5[%dma_start3A_67, %dma_start3A_68] : memref<10x1000xi32, #tpu.memory_space<vmem>> -> memref<1x1000xi32, #tpu.memory_space<vmem>>
    %dma_start3A_70 = tpu.memref_squeeze %dma_start3A_69 : memref<1x1000xi32, #tpu.memory_space<vmem>> -> memref<1000xi32, #tpu.memory_space<vmem>>
    %dma_start3A_71 = tpu.memref_slice %arg3[%dma_start3A_66, %add3A_65] : memref<2x320000xi32, #tpu.memory_space<hbm>> -> memref<1x1000xi32, #tpu.memory_space<hbm>>
    %dma_start3A_72 = tpu.memref_squeeze %dma_start3A_71 : memref<1x1000xi32, #tpu.memory_space<hbm>> -> memref<1000xi32, #tpu.memory_space<hbm>>
    %dma_start3A_73 = arith.constant 0 : i32
    %dma_start3A_74 = tpu.memref_slice %arg5[%dma_start3A_67, %dma_start3A_73] : memref<10x1000xi32, #tpu.memory_space<vmem>> -> memref<1x1000xi32, #tpu.memory_space<vmem>>
    %dma_start3A_75 = tpu.memref_squeeze %dma_start3A_74 : memref<1x1000xi32, #tpu.memory_space<vmem>> -> memref<1000xi32, #tpu.memory_space<vmem>>
    %dma_start3A_76 = tpu.memref_slice %arg3[%dma_start3A_66, %add3A_65] : memref<2x320000xi32, #tpu.memory_space<hbm>> -> memref<1x1000xi32, #tpu.memory_space<hbm>>
    %dma_start3A_77 = tpu.memref_squeeze %dma_start3A_76 : memref<1x1000xi32, #tpu.memory_space<hbm>> -> memref<1000xi32, #tpu.memory_space<hbm>>
    tpu.enqueue_dma source(%dma_start3A_77 : memref<1000xi32, #tpu.memory_space<hbm>>) target(%dma_start3A_75 : memref<1000xi32, #tpu.memory_space<vmem>>) target_semaphore(%arg18 : memref<!tpu.dma_semaphore, #tpu.memory_space<semaphore_mem>>)
    %add3A_78 = arith.constant 5000 : i32
    %add3A_79 = arith.addi %mul3A_4, %add3A_78 : i32
    %dma_start3A_80 = arith.constant 0 : i32
    %dma_start3A_81 = arith.constant 5 : i32
    %dma_start3A_82 = arith.constant 0 : i32
    %dma_start3A_83 = tpu.memref_slice %arg5[%dma_start3A_81, %dma_start3A_82] : memref<10x1000xi32, #tpu.memory_space<vmem>> -> memref<1x1000xi32, #tpu.memory_space<vmem>>
    %dma_start3A_84 = tpu.memref_squeeze %dma_start3A_83 : memref<1x1000xi32, #tpu.memory_space<vmem>> -> memref<1000xi32, #tpu.memory_space<vmem>>
    %dma_start3A_85 = tpu.memref_slice %arg3[%dma_start3A_80, %add3A_79] : memref<2x320000xi32, #tpu.memory_space<hbm>> -> memref<1x1000xi32, #tpu.memory_space<hbm>>
    %dma_start3A_86 = tpu.memref_squeeze %dma_start3A_85 : memref<1x1000xi32, #tpu.memory_space<hbm>> -> memref<1000xi32, #tpu.memory_space<hbm>>
    %dma_start3A_87 = arith.constant 0 : i32
    %dma_start3A_88 = tpu.memref_slice %arg5[%dma_start3A_81, %dma_start3A_87] : memref<10x1000xi32, #tpu.memory_space<vmem>> -> memref<1x1000xi32, #tpu.memory_space<vmem>>
    %dma_start3A_89 = tpu.memref_squeeze %dma_start3A_88 : memref<1x1000xi32, #tpu.memory_space<vmem>> -> memref<1000xi32, #tpu.memory_space<vmem>>
    %dma_start3A_90 = tpu.memref_slice %arg3[%dma_start3A_80, %add3A_79] : memref<2x320000xi32, #tpu.memory_space<hbm>> -> memref<1x1000xi32, #tpu.memory_space<hbm>>
    %dma_start3A_91 = tpu.memref_squeeze %dma_start3A_90 : memref<1x1000xi32, #tpu.memory_space<hbm>> -> memref<1000xi32, #tpu.memory_space<hbm>>
    tpu.enqueue_dma source(%dma_start3A_91 : memref<1000xi32, #tpu.memory_space<hbm>>) target(%dma_start3A_89 : memref<1000xi32, #tpu.memory_space<vmem>>) target_semaphore(%arg19 : memref<!tpu.dma_semaphore, #tpu.memory_space<semaphore_mem>>)
    %add3A_92 = arith.constant 6000 : i32
    %add3A_93 = arith.addi %mul3A_4, %add3A_92 : i32
    %dma_start3A_94 = arith.constant 0 : i32
    %dma_start3A_95 = arith.constant 6 : i32
    %dma_start3A_96 = arith.constant 0 : i32
    %dma_start3A_97 = tpu.memref_slice %arg5[%dma_start3A_95, %dma_start3A_96] : memref<10x1000xi32, #tpu.memory_space<vmem>> -> memref<1x1000xi32, #tpu.memory_space<vmem>>
    %dma_start3A_98 = tpu.memref_squeeze %dma_start3A_97 : memref<1x1000xi32, #tpu.memory_space<vmem>> -> memref<1000xi32, #tpu.memory_space<vmem>>
    %dma_start3A_99 = tpu.memref_slice %arg3[%dma_start3A_94, %add3A_93] : memref<2x320000xi32, #tpu.memory_space<hbm>> -> memref<1x1000xi32, #tpu.memory_space<hbm>>
    %dma_start3A_100 = tpu.memref_squeeze %dma_start3A_99 : memref<1x1000xi32, #tpu.memory_space<hbm>> -> memref<1000xi32, #tpu.memory_space<hbm>>
    %dma_start3A_101 = arith.constant 0 : i32
    %dma_start3A_102 = tpu.memref_slice %arg5[%dma_start3A_95, %dma_start3A_101] : memref<10x1000xi32, #tpu.memory_space<vmem>> -> memref<1x1000xi32, #tpu.memory_space<vmem>>
    %dma_start3A_103 = tpu.memref_squeeze %dma_start3A_102 : memref<1x1000xi32, #tpu.memory_space<vmem>> -> memref<1000xi32, #tpu.memory_space<vmem>>
    %dma_start3A_104 = tpu.memref_slice %arg3[%dma_start3A_94, %add3A_93] : memref<2x320000xi32, #tpu.memory_space<hbm>> -> memref<1x1000xi32, #tpu.memory_space<hbm>>
    %dma_start3A_105 = tpu.memref_squeeze %dma_start3A_104 : memref<1x1000xi32, #tpu.memory_space<hbm>> -> memref<1000xi32, #tpu.memory_space<hbm>>
    tpu.enqueue_dma source(%dma_start3A_105 : memref<1000xi32, #tpu.memory_space<hbm>>) target(%dma_start3A_103 : memref<1000xi32, #tpu.memory_space<vmem>>) target_semaphore(%arg20 : memref<!tpu.dma_semaphore, #tpu.memory_space<semaphore_mem>>)
    %add3A_106 = arith.constant 7000 : i32
    %add3A_107 = arith.addi %mul3A_4, %add3A_106 : i32
    %dma_start3A_108 = arith.constant 0 : i32
    %dma_start3A_109 = arith.constant 7 : i32
    %dma_start3A_110 = arith.constant 0 : i32
    %dma_start3A_111 = tpu.memref_slice %arg5[%dma_start3A_109, %dma_start3A_110] : memref<10x1000xi32, #tpu.memory_space<vmem>> -> memref<1x1000xi32, #tpu.memory_space<vmem>>
    %dma_start3A_112 = tpu.memref_squeeze %dma_start3A_111 : memref<1x1000xi32, #tpu.memory_space<vmem>> -> memref<1000xi32, #tpu.memory_space<vmem>>
    %dma_start3A_113 = tpu.memref_slice %arg3[%dma_start3A_108, %add3A_107] : memref<2x320000xi32, #tpu.memory_space<hbm>> -> memref<1x1000xi32, #tpu.memory_space<hbm>>
    %dma_start3A_114 = tpu.memref_squeeze %dma_start3A_113 : memref<1x1000xi32, #tpu.memory_space<hbm>> -> memref<1000xi32, #tpu.memory_space<hbm>>
    %dma_start3A_115 = arith.constant 0 : i32
    %dma_start3A_116 = tpu.memref_slice %arg5[%dma_start3A_109, %dma_start3A_115] : memref<10x1000xi32, #tpu.memory_space<vmem>> -> memref<1x1000xi32, #tpu.memory_space<vmem>>
    %dma_start3A_117 = tpu.memref_squeeze %dma_start3A_116 : memref<1x1000xi32, #tpu.memory_space<vmem>> -> memref<1000xi32, #tpu.memory_space<vmem>>
    %dma_start3A_118 = tpu.memref_slice %arg3[%dma_start3A_108, %add3A_107] : memref<2x320000xi32, #tpu.memory_space<hbm>> -> memref<1x1000xi32, #tpu.memory_space<hbm>>
    %dma_start3A_119 = tpu.memref_squeeze %dma_start3A_118 : memref<1x1000xi32, #tpu.memory_space<hbm>> -> memref<1000xi32, #tpu.memory_space<hbm>>
    tpu.enqueue_dma source(%dma_start3A_119 : memref<1000xi32, #tpu.memory_space<hbm>>) target(%dma_start3A_117 : memref<1000xi32, #tpu.memory_space<vmem>>) target_semaphore(%arg21 : memref<!tpu.dma_semaphore, #tpu.memory_space<semaphore_mem>>)
    %add3A_120 = arith.constant 8000 : i32
    %add3A_121 = arith.addi %mul3A_4, %add3A_120 : i32
    %dma_start3A_122 = arith.constant 0 : i32
    %dma_start3A_123 = arith.constant 8 : i32
    %dma_start3A_124 = arith.constant 0 : i32
    %dma_start3A_125 = tpu.memref_slice %arg5[%dma_start3A_123, %dma_start3A_124] : memref<10x1000xi32, #tpu.memory_space<vmem>> -> memref<1x1000xi32, #tpu.memory_space<vmem>>
    %dma_start3A_126 = tpu.memref_squeeze %dma_start3A_125 : memref<1x1000xi32, #tpu.memory_space<vmem>> -> memref<1000xi32, #tpu.memory_space<vmem>>
    %dma_start3A_127 = tpu.memref_slice %arg3[%dma_start3A_122, %add3A_121] : memref<2x320000xi32, #tpu.memory_space<hbm>> -> memref<1x1000xi32, #tpu.memory_space<hbm>>
    %dma_start3A_128 = tpu.memref_squeeze %dma_start3A_127 : memref<1x1000xi32, #tpu.memory_space<hbm>> -> memref<1000xi32, #tpu.memory_space<hbm>>
    %dma_start3A_129 = arith.constant 0 : i32
    %dma_start3A_130 = tpu.memref_slice %arg5[%dma_start3A_123, %dma_start3A_129] : memref<10x1000xi32, #tpu.memory_space<vmem>> -> memref<1x1000xi32, #tpu.memory_space<vmem>>
    %dma_start3A_131 = tpu.memref_squeeze %dma_start3A_130 : memref<1x1000xi32, #tpu.memory_space<vmem>> -> memref<1000xi32, #tpu.memory_space<vmem>>
    %dma_start3A_132 = tpu.memref_slice %arg3[%dma_start3A_122, %add3A_121] : memref<2x320000xi32, #tpu.memory_space<hbm>> -> memref<1x1000xi32, #tpu.memory_space<hbm>>
    %dma_start3A_133 = tpu.memref_squeeze %dma_start3A_132 : memref<1x1000xi32, #tpu.memory_space<hbm>> -> memref<1000xi32, #tpu.memory_space<hbm>>
    tpu.enqueue_dma source(%dma_start3A_133 : memref<1000xi32, #tpu.memory_space<hbm>>) target(%dma_start3A_131 : memref<1000xi32, #tpu.memory_space<vmem>>) target_semaphore(%arg22 : memref<!tpu.dma_semaphore, #tpu.memory_space<semaphore_mem>>)
    %add3A_134 = arith.constant 9000 : i32
    %add3A_135 = arith.addi %mul3A_4, %add3A_134 : i32
    %dma_start3A_136 = arith.constant 0 : i32
    %dma_start3A_137 = arith.constant 9 : i32
    %dma_start3A_138 = arith.constant 0 : i32
    %dma_start3A_139 = tpu.memref_slice %arg5[%dma_start3A_137, %dma_start3A_138] : memref<10x1000xi32, #tpu.memory_space<vmem>> -> memref<1x1000xi32, #tpu.memory_space<vmem>>
    %dma_start3A_140 = tpu.memref_squeeze %dma_start3A_139 : memref<1x1000xi32, #tpu.memory_space<vmem>> -> memref<1000xi32, #tpu.memory_space<vmem>>
    %dma_start3A_141 = tpu.memref_slice %arg3[%dma_start3A_136, %add3A_135] : memref<2x320000xi32, #tpu.memory_space<hbm>> -> memref<1x1000xi32, #tpu.memory_space<hbm>>
    %dma_start3A_142 = tpu.memref_squeeze %dma_start3A_141 : memref<1x1000xi32, #tpu.memory_space<hbm>> -> memref<1000xi32, #tpu.memory_space<hbm>>
    %dma_start3A_143 = arith.constant 0 : i32
    %dma_start3A_144 = tpu.memref_slice %arg5[%dma_start3A_137, %dma_start3A_143] : memref<10x1000xi32, #tpu.memory_space<vmem>> -> memref<1x1000xi32, #tpu.memory_space<vmem>>
    %dma_start3A_145 = tpu.memref_squeeze %dma_start3A_144 : memref<1x1000xi32, #tpu.memory_space<vmem>> -> memref<1000xi32, #tpu.memory_space<vmem>>
    %dma_start3A_146 = tpu.memref_slice %arg3[%dma_start3A_136, %add3A_135] : memref<2x320000xi32, #tpu.memory_space<hbm>> -> memref<1x1000xi32, #tpu.memory_space<hbm>>
    %dma_start3A_147 = tpu.memref_squeeze %dma_start3A_146 : memref<1x1000xi32, #tpu.memory_space<hbm>> -> memref<1000xi32, #tpu.memory_space<hbm>>
    tpu.enqueue_dma source(%dma_start3A_147 : memref<1000xi32, #tpu.memory_space<hbm>>) target(%dma_start3A_145 : memref<1000xi32, #tpu.memory_space<vmem>>) target_semaphore(%arg23 : memref<!tpu.dma_semaphore, #tpu.memory_space<semaphore_mem>>)
    %add3A_148 = arith.constant 0 : i32
    %add3A_149 = arith.addi %mul3A_4, %add3A_148 : i32
    %dma_start3A_150 = arith.constant 1 : i32
    %dma_start3A_151 = arith.constant 0 : i32
    %dma_start3A_152 = arith.constant 0 : i32
    %dma_start3A_153 = tpu.memref_slice %arg6[%dma_start3A_151, %dma_start3A_152] : memref<10x1000xi32, #tpu.memory_space<vmem>> -> memref<1x1000xi32, #tpu.memory_space<vmem>>
    %dma_start3A_154 = tpu.memref_squeeze %dma_start3A_153 : memref<1x1000xi32, #tpu.memory_space<vmem>> -> memref<1000xi32, #tpu.memory_space<vmem>>
    %dma_start3A_155 = tpu.memref_slice %arg3[%dma_start3A_150, %add3A_149] : memref<2x320000xi32, #tpu.memory_space<hbm>> -> memref<1x1000xi32, #tpu.memory_space<hbm>>
    %dma_start3A_156 = tpu.memref_squeeze %dma_start3A_155 : memref<1x1000xi32, #tpu.memory_space<hbm>> -> memref<1000xi32, #tpu.memory_space<hbm>>
    %dma_start3A_157 = arith.constant 0 : i32
    %dma_start3A_158 = tpu.memref_slice %arg6[%dma_start3A_151, %dma_start3A_157] : memref<10x1000xi32, #tpu.memory_space<vmem>> -> memref<1x1000xi32, #tpu.memory_space<vmem>>
    %dma_start3A_159 = tpu.memref_squeeze %dma_start3A_158 : memref<1x1000xi32, #tpu.memory_space<vmem>> -> memref<1000xi32, #tpu.memory_space<vmem>>
    %dma_start3A_160 = tpu.memref_slice %arg3[%dma_start3A_150, %add3A_149] : memref<2x320000xi32, #tpu.memory_space<hbm>> -> memref<1x1000xi32, #tpu.memory_space<hbm>>
    %dma_start3A_161 = tpu.memref_squeeze %dma_start3A_160 : memref<1x1000xi32, #tpu.memory_space<hbm>> -> memref<1000xi32, #tpu.memory_space<hbm>>
    tpu.enqueue_dma source(%dma_start3A_161 : memref<1000xi32, #tpu.memory_space<hbm>>) target(%dma_start3A_159 : memref<1000xi32, #tpu.memory_space<vmem>>) target_semaphore(%arg24 : memref<!tpu.dma_semaphore, #tpu.memory_space<semaphore_mem>>)
    %add3A_162 = arith.constant 1000 : i32
    %add3A_163 = arith.addi %mul3A_4, %add3A_162 : i32
    %dma_start3A_164 = arith.constant 1 : i32
    %dma_start3A_165 = arith.constant 1 : i32
    %dma_start3A_166 = arith.constant 0 : i32
    %dma_start3A_167 = tpu.memref_slice %arg6[%dma_start3A_165, %dma_start3A_166] : memref<10x1000xi32, #tpu.memory_space<vmem>> -> memref<1x1000xi32, #tpu.memory_space<vmem>>
    %dma_start3A_168 = tpu.memref_squeeze %dma_start3A_167 : memref<1x1000xi32, #tpu.memory_space<vmem>> -> memref<1000xi32, #tpu.memory_space<vmem>>
    %dma_start3A_169 = tpu.memref_slice %arg3[%dma_start3A_164, %add3A_163] : memref<2x320000xi32, #tpu.memory_space<hbm>> -> memref<1x1000xi32, #tpu.memory_space<hbm>>
    %dma_start3A_170 = tpu.memref_squeeze %dma_start3A_169 : memref<1x1000xi32, #tpu.memory_space<hbm>> -> memref<1000xi32, #tpu.memory_space<hbm>>
    %dma_start3A_171 = arith.constant 0 : i32
    %dma_start3A_172 = tpu.memref_slice %arg6[%dma_start3A_165, %dma_start3A_171] : memref<10x1000xi32, #tpu.memory_space<vmem>> -> memref<1x1000xi32, #tpu.memory_space<vmem>>
    %dma_start3A_173 = tpu.memref_squeeze %dma_start3A_172 : memref<1x1000xi32, #tpu.memory_space<vmem>> -> memref<1000xi32, #tpu.memory_space<vmem>>
    %dma_start3A_174 = tpu.memref_slice %arg3[%dma_start3A_164, %add3A_163] : memref<2x320000xi32, #tpu.memory_space<hbm>> -> memref<1x1000xi32, #tpu.memory_space<hbm>>
    %dma_start3A_175 = tpu.memref_squeeze %dma_start3A_174 : memref<1x1000xi32, #tpu.memory_space<hbm>> -> memref<1000xi32, #tpu.memory_space<hbm>>
    tpu.enqueue_dma source(%dma_start3A_175 : memref<1000xi32, #tpu.memory_space<hbm>>) target(%dma_start3A_173 : memref<1000xi32, #tpu.memory_space<vmem>>) target_semaphore(%arg25 : memref<!tpu.dma_semaphore, #tpu.memory_space<semaphore_mem>>)
    %add3A_176 = arith.constant 2000 : i32
    %add3A_177 = arith.addi %mul3A_4, %add3A_176 : i32
    %dma_start3A_178 = arith.constant 1 : i32
    %dma_start3A_179 = arith.constant 2 : i32
    %dma_start3A_180 = arith.constant 0 : i32
    %dma_start3A_181 = tpu.memref_slice %arg6[%dma_start3A_179, %dma_start3A_180] : memref<10x1000xi32, #tpu.memory_space<vmem>> -> memref<1x1000xi32, #tpu.memory_space<vmem>>
    %dma_start3A_182 = tpu.memref_squeeze %dma_start3A_181 : memref<1x1000xi32, #tpu.memory_space<vmem>> -> memref<1000xi32, #tpu.memory_space<vmem>>
    %dma_start3A_183 = tpu.memref_slice %arg3[%dma_start3A_178, %add3A_177] : memref<2x320000xi32, #tpu.memory_space<hbm>> -> memref<1x1000xi32, #tpu.memory_space<hbm>>
    %dma_start3A_184 = tpu.memref_squeeze %dma_start3A_183 : memref<1x1000xi32, #tpu.memory_space<hbm>> -> memref<1000xi32, #tpu.memory_space<hbm>>
    %dma_start3A_185 = arith.constant 0 : i32
    %dma_start3A_186 = tpu.memref_slice %arg6[%dma_start3A_179, %dma_start3A_185] : memref<10x1000xi32, #tpu.memory_space<vmem>> -> memref<1x1000xi32, #tpu.memory_space<vmem>>
    %dma_start3A_187 = tpu.memref_squeeze %dma_start3A_186 : memref<1x1000xi32, #tpu.memory_space<vmem>> -> memref<1000xi32, #tpu.memory_space<vmem>>
    %dma_start3A_188 = tpu.memref_slice %arg3[%dma_start3A_178, %add3A_177] : memref<2x320000xi32, #tpu.memory_space<hbm>> -> memref<1x1000xi32, #tpu.memory_space<hbm>>
    %dma_start3A_189 = tpu.memref_squeeze %dma_start3A_188 : memref<1x1000xi32, #tpu.memory_space<hbm>> -> memref<1000xi32, #tpu.memory_space<hbm>>
    tpu.enqueue_dma source(%dma_start3A_189 : memref<1000xi32, #tpu.memory_space<hbm>>) target(%dma_start3A_187 : memref<1000xi32, #tpu.memory_space<vmem>>) target_semaphore(%arg26 : memref<!tpu.dma_semaphore, #tpu.memory_space<semaphore_mem>>)
    %add3A_190 = arith.constant 3000 : i32
    %add3A_191 = arith.addi %mul3A_4, %add3A_190 : i32
    %dma_start3A_192 = arith.constant 1 : i32
    %dma_start3A_193 = arith.constant 3 : i32
    %dma_start3A_194 = arith.constant 0 : i32
    %dma_start3A_195 = tpu.memref_slice %arg6[%dma_start3A_193, %dma_start3A_194] : memref<10x1000xi32, #tpu.memory_space<vmem>> -> memref<1x1000xi32, #tpu.memory_space<vmem>>
    %dma_start3A_196 = tpu.memref_squeeze %dma_start3A_195 : memref<1x1000xi32, #tpu.memory_space<vmem>> -> memref<1000xi32, #tpu.memory_space<vmem>>
    %dma_start3A_197 = tpu.memref_slice %arg3[%dma_start3A_192, %add3A_191] : memref<2x320000xi32, #tpu.memory_space<hbm>> -> memref<1x1000xi32, #tpu.memory_space<hbm>>
    %dma_start3A_198 = tpu.memref_squeeze %dma_start3A_197 : memref<1x1000xi32, #tpu.memory_space<hbm>> -> memref<1000xi32, #tpu.memory_space<hbm>>
    %dma_start3A_199 = arith.constant 0 : i32
    %dma_start3A_200 = tpu.memref_slice %arg6[%dma_start3A_193, %dma_start3A_199] : memref<10x1000xi32, #tpu.memory_space<vmem>> -> memref<1x1000xi32, #tpu.memory_space<vmem>>
    %dma_start3A_201 = tpu.memref_squeeze %dma_start3A_200 : memref<1x1000xi32, #tpu.memory_space<vmem>> -> memref<1000xi32, #tpu.memory_space<vmem>>
    %dma_start3A_202 = tpu.memref_slice %arg3[%dma_start3A_192, %add3A_191] : memref<2x320000xi32, #tpu.memory_space<hbm>> -> memref<1x1000xi32, #tpu.memory_space<hbm>>
    %dma_start3A_203 = tpu.memref_squeeze %dma_start3A_202 : memref<1x1000xi32, #tpu.memory_space<hbm>> -> memref<1000xi32, #tpu.memory_space<hbm>>
    tpu.enqueue_dma source(%dma_start3A_203 : memref<1000xi32, #tpu.memory_space<hbm>>) target(%dma_start3A_201 : memref<1000xi32, #tpu.memory_space<vmem>>) target_semaphore(%arg27 : memref<!tpu.dma_semaphore, #tpu.memory_space<semaphore_mem>>)
    %add3A_204 = arith.constant 4000 : i32
    %add3A_205 = arith.addi %mul3A_4, %add3A_204 : i32
    %dma_start3A_206 = arith.constant 1 : i32
    %dma_start3A_207 = arith.constant 4 : i32
    %dma_start3A_208 = arith.constant 0 : i32
    %dma_start3A_209 = tpu.memref_slice %arg6[%dma_start3A_207, %dma_start3A_208] : memref<10x1000xi32, #tpu.memory_space<vmem>> -> memref<1x1000xi32, #tpu.memory_space<vmem>>
    %dma_start3A_210 = tpu.memref_squeeze %dma_start3A_209 : memref<1x1000xi32, #tpu.memory_space<vmem>> -> memref<1000xi32, #tpu.memory_space<vmem>>
    %dma_start3A_211 = tpu.memref_slice %arg3[%dma_start3A_206, %add3A_205] : memref<2x320000xi32, #tpu.memory_space<hbm>> -> memref<1x1000xi32, #tpu.memory_space<hbm>>
    %dma_start3A_212 = tpu.memref_squeeze %dma_start3A_211 : memref<1x1000xi32, #tpu.memory_space<hbm>> -> memref<1000xi32, #tpu.memory_space<hbm>>
    %dma_start3A_213 = arith.constant 0 : i32
    %dma_start3A_214 = tpu.memref_slice %arg6[%dma_start3A_207, %dma_start3A_213] : memref<10x1000xi32, #tpu.memory_space<vmem>> -> memref<1x1000xi32, #tpu.memory_space<vmem>>
    %dma_start3A_215 = tpu.memref_squeeze %dma_start3A_214 : memref<1x1000xi32, #tpu.memory_space<vmem>> -> memref<1000xi32, #tpu.memory_space<vmem>>
    %dma_start3A_216 = tpu.memref_slice %arg3[%dma_start3A_206, %add3A_205] : memref<2x320000xi32, #tpu.memory_space<hbm>> -> memref<1x1000xi32, #tpu.memory_space<hbm>>
    %dma_start3A_217 = tpu.memref_squeeze %dma_start3A_216 : memref<1x1000xi32, #tpu.memory_space<hbm>> -> memref<1000xi32, #tpu.memory_space<hbm>>
    tpu.enqueue_dma source(%dma_start3A_217 : memref<1000xi32, #tpu.memory_space<hbm>>) target(%dma_start3A_215 : memref<1000xi32, #tpu.memory_space<vmem>>) target_semaphore(%arg28 : memref<!tpu.dma_semaphore, #tpu.memory_space<semaphore_mem>>)
    %add3A_218 = arith.constant 5000 : i32
    %add3A_219 = arith.addi %mul3A_4, %add3A_218 : i32
    %dma_start3A_220 = arith.constant 1 : i32
    %dma_start3A_221 = arith.constant 5 : i32
    %dma_start3A_222 = arith.constant 0 : i32
    %dma_start3A_223 = tpu.memref_slice %arg6[%dma_start3A_221, %dma_start3A_222] : memref<10x1000xi32, #tpu.memory_space<vmem>> -> memref<1x1000xi32, #tpu.memory_space<vmem>>
    %dma_start3A_224 = tpu.memref_squeeze %dma_start3A_223 : memref<1x1000xi32, #tpu.memory_space<vmem>> -> memref<1000xi32, #tpu.memory_space<vmem>>
    %dma_start3A_225 = tpu.memref_slice %arg3[%dma_start3A_220, %add3A_219] : memref<2x320000xi32, #tpu.memory_space<hbm>> -> memref<1x1000xi32, #tpu.memory_space<hbm>>
    %dma_start3A_226 = tpu.memref_squeeze %dma_start3A_225 : memref<1x1000xi32, #tpu.memory_space<hbm>> -> memref<1000xi32, #tpu.memory_space<hbm>>
    %dma_start3A_227 = arith.constant 0 : i32
    %dma_start3A_228 = tpu.memref_slice %arg6[%dma_start3A_221, %dma_start3A_227] : memref<10x1000xi32, #tpu.memory_space<vmem>> -> memref<1x1000xi32, #tpu.memory_space<vmem>>
    %dma_start3A_229 = tpu.memref_squeeze %dma_start3A_228 : memref<1x1000xi32, #tpu.memory_space<vmem>> -> memref<1000xi32, #tpu.memory_space<vmem>>
    %dma_start3A_230 = tpu.memref_slice %arg3[%dma_start3A_220, %add3A_219] : memref<2x320000xi32, #tpu.memory_space<hbm>> -> memref<1x1000xi32, #tpu.memory_space<hbm>>
    %dma_start3A_231 = tpu.memref_squeeze %dma_start3A_230 : memref<1x1000xi32, #tpu.memory_space<hbm>> -> memref<1000xi32, #tpu.memory_space<hbm>>
    tpu.enqueue_dma source(%dma_start3A_231 : memref<1000xi32, #tpu.memory_space<hbm>>) target(%dma_start3A_229 : memref<1000xi32, #tpu.memory_space<vmem>>) target_semaphore(%arg29 : memref<!tpu.dma_semaphore, #tpu.memory_space<semaphore_mem>>)
    %add3A_232 = arith.constant 6000 : i32
    %add3A_233 = arith.addi %mul3A_4, %add3A_232 : i32
    %dma_start3A_234 = arith.constant 1 : i32
    %dma_start3A_235 = arith.constant 6 : i32
    %dma_start3A_236 = arith.constant 0 : i32
    %dma_start3A_237 = tpu.memref_slice %arg6[%dma_start3A_235, %dma_start3A_236] : memref<10x1000xi32, #tpu.memory_space<vmem>> -> memref<1x1000xi32, #tpu.memory_space<vmem>>
    %dma_start3A_238 = tpu.memref_squeeze %dma_start3A_237 : memref<1x1000xi32, #tpu.memory_space<vmem>> -> memref<1000xi32, #tpu.memory_space<vmem>>
    %dma_start3A_239 = tpu.memref_slice %arg3[%dma_start3A_234, %add3A_233] : memref<2x320000xi32, #tpu.memory_space<hbm>> -> memref<1x1000xi32, #tpu.memory_space<hbm>>
    %dma_start3A_240 = tpu.memref_squeeze %dma_start3A_239 : memref<1x1000xi32, #tpu.memory_space<hbm>> -> memref<1000xi32, #tpu.memory_space<hbm>>
    %dma_start3A_241 = arith.constant 0 : i32
    %dma_start3A_242 = tpu.memref_slice %arg6[%dma_start3A_235, %dma_start3A_241] : memref<10x1000xi32, #tpu.memory_space<vmem>> -> memref<1x1000xi32, #tpu.memory_space<vmem>>
    %dma_start3A_243 = tpu.memref_squeeze %dma_start3A_242 : memref<1x1000xi32, #tpu.memory_space<vmem>> -> memref<1000xi32, #tpu.memory_space<vmem>>
    %dma_start3A_244 = tpu.memref_slice %arg3[%dma_start3A_234, %add3A_233] : memref<2x320000xi32, #tpu.memory_space<hbm>> -> memref<1x1000xi32, #tpu.memory_space<hbm>>
    %dma_start3A_245 = tpu.memref_squeeze %dma_start3A_244 : memref<1x1000xi32, #tpu.memory_space<hbm>> -> memref<1000xi32, #tpu.memory_space<hbm>>
    tpu.enqueue_dma source(%dma_start3A_245 : memref<1000xi32, #tpu.memory_space<hbm>>) target(%dma_start3A_243 : memref<1000xi32, #tpu.memory_space<vmem>>) target_semaphore(%arg30 : memref<!tpu.dma_semaphore, #tpu.memory_space<semaphore_mem>>)
    %add3A_246 = arith.constant 7000 : i32
    %add3A_247 = arith.addi %mul3A_4, %add3A_246 : i32
    %dma_start3A_248 = arith.constant 1 : i32
    %dma_start3A_249 = arith.constant 7 : i32
    %dma_start3A_250 = arith.constant 0 : i32
    %dma_start3A_251 = tpu.memref_slice %arg6[%dma_start3A_249, %dma_start3A_250] : memref<10x1000xi32, #tpu.memory_space<vmem>> -> memref<1x1000xi32, #tpu.memory_space<vmem>>
    %dma_start3A_252 = tpu.memref_squeeze %dma_start3A_251 : memref<1x1000xi32, #tpu.memory_space<vmem>> -> memref<1000xi32, #tpu.memory_space<vmem>>
    %dma_start3A_253 = tpu.memref_slice %arg3[%dma_start3A_248, %add3A_247] : memref<2x320000xi32, #tpu.memory_space<hbm>> -> memref<1x1000xi32, #tpu.memory_space<hbm>>
    %dma_start3A_254 = tpu.memref_squeeze %dma_start3A_253 : memref<1x1000xi32, #tpu.memory_space<hbm>> -> memref<1000xi32, #tpu.memory_space<hbm>>
    %dma_start3A_255 = arith.constant 0 : i32
    %dma_start3A_256 = tpu.memref_slice %arg6[%dma_start3A_249, %dma_start3A_255] : memref<10x1000xi32, #tpu.memory_space<vmem>> -> memref<1x1000xi32, #tpu.memory_space<vmem>>
    %dma_start3A_257 = tpu.memref_squeeze %dma_start3A_256 : memref<1x1000xi32, #tpu.memory_space<vmem>> -> memref<1000xi32, #tpu.memory_space<vmem>>
    %dma_start3A_258 = tpu.memref_slice %arg3[%dma_start3A_248, %add3A_247] : memref<2x320000xi32, #tpu.memory_space<hbm>> -> memref<1x1000xi32, #tpu.memory_space<hbm>>
    %dma_start3A_259 = tpu.memref_squeeze %dma_start3A_258 : memref<1x1000xi32, #tpu.memory_space<hbm>> -> memref<1000xi32, #tpu.memory_space<hbm>>
    tpu.enqueue_dma source(%dma_start3A_259 : memref<1000xi32, #tpu.memory_space<hbm>>) target(%dma_start3A_257 : memref<1000xi32, #tpu.memory_space<vmem>>) target_semaphore(%arg31 : memref<!tpu.dma_semaphore, #tpu.memory_space<semaphore_mem>>)
    %add3A_260 = arith.constant 8000 : i32
    %add3A_261 = arith.addi %mul3A_4, %add3A_260 : i32
    %dma_start3A_262 = arith.constant 1 : i32
    %dma_start3A_263 = arith.constant 8 : i32
    %dma_start3A_264 = arith.constant 0 : i32
    %dma_start3A_265 = tpu.memref_slice %arg6[%dma_start3A_263, %dma_start3A_264] : memref<10x1000xi32, #tpu.memory_space<vmem>> -> memref<1x1000xi32, #tpu.memory_space<vmem>>
    %dma_start3A_266 = tpu.memref_squeeze %dma_start3A_265 : memref<1x1000xi32, #tpu.memory_space<vmem>> -> memref<1000xi32, #tpu.memory_space<vmem>>
    %dma_start3A_267 = tpu.memref_slice %arg3[%dma_start3A_262, %add3A_261] : memref<2x320000xi32, #tpu.memory_space<hbm>> -> memref<1x1000xi32, #tpu.memory_space<hbm>>
    %dma_start3A_268 = tpu.memref_squeeze %dma_start3A_267 : memref<1x1000xi32, #tpu.memory_space<hbm>> -> memref<1000xi32, #tpu.memory_space<hbm>>
    %dma_start3A_269 = arith.constant 0 : i32
    %dma_start3A_270 = tpu.memref_slice %arg6[%dma_start3A_263, %dma_start3A_269] : memref<10x1000xi32, #tpu.memory_space<vmem>> -> memref<1x1000xi32, #tpu.memory_space<vmem>>
    %dma_start3A_271 = tpu.memref_squeeze %dma_start3A_270 : memref<1x1000xi32, #tpu.memory_space<vmem>> -> memref<1000xi32, #tpu.memory_space<vmem>>
    %dma_start3A_272 = tpu.memref_slice %arg3[%dma_start3A_262, %add3A_261] : memref<2x320000xi32, #tpu.memory_space<hbm>> -> memref<1x1000xi32, #tpu.memory_space<hbm>>
    %dma_start3A_273 = tpu.memref_squeeze %dma_start3A_272 : memref<1x1000xi32, #tpu.memory_space<hbm>> -> memref<1000xi32, #tpu.memory_space<hbm>>
    tpu.enqueue_dma source(%dma_start3A_273 : memref<1000xi32, #tpu.memory_space<hbm>>) target(%dma_start3A_271 : memref<1000xi32, #tpu.memory_space<vmem>>) target_semaphore(%arg32 : memref<!tpu.dma_semaphore, #tpu.memory_space<semaphore_mem>>)
    %add3A_274 = arith.constant 9000 : i32
    %add3A_275 = arith.addi %mul3A_4, %add3A_274 : i32
    %dma_start3A_276 = arith.constant 1 : i32
    %dma_start3A_277 = arith.constant 9 : i32
    %dma_start3A_278 = arith.constant 0 : i32
    %dma_start3A_279 = tpu.memref_slice %arg6[%dma_start3A_277, %dma_start3A_278] : memref<10x1000xi32, #tpu.memory_space<vmem>> -> memref<1x1000xi32, #tpu.memory_space<vmem>>
    %dma_start3A_280 = tpu.memref_squeeze %dma_start3A_279 : memref<1x1000xi32, #tpu.memory_space<vmem>> -> memref<1000xi32, #tpu.memory_space<vmem>>
    %dma_start3A_281 = tpu.memref_slice %arg3[%dma_start3A_276, %add3A_275] : memref<2x320000xi32, #tpu.memory_space<hbm>> -> memref<1x1000xi32, #tpu.memory_space<hbm>>
    %dma_start3A_282 = tpu.memref_squeeze %dma_start3A_281 : memref<1x1000xi32, #tpu.memory_space<hbm>> -> memref<1000xi32, #tpu.memory_space<hbm>>
    %dma_start3A_283 = arith.constant 0 : i32
    %dma_start3A_284 = tpu.memref_slice %arg6[%dma_start3A_277, %dma_start3A_283] : memref<10x1000xi32, #tpu.memory_space<vmem>> -> memref<1x1000xi32, #tpu.memory_space<vmem>>
    %dma_start3A_285 = tpu.memref_squeeze %dma_start3A_284 : memref<1x1000xi32, #tpu.memory_space<vmem>> -> memref<1000xi32, #tpu.memory_space<vmem>>
    %dma_start3A_286 = tpu.memref_slice %arg3[%dma_start3A_276, %add3A_275] : memref<2x320000xi32, #tpu.memory_space<hbm>> -> memref<1x1000xi32, #tpu.memory_space<hbm>>
    %dma_start3A_287 = tpu.memref_squeeze %dma_start3A_286 : memref<1x1000xi32, #tpu.memory_space<hbm>> -> memref<1000xi32, #tpu.memory_space<hbm>>
    tpu.enqueue_dma source(%dma_start3A_287 : memref<1000xi32, #tpu.memory_space<hbm>>) target(%dma_start3A_285 : memref<1000xi32, #tpu.memory_space<vmem>>) target_semaphore(%arg13 : memref<!tpu.dma_semaphore, #tpu.memory_space<semaphore_mem>>)
    %broadcast_in_dim3A = arith.constant 0.000000e+00 : f32
    %broadcast_in_dim3A_288 = vector.broadcast %broadcast_in_dim3A : f32 to vector<16xf32>
    %scan3A = arith.constant 0 : i32
    %scan3A_289 = arith.constant 0 : i32
    %scan3A_290 = arith.constant 1000 : i32
    %scan3A_291 = arith.addi %scan3A_289, %scan3A_290 : i32
    %scan3A_292 = arith.constant 1 : i32
    scf.for %scan3A_818 = %scan3A_289 to %scan3A_291 step %scan3A_292  : i32 {
      %swap3A = arith.index_cast %scan3A_818 : i32 to index
      %swap3A_819 = arith.constant 0 : index
      %swap3A_820 = tpu.vector_load %arg7[%swap3A, %swap3A_819] {strides = array<i32>} : memref<1000x16xf32, #tpu.memory_space<vmem>>, vector<1x16xf32>,
      %swap3A_821 = vector.shape_cast %swap3A_820 : vector<1x16xf32> to vector<16xf32>
      %swap3A_822 = vector.shape_cast %broadcast_in_dim3A_288 : vector<16xf32> to vector<1x16xf32>
      tpu.vector_store %arg7[%swap3A, %swap3A_819], %swap3A_822 {strides = array<i32>} : memref<1000x16xf32, #tpu.memory_space<vmem>>, vector<1x16xf32>,
    }
    %scan3A_293 = arith.constant 1000 : i32
    "tpu.region"() ({
      %run_scoped3A = tpu.sem_alloc : memref<!tpu.dma_semaphore, #tpu.memory_space<semaphore_mem>>
      %dma_start3A_818 = arith.constant 0 : i32
      %dma_start3A_819 = arith.constant 0 : i32
      %dma_start3A_820 = tpu.memref_slice %arg7[%dma_start3A_818, %dma_start3A_819] : memref<1000x16xf32, #tpu.memory_space<vmem>> -> memref<640x16xf32, #tpu.memory_space<vmem>>
      %dma_start3A_821 = arith.constant 0 : i32
      %dma_start3A_822 = tpu.memref_slice %arg11[%mul3A_2, %dma_start3A_821] : memref<10240x16xf32, #tpu.memory_space<vmem_shared>> -> memref<640x16xf32, #tpu.memory_space<vmem_shared>>
      %dma_start3A_823 = arith.constant 0 : i32
      %dma_start3A_824 = tpu.memref_slice %arg11[%mul3A_2, %dma_start3A_823] : memref<10240x16xf32, #tpu.memory_space<vmem_shared>> -> memref<640x16xf32, #tpu.memory_space<vmem_shared>>
      %dma_start3A_825 = arith.constant 0 : i32
      %dma_start3A_826 = arith.constant 0 : i32
      %dma_start3A_827 = tpu.memref_slice %arg7[%dma_start3A_825, %dma_start3A_826] : memref<1000x16xf32, #tpu.memory_space<vmem>> -> memref<640x16xf32, #tpu.memory_space<vmem>>
      tpu.enqueue_dma source(%dma_start3A_827 : memref<640x16xf32, #tpu.memory_space<vmem>>) target(%dma_start3A_824 : memref<640x16xf32, #tpu.memory_space<vmem_shared>>) target_semaphore(%run_scoped3A : memref<!tpu.dma_semaphore, #tpu.memory_space<semaphore_mem>>)
      %dma_wait3A_828 = arith.constant 0 : i32
      %dma_wait3A_829 = arith.constant 0 : i32
      %dma_wait3A_830 = tpu.memref_slice %arg7[%dma_wait3A_828, %dma_wait3A_829] : memref<1000x16xf32, #tpu.memory_space<vmem>> -> memref<640x16xf32, #tpu.memory_space<vmem>>
      %dma_wait3A_831 = arith.constant 0 : i32
      %dma_wait3A_832 = tpu.memref_slice %arg11[%mul3A_2, %dma_wait3A_831] : memref<10240x16xf32, #tpu.memory_space<vmem_shared>> -> memref<640x16xf32, #tpu.memory_space<vmem_shared>>
      %dma_wait3A_833 = arith.constant 0 : i32
      %dma_wait3A_834 = tpu.memref_slice %arg11[%mul3A_2, %dma_wait3A_833] : memref<10240x16xf32, #tpu.memory_space<vmem_shared>> -> memref<640x16xf32, #tpu.memory_space<vmem_shared>>
      %dma_wait3A_835 = arith.constant 0 : i32
      %dma_wait3A_836 = arith.constant 0 : i32
      %dma_wait3A_837 = tpu.memref_slice %arg7[%dma_wait3A_835, %dma_wait3A_836] : memref<1000x16xf32, #tpu.memory_space<vmem>> -> memref<640x16xf32, #tpu.memory_space<vmem>>
      tpu.wait_dma2 semaphore(%run_scoped3A : memref<!tpu.dma_semaphore, #tpu.memory_space<semaphore_mem>>) src(%dma_wait3A_837 : memref<640x16xf32, #tpu.memory_space<vmem>>) dst(%dma_wait3A_834 : memref<640x16xf32, #tpu.memory_space<vmem_shared>>)
      tpu.yield
    }) : () -> ()
    %dma_wait3A = arith.constant 0 : i32
    %dma_wait3A_294 = tpu.memref_slice %arg12[%mul3A_2, %dma_wait3A] : memref<10240x16xf32, #tpu.memory_space<vmem_shared>> -> memref<640x16xf32, #tpu.memory_space<vmem_shared>>
    %dma_wait3A_295 = arith.constant 0 : i32
    %dma_wait3A_296 = tpu.memref_slice %arg2[%mul3A_2, %dma_wait3A_295] : memref<10240x16xf32, #tpu.memory_space<hbm>> -> memref<640x16xf32, #tpu.memory_space<hbm>>
    tpu.wait_dma2 semaphore(%arg13 : memref<!tpu.dma_semaphore, #tpu.memory_space<semaphore_mem>>) src(%dma_wait3A_296 : memref<640x16xf32, #tpu.memory_space<hbm>>) dst(%dma_wait3A_294 : memref<640x16xf32, #tpu.memory_space<vmem_shared>>)
    %dma_wait3A_297 = arith.constant 0 : i32
    %dma_wait3A_298 = arith.constant 0 : i32
    %dma_wait3A_299 = arith.constant 0 : i32
    %dma_wait3A_300 = tpu.memref_slice %arg5[%dma_wait3A_298, %dma_wait3A_299] : memref<10x1000xi32, #tpu.memory_space<vmem>> -> memref<1x1000xi32, #tpu.memory_space<vmem>>
    %dma_wait3A_301 = tpu.memref_squeeze %dma_wait3A_300 : memref<1x1000xi32, #tpu.memory_space<vmem>> -> memref<1000xi32, #tpu.memory_space<vmem>>
    %dma_wait3A_302 = tpu.memref_slice %arg3[%dma_wait3A_297, %add3A_9] : memref<2x320000xi32, #tpu.memory_space<hbm>> -> memref<1x1000xi32, #tpu.memory_space<hbm>>
    %dma_wait3A_303 = tpu.memref_squeeze %dma_wait3A_302 : memref<1x1000xi32, #tpu.memory_space<hbm>> -> memref<1000xi32, #tpu.memory_space<hbm>>
    %dma_wait3A_304 = arith.constant 0 : i32
    %dma_wait3A_305 = tpu.memref_slice %arg5[%dma_wait3A_298, %dma_wait3A_304] : memref<10x1000xi32, #tpu.memory_space<vmem>> -> memref<1x1000xi32, #tpu.memory_space<vmem>>
    %dma_wait3A_306 = tpu.memref_squeeze %dma_wait3A_305 : memref<1x1000xi32, #tpu.memory_space<vmem>> -> memref<1000xi32, #tpu.memory_space<vmem>>
    %dma_wait3A_307 = tpu.memref_slice %arg3[%dma_wait3A_297, %add3A_9] : memref<2x320000xi32, #tpu.memory_space<hbm>> -> memref<1x1000xi32, #tpu.memory_space<hbm>>
    %dma_wait3A_308 = tpu.memref_squeeze %dma_wait3A_307 : memref<1x1000xi32, #tpu.memory_space<hbm>> -> memref<1000xi32, #tpu.memory_space<hbm>>
    tpu.wait_dma2 semaphore(%arg14 : memref<!tpu.dma_semaphore, #tpu.memory_space<semaphore_mem>>) src(%dma_wait3A_308 : memref<1000xi32, #tpu.memory_space<hbm>>) dst(%dma_wait3A_306 : memref<1000xi32, #tpu.memory_space<vmem>>)
    %dma_wait3A_309 = arith.constant 0 : i32
    %dma_wait3A_310 = arith.constant 1 : i32
    %dma_wait3A_311 = arith.constant 0 : i32
    %dma_wait3A_312 = tpu.memref_slice %arg5[%dma_wait3A_310, %dma_wait3A_311] : memref<10x1000xi32, #tpu.memory_space<vmem>> -> memref<1x1000xi32, #tpu.memory_space<vmem>>
    %dma_wait3A_313 = tpu.memref_squeeze %dma_wait3A_312 : memref<1x1000xi32, #tpu.memory_space<vmem>> -> memref<1000xi32, #tpu.memory_space<vmem>>
    %dma_wait3A_314 = tpu.memref_slice %arg3[%dma_wait3A_309, %add3A_23] : memref<2x320000xi32, #tpu.memory_space<hbm>> -> memref<1x1000xi32, #tpu.memory_space<hbm>>
    %dma_wait3A_315 = tpu.memref_squeeze %dma_wait3A_314 : memref<1x1000xi32, #tpu.memory_space<hbm>> -> memref<1000xi32, #tpu.memory_space<hbm>>
    %dma_wait3A_316 = arith.constant 0 : i32
    %dma_wait3A_317 = tpu.memref_slice %arg5[%dma_wait3A_310, %dma_wait3A_316] : memref<10x1000xi32, #tpu.memory_space<vmem>> -> memref<1x1000xi32, #tpu.memory_space<vmem>>
    %dma_wait3A_318 = tpu.memref_squeeze %dma_wait3A_317 : memref<1x1000xi32, #tpu.memory_space<vmem>> -> memref<1000xi32, #tpu.memory_space<vmem>>
    %dma_wait3A_319 = tpu.memref_slice %arg3[%dma_wait3A_309, %add3A_23] : memref<2x320000xi32, #tpu.memory_space<hbm>> -> memref<1x1000xi32, #tpu.memory_space<hbm>>
    %dma_wait3A_320 = tpu.memref_squeeze %dma_wait3A_319 : memref<1x1000xi32, #tpu.memory_space<hbm>> -> memref<1000xi32, #tpu.memory_space<hbm>>
    tpu.wait_dma2 semaphore(%arg15 : memref<!tpu.dma_semaphore, #tpu.memory_space<semaphore_mem>>) src(%dma_wait3A_320 : memref<1000xi32, #tpu.memory_space<hbm>>) dst(%dma_wait3A_318 : memref<1000xi32, #tpu.memory_space<vmem>>)
    %dma_wait3A_321 = arith.constant 0 : i32
    %dma_wait3A_322 = arith.constant 2 : i32
    %dma_wait3A_323 = arith.constant 0 : i32
    %dma_wait3A_324 = tpu.memref_slice %arg5[%dma_wait3A_322, %dma_wait3A_323] : memref<10x1000xi32, #tpu.memory_space<vmem>> -> memref<1x1000xi32, #tpu.memory_space<vmem>>
    %dma_wait3A_325 = tpu.memref_squeeze %dma_wait3A_324 : memref<1x1000xi32, #tpu.memory_space<vmem>> -> memref<1000xi32, #tpu.memory_space<vmem>>
    %dma_wait3A_326 = tpu.memref_slice %arg3[%dma_wait3A_321, %add3A_37] : memref<2x320000xi32, #tpu.memory_space<hbm>> -> memref<1x1000xi32, #tpu.memory_space<hbm>>
    %dma_wait3A_327 = tpu.memref_squeeze %dma_wait3A_326 : memref<1x1000xi32, #tpu.memory_space<hbm>> -> memref<1000xi32, #tpu.memory_space<hbm>>
    %dma_wait3A_328 = arith.constant 0 : i32
    %dma_wait3A_329 = tpu.memref_slice %arg5[%dma_wait3A_322, %dma_wait3A_328] : memref<10x1000xi32, #tpu.memory_space<vmem>> -> memref<1x1000xi32, #tpu.memory_space<vmem>>
    %dma_wait3A_330 = tpu.memref_squeeze %dma_wait3A_329 : memref<1x1000xi32, #tpu.memory_space<vmem>> -> memref<1000xi32, #tpu.memory_space<vmem>>
    %dma_wait3A_331 = tpu.memref_slice %arg3[%dma_wait3A_321, %add3A_37] : memref<2x320000xi32, #tpu.memory_space<hbm>> -> memref<1x1000xi32, #tpu.memory_space<hbm>>
    %dma_wait3A_332 = tpu.memref_squeeze %dma_wait3A_331 : memref<1x1000xi32, #tpu.memory_space<hbm>> -> memref<1000xi32, #tpu.memory_space<hbm>>
    tpu.wait_dma2 semaphore(%arg16 : memref<!tpu.dma_semaphore, #tpu.memory_space<semaphore_mem>>) src(%dma_wait3A_332 : memref<1000xi32, #tpu.memory_space<hbm>>) dst(%dma_wait3A_330 : memref<1000xi32, #tpu.memory_space<vmem>>)
    %dma_wait3A_333 = arith.constant 0 : i32
    %dma_wait3A_334 = arith.constant 3 : i32
    %dma_wait3A_335 = arith.constant 0 : i32
    %dma_wait3A_336 = tpu.memref_slice %arg5[%dma_wait3A_334, %dma_wait3A_335] : memref<10x1000xi32, #tpu.memory_space<vmem>> -> memref<1x1000xi32, #tpu.memory_space<vmem>>
    %dma_wait3A_337 = tpu.memref_squeeze %dma_wait3A_336 : memref<1x1000xi32, #tpu.memory_space<vmem>> -> memref<1000xi32, #tpu.memory_space<vmem>>
    %dma_wait3A_338 = tpu.memref_slice %arg3[%dma_wait3A_333, %add3A_51] : memref<2x320000xi32, #tpu.memory_space<hbm>> -> memref<1x1000xi32, #tpu.memory_space<hbm>>
    %dma_wait3A_339 = tpu.memref_squeeze %dma_wait3A_338 : memref<1x1000xi32, #tpu.memory_space<hbm>> -> memref<1000xi32, #tpu.memory_space<hbm>>
    %dma_wait3A_340 = arith.constant 0 : i32
    %dma_wait3A_341 = tpu.memref_slice %arg5[%dma_wait3A_334, %dma_wait3A_340] : memref<10x1000xi32, #tpu.memory_space<vmem>> -> memref<1x1000xi32, #tpu.memory_space<vmem>>
    %dma_wait3A_342 = tpu.memref_squeeze %dma_wait3A_341 : memref<1x1000xi32, #tpu.memory_space<vmem>> -> memref<1000xi32, #tpu.memory_space<vmem>>
    %dma_wait3A_343 = tpu.memref_slice %arg3[%dma_wait3A_333, %add3A_51] : memref<2x320000xi32, #tpu.memory_space<hbm>> -> memref<1x1000xi32, #tpu.memory_space<hbm>>
    %dma_wait3A_344 = tpu.memref_squeeze %dma_wait3A_343 : memref<1x1000xi32, #tpu.memory_space<hbm>> -> memref<1000xi32, #tpu.memory_space<hbm>>
    tpu.wait_dma2 semaphore(%arg17 : memref<!tpu.dma_semaphore, #tpu.memory_space<semaphore_mem>>) src(%dma_wait3A_344 : memref<1000xi32, #tpu.memory_space<hbm>>) dst(%dma_wait3A_342 : memref<1000xi32, #tpu.memory_space<vmem>>)
    %dma_wait3A_345 = arith.constant 0 : i32
    %dma_wait3A_346 = arith.constant 4 : i32
    %dma_wait3A_347 = arith.constant 0 : i32
    %dma_wait3A_348 = tpu.memref_slice %arg5[%dma_wait3A_346, %dma_wait3A_347] : memref<10x1000xi32, #tpu.memory_space<vmem>> -> memref<1x1000xi32, #tpu.memory_space<vmem>>
    %dma_wait3A_349 = tpu.memref_squeeze %dma_wait3A_348 : memref<1x1000xi32, #tpu.memory_space<vmem>> -> memref<1000xi32, #tpu.memory_space<vmem>>
    %dma_wait3A_350 = tpu.memref_slice %arg3[%dma_wait3A_345, %add3A_65] : memref<2x320000xi32, #tpu.memory_space<hbm>> -> memref<1x1000xi32, #tpu.memory_space<hbm>>
    %dma_wait3A_351 = tpu.memref_squeeze %dma_wait3A_350 : memref<1x1000xi32, #tpu.memory_space<hbm>> -> memref<1000xi32, #tpu.memory_space<hbm>>
    %dma_wait3A_352 = arith.constant 0 : i32
    %dma_wait3A_353 = tpu.memref_slice %arg5[%dma_wait3A_346, %dma_wait3A_352] : memref<10x1000xi32, #tpu.memory_space<vmem>> -> memref<1x1000xi32, #tpu.memory_space<vmem>>
    %dma_wait3A_354 = tpu.memref_squeeze %dma_wait3A_353 : memref<1x1000xi32, #tpu.memory_space<vmem>> -> memref<1000xi32, #tpu.memory_space<vmem>>
    %dma_wait3A_355 = tpu.memref_slice %arg3[%dma_wait3A_345, %add3A_65] : memref<2x320000xi32, #tpu.memory_space<hbm>> -> memref<1x1000xi32, #tpu.memory_space<hbm>>
    %dma_wait3A_356 = tpu.memref_squeeze %dma_wait3A_355 : memref<1x1000xi32, #tpu.memory_space<hbm>> -> memref<1000xi32, #tpu.memory_space<hbm>>
    tpu.wait_dma2 semaphore(%arg18 : memref<!tpu.dma_semaphore, #tpu.memory_space<semaphore_mem>>) src(%dma_wait3A_356 : memref<1000xi32, #tpu.memory_space<hbm>>) dst(%dma_wait3A_354 : memref<1000xi32, #tpu.memory_space<vmem>>)
    %dma_wait3A_357 = arith.constant 0 : i32
    %dma_wait3A_358 = arith.constant 5 : i32
    %dma_wait3A_359 = arith.constant 0 : i32
    %dma_wait3A_360 = tpu.memref_slice %arg5[%dma_wait3A_358, %dma_wait3A_359] : memref<10x1000xi32, #tpu.memory_space<vmem>> -> memref<1x1000xi32, #tpu.memory_space<vmem>>
    %dma_wait3A_361 = tpu.memref_squeeze %dma_wait3A_360 : memref<1x1000xi32, #tpu.memory_space<vmem>> -> memref<1000xi32, #tpu.memory_space<vmem>>
    %dma_wait3A_362 = tpu.memref_slice %arg3[%dma_wait3A_357, %add3A_79] : memref<2x320000xi32, #tpu.memory_space<hbm>> -> memref<1x1000xi32, #tpu.memory_space<hbm>>
    %dma_wait3A_363 = tpu.memref_squeeze %dma_wait3A_362 : memref<1x1000xi32, #tpu.memory_space<hbm>> -> memref<1000xi32, #tpu.memory_space<hbm>>
    %dma_wait3A_364 = arith.constant 0 : i32
    %dma_wait3A_365 = tpu.memref_slice %arg5[%dma_wait3A_358, %dma_wait3A_364] : memref<10x1000xi32, #tpu.memory_space<vmem>> -> memref<1x1000xi32, #tpu.memory_space<vmem>>
    %dma_wait3A_366 = tpu.memref_squeeze %dma_wait3A_365 : memref<1x1000xi32, #tpu.memory_space<vmem>> -> memref<1000xi32, #tpu.memory_space<vmem>>
    %dma_wait3A_367 = tpu.memref_slice %arg3[%dma_wait3A_357, %add3A_79] : memref<2x320000xi32, #tpu.memory_space<hbm>> -> memref<1x1000xi32, #tpu.memory_space<hbm>>
    %dma_wait3A_368 = tpu.memref_squeeze %dma_wait3A_367 : memref<1x1000xi32, #tpu.memory_space<hbm>> -> memref<1000xi32, #tpu.memory_space<hbm>>
    tpu.wait_dma2 semaphore(%arg19 : memref<!tpu.dma_semaphore, #tpu.memory_space<semaphore_mem>>) src(%dma_wait3A_368 : memref<1000xi32, #tpu.memory_space<hbm>>) dst(%dma_wait3A_366 : memref<1000xi32, #tpu.memory_space<vmem>>)
    %dma_wait3A_369 = arith.constant 0 : i32
    %dma_wait3A_370 = arith.constant 6 : i32
    %dma_wait3A_371 = arith.constant 0 : i32
    %dma_wait3A_372 = tpu.memref_slice %arg5[%dma_wait3A_370, %dma_wait3A_371] : memref<10x1000xi32, #tpu.memory_space<vmem>> -> memref<1x1000xi32, #tpu.memory_space<vmem>>
    %dma_wait3A_373 = tpu.memref_squeeze %dma_wait3A_372 : memref<1x1000xi32, #tpu.memory_space<vmem>> -> memref<1000xi32, #tpu.memory_space<vmem>>
    %dma_wait3A_374 = tpu.memref_slice %arg3[%dma_wait3A_369, %add3A_93] : memref<2x320000xi32, #tpu.memory_space<hbm>> -> memref<1x1000xi32, #tpu.memory_space<hbm>>
    %dma_wait3A_375 = tpu.memref_squeeze %dma_wait3A_374 : memref<1x1000xi32, #tpu.memory_space<hbm>> -> memref<1000xi32, #tpu.memory_space<hbm>>
    %dma_wait3A_376 = arith.constant 0 : i32
    %dma_wait3A_377 = tpu.memref_slice %arg5[%dma_wait3A_370, %dma_wait3A_376] : memref<10x1000xi32, #tpu.memory_space<vmem>> -> memref<1x1000xi32, #tpu.memory_space<vmem>>
    %dma_wait3A_378 = tpu.memref_squeeze %dma_wait3A_377 : memref<1x1000xi32, #tpu.memory_space<vmem>> -> memref<1000xi32, #tpu.memory_space<vmem>>
    %dma_wait3A_379 = tpu.memref_slice %arg3[%dma_wait3A_369, %add3A_93] : memref<2x320000xi32, #tpu.memory_space<hbm>> -> memref<1x1000xi32, #tpu.memory_space<hbm>>
    %dma_wait3A_380 = tpu.memref_squeeze %dma_wait3A_379 : memref<1x1000xi32, #tpu.memory_space<hbm>> -> memref<1000xi32, #tpu.memory_space<hbm>>
    tpu.wait_dma2 semaphore(%arg20 : memref<!tpu.dma_semaphore, #tpu.memory_space<semaphore_mem>>) src(%dma_wait3A_380 : memref<1000xi32, #tpu.memory_space<hbm>>) dst(%dma_wait3A_378 : memref<1000xi32, #tpu.memory_space<vmem>>)
    %dma_wait3A_381 = arith.constant 0 : i32
    %dma_wait3A_382 = arith.constant 7 : i32
    %dma_wait3A_383 = arith.constant 0 : i32
    %dma_wait3A_384 = tpu.memref_slice %arg5[%dma_wait3A_382, %dma_wait3A_383] : memref<10x1000xi32, #tpu.memory_space<vmem>> -> memref<1x1000xi32, #tpu.memory_space<vmem>>
    %dma_wait3A_385 = tpu.memref_squeeze %dma_wait3A_384 : memref<1x1000xi32, #tpu.memory_space<vmem>> -> memref<1000xi32, #tpu.memory_space<vmem>>
    %dma_wait3A_386 = tpu.memref_slice %arg3[%dma_wait3A_381, %add3A_107] : memref<2x320000xi32, #tpu.memory_space<hbm>> -> memref<1x1000xi32, #tpu.memory_space<hbm>>
    %dma_wait3A_387 = tpu.memref_squeeze %dma_wait3A_386 : memref<1x1000xi32, #tpu.memory_space<hbm>> -> memref<1000xi32, #tpu.memory_space<hbm>>
    %dma_wait3A_388 = arith.constant 0 : i32
    %dma_wait3A_389 = tpu.memref_slice %arg5[%dma_wait3A_382, %dma_wait3A_388] : memref<10x1000xi32, #tpu.memory_space<vmem>> -> memref<1x1000xi32, #tpu.memory_space<vmem>>
    %dma_wait3A_390 = tpu.memref_squeeze %dma_wait3A_389 : memref<1x1000xi32, #tpu.memory_space<vmem>> -> memref<1000xi32, #tpu.memory_space<vmem>>
    %dma_wait3A_391 = tpu.memref_slice %arg3[%dma_wait3A_381, %add3A_107] : memref<2x320000xi32, #tpu.memory_space<hbm>> -> memref<1x1000xi32, #tpu.memory_space<hbm>>
    %dma_wait3A_392 = tpu.memref_squeeze %dma_wait3A_391 : memref<1x1000xi32, #tpu.memory_space<hbm>> -> memref<1000xi32, #tpu.memory_space<hbm>>
    tpu.wait_dma2 semaphore(%arg21 : memref<!tpu.dma_semaphore, #tpu.memory_space<semaphore_mem>>) src(%dma_wait3A_392 : memref<1000xi32, #tpu.memory_space<hbm>>) dst(%dma_wait3A_390 : memref<1000xi32, #tpu.memory_space<vmem>>)
    %dma_wait3A_393 = arith.constant 0 : i32
    %dma_wait3A_394 = arith.constant 8 : i32
    %dma_wait3A_395 = arith.constant 0 : i32
    %dma_wait3A_396 = tpu.memref_slice %arg5[%dma_wait3A_394, %dma_wait3A_395] : memref<10x1000xi32, #tpu.memory_space<vmem>> -> memref<1x1000xi32, #tpu.memory_space<vmem>>
    %dma_wait3A_397 = tpu.memref_squeeze %dma_wait3A_396 : memref<1x1000xi32, #tpu.memory_space<vmem>> -> memref<1000xi32, #tpu.memory_space<vmem>>
    %dma_wait3A_398 = tpu.memref_slice %arg3[%dma_wait3A_393, %add3A_121] : memref<2x320000xi32, #tpu.memory_space<hbm>> -> memref<1x1000xi32, #tpu.memory_space<hbm>>
    %dma_wait3A_399 = tpu.memref_squeeze %dma_wait3A_398 : memref<1x1000xi32, #tpu.memory_space<hbm>> -> memref<1000xi32, #tpu.memory_space<hbm>>
    %dma_wait3A_400 = arith.constant 0 : i32
    %dma_wait3A_401 = tpu.memref_slice %arg5[%dma_wait3A_394, %dma_wait3A_400] : memref<10x1000xi32, #tpu.memory_space<vmem>> -> memref<1x1000xi32, #tpu.memory_space<vmem>>
    %dma_wait3A_402 = tpu.memref_squeeze %dma_wait3A_401 : memref<1x1000xi32, #tpu.memory_space<vmem>> -> memref<1000xi32, #tpu.memory_space<vmem>>
    %dma_wait3A_403 = tpu.memref_slice %arg3[%dma_wait3A_393, %add3A_121] : memref<2x320000xi32, #tpu.memory_space<hbm>> -> memref<1x1000xi32, #tpu.memory_space<hbm>>
    %dma_wait3A_404 = tpu.memref_squeeze %dma_wait3A_403 : memref<1x1000xi32, #tpu.memory_space<hbm>> -> memref<1000xi32, #tpu.memory_space<hbm>>
    tpu.wait_dma2 semaphore(%arg22 : memref<!tpu.dma_semaphore, #tpu.memory_space<semaphore_mem>>) src(%dma_wait3A_404 : memref<1000xi32, #tpu.memory_space<hbm>>) dst(%dma_wait3A_402 : memref<1000xi32, #tpu.memory_space<vmem>>)
    %dma_wait3A_405 = arith.constant 0 : i32
    %dma_wait3A_406 = arith.constant 9 : i32
    %dma_wait3A_407 = arith.constant 0 : i32
    %dma_wait3A_408 = tpu.memref_slice %arg5[%dma_wait3A_406, %dma_wait3A_407] : memref<10x1000xi32, #tpu.memory_space<vmem>> -> memref<1x1000xi32, #tpu.memory_space<vmem>>
    %dma_wait3A_409 = tpu.memref_squeeze %dma_wait3A_408 : memref<1x1000xi32, #tpu.memory_space<vmem>> -> memref<1000xi32, #tpu.memory_space<vmem>>
    %dma_wait3A_410 = tpu.memref_slice %arg3[%dma_wait3A_405, %add3A_135] : memref<2x320000xi32, #tpu.memory_space<hbm>> -> memref<1x1000xi32, #tpu.memory_space<hbm>>
    %dma_wait3A_411 = tpu.memref_squeeze %dma_wait3A_410 : memref<1x1000xi32, #tpu.memory_space<hbm>> -> memref<1000xi32, #tpu.memory_space<hbm>>
    %dma_wait3A_412 = arith.constant 0 : i32
    %dma_wait3A_413 = tpu.memref_slice %arg5[%dma_wait3A_406, %dma_wait3A_412] : memref<10x1000xi32, #tpu.memory_space<vmem>> -> memref<1x1000xi32, #tpu.memory_space<vmem>>
    %dma_wait3A_414 = tpu.memref_squeeze %dma_wait3A_413 : memref<1x1000xi32, #tpu.memory_space<vmem>> -> memref<1000xi32, #tpu.memory_space<vmem>>
    %dma_wait3A_415 = tpu.memref_slice %arg3[%dma_wait3A_405, %add3A_135] : memref<2x320000xi32, #tpu.memory_space<hbm>> -> memref<1x1000xi32, #tpu.memory_space<hbm>>
    %dma_wait3A_416 = tpu.memref_squeeze %dma_wait3A_415 : memref<1x1000xi32, #tpu.memory_space<hbm>> -> memref<1000xi32, #tpu.memory_space<hbm>>
    tpu.wait_dma2 semaphore(%arg23 : memref<!tpu.dma_semaphore, #tpu.memory_space<semaphore_mem>>) src(%dma_wait3A_416 : memref<1000xi32, #tpu.memory_space<hbm>>) dst(%dma_wait3A_414 : memref<1000xi32, #tpu.memory_space<vmem>>)
    %dma_wait3A_417 = arith.constant 1 : i32
    %dma_wait3A_418 = arith.constant 0 : i32
    %dma_wait3A_419 = arith.constant 0 : i32
    %dma_wait3A_420 = tpu.memref_slice %arg6[%dma_wait3A_418, %dma_wait3A_419] : memref<10x1000xi32, #tpu.memory_space<vmem>> -> memref<1x1000xi32, #tpu.memory_space<vmem>>
    %dma_wait3A_421 = tpu.memref_squeeze %dma_wait3A_420 : memref<1x1000xi32, #tpu.memory_space<vmem>> -> memref<1000xi32, #tpu.memory_space<vmem>>
    %dma_wait3A_422 = tpu.memref_slice %arg3[%dma_wait3A_417, %add3A_149] : memref<2x320000xi32, #tpu.memory_space<hbm>> -> memref<1x1000xi32, #tpu.memory_space<hbm>>
    %dma_wait3A_423 = tpu.memref_squeeze %dma_wait3A_422 : memref<1x1000xi32, #tpu.memory_space<hbm>> -> memref<1000xi32, #tpu.memory_space<hbm>>
    %dma_wait3A_424 = arith.constant 0 : i32
    %dma_wait3A_425 = tpu.memref_slice %arg6[%dma_wait3A_418, %dma_wait3A_424] : memref<10x1000xi32, #tpu.memory_space<vmem>> -> memref<1x1000xi32, #tpu.memory_space<vmem>>
    %dma_wait3A_426 = tpu.memref_squeeze %dma_wait3A_425 : memref<1x1000xi32, #tpu.memory_space<vmem>> -> memref<1000xi32, #tpu.memory_space<vmem>>
    %dma_wait3A_427 = tpu.memref_slice %arg3[%dma_wait3A_417, %add3A_149] : memref<2x320000xi32, #tpu.memory_space<hbm>> -> memref<1x1000xi32, #tpu.memory_space<hbm>>
    %dma_wait3A_428 = tpu.memref_squeeze %dma_wait3A_427 : memref<1x1000xi32, #tpu.memory_space<hbm>> -> memref<1000xi32, #tpu.memory_space<hbm>>
    tpu.wait_dma2 semaphore(%arg24 : memref<!tpu.dma_semaphore, #tpu.memory_space<semaphore_mem>>) src(%dma_wait3A_428 : memref<1000xi32, #tpu.memory_space<hbm>>) dst(%dma_wait3A_426 : memref<1000xi32, #tpu.memory_space<vmem>>)
    %dma_wait3A_429 = arith.constant 1 : i32
    %dma_wait3A_430 = arith.constant 1 : i32
    %dma_wait3A_431 = arith.constant 0 : i32
    %dma_wait3A_432 = tpu.memref_slice %arg6[%dma_wait3A_430, %dma_wait3A_431] : memref<10x1000xi32, #tpu.memory_space<vmem>> -> memref<1x1000xi32, #tpu.memory_space<vmem>>
    %dma_wait3A_433 = tpu.memref_squeeze %dma_wait3A_432 : memref<1x1000xi32, #tpu.memory_space<vmem>> -> memref<1000xi32, #tpu.memory_space<vmem>>
    %dma_wait3A_434 = tpu.memref_slice %arg3[%dma_wait3A_429, %add3A_163] : memref<2x320000xi32, #tpu.memory_space<hbm>> -> memref<1x1000xi32, #tpu.memory_space<hbm>>
    %dma_wait3A_435 = tpu.memref_squeeze %dma_wait3A_434 : memref<1x1000xi32, #tpu.memory_space<hbm>> -> memref<1000xi32, #tpu.memory_space<hbm>>
    %dma_wait3A_436 = arith.constant 0 : i32
    %dma_wait3A_437 = tpu.memref_slice %arg6[%dma_wait3A_430, %dma_wait3A_436] : memref<10x1000xi32, #tpu.memory_space<vmem>> -> memref<1x1000xi32, #tpu.memory_space<vmem>>
    %dma_wait3A_438 = tpu.memref_squeeze %dma_wait3A_437 : memref<1x1000xi32, #tpu.memory_space<vmem>> -> memref<1000xi32, #tpu.memory_space<vmem>>
    %dma_wait3A_439 = tpu.memref_slice %arg3[%dma_wait3A_429, %add3A_163] : memref<2x320000xi32, #tpu.memory_space<hbm>> -> memref<1x1000xi32, #tpu.memory_space<hbm>>
    %dma_wait3A_440 = tpu.memref_squeeze %dma_wait3A_439 : memref<1x1000xi32, #tpu.memory_space<hbm>> -> memref<1000xi32, #tpu.memory_space<hbm>>
    tpu.wait_dma2 semaphore(%arg25 : memref<!tpu.dma_semaphore, #tpu.memory_space<semaphore_mem>>) src(%dma_wait3A_440 : memref<1000xi32, #tpu.memory_space<hbm>>) dst(%dma_wait3A_438 : memref<1000xi32, #tpu.memory_space<vmem>>)
    %dma_wait3A_441 = arith.constant 1 : i32
    %dma_wait3A_442 = arith.constant 2 : i32
    %dma_wait3A_443 = arith.constant 0 : i32
    %dma_wait3A_444 = tpu.memref_slice %arg6[%dma_wait3A_442, %dma_wait3A_443] : memref<10x1000xi32, #tpu.memory_space<vmem>> -> memref<1x1000xi32, #tpu.memory_space<vmem>>
    %dma_wait3A_445 = tpu.memref_squeeze %dma_wait3A_444 : memref<1x1000xi32, #tpu.memory_space<vmem>> -> memref<1000xi32, #tpu.memory_space<vmem>>
    %dma_wait3A_446 = tpu.memref_slice %arg3[%dma_wait3A_441, %add3A_177] : memref<2x320000xi32, #tpu.memory_space<hbm>> -> memref<1x1000xi32, #tpu.memory_space<hbm>>
    %dma_wait3A_447 = tpu.memref_squeeze %dma_wait3A_446 : memref<1x1000xi32, #tpu.memory_space<hbm>> -> memref<1000xi32, #tpu.memory_space<hbm>>
    %dma_wait3A_448 = arith.constant 0 : i32
    %dma_wait3A_449 = tpu.memref_slice %arg6[%dma_wait3A_442, %dma_wait3A_448] : memref<10x1000xi32, #tpu.memory_space<vmem>> -> memref<1x1000xi32, #tpu.memory_space<vmem>>
    %dma_wait3A_450 = tpu.memref_squeeze %dma_wait3A_449 : memref<1x1000xi32, #tpu.memory_space<vmem>> -> memref<1000xi32, #tpu.memory_space<vmem>>
    %dma_wait3A_451 = tpu.memref_slice %arg3[%dma_wait3A_441, %add3A_177] : memref<2x320000xi32, #tpu.memory_space<hbm>> -> memref<1x1000xi32, #tpu.memory_space<hbm>>
    %dma_wait3A_452 = tpu.memref_squeeze %dma_wait3A_451 : memref<1x1000xi32, #tpu.memory_space<hbm>> -> memref<1000xi32, #tpu.memory_space<hbm>>
    tpu.wait_dma2 semaphore(%arg26 : memref<!tpu.dma_semaphore, #tpu.memory_space<semaphore_mem>>) src(%dma_wait3A_452 : memref<1000xi32, #tpu.memory_space<hbm>>) dst(%dma_wait3A_450 : memref<1000xi32, #tpu.memory_space<vmem>>)
    %dma_wait3A_453 = arith.constant 1 : i32
    %dma_wait3A_454 = arith.constant 3 : i32
    %dma_wait3A_455 = arith.constant 0 : i32
    %dma_wait3A_456 = tpu.memref_slice %arg6[%dma_wait3A_454, %dma_wait3A_455] : memref<10x1000xi32, #tpu.memory_space<vmem>> -> memref<1x1000xi32, #tpu.memory_space<vmem>>
    %dma_wait3A_457 = tpu.memref_squeeze %dma_wait3A_456 : memref<1x1000xi32, #tpu.memory_space<vmem>> -> memref<1000xi32, #tpu.memory_space<vmem>>
    %dma_wait3A_458 = tpu.memref_slice %arg3[%dma_wait3A_453, %add3A_191] : memref<2x320000xi32, #tpu.memory_space<hbm>> -> memref<1x1000xi32, #tpu.memory_space<hbm>>
    %dma_wait3A_459 = tpu.memref_squeeze %dma_wait3A_458 : memref<1x1000xi32, #tpu.memory_space<hbm>> -> memref<1000xi32, #tpu.memory_space<hbm>>
    %dma_wait3A_460 = arith.constant 0 : i32
    %dma_wait3A_461 = tpu.memref_slice %arg6[%dma_wait3A_454, %dma_wait3A_460] : memref<10x1000xi32, #tpu.memory_space<vmem>> -> memref<1x1000xi32, #tpu.memory_space<vmem>>
    %dma_wait3A_462 = tpu.memref_squeeze %dma_wait3A_461 : memref<1x1000xi32, #tpu.memory_space<vmem>> -> memref<1000xi32, #tpu.memory_space<vmem>>
    %dma_wait3A_463 = tpu.memref_slice %arg3[%dma_wait3A_453, %add3A_191] : memref<2x320000xi32, #tpu.memory_space<hbm>> -> memref<1x1000xi32, #tpu.memory_space<hbm>>
    %dma_wait3A_464 = tpu.memref_squeeze %dma_wait3A_463 : memref<1x1000xi32, #tpu.memory_space<hbm>> -> memref<1000xi32, #tpu.memory_space<hbm>>
    tpu.wait_dma2 semaphore(%arg27 : memref<!tpu.dma_semaphore, #tpu.memory_space<semaphore_mem>>) src(%dma_wait3A_464 : memref<1000xi32, #tpu.memory_space<hbm>>) dst(%dma_wait3A_462 : memref<1000xi32, #tpu.memory_space<vmem>>)
    %dma_wait3A_465 = arith.constant 1 : i32
    %dma_wait3A_466 = arith.constant 4 : i32
    %dma_wait3A_467 = arith.constant 0 : i32
    %dma_wait3A_468 = tpu.memref_slice %arg6[%dma_wait3A_466, %dma_wait3A_467] : memref<10x1000xi32, #tpu.memory_space<vmem>> -> memref<1x1000xi32, #tpu.memory_space<vmem>>
    %dma_wait3A_469 = tpu.memref_squeeze %dma_wait3A_468 : memref<1x1000xi32, #tpu.memory_space<vmem>> -> memref<1000xi32, #tpu.memory_space<vmem>>
    %dma_wait3A_470 = tpu.memref_slice %arg3[%dma_wait3A_465, %add3A_205] : memref<2x320000xi32, #tpu.memory_space<hbm>> -> memref<1x1000xi32, #tpu.memory_space<hbm>>
    %dma_wait3A_471 = tpu.memref_squeeze %dma_wait3A_470 : memref<1x1000xi32, #tpu.memory_space<hbm>> -> memref<1000xi32, #tpu.memory_space<hbm>>
    %dma_wait3A_472 = arith.constant 0 : i32
    %dma_wait3A_473 = tpu.memref_slice %arg6[%dma_wait3A_466, %dma_wait3A_472] : memref<10x1000xi32, #tpu.memory_space<vmem>> -> memref<1x1000xi32, #tpu.memory_space<vmem>>
    %dma_wait3A_474 = tpu.memref_squeeze %dma_wait3A_473 : memref<1x1000xi32, #tpu.memory_space<vmem>> -> memref<1000xi32, #tpu.memory_space<vmem>>
    %dma_wait3A_475 = tpu.memref_slice %arg3[%dma_wait3A_465, %add3A_205] : memref<2x320000xi32, #tpu.memory_space<hbm>> -> memref<1x1000xi32, #tpu.memory_space<hbm>>
    %dma_wait3A_476 = tpu.memref_squeeze %dma_wait3A_475 : memref<1x1000xi32, #tpu.memory_space<hbm>> -> memref<1000xi32, #tpu.memory_space<hbm>>
    tpu.wait_dma2 semaphore(%arg28 : memref<!tpu.dma_semaphore, #tpu.memory_space<semaphore_mem>>) src(%dma_wait3A_476 : memref<1000xi32, #tpu.memory_space<hbm>>) dst(%dma_wait3A_474 : memref<1000xi32, #tpu.memory_space<vmem>>)
    %dma_wait3A_477 = arith.constant 1 : i32
    %dma_wait3A_478 = arith.constant 5 : i32
    %dma_wait3A_479 = arith.constant 0 : i32
    %dma_wait3A_480 = tpu.memref_slice %arg6[%dma_wait3A_478, %dma_wait3A_479] : memref<10x1000xi32, #tpu.memory_space<vmem>> -> memref<1x1000xi32, #tpu.memory_space<vmem>>
    %dma_wait3A_481 = tpu.memref_squeeze %dma_wait3A_480 : memref<1x1000xi32, #tpu.memory_space<vmem>> -> memref<1000xi32, #tpu.memory_space<vmem>>
    %dma_wait3A_482 = tpu.memref_slice %arg3[%dma_wait3A_477, %add3A_219] : memref<2x320000xi32, #tpu.memory_space<hbm>> -> memref<1x1000xi32, #tpu.memory_space<hbm>>
    %dma_wait3A_483 = tpu.memref_squeeze %dma_wait3A_482 : memref<1x1000xi32, #tpu.memory_space<hbm>> -> memref<1000xi32, #tpu.memory_space<hbm>>
    %dma_wait3A_484 = arith.constant 0 : i32
    %dma_wait3A_485 = tpu.memref_slice %arg6[%dma_wait3A_478, %dma_wait3A_484] : memref<10x1000xi32, #tpu.memory_space<vmem>> -> memref<1x1000xi32, #tpu.memory_space<vmem>>
    %dma_wait3A_486 = tpu.memref_squeeze %dma_wait3A_485 : memref<1x1000xi32, #tpu.memory_space<vmem>> -> memref<1000xi32, #tpu.memory_space<vmem>>
    %dma_wait3A_487 = tpu.memref_slice %arg3[%dma_wait3A_477, %add3A_219] : memref<2x320000xi32, #tpu.memory_space<hbm>> -> memref<1x1000xi32, #tpu.memory_space<hbm>>
    %dma_wait3A_488 = tpu.memref_squeeze %dma_wait3A_487 : memref<1x1000xi32, #tpu.memory_space<hbm>> -> memref<1000xi32, #tpu.memory_space<hbm>>
    tpu.wait_dma2 semaphore(%arg29 : memref<!tpu.dma_semaphore, #tpu.memory_space<semaphore_mem>>) src(%dma_wait3A_488 : memref<1000xi32, #tpu.memory_space<hbm>>) dst(%dma_wait3A_486 : memref<1000xi32, #tpu.memory_space<vmem>>)
    %dma_wait3A_489 = arith.constant 1 : i32
    %dma_wait3A_490 = arith.constant 6 : i32
    %dma_wait3A_491 = arith.constant 0 : i32
    %dma_wait3A_492 = tpu.memref_slice %arg6[%dma_wait3A_490, %dma_wait3A_491] : memref<10x1000xi32, #tpu.memory_space<vmem>> -> memref<1x1000xi32, #tpu.memory_space<vmem>>
    %dma_wait3A_493 = tpu.memref_squeeze %dma_wait3A_492 : memref<1x1000xi32, #tpu.memory_space<vmem>> -> memref<1000xi32, #tpu.memory_space<vmem>>
    %dma_wait3A_494 = tpu.memref_slice %arg3[%dma_wait3A_489, %add3A_233] : memref<2x320000xi32, #tpu.memory_space<hbm>> -> memref<1x1000xi32, #tpu.memory_space<hbm>>
    %dma_wait3A_495 = tpu.memref_squeeze %dma_wait3A_494 : memref<1x1000xi32, #tpu.memory_space<hbm>> -> memref<1000xi32, #tpu.memory_space<hbm>>
    %dma_wait3A_496 = arith.constant 0 : i32
    %dma_wait3A_497 = tpu.memref_slice %arg6[%dma_wait3A_490, %dma_wait3A_496] : memref<10x1000xi32, #tpu.memory_space<vmem>> -> memref<1x1000xi32, #tpu.memory_space<vmem>>
    %dma_wait3A_498 = tpu.memref_squeeze %dma_wait3A_497 : memref<1x1000xi32, #tpu.memory_space<vmem>> -> memref<1000xi32, #tpu.memory_space<vmem>>
    %dma_wait3A_499 = tpu.memref_slice %arg3[%dma_wait3A_489, %add3A_233] : memref<2x320000xi32, #tpu.memory_space<hbm>> -> memref<1x1000xi32, #tpu.memory_space<hbm>>
    %dma_wait3A_500 = tpu.memref_squeeze %dma_wait3A_499 : memref<1x1000xi32, #tpu.memory_space<hbm>> -> memref<1000xi32, #tpu.memory_space<hbm>>
    tpu.wait_dma2 semaphore(%arg30 : memref<!tpu.dma_semaphore, #tpu.memory_space<semaphore_mem>>) src(%dma_wait3A_500 : memref<1000xi32, #tpu.memory_space<hbm>>) dst(%dma_wait3A_498 : memref<1000xi32, #tpu.memory_space<vmem>>)
    %dma_wait3A_501 = arith.constant 1 : i32
    %dma_wait3A_502 = arith.constant 7 : i32
    %dma_wait3A_503 = arith.constant 0 : i32
    %dma_wait3A_504 = tpu.memref_slice %arg6[%dma_wait3A_502, %dma_wait3A_503] : memref<10x1000xi32, #tpu.memory_space<vmem>> -> memref<1x1000xi32, #tpu.memory_space<vmem>>
    %dma_wait3A_505 = tpu.memref_squeeze %dma_wait3A_504 : memref<1x1000xi32, #tpu.memory_space<vmem>> -> memref<1000xi32, #tpu.memory_space<vmem>>
    %dma_wait3A_506 = tpu.memref_slice %arg3[%dma_wait3A_501, %add3A_247] : memref<2x320000xi32, #tpu.memory_space<hbm>> -> memref<1x1000xi32, #tpu.memory_space<hbm>>
    %dma_wait3A_507 = tpu.memref_squeeze %dma_wait3A_506 : memref<1x1000xi32, #tpu.memory_space<hbm>> -> memref<1000xi32, #tpu.memory_space<hbm>>
    %dma_wait3A_508 = arith.constant 0 : i32
    %dma_wait3A_509 = tpu.memref_slice %arg6[%dma_wait3A_502, %dma_wait3A_508] : memref<10x1000xi32, #tpu.memory_space<vmem>> -> memref<1x1000xi32, #tpu.memory_space<vmem>>
    %dma_wait3A_510 = tpu.memref_squeeze %dma_wait3A_509 : memref<1x1000xi32, #tpu.memory_space<vmem>> -> memref<1000xi32, #tpu.memory_space<vmem>>
    %dma_wait3A_511 = tpu.memref_slice %arg3[%dma_wait3A_501, %add3A_247] : memref<2x320000xi32, #tpu.memory_space<hbm>> -> memref<1x1000xi32, #tpu.memory_space<hbm>>
    %dma_wait3A_512 = tpu.memref_squeeze %dma_wait3A_511 : memref<1x1000xi32, #tpu.memory_space<hbm>> -> memref<1000xi32, #tpu.memory_space<hbm>>
    tpu.wait_dma2 semaphore(%arg31 : memref<!tpu.dma_semaphore, #tpu.memory_space<semaphore_mem>>) src(%dma_wait3A_512 : memref<1000xi32, #tpu.memory_space<hbm>>) dst(%dma_wait3A_510 : memref<1000xi32, #tpu.memory_space<vmem>>)
    %dma_wait3A_513 = arith.constant 1 : i32
    %dma_wait3A_514 = arith.constant 8 : i32
    %dma_wait3A_515 = arith.constant 0 : i32
    %dma_wait3A_516 = tpu.memref_slice %arg6[%dma_wait3A_514, %dma_wait3A_515] : memref<10x1000xi32, #tpu.memory_space<vmem>> -> memref<1x1000xi32, #tpu.memory_space<vmem>>
    %dma_wait3A_517 = tpu.memref_squeeze %dma_wait3A_516 : memref<1x1000xi32, #tpu.memory_space<vmem>> -> memref<1000xi32, #tpu.memory_space<vmem>>
    %dma_wait3A_518 = tpu.memref_slice %arg3[%dma_wait3A_513, %add3A_261] : memref<2x320000xi32, #tpu.memory_space<hbm>> -> memref<1x1000xi32, #tpu.memory_space<hbm>>
    %dma_wait3A_519 = tpu.memref_squeeze %dma_wait3A_518 : memref<1x1000xi32, #tpu.memory_space<hbm>> -> memref<1000xi32, #tpu.memory_space<hbm>>
    %dma_wait3A_520 = arith.constant 0 : i32
    %dma_wait3A_521 = tpu.memref_slice %arg6[%dma_wait3A_514, %dma_wait3A_520] : memref<10x1000xi32, #tpu.memory_space<vmem>> -> memref<1x1000xi32, #tpu.memory_space<vmem>>
    %dma_wait3A_522 = tpu.memref_squeeze %dma_wait3A_521 : memref<1x1000xi32, #tpu.memory_space<vmem>> -> memref<1000xi32, #tpu.memory_space<vmem>>
    %dma_wait3A_523 = tpu.memref_slice %arg3[%dma_wait3A_513, %add3A_261] : memref<2x320000xi32, #tpu.memory_space<hbm>> -> memref<1x1000xi32, #tpu.memory_space<hbm>>
    %dma_wait3A_524 = tpu.memref_squeeze %dma_wait3A_523 : memref<1x1000xi32, #tpu.memory_space<hbm>> -> memref<1000xi32, #tpu.memory_space<hbm>>
    tpu.wait_dma2 semaphore(%arg32 : memref<!tpu.dma_semaphore, #tpu.memory_space<semaphore_mem>>) src(%dma_wait3A_524 : memref<1000xi32, #tpu.memory_space<hbm>>) dst(%dma_wait3A_522 : memref<1000xi32, #tpu.memory_space<vmem>>)
    %dma_wait3A_525 = arith.constant 1 : i32
    %dma_wait3A_526 = arith.constant 9 : i32
    %dma_wait3A_527 = arith.constant 0 : i32
    %dma_wait3A_528 = tpu.memref_slice %arg6[%dma_wait3A_526, %dma_wait3A_527] : memref<10x1000xi32, #tpu.memory_space<vmem>> -> memref<1x1000xi32, #tpu.memory_space<vmem>>
    %dma_wait3A_529 = tpu.memref_squeeze %dma_wait3A_528 : memref<1x1000xi32, #tpu.memory_space<vmem>> -> memref<1000xi32, #tpu.memory_space<vmem>>
    %dma_wait3A_530 = tpu.memref_slice %arg3[%dma_wait3A_525, %add3A_275] : memref<2x320000xi32, #tpu.memory_space<hbm>> -> memref<1x1000xi32, #tpu.memory_space<hbm>>
    %dma_wait3A_531 = tpu.memref_squeeze %dma_wait3A_530 : memref<1x1000xi32, #tpu.memory_space<hbm>> -> memref<1000xi32, #tpu.memory_space<hbm>>
    %dma_wait3A_532 = arith.constant 0 : i32
    %dma_wait3A_533 = tpu.memref_slice %arg6[%dma_wait3A_526, %dma_wait3A_532] : memref<10x1000xi32, #tpu.memory_space<vmem>> -> memref<1x1000xi32, #tpu.memory_space<vmem>>
    %dma_wait3A_534 = tpu.memref_squeeze %dma_wait3A_533 : memref<1x1000xi32, #tpu.memory_space<vmem>> -> memref<1000xi32, #tpu.memory_space<vmem>>
    %dma_wait3A_535 = tpu.memref_slice %arg3[%dma_wait3A_525, %add3A_275] : memref<2x320000xi32, #tpu.memory_space<hbm>> -> memref<1x1000xi32, #tpu.memory_space<hbm>>
    %dma_wait3A_536 = tpu.memref_squeeze %dma_wait3A_535 : memref<1x1000xi32, #tpu.memory_space<hbm>> -> memref<1000xi32, #tpu.memory_space<hbm>>
    tpu.wait_dma2 semaphore(%arg13 : memref<!tpu.dma_semaphore, #tpu.memory_space<semaphore_mem>>) src(%dma_wait3A_536 : memref<1000xi32, #tpu.memory_space<hbm>>) dst(%dma_wait3A_534 : memref<1000xi32, #tpu.memory_space<vmem>>)
    %barrier3A = arith.constant 0 : index
    tpu.barrier barrier_id(%barrier3A)
    %dma_start3A_537 = arith.constant 0 : i32
    %dma_start3A_538 = arith.constant 0 : i32
    %dma_start3A_539 = tpu.memref_slice %arg5[%dma_start3A_537, %dma_start3A_538] : memref<10x1000xi32, #tpu.memory_space<vmem>> -> memref<1x1000xi32, #tpu.memory_space<vmem>>
    %dma_start3A_540 = tpu.memref_squeeze %dma_start3A_539 : memref<1x1000xi32, #tpu.memory_space<vmem>> -> memref<1000xi32, #tpu.memory_space<vmem>>
    %dma_start3A_541 = arith.constant 0 : i32
    %dma_start3A_542 = arith.constant 0 : i32
    %dma_start3A_543 = tpu.memref_slice %arg12[%dma_start3A_541, %dma_start3A_542] : memref<10240x16xf32, #tpu.memory_space<vmem_shared>> -> memref<10240x16xf32, #tpu.memory_space<vmem_shared>>
    tpu.enqueue_indirect_dma source(%dma_start3A_543 : memref<10240x16xf32, #tpu.memory_space<vmem_shared>>) target(%arg7 : memref<1000x16xf32, #tpu.memory_space<vmem>>) offsets(%dma_start3A_540 : memref<1000xi32, #tpu.memory_space<vmem>>) semaphore(%arg13 : memref<!tpu.dma_semaphore, #tpu.memory_space<semaphore_mem>>)
    %dma_start3A_544 = arith.constant 1 : i32
    %dma_start3A_545 = arith.constant 0 : i32
    %dma_start3A_546 = tpu.memref_slice %arg5[%dma_start3A_544, %dma_start3A_545] : memref<10x1000xi32, #tpu.memory_space<vmem>> -> memref<1x1000xi32, #tpu.memory_space<vmem>>
    %dma_start3A_547 = tpu.memref_squeeze %dma_start3A_546 : memref<1x1000xi32, #tpu.memory_space<vmem>> -> memref<1000xi32, #tpu.memory_space<vmem>>
    %dma_start3A_548 = arith.constant 0 : i32
    %dma_start3A_549 = arith.constant 0 : i32
    %dma_start3A_550 = tpu.memref_slice %arg12[%dma_start3A_548, %dma_start3A_549] : memref<10240x16xf32, #tpu.memory_space<vmem_shared>> -> memref<10240x16xf32, #tpu.memory_space<vmem_shared>>
    tpu.enqueue_indirect_dma source(%dma_start3A_550 : memref<10240x16xf32, #tpu.memory_space<vmem_shared>>) target(%arg8 : memref<1000x16xf32, #tpu.memory_space<vmem>>) offsets(%dma_start3A_547 : memref<1000xi32, #tpu.memory_space<vmem>>) semaphore(%arg14 : memref<!tpu.dma_semaphore, #tpu.memory_space<semaphore_mem>>)
    %dma_wait3A_551 = arith.constant 0 : i32
    %dma_wait3A_552 = arith.constant 0 : i32
    %dma_wait3A_553 = tpu.memref_slice %arg5[%dma_wait3A_551, %dma_wait3A_552] : memref<10x1000xi32, #tpu.memory_space<vmem>> -> memref<1x1000xi32, #tpu.memory_space<vmem>>
    %dma_wait3A_554 = tpu.memref_squeeze %dma_wait3A_553 : memref<1x1000xi32, #tpu.memory_space<vmem>> -> memref<1000xi32, #tpu.memory_space<vmem>>
    %dma_wait3A_555 = arith.constant 0 : i32
    %dma_wait3A_556 = arith.constant 0 : i32
    %dma_wait3A_557 = tpu.memref_slice %arg12[%dma_wait3A_555, %dma_wait3A_556] : memref<10240x16xf32, #tpu.memory_space<vmem_shared>> -> memref<10240x16xf32, #tpu.memory_space<vmem_shared>>
    tpu.wait_indirect_dma semaphore(%arg13 : memref<!tpu.dma_semaphore, #tpu.memory_space<semaphore_mem>>) src(%dma_wait3A_557 : memref<10240x16xf32, #tpu.memory_space<vmem_shared>>) dst(%arg7 : memref<1000x16xf32, #tpu.memory_space<vmem>>)
    %dma_start3A_558 = arith.constant 0 : i32
    %dma_start3A_559 = arith.constant 0 : i32
    %dma_start3A_560 = tpu.memref_slice %arg6[%dma_start3A_558, %dma_start3A_559] : memref<10x1000xi32, #tpu.memory_space<vmem>> -> memref<1x1000xi32, #tpu.memory_space<vmem>>
    %dma_start3A_561 = tpu.memref_squeeze %dma_start3A_560 : memref<1x1000xi32, #tpu.memory_space<vmem>> -> memref<1000xi32, #tpu.memory_space<vmem>>
    %dma_start3A_562 = arith.constant 0 : i32
    %dma_start3A_563 = arith.constant 0 : i32
    %dma_start3A_564 = tpu.memref_slice %arg11[%dma_start3A_562, %dma_start3A_563] : memref<10240x16xf32, #tpu.memory_space<vmem_shared>> -> memref<10240x16xf32, #tpu.memory_space<vmem_shared>>
    tpu.enqueue_indirect_dma source(%arg7 : memref<1000x16xf32, #tpu.memory_space<vmem>>) target(%dma_start3A_564 : memref<10240x16xf32, #tpu.memory_space<vmem_shared>>) offsets(%dma_start3A_561 : memref<1000xi32, #tpu.memory_space<vmem>>) semaphore(%arg23 : memref<!tpu.dma_semaphore, #tpu.memory_space<semaphore_mem>>) {add = true}
    %dma_start3A_565 = arith.constant 2 : i32
    %dma_start3A_566 = arith.constant 0 : i32
    %dma_start3A_567 = tpu.memref_slice %arg5[%dma_start3A_565, %dma_start3A_566] : memref<10x1000xi32, #tpu.memory_space<vmem>> -> memref<1x1000xi32, #tpu.memory_space<vmem>>
    %dma_start3A_568 = tpu.memref_squeeze %dma_start3A_567 : memref<1x1000xi32, #tpu.memory_space<vmem>> -> memref<1000xi32, #tpu.memory_space<vmem>>
    %dma_start3A_569 = arith.constant 0 : i32
    %dma_start3A_570 = arith.constant 0 : i32
    %dma_start3A_571 = tpu.memref_slice %arg12[%dma_start3A_569, %dma_start3A_570] : memref<10240x16xf32, #tpu.memory_space<vmem_shared>> -> memref<10240x16xf32, #tpu.memory_space<vmem_shared>>
    tpu.enqueue_indirect_dma source(%dma_start3A_571 : memref<10240x16xf32, #tpu.memory_space<vmem_shared>>) target(%arg9 : memref<1000x16xf32, #tpu.memory_space<vmem>>) offsets(%dma_start3A_568 : memref<1000xi32, #tpu.memory_space<vmem>>) semaphore(%arg15 : memref<!tpu.dma_semaphore, #tpu.memory_space<semaphore_mem>>)
    %dma_wait3A_572 = arith.constant 1 : i32
    %dma_wait3A_573 = arith.constant 0 : i32
    %dma_wait3A_574 = tpu.memref_slice %arg5[%dma_wait3A_572, %dma_wait3A_573] : memref<10x1000xi32, #tpu.memory_space<vmem>> -> memref<1x1000xi32, #tpu.memory_space<vmem>>
    %dma_wait3A_575 = tpu.memref_squeeze %dma_wait3A_574 : memref<1x1000xi32, #tpu.memory_space<vmem>> -> memref<1000xi32, #tpu.memory_space<vmem>>
    %dma_wait3A_576 = arith.constant 0 : i32
    %dma_wait3A_577 = arith.constant 0 : i32
    %dma_wait3A_578 = tpu.memref_slice %arg12[%dma_wait3A_576, %dma_wait3A_577] : memref<10240x16xf32, #tpu.memory_space<vmem_shared>> -> memref<10240x16xf32, #tpu.memory_space<vmem_shared>>
    tpu.wait_indirect_dma semaphore(%arg14 : memref<!tpu.dma_semaphore, #tpu.memory_space<semaphore_mem>>) src(%dma_wait3A_578 : memref<10240x16xf32, #tpu.memory_space<vmem_shared>>) dst(%arg8 : memref<1000x16xf32, #tpu.memory_space<vmem>>)
    %dma_start3A_579 = arith.constant 1 : i32
    %dma_start3A_580 = arith.constant 0 : i32
    %dma_start3A_581 = tpu.memref_slice %arg6[%dma_start3A_579, %dma_start3A_580] : memref<10x1000xi32, #tpu.memory_space<vmem>> -> memref<1x1000xi32, #tpu.memory_space<vmem>>
    %dma_start3A_582 = tpu.memref_squeeze %dma_start3A_581 : memref<1x1000xi32, #tpu.memory_space<vmem>> -> memref<1000xi32, #tpu.memory_space<vmem>>
    %dma_start3A_583 = arith.constant 0 : i32
    %dma_start3A_584 = arith.constant 0 : i32
    %dma_start3A_585 = tpu.memref_slice %arg11[%dma_start3A_583, %dma_start3A_584] : memref<10240x16xf32, #tpu.memory_space<vmem_shared>> -> memref<10240x16xf32, #tpu.memory_space<vmem_shared>>
    tpu.enqueue_indirect_dma source(%arg8 : memref<1000x16xf32, #tpu.memory_space<vmem>>) target(%dma_start3A_585 : memref<10240x16xf32, #tpu.memory_space<vmem_shared>>) offsets(%dma_start3A_582 : memref<1000xi32, #tpu.memory_space<vmem>>) semaphore(%arg24 : memref<!tpu.dma_semaphore, #tpu.memory_space<semaphore_mem>>) {add = true}
    %dma_start3A_586 = arith.constant 3 : i32
    %dma_start3A_587 = arith.constant 0 : i32
    %dma_start3A_588 = tpu.memref_slice %arg5[%dma_start3A_586, %dma_start3A_587] : memref<10x1000xi32, #tpu.memory_space<vmem>> -> memref<1x1000xi32, #tpu.memory_space<vmem>>
    %dma_start3A_589 = tpu.memref_squeeze %dma_start3A_588 : memref<1x1000xi32, #tpu.memory_space<vmem>> -> memref<1000xi32, #tpu.memory_space<vmem>>
    %dma_start3A_590 = arith.constant 0 : i32
    %dma_start3A_591 = arith.constant 0 : i32
    %dma_start3A_592 = tpu.memref_slice %arg12[%dma_start3A_590, %dma_start3A_591] : memref<10240x16xf32, #tpu.memory_space<vmem_shared>> -> memref<10240x16xf32, #tpu.memory_space<vmem_shared>>
    tpu.enqueue_indirect_dma source(%dma_start3A_592 : memref<10240x16xf32, #tpu.memory_space<vmem_shared>>) target(%arg10 : memref<1000x16xf32, #tpu.memory_space<vmem>>) offsets(%dma_start3A_589 : memref<1000xi32, #tpu.memory_space<vmem>>) semaphore(%arg16 : memref<!tpu.dma_semaphore, #tpu.memory_space<semaphore_mem>>)
    %dma_wait3A_593 = arith.constant 2 : i32
    %dma_wait3A_594 = arith.constant 0 : i32
    %dma_wait3A_595 = tpu.memref_slice %arg5[%dma_wait3A_593, %dma_wait3A_594] : memref<10x1000xi32, #tpu.memory_space<vmem>> -> memref<1x1000xi32, #tpu.memory_space<vmem>>
    %dma_wait3A_596 = tpu.memref_squeeze %dma_wait3A_595 : memref<1x1000xi32, #tpu.memory_space<vmem>> -> memref<1000xi32, #tpu.memory_space<vmem>>
    %dma_wait3A_597 = arith.constant 0 : i32
    %dma_wait3A_598 = arith.constant 0 : i32
    %dma_wait3A_599 = tpu.memref_slice %arg12[%dma_wait3A_597, %dma_wait3A_598] : memref<10240x16xf32, #tpu.memory_space<vmem_shared>> -> memref<10240x16xf32, #tpu.memory_space<vmem_shared>>
    tpu.wait_indirect_dma semaphore(%arg15 : memref<!tpu.dma_semaphore, #tpu.memory_space<semaphore_mem>>) src(%dma_wait3A_599 : memref<10240x16xf32, #tpu.memory_space<vmem_shared>>) dst(%arg9 : memref<1000x16xf32, #tpu.memory_space<vmem>>)
    %dma_start3A_600 = arith.constant 2 : i32
    %dma_start3A_601 = arith.constant 0 : i32
    %dma_start3A_602 = tpu.memref_slice %arg6[%dma_start3A_600, %dma_start3A_601] : memref<10x1000xi32, #tpu.memory_space<vmem>> -> memref<1x1000xi32, #tpu.memory_space<vmem>>
    %dma_start3A_603 = tpu.memref_squeeze %dma_start3A_602 : memref<1x1000xi32, #tpu.memory_space<vmem>> -> memref<1000xi32, #tpu.memory_space<vmem>>
    %dma_start3A_604 = arith.constant 0 : i32
    %dma_start3A_605 = arith.constant 0 : i32
    %dma_start3A_606 = tpu.memref_slice %arg11[%dma_start3A_604, %dma_start3A_605] : memref<10240x16xf32, #tpu.memory_space<vmem_shared>> -> memref<10240x16xf32, #tpu.memory_space<vmem_shared>>
    tpu.enqueue_indirect_dma source(%arg9 : memref<1000x16xf32, #tpu.memory_space<vmem>>) target(%dma_start3A_606 : memref<10240x16xf32, #tpu.memory_space<vmem_shared>>) offsets(%dma_start3A_603 : memref<1000xi32, #tpu.memory_space<vmem>>) semaphore(%arg25 : memref<!tpu.dma_semaphore, #tpu.memory_space<semaphore_mem>>) {add = true}
    %dma_wait3A_607 = arith.constant 0 : i32
    %dma_wait3A_608 = arith.constant 0 : i32
    %dma_wait3A_609 = tpu.memref_slice %arg6[%dma_wait3A_607, %dma_wait3A_608] : memref<10x1000xi32, #tpu.memory_space<vmem>> -> memref<1x1000xi32, #tpu.memory_space<vmem>>
    %dma_wait3A_610 = tpu.memref_squeeze %dma_wait3A_609 : memref<1x1000xi32, #tpu.memory_space<vmem>> -> memref<1000xi32, #tpu.memory_space<vmem>>
    %dma_wait3A_611 = arith.constant 0 : i32
    %dma_wait3A_612 = arith.constant 0 : i32
    %dma_wait3A_613 = tpu.memref_slice %arg11[%dma_wait3A_611, %dma_wait3A_612] : memref<10240x16xf32, #tpu.memory_space<vmem_shared>> -> memref<10240x16xf32, #tpu.memory_space<vmem_shared>>
    tpu.wait_indirect_dma semaphore(%arg23 : memref<!tpu.dma_semaphore, #tpu.memory_space<semaphore_mem>>) src(%arg7 : memref<1000x16xf32, #tpu.memory_space<vmem>>) dst(%dma_wait3A_613 : memref<10240x16xf32, #tpu.memory_space<vmem_shared>>)
    %dma_start3A_614 = arith.constant 4 : i32
    %dma_start3A_615 = arith.constant 0 : i32
    %dma_start3A_616 = tpu.memref_slice %arg5[%dma_start3A_614, %dma_start3A_615] : memref<10x1000xi32, #tpu.memory_space<vmem>> -> memref<1x1000xi32, #tpu.memory_space<vmem>>
    %dma_start3A_617 = tpu.memref_squeeze %dma_start3A_616 : memref<1x1000xi32, #tpu.memory_space<vmem>> -> memref<1000xi32, #tpu.memory_space<vmem>>
    %dma_start3A_618 = arith.constant 0 : i32
    %dma_start3A_619 = arith.constant 0 : i32
    %dma_start3A_620 = tpu.memref_slice %arg12[%dma_start3A_618, %dma_start3A_619] : memref<10240x16xf32, #tpu.memory_space<vmem_shared>> -> memref<10240x16xf32, #tpu.memory_space<vmem_shared>>
    tpu.enqueue_indirect_dma source(%dma_start3A_620 : memref<10240x16xf32, #tpu.memory_space<vmem_shared>>) target(%arg7 : memref<1000x16xf32, #tpu.memory_space<vmem>>) offsets(%dma_start3A_617 : memref<1000xi32, #tpu.memory_space<vmem>>) semaphore(%arg17 : memref<!tpu.dma_semaphore, #tpu.memory_space<semaphore_mem>>)
    %dma_wait3A_621 = arith.constant 3 : i32
    %dma_wait3A_622 = arith.constant 0 : i32
    %dma_wait3A_623 = tpu.memref_slice %arg5[%dma_wait3A_621, %dma_wait3A_622] : memref<10x1000xi32, #tpu.memory_space<vmem>> -> memref<1x1000xi32, #tpu.memory_space<vmem>>
    %dma_wait3A_624 = tpu.memref_squeeze %dma_wait3A_623 : memref<1x1000xi32, #tpu.memory_space<vmem>> -> memref<1000xi32, #tpu.memory_space<vmem>>
    %dma_wait3A_625 = arith.constant 0 : i32
    %dma_wait3A_626 = arith.constant 0 : i32
    %dma_wait3A_627 = tpu.memref_slice %arg12[%dma_wait3A_625, %dma_wait3A_626] : memref<10240x16xf32, #tpu.memory_space<vmem_shared>> -> memref<10240x16xf32, #tpu.memory_space<vmem_shared>>
    tpu.wait_indirect_dma semaphore(%arg16 : memref<!tpu.dma_semaphore, #tpu.memory_space<semaphore_mem>>) src(%dma_wait3A_627 : memref<10240x16xf32, #tpu.memory_space<vmem_shared>>) dst(%arg10 : memref<1000x16xf32, #tpu.memory_space<vmem>>)
    %dma_start3A_628 = arith.constant 3 : i32
    %dma_start3A_629 = arith.constant 0 : i32
    %dma_start3A_630 = tpu.memref_slice %arg6[%dma_start3A_628, %dma_start3A_629] : memref<10x1000xi32, #tpu.memory_space<vmem>> -> memref<1x1000xi32, #tpu.memory_space<vmem>>
    %dma_start3A_631 = tpu.memref_squeeze %dma_start3A_630 : memref<1x1000xi32, #tpu.memory_space<vmem>> -> memref<1000xi32, #tpu.memory_space<vmem>>
    %dma_start3A_632 = arith.constant 0 : i32
    %dma_start3A_633 = arith.constant 0 : i32
    %dma_start3A_634 = tpu.memref_slice %arg11[%dma_start3A_632, %dma_start3A_633] : memref<10240x16xf32, #tpu.memory_space<vmem_shared>> -> memref<10240x16xf32, #tpu.memory_space<vmem_shared>>
    tpu.enqueue_indirect_dma source(%arg10 : memref<1000x16xf32, #tpu.memory_space<vmem>>) target(%dma_start3A_634 : memref<10240x16xf32, #tpu.memory_space<vmem_shared>>) offsets(%dma_start3A_631 : memref<1000xi32, #tpu.memory_space<vmem>>) semaphore(%arg26 : memref<!tpu.dma_semaphore, #tpu.memory_space<semaphore_mem>>) {add = true}
    %dma_wait3A_635 = arith.constant 1 : i32
    %dma_wait3A_636 = arith.constant 0 : i32
    %dma_wait3A_637 = tpu.memref_slice %arg6[%dma_wait3A_635, %dma_wait3A_636] : memref<10x1000xi32, #tpu.memory_space<vmem>> -> memref<1x1000xi32, #tpu.memory_space<vmem>>
    %dma_wait3A_638 = tpu.memref_squeeze %dma_wait3A_637 : memref<1x1000xi32, #tpu.memory_space<vmem>> -> memref<1000xi32, #tpu.memory_space<vmem>>
    %dma_wait3A_639 = arith.constant 0 : i32
    %dma_wait3A_640 = arith.constant 0 : i32
    %dma_wait3A_641 = tpu.memref_slice %arg11[%dma_wait3A_639, %dma_wait3A_640] : memref<10240x16xf32, #tpu.memory_space<vmem_shared>> -> memref<10240x16xf32, #tpu.memory_space<vmem_shared>>
    tpu.wait_indirect_dma semaphore(%arg24 : memref<!tpu.dma_semaphore, #tpu.memory_space<semaphore_mem>>) src(%arg8 : memref<1000x16xf32, #tpu.memory_space<vmem>>) dst(%dma_wait3A_641 : memref<10240x16xf32, #tpu.memory_space<vmem_shared>>)
    %dma_start3A_642 = arith.constant 5 : i32
    %dma_start3A_643 = arith.constant 0 : i32
    %dma_start3A_644 = tpu.memref_slice %arg5[%dma_start3A_642, %dma_start3A_643] : memref<10x1000xi32, #tpu.memory_space<vmem>> -> memref<1x1000xi32, #tpu.memory_space<vmem>>
    %dma_start3A_645 = tpu.memref_squeeze %dma_start3A_644 : memref<1x1000xi32, #tpu.memory_space<vmem>> -> memref<1000xi32, #tpu.memory_space<vmem>>
    %dma_start3A_646 = arith.constant 0 : i32
    %dma_start3A_647 = arith.constant 0 : i32
    %dma_start3A_648 = tpu.memref_slice %arg12[%dma_start3A_646, %dma_start3A_647] : memref<10240x16xf32, #tpu.memory_space<vmem_shared>> -> memref<10240x16xf32, #tpu.memory_space<vmem_shared>>
    tpu.enqueue_indirect_dma source(%dma_start3A_648 : memref<10240x16xf32, #tpu.memory_space<vmem_shared>>) target(%arg8 : memref<1000x16xf32, #tpu.memory_space<vmem>>) offsets(%dma_start3A_645 : memref<1000xi32, #tpu.memory_space<vmem>>) semaphore(%arg18 : memref<!tpu.dma_semaphore, #tpu.memory_space<semaphore_mem>>)
    %dma_wait3A_649 = arith.constant 4 : i32
    %dma_wait3A_650 = arith.constant 0 : i32
    %dma_wait3A_651 = tpu.memref_slice %arg5[%dma_wait3A_649, %dma_wait3A_650] : memref<10x1000xi32, #tpu.memory_space<vmem>> -> memref<1x1000xi32, #tpu.memory_space<vmem>>
    %dma_wait3A_652 = tpu.memref_squeeze %dma_wait3A_651 : memref<1x1000xi32, #tpu.memory_space<vmem>> -> memref<1000xi32, #tpu.memory_space<vmem>>
    %dma_wait3A_653 = arith.constant 0 : i32
    %dma_wait3A_654 = arith.constant 0 : i32
    %dma_wait3A_655 = tpu.memref_slice %arg12[%dma_wait3A_653, %dma_wait3A_654] : memref<10240x16xf32, #tpu.memory_space<vmem_shared>> -> memref<10240x16xf32, #tpu.memory_space<vmem_shared>>
    tpu.wait_indirect_dma semaphore(%arg17 : memref<!tpu.dma_semaphore, #tpu.memory_space<semaphore_mem>>) src(%dma_wait3A_655 : memref<10240x16xf32, #tpu.memory_space<vmem_shared>>) dst(%arg7 : memref<1000x16xf32, #tpu.memory_space<vmem>>)
    %dma_start3A_656 = arith.constant 4 : i32
    %dma_start3A_657 = arith.constant 0 : i32
    %dma_start3A_658 = tpu.memref_slice %arg6[%dma_start3A_656, %dma_start3A_657] : memref<10x1000xi32, #tpu.memory_space<vmem>> -> memref<1x1000xi32, #tpu.memory_space<vmem>>
    %dma_start3A_659 = tpu.memref_squeeze %dma_start3A_658 : memref<1x1000xi32, #tpu.memory_space<vmem>> -> memref<1000xi32, #tpu.memory_space<vmem>>
    %dma_start3A_660 = arith.constant 0 : i32
    %dma_start3A_661 = arith.constant 0 : i32
    %dma_start3A_662 = tpu.memref_slice %arg11[%dma_start3A_660, %dma_start3A_661] : memref<10240x16xf32, #tpu.memory_space<vmem_shared>> -> memref<10240x16xf32, #tpu.memory_space<vmem_shared>>
    tpu.enqueue_indirect_dma source(%arg7 : memref<1000x16xf32, #tpu.memory_space<vmem>>) target(%dma_start3A_662 : memref<10240x16xf32, #tpu.memory_space<vmem_shared>>) offsets(%dma_start3A_659 : memref<1000xi32, #tpu.memory_space<vmem>>) semaphore(%arg27 : memref<!tpu.dma_semaphore, #tpu.memory_space<semaphore_mem>>) {add = true}
    %dma_wait3A_663 = arith.constant 2 : i32
    %dma_wait3A_664 = arith.constant 0 : i32
    %dma_wait3A_665 = tpu.memref_slice %arg6[%dma_wait3A_663, %dma_wait3A_664] : memref<10x1000xi32, #tpu.memory_space<vmem>> -> memref<1x1000xi32, #tpu.memory_space<vmem>>
    %dma_wait3A_666 = tpu.memref_squeeze %dma_wait3A_665 : memref<1x1000xi32, #tpu.memory_space<vmem>> -> memref<1000xi32, #tpu.memory_space<vmem>>
    %dma_wait3A_667 = arith.constant 0 : i32
    %dma_wait3A_668 = arith.constant 0 : i32
    %dma_wait3A_669 = tpu.memref_slice %arg11[%dma_wait3A_667, %dma_wait3A_668] : memref<10240x16xf32, #tpu.memory_space<vmem_shared>> -> memref<10240x16xf32, #tpu.memory_space<vmem_shared>>
    tpu.wait_indirect_dma semaphore(%arg25 : memref<!tpu.dma_semaphore, #tpu.memory_space<semaphore_mem>>) src(%arg9 : memref<1000x16xf32, #tpu.memory_space<vmem>>) dst(%dma_wait3A_669 : memref<10240x16xf32, #tpu.memory_space<vmem_shared>>)
    %dma_start3A_670 = arith.constant 6 : i32
    %dma_start3A_671 = arith.constant 0 : i32
    %dma_start3A_672 = tpu.memref_slice %arg5[%dma_start3A_670, %dma_start3A_671] : memref<10x1000xi32, #tpu.memory_space<vmem>> -> memref<1x1000xi32, #tpu.memory_space<vmem>>
    %dma_start3A_673 = tpu.memref_squeeze %dma_start3A_672 : memref<1x1000xi32, #tpu.memory_space<vmem>> -> memref<1000xi32, #tpu.memory_space<vmem>>
    %dma_start3A_674 = arith.constant 0 : i32
    %dma_start3A_675 = arith.constant 0 : i32
    %dma_start3A_676 = tpu.memref_slice %arg12[%dma_start3A_674, %dma_start3A_675] : memref<10240x16xf32, #tpu.memory_space<vmem_shared>> -> memref<10240x16xf32, #tpu.memory_space<vmem_shared>>
    tpu.enqueue_indirect_dma source(%dma_start3A_676 : memref<10240x16xf32, #tpu.memory_space<vmem_shared>>) target(%arg9 : memref<1000x16xf32, #tpu.memory_space<vmem>>) offsets(%dma_start3A_673 : memref<1000xi32, #tpu.memory_space<vmem>>) semaphore(%arg19 : memref<!tpu.dma_semaphore, #tpu.memory_space<semaphore_mem>>)
    %dma_wait3A_677 = arith.constant 5 : i32
    %dma_wait3A_678 = arith.constant 0 : i32
    %dma_wait3A_679 = tpu.memref_slice %arg5[%dma_wait3A_677, %dma_wait3A_678] : memref<10x1000xi32, #tpu.memory_space<vmem>> -> memref<1x1000xi32, #tpu.memory_space<vmem>>
    %dma_wait3A_680 = tpu.memref_squeeze %dma_wait3A_679 : memref<1x1000xi32, #tpu.memory_space<vmem>> -> memref<1000xi32, #tpu.memory_space<vmem>>
    %dma_wait3A_681 = arith.constant 0 : i32
    %dma_wait3A_682 = arith.constant 0 : i32
    %dma_wait3A_683 = tpu.memref_slice %arg12[%dma_wait3A_681, %dma_wait3A_682] : memref<10240x16xf32, #tpu.memory_space<vmem_shared>> -> memref<10240x16xf32, #tpu.memory_space<vmem_shared>>
    tpu.wait_indirect_dma semaphore(%arg18 : memref<!tpu.dma_semaphore, #tpu.memory_space<semaphore_mem>>) src(%dma_wait3A_683 : memref<10240x16xf32, #tpu.memory_space<vmem_shared>>) dst(%arg8 : memref<1000x16xf32, #tpu.memory_space<vmem>>)
    %dma_start3A_684 = arith.constant 5 : i32
    %dma_start3A_685 = arith.constant 0 : i32
    %dma_start3A_686 = tpu.memref_slice %arg6[%dma_start3A_684, %dma_start3A_685] : memref<10x1000xi32, #tpu.memory_space<vmem>> -> memref<1x1000xi32, #tpu.memory_space<vmem>>
    %dma_start3A_687 = tpu.memref_squeeze %dma_start3A_686 : memref<1x1000xi32, #tpu.memory_space<vmem>> -> memref<1000xi32, #tpu.memory_space<vmem>>
    %dma_start3A_688 = arith.constant 0 : i32
    %dma_start3A_689 = arith.constant 0 : i32
    %dma_start3A_690 = tpu.memref_slice %arg11[%dma_start3A_688, %dma_start3A_689] : memref<10240x16xf32, #tpu.memory_space<vmem_shared>> -> memref<10240x16xf32, #tpu.memory_space<vmem_shared>>
    tpu.enqueue_indirect_dma source(%arg8 : memref<1000x16xf32, #tpu.memory_space<vmem>>) target(%dma_start3A_690 : memref<10240x16xf32, #tpu.memory_space<vmem_shared>>) offsets(%dma_start3A_687 : memref<1000xi32, #tpu.memory_space<vmem>>) semaphore(%arg28 : memref<!tpu.dma_semaphore, #tpu.memory_space<semaphore_mem>>) {add = true}
    %dma_wait3A_691 = arith.constant 3 : i32
    %dma_wait3A_692 = arith.constant 0 : i32
    %dma_wait3A_693 = tpu.memref_slice %arg6[%dma_wait3A_691, %dma_wait3A_692] : memref<10x1000xi32, #tpu.memory_space<vmem>> -> memref<1x1000xi32, #tpu.memory_space<vmem>>
    %dma_wait3A_694 = tpu.memref_squeeze %dma_wait3A_693 : memref<1x1000xi32, #tpu.memory_space<vmem>> -> memref<1000xi32, #tpu.memory_space<vmem>>
    %dma_wait3A_695 = arith.constant 0 : i32
    %dma_wait3A_696 = arith.constant 0 : i32
    %dma_wait3A_697 = tpu.memref_slice %arg11[%dma_wait3A_695, %dma_wait3A_696] : memref<10240x16xf32, #tpu.memory_space<vmem_shared>> -> memref<10240x16xf32, #tpu.memory_space<vmem_shared>>
    tpu.wait_indirect_dma semaphore(%arg26 : memref<!tpu.dma_semaphore, #tpu.memory_space<semaphore_mem>>) src(%arg10 : memref<1000x16xf32, #tpu.memory_space<vmem>>) dst(%dma_wait3A_697 : memref<10240x16xf32, #tpu.memory_space<vmem_shared>>)
    %dma_start3A_698 = arith.constant 7 : i32
    %dma_start3A_699 = arith.constant 0 : i32
    %dma_start3A_700 = tpu.memref_slice %arg5[%dma_start3A_698, %dma_start3A_699] : memref<10x1000xi32, #tpu.memory_space<vmem>> -> memref<1x1000xi32, #tpu.memory_space<vmem>>
    %dma_start3A_701 = tpu.memref_squeeze %dma_start3A_700 : memref<1x1000xi32, #tpu.memory_space<vmem>> -> memref<1000xi32, #tpu.memory_space<vmem>>
    %dma_start3A_702 = arith.constant 0 : i32
    %dma_start3A_703 = arith.constant 0 : i32
    %dma_start3A_704 = tpu.memref_slice %arg12[%dma_start3A_702, %dma_start3A_703] : memref<10240x16xf32, #tpu.memory_space<vmem_shared>> -> memref<10240x16xf32, #tpu.memory_space<vmem_shared>>
    tpu.enqueue_indirect_dma source(%dma_start3A_704 : memref<10240x16xf32, #tpu.memory_space<vmem_shared>>) target(%arg10 : memref<1000x16xf32, #tpu.memory_space<vmem>>) offsets(%dma_start3A_701 : memref<1000xi32, #tpu.memory_space<vmem>>) semaphore(%arg20 : memref<!tpu.dma_semaphore, #tpu.memory_space<semaphore_mem>>)
    %dma_wait3A_705 = arith.constant 6 : i32
    %dma_wait3A_706 = arith.constant 0 : i32
    %dma_wait3A_707 = tpu.memref_slice %arg5[%dma_wait3A_705, %dma_wait3A_706] : memref<10x1000xi32, #tpu.memory_space<vmem>> -> memref<1x1000xi32, #tpu.memory_space<vmem>>
    %dma_wait3A_708 = tpu.memref_squeeze %dma_wait3A_707 : memref<1x1000xi32, #tpu.memory_space<vmem>> -> memref<1000xi32, #tpu.memory_space<vmem>>
    %dma_wait3A_709 = arith.constant 0 : i32
    %dma_wait3A_710 = arith.constant 0 : i32
    %dma_wait3A_711 = tpu.memref_slice %arg12[%dma_wait3A_709, %dma_wait3A_710] : memref<10240x16xf32, #tpu.memory_space<vmem_shared>> -> memref<10240x16xf32, #tpu.memory_space<vmem_shared>>
    tpu.wait_indirect_dma semaphore(%arg19 : memref<!tpu.dma_semaphore, #tpu.memory_space<semaphore_mem>>) src(%dma_wait3A_711 : memref<10240x16xf32, #tpu.memory_space<vmem_shared>>) dst(%arg9 : memref<1000x16xf32, #tpu.memory_space<vmem>>)
    %dma_start3A_712 = arith.constant 6 : i32
    %dma_start3A_713 = arith.constant 0 : i32
    %dma_start3A_714 = tpu.memref_slice %arg6[%dma_start3A_712, %dma_start3A_713] : memref<10x1000xi32, #tpu.memory_space<vmem>> -> memref<1x1000xi32, #tpu.memory_space<vmem>>
    %dma_start3A_715 = tpu.memref_squeeze %dma_start3A_714 : memref<1x1000xi32, #tpu.memory_space<vmem>> -> memref<1000xi32, #tpu.memory_space<vmem>>
    %dma_start3A_716 = arith.constant 0 : i32
    %dma_start3A_717 = arith.constant 0 : i32
    %dma_start3A_718 = tpu.memref_slice %arg11[%dma_start3A_716, %dma_start3A_717] : memref<10240x16xf32, #tpu.memory_space<vmem_shared>> -> memref<10240x16xf32, #tpu.memory_space<vmem_shared>>
    tpu.enqueue_indirect_dma source(%arg9 : memref<1000x16xf32, #tpu.memory_space<vmem>>) target(%dma_start3A_718 : memref<10240x16xf32, #tpu.memory_space<vmem_shared>>) offsets(%dma_start3A_715 : memref<1000xi32, #tpu.memory_space<vmem>>) semaphore(%arg29 : memref<!tpu.dma_semaphore, #tpu.memory_space<semaphore_mem>>) {add = true}
    %dma_wait3A_719 = arith.constant 4 : i32
    %dma_wait3A_720 = arith.constant 0 : i32
    %dma_wait3A_721 = tpu.memref_slice %arg6[%dma_wait3A_719, %dma_wait3A_720] : memref<10x1000xi32, #tpu.memory_space<vmem>> -> memref<1x1000xi32, #tpu.memory_space<vmem>>
    %dma_wait3A_722 = tpu.memref_squeeze %dma_wait3A_721 : memref<1x1000xi32, #tpu.memory_space<vmem>> -> memref<1000xi32, #tpu.memory_space<vmem>>
    %dma_wait3A_723 = arith.constant 0 : i32
    %dma_wait3A_724 = arith.constant 0 : i32
    %dma_wait3A_725 = tpu.memref_slice %arg11[%dma_wait3A_723, %dma_wait3A_724] : memref<10240x16xf32, #tpu.memory_space<vmem_shared>> -> memref<10240x16xf32, #tpu.memory_space<vmem_shared>>
    tpu.wait_indirect_dma semaphore(%arg27 : memref<!tpu.dma_semaphore, #tpu.memory_space<semaphore_mem>>) src(%arg7 : memref<1000x16xf32, #tpu.memory_space<vmem>>) dst(%dma_wait3A_725 : memref<10240x16xf32, #tpu.memory_space<vmem_shared>>)
    %dma_start3A_726 = arith.constant 8 : i32
    %dma_start3A_727 = arith.constant 0 : i32
    %dma_start3A_728 = tpu.memref_slice %arg5[%dma_start3A_726, %dma_start3A_727] : memref<10x1000xi32, #tpu.memory_space<vmem>> -> memref<1x1000xi32, #tpu.memory_space<vmem>>
    %dma_start3A_729 = tpu.memref_squeeze %dma_start3A_728 : memref<1x1000xi32, #tpu.memory_space<vmem>> -> memref<1000xi32, #tpu.memory_space<vmem>>
    %dma_start3A_730 = arith.constant 0 : i32
    %dma_start3A_731 = arith.constant 0 : i32
    %dma_start3A_732 = tpu.memref_slice %arg12[%dma_start3A_730, %dma_start3A_731] : memref<10240x16xf32, #tpu.memory_space<vmem_shared>> -> memref<10240x16xf32, #tpu.memory_space<vmem_shared>>
    tpu.enqueue_indirect_dma source(%dma_start3A_732 : memref<10240x16xf32, #tpu.memory_space<vmem_shared>>) target(%arg7 : memref<1000x16xf32, #tpu.memory_space<vmem>>) offsets(%dma_start3A_729 : memref<1000xi32, #tpu.memory_space<vmem>>) semaphore(%arg21 : memref<!tpu.dma_semaphore, #tpu.memory_space<semaphore_mem>>)
    %dma_wait3A_733 = arith.constant 7 : i32
    %dma_wait3A_734 = arith.constant 0 : i32
    %dma_wait3A_735 = tpu.memref_slice %arg5[%dma_wait3A_733, %dma_wait3A_734] : memref<10x1000xi32, #tpu.memory_space<vmem>> -> memref<1x1000xi32, #tpu.memory_space<vmem>>
    %dma_wait3A_736 = tpu.memref_squeeze %dma_wait3A_735 : memref<1x1000xi32, #tpu.memory_space<vmem>> -> memref<1000xi32, #tpu.memory_space<vmem>>
    %dma_wait3A_737 = arith.constant 0 : i32
    %dma_wait3A_738 = arith.constant 0 : i32
    %dma_wait3A_739 = tpu.memref_slice %arg12[%dma_wait3A_737, %dma_wait3A_738] : memref<10240x16xf32, #tpu.memory_space<vmem_shared>> -> memref<10240x16xf32, #tpu.memory_space<vmem_shared>>
    tpu.wait_indirect_dma semaphore(%arg20 : memref<!tpu.dma_semaphore, #tpu.memory_space<semaphore_mem>>) src(%dma_wait3A_739 : memref<10240x16xf32, #tpu.memory_space<vmem_shared>>) dst(%arg10 : memref<1000x16xf32, #tpu.memory_space<vmem>>)
    %dma_start3A_740 = arith.constant 7 : i32
    %dma_start3A_741 = arith.constant 0 : i32
    %dma_start3A_742 = tpu.memref_slice %arg6[%dma_start3A_740, %dma_start3A_741] : memref<10x1000xi32, #tpu.memory_space<vmem>> -> memref<1x1000xi32, #tpu.memory_space<vmem>>
    %dma_start3A_743 = tpu.memref_squeeze %dma_start3A_742 : memref<1x1000xi32, #tpu.memory_space<vmem>> -> memref<1000xi32, #tpu.memory_space<vmem>>
    %dma_start3A_744 = arith.constant 0 : i32
    %dma_start3A_745 = arith.constant 0 : i32
    %dma_start3A_746 = tpu.memref_slice %arg11[%dma_start3A_744, %dma_start3A_745] : memref<10240x16xf32, #tpu.memory_space<vmem_shared>> -> memref<10240x16xf32, #tpu.memory_space<vmem_shared>>
    tpu.enqueue_indirect_dma source(%arg10 : memref<1000x16xf32, #tpu.memory_space<vmem>>) target(%dma_start3A_746 : memref<10240x16xf32, #tpu.memory_space<vmem_shared>>) offsets(%dma_start3A_743 : memref<1000xi32, #tpu.memory_space<vmem>>) semaphore(%arg30 : memref<!tpu.dma_semaphore, #tpu.memory_space<semaphore_mem>>) {add = true}
    %dma_wait3A_747 = arith.constant 5 : i32
    %dma_wait3A_748 = arith.constant 0 : i32
    %dma_wait3A_749 = tpu.memref_slice %arg6[%dma_wait3A_747, %dma_wait3A_748] : memref<10x1000xi32, #tpu.memory_space<vmem>> -> memref<1x1000xi32, #tpu.memory_space<vmem>>
    %dma_wait3A_750 = tpu.memref_squeeze %dma_wait3A_749 : memref<1x1000xi32, #tpu.memory_space<vmem>> -> memref<1000xi32, #tpu.memory_space<vmem>>
    %dma_wait3A_751 = arith.constant 0 : i32
    %dma_wait3A_752 = arith.constant 0 : i32
    %dma_wait3A_753 = tpu.memref_slice %arg11[%dma_wait3A_751, %dma_wait3A_752] : memref<10240x16xf32, #tpu.memory_space<vmem_shared>> -> memref<10240x16xf32, #tpu.memory_space<vmem_shared>>
    tpu.wait_indirect_dma semaphore(%arg28 : memref<!tpu.dma_semaphore, #tpu.memory_space<semaphore_mem>>) src(%arg8 : memref<1000x16xf32, #tpu.memory_space<vmem>>) dst(%dma_wait3A_753 : memref<10240x16xf32, #tpu.memory_space<vmem_shared>>)
    %dma_start3A_754 = arith.constant 9 : i32
    %dma_start3A_755 = arith.constant 0 : i32
    %dma_start3A_756 = tpu.memref_slice %arg5[%dma_start3A_754, %dma_start3A_755] : memref<10x1000xi32, #tpu.memory_space<vmem>> -> memref<1x1000xi32, #tpu.memory_space<vmem>>
    %dma_start3A_757 = tpu.memref_squeeze %dma_start3A_756 : memref<1x1000xi32, #tpu.memory_space<vmem>> -> memref<1000xi32, #tpu.memory_space<vmem>>
    %dma_start3A_758 = arith.constant 0 : i32
    %dma_start3A_759 = arith.constant 0 : i32
    %dma_start3A_760 = tpu.memref_slice %arg12[%dma_start3A_758, %dma_start3A_759] : memref<10240x16xf32, #tpu.memory_space<vmem_shared>> -> memref<10240x16xf32, #tpu.memory_space<vmem_shared>>
    tpu.enqueue_indirect_dma source(%dma_start3A_760 : memref<10240x16xf32, #tpu.memory_space<vmem_shared>>) target(%arg8 : memref<1000x16xf32, #tpu.memory_space<vmem>>) offsets(%dma_start3A_757 : memref<1000xi32, #tpu.memory_space<vmem>>) semaphore(%arg22 : memref<!tpu.dma_semaphore, #tpu.memory_space<semaphore_mem>>)
    %dma_wait3A_761 = arith.constant 8 : i32
    %dma_wait3A_762 = arith.constant 0 : i32
    %dma_wait3A_763 = tpu.memref_slice %arg5[%dma_wait3A_761, %dma_wait3A_762] : memref<10x1000xi32, #tpu.memory_space<vmem>> -> memref<1x1000xi32, #tpu.memory_space<vmem>>
    %dma_wait3A_764 = tpu.memref_squeeze %dma_wait3A_763 : memref<1x1000xi32, #tpu.memory_space<vmem>> -> memref<1000xi32, #tpu.memory_space<vmem>>
    %dma_wait3A_765 = arith.constant 0 : i32
    %dma_wait3A_766 = arith.constant 0 : i32
    %dma_wait3A_767 = tpu.memref_slice %arg12[%dma_wait3A_765, %dma_wait3A_766] : memref<10240x16xf32, #tpu.memory_space<vmem_shared>> -> memref<10240x16xf32, #tpu.memory_space<vmem_shared>>
    tpu.wait_indirect_dma semaphore(%arg21 : memref<!tpu.dma_semaphore, #tpu.memory_space<semaphore_mem>>) src(%dma_wait3A_767 : memref<10240x16xf32, #tpu.memory_space<vmem_shared>>) dst(%arg7 : memref<1000x16xf32, #tpu.memory_space<vmem>>)
    %dma_start3A_768 = arith.constant 8 : i32
    %dma_start3A_769 = arith.constant 0 : i32
    %dma_start3A_770 = tpu.memref_slice %arg6[%dma_start3A_768, %dma_start3A_769] : memref<10x1000xi32, #tpu.memory_space<vmem>> -> memref<1x1000xi32, #tpu.memory_space<vmem>>
    %dma_start3A_771 = tpu.memref_squeeze %dma_start3A_770 : memref<1x1000xi32, #tpu.memory_space<vmem>> -> memref<1000xi32, #tpu.memory_space<vmem>>
    %dma_start3A_772 = arith.constant 0 : i32
    %dma_start3A_773 = arith.constant 0 : i32
    %dma_start3A_774 = tpu.memref_slice %arg11[%dma_start3A_772, %dma_start3A_773] : memref<10240x16xf32, #tpu.memory_space<vmem_shared>> -> memref<10240x16xf32, #tpu.memory_space<vmem_shared>>
    tpu.enqueue_indirect_dma source(%arg7 : memref<1000x16xf32, #tpu.memory_space<vmem>>) target(%dma_start3A_774 : memref<10240x16xf32, #tpu.memory_space<vmem_shared>>) offsets(%dma_start3A_771 : memref<1000xi32, #tpu.memory_space<vmem>>) semaphore(%arg31 : memref<!tpu.dma_semaphore, #tpu.memory_space<semaphore_mem>>) {add = true}
    %dma_wait3A_775 = arith.constant 9 : i32
    %dma_wait3A_776 = arith.constant 0 : i32
    %dma_wait3A_777 = tpu.memref_slice %arg5[%dma_wait3A_775, %dma_wait3A_776] : memref<10x1000xi32, #tpu.memory_space<vmem>> -> memref<1x1000xi32, #tpu.memory_space<vmem>>
    %dma_wait3A_778 = tpu.memref_squeeze %dma_wait3A_777 : memref<1x1000xi32, #tpu.memory_space<vmem>> -> memref<1000xi32, #tpu.memory_space<vmem>>
    %dma_wait3A_779 = arith.constant 0 : i32
    %dma_wait3A_780 = arith.constant 0 : i32
    %dma_wait3A_781 = tpu.memref_slice %arg12[%dma_wait3A_779, %dma_wait3A_780] : memref<10240x16xf32, #tpu.memory_space<vmem_shared>> -> memref<10240x16xf32, #tpu.memory_space<vmem_shared>>
    tpu.wait_indirect_dma semaphore(%arg22 : memref<!tpu.dma_semaphore, #tpu.memory_space<semaphore_mem>>) src(%dma_wait3A_781 : memref<10240x16xf32, #tpu.memory_space<vmem_shared>>) dst(%arg8 : memref<1000x16xf32, #tpu.memory_space<vmem>>)
    %dma_start3A_782 = arith.constant 9 : i32
    %dma_start3A_783 = arith.constant 0 : i32
    %dma_start3A_784 = tpu.memref_slice %arg6[%dma_start3A_782, %dma_start3A_783] : memref<10x1000xi32, #tpu.memory_space<vmem>> -> memref<1x1000xi32, #tpu.memory_space<vmem>>
    %dma_start3A_785 = tpu.memref_squeeze %dma_start3A_784 : memref<1x1000xi32, #tpu.memory_space<vmem>> -> memref<1000xi32, #tpu.memory_space<vmem>>
    %dma_start3A_786 = arith.constant 0 : i32
    %dma_start3A_787 = arith.constant 0 : i32
    %dma_start3A_788 = tpu.memref_slice %arg11[%dma_start3A_786, %dma_start3A_787] : memref<10240x16xf32, #tpu.memory_space<vmem_shared>> -> memref<10240x16xf32, #tpu.memory_space<vmem_shared>>
    tpu.enqueue_indirect_dma source(%arg8 : memref<1000x16xf32, #tpu.memory_space<vmem>>) target(%dma_start3A_788 : memref<10240x16xf32, #tpu.memory_space<vmem_shared>>) offsets(%dma_start3A_785 : memref<1000xi32, #tpu.memory_space<vmem>>) semaphore(%arg32 : memref<!tpu.dma_semaphore, #tpu.memory_space<semaphore_mem>>) {add = true}
    %dma_wait3A_789 = arith.constant 6 : i32
    %dma_wait3A_790 = arith.constant 0 : i32
    %dma_wait3A_791 = tpu.memref_slice %arg6[%dma_wait3A_789, %dma_wait3A_790] : memref<10x1000xi32, #tpu.memory_space<vmem>> -> memref<1x1000xi32, #tpu.memory_space<vmem>>
    %dma_wait3A_792 = tpu.memref_squeeze %dma_wait3A_791 : memref<1x1000xi32, #tpu.memory_space<vmem>> -> memref<1000xi32, #tpu.memory_space<vmem>>
    %dma_wait3A_793 = arith.constant 0 : i32
    %dma_wait3A_794 = arith.constant 0 : i32
    %dma_wait3A_795 = tpu.memref_slice %arg11[%dma_wait3A_793, %dma_wait3A_794] : memref<10240x16xf32, #tpu.memory_space<vmem_shared>> -> memref<10240x16xf32, #tpu.memory_space<vmem_shared>>
    tpu.wait_indirect_dma semaphore(%arg29 : memref<!tpu.dma_semaphore, #tpu.memory_space<semaphore_mem>>) src(%arg9 : memref<1000x16xf32, #tpu.memory_space<vmem>>) dst(%dma_wait3A_795 : memref<10240x16xf32, #tpu.memory_space<vmem_shared>>)
    %dma_wait3A_796 = arith.constant 7 : i32
    %dma_wait3A_797 = arith.constant 0 : i32
    %dma_wait3A_798 = tpu.memref_slice %arg6[%dma_wait3A_796, %dma_wait3A_797] : memref<10x1000xi32, #tpu.memory_space<vmem>> -> memref<1x1000xi32, #tpu.memory_space<vmem>>
    %dma_wait3A_799 = tpu.memref_squeeze %dma_wait3A_798 : memref<1x1000xi32, #tpu.memory_space<vmem>> -> memref<1000xi32, #tpu.memory_space<vmem>>
    %dma_wait3A_800 = arith.constant 0 : i32
    %dma_wait3A_801 = arith.constant 0 : i32
    %dma_wait3A_802 = tpu.memref_slice %arg11[%dma_wait3A_800, %dma_wait3A_801] : memref<10240x16xf32, #tpu.memory_space<vmem_shared>> -> memref<10240x16xf32, #tpu.memory_space<vmem_shared>>
    tpu.wait_indirect_dma semaphore(%arg30 : memref<!tpu.dma_semaphore, #tpu.memory_space<semaphore_mem>>) src(%arg10 : memref<1000x16xf32, #tpu.memory_space<vmem>>) dst(%dma_wait3A_802 : memref<10240x16xf32, #tpu.memory_space<vmem_shared>>)
    %dma_wait3A_803 = arith.constant 8 : i32
    %dma_wait3A_804 = arith.constant 0 : i32
    %dma_wait3A_805 = tpu.memref_slice %arg6[%dma_wait3A_803, %dma_wait3A_804] : memref<10x1000xi32, #tpu.memory_space<vmem>> -> memref<1x1000xi32, #tpu.memory_space<vmem>>
    %dma_wait3A_806 = tpu.memref_squeeze %dma_wait3A_805 : memref<1x1000xi32, #tpu.memory_space<vmem>> -> memref<1000xi32, #tpu.memory_space<vmem>>
    %dma_wait3A_807 = arith.constant 0 : i32
    %dma_wait3A_808 = arith.constant 0 : i32
    %dma_wait3A_809 = tpu.memref_slice %arg11[%dma_wait3A_807, %dma_wait3A_808] : memref<10240x16xf32, #tpu.memory_space<vmem_shared>> -> memref<10240x16xf32, #tpu.memory_space<vmem_shared>>
    tpu.wait_indirect_dma semaphore(%arg31 : memref<!tpu.dma_semaphore, #tpu.memory_space<semaphore_mem>>) src(%arg7 : memref<1000x16xf32, #tpu.memory_space<vmem>>) dst(%dma_wait3A_809 : memref<10240x16xf32, #tpu.memory_space<vmem_shared>>)
    %dma_wait3A_810 = arith.constant 9 : i32
    %dma_wait3A_811 = arith.constant 0 : i32
    %dma_wait3A_812 = tpu.memref_slice %arg6[%dma_wait3A_810, %dma_wait3A_811] : memref<10x1000xi32, #tpu.memory_space<vmem>> -> memref<1x1000xi32, #tpu.memory_space<vmem>>
    %dma_wait3A_813 = tpu.memref_squeeze %dma_wait3A_812 : memref<1x1000xi32, #tpu.memory_space<vmem>> -> memref<1000xi32, #tpu.memory_space<vmem>>
    %dma_wait3A_814 = arith.constant 0 : i32
    %dma_wait3A_815 = arith.constant 0 : i32
    %dma_wait3A_816 = tpu.memref_slice %arg11[%dma_wait3A_814, %dma_wait3A_815] : memref<10240x16xf32, #tpu.memory_space<vmem_shared>> -> memref<10240x16xf32, #tpu.memory_space<vmem_shared>>
    tpu.wait_indirect_dma semaphore(%arg32 : memref<!tpu.dma_semaphore, #tpu.memory_space<semaphore_mem>>) src(%arg8 : memref<1000x16xf32, #tpu.memory_space<vmem>>) dst(%dma_wait3A_816 : memref<10240x16xf32, #tpu.memory_space<vmem_shared>>)
    %barrier3A_817 = arith.constant 0 : index
    tpu.barrier barrier_id(%barrier3A_817)
    "tpu.region"() ({
      %run_scoped3A = tpu.sem_alloc : memref<!tpu.dma_semaphore, #tpu.memory_space<semaphore_mem>>
      %dma_start3A_818 = arith.constant 0 : i32
      %dma_start3A_819 = tpu.memref_slice %arg4[%arg0, %mul3A_2, %dma_start3A_818] : memref<2x10240x16xf32, #tpu.memory_space<hbm>> -> memref<1x640x16xf32, #tpu.memory_space<hbm>>
      %dma_start3A_820 = tpu.memref_squeeze %dma_start3A_819 : memref<1x640x16xf32, #tpu.memory_space<hbm>> -> memref<640x16xf32, #tpu.memory_space<hbm>>
      %dma_start3A_821 = arith.constant 0 : i32
      %dma_start3A_822 = tpu.memref_slice %arg11[%mul3A_2, %dma_start3A_821] : memref<10240x16xf32, #tpu.memory_space<vmem_shared>> -> memref<640x16xf32, #tpu.memory_space<vmem_shared>>
      tpu.enqueue_dma source(%dma_start3A_822 : memref<640x16xf32, #tpu.memory_space<vmem_shared>>) target(%dma_start3A_820 : memref<640x16xf32, #tpu.memory_space<hbm>>) target_semaphore(%run_scoped3A : memref<!tpu.dma_semaphore, #tpu.memory_space<semaphore_mem>>)
      %dma_wait3A_823 = arith.constant 0 : i32
      %dma_wait3A_824 = tpu.memref_slice %arg4[%arg0, %mul3A_2, %dma_wait3A_823] : memref<2x10240x16xf32, #tpu.memory_space<hbm>> -> memref<1x640x16xf32, #tpu.memory_space<hbm>>
      %dma_wait3A_825 = tpu.memref_squeeze %dma_wait3A_824 : memref<1x640x16xf32, #tpu.memory_space<hbm>> -> memref<640x16xf32, #tpu.memory_space<hbm>>
      %dma_wait3A_826 = arith.constant 0 : i32
      %dma_wait3A_827 = tpu.memref_slice %arg11[%mul3A_2, %dma_wait3A_826] : memref<10240x16xf32, #tpu.memory_space<vmem_shared>> -> memref<640x16xf32, #tpu.memory_space<vmem_shared>>
      tpu.wait_dma2 semaphore(%run_scoped3A : memref<!tpu.dma_semaphore, #tpu.memory_space<semaphore_mem>>) src(%dma_wait3A_827 : memref<640x16xf32, #tpu.memory_space<vmem_shared>>) dst(%dma_wait3A_825 : memref<640x16xf32, #tpu.memory_space<hbm>>)
      tpu.yield
    }) : () -> ()
    return
  }
}

module attributes {stable_mosaic.version = 14 : i64} {
  func.func @_tc1_body(%arg0: memref<2x10240x16xf32, #tpu.memory_space<vmem>>, %arg1: memref<10000x128xf32, #tpu.memory_space<vmem>>, %arg2: memref<128x16xf32, #tpu.memory_space<vmem>>, %arg3: memref<10240x16xf32, #tpu.memory_space<vmem>>, %arg4: memref<10240x16xf32, #tpu.memory_space<vmem>>) attributes {dimension_semantics = [], scalar_prefetch = 0 : i64, scratch_operands = 0 : i64, tpu.core_type = #tpu.core_type<tc>} {
    %get3A = arith.constant 0 : index
    %get3A_0 = arith.constant 0 : index
    %get3A_1 = arith.constant 0 : index
    %get3A_2 = vector.load %arg0[%get3A, %get3A_0, %get3A_1] : memref<2x10240x16xf32, #tpu.memory_space<vmem>>, vector<1x10240x16xf32>
    %get3A_3 = vector.shape_cast %get3A_2 : vector<1x10240x16xf32> to vector<10240x16xf32>
    %get3A_4 = arith.constant 1 : index
    %get3A_5 = arith.constant 0 : index
    %get3A_6 = arith.constant 0 : index
    %get3A_7 = vector.load %arg0[%get3A_4, %get3A_5, %get3A_6] : memref<2x10240x16xf32, #tpu.memory_space<vmem>>, vector<1x10240x16xf32>
    %get3A_8 = vector.shape_cast %get3A_7 : vector<1x10240x16xf32> to vector<10240x16xf32>
    %add3A = arith.addf %get3A_3, %get3A_8 : vector<10240x16xf32>
    %add3A_9 = arith.constant 1.000000e+00 : f32
    %add3A_10 = vector.broadcast %add3A_9 : f32 to vector<10240x16xf32>
    %add3A_11 = arith.addf %add3A, %add3A_10 : vector<10240x16xf32>
    %rsqrt3A = math.rsqrt %add3A_11 : vector<10240x16xf32>
    %swap3A = arith.constant 0 : index
    %swap3A_12 = arith.constant 0 : index
    %swap3A_13 = vector.load %arg4[%swap3A, %swap3A_12] : memref<10240x16xf32, #tpu.memory_space<vmem>>, vector<10240x16xf32>
    tpu.vector_store %arg4[%swap3A, %swap3A_12], %rsqrt3A {strides = array<i32>} : memref<10240x16xf32, #tpu.memory_space<vmem>>, vector<10240x16xf32>,
    %get3A_14 = arith.constant 0 : index
    %get3A_15 = arith.constant 0 : index
    %get3A_16 = vector.load %arg1[%get3A_14, %get3A_15] : memref<10000x128xf32, #tpu.memory_space<vmem>>, vector<10000x128xf32>
    %get3A_17 = arith.constant 0 : index
    %get3A_18 = arith.constant 0 : index
    %get3A_19 = vector.load %arg2[%get3A_17, %get3A_18] : memref<128x16xf32, #tpu.memory_space<vmem>>, vector<128x16xf32>
    %dot_general3A = arith.constant dense<0.000000e+00> : vector<10000x16xf32>
    %dot_general3A_20 = tpu.matmul %get3A_16, %get3A_19, %dot_general3A {dimension_numbers = #tpu.dot_dimension_numbers<[1], [0], [0], [1], [0, 0, 1, 1], [], []>, transpose_lhs_hint = false} : vector<10000x128xf32>, vector<128x16xf32>, vector<10000x16xf32> -> vector<10000x16xf32>
    %slice3A = vector.extract_strided_slice %rsqrt3A {offsets = [0, 0], sizes = [10000, 16], strides = [1, 1]} : vector<10240x16xf32> to vector<10000x16xf32>
    %mul3A = arith.mulf %dot_general3A_20, %slice3A : vector<10000x16xf32>
    %swap3A_21 = arith.constant 0 : index
    %swap3A_22 = arith.constant 0 : index
    %swap3A_23 = vector.load %arg3[%swap3A_21, %swap3A_22] : memref<10240x16xf32, #tpu.memory_space<vmem>>, vector<10000x16xf32>
    tpu.vector_store %arg3[%swap3A_21, %swap3A_22], %mul3A {strides = array<i32>} : memref<10240x16xf32, #tpu.memory_space<vmem>>, vector<10000x16xf32>,
    %broadcast_in_dim3A = arith.constant 0.000000e+00 : f32
    %broadcast_in_dim3A_24 = vector.broadcast %broadcast_in_dim3A : f32 to vector<240x16xf32>
    %swap3A_25 = arith.constant 10000 : index
    %swap3A_26 = arith.constant 0 : index
    %swap3A_27 = vector.load %arg3[%swap3A_25, %swap3A_26] : memref<10240x16xf32, #tpu.memory_space<vmem>>, vector<240x16xf32>
    tpu.vector_store %arg3[%swap3A_25, %swap3A_26], %broadcast_in_dim3A_24 {strides = array<i32>} : memref<10240x16xf32, #tpu.memory_space<vmem>>, vector<240x16xf32>,
    return
  }
}

module attributes {stable_mosaic.version = 14 : i64} {
  func.func @_tc2_body(%arg0: memref<2x10240x16xf32, #tpu.memory_space<vmem>>, %arg1: memref<10240x16xf32, #tpu.memory_space<vmem>>, %arg2: memref<10240x16xf32, #tpu.memory_space<vmem>>, %arg3: memref<16x16xf32, #tpu.memory_space<vmem>>, %arg4: memref<1x16xf32, #tpu.memory_space<vmem>>, %arg5: memref<10240x16xf32, #tpu.memory_space<vmem>>) attributes {dimension_semantics = [], scalar_prefetch = 0 : i64, scratch_operands = 0 : i64, tpu.core_type = #tpu.core_type<tc>} {
    %get3A = arith.constant 0 : index
    %get3A_0 = arith.constant 0 : index
    %get3A_1 = vector.load %arg2[%get3A, %get3A_0] : memref<10240x16xf32, #tpu.memory_space<vmem>>, vector<10240x16xf32>
    %get3A_2 = arith.constant 0 : index
    %get3A_3 = arith.constant 0 : index
    %get3A_4 = arith.constant 0 : index
    %get3A_5 = vector.load %arg0[%get3A_2, %get3A_3, %get3A_4] : memref<2x10240x16xf32, #tpu.memory_space<vmem>>, vector<1x10240x16xf32>
    %get3A_6 = vector.shape_cast %get3A_5 : vector<1x10240x16xf32> to vector<10240x16xf32>
    %get3A_7 = arith.constant 1 : index
    %get3A_8 = arith.constant 0 : index
    %get3A_9 = arith.constant 0 : index
    %get3A_10 = vector.load %arg0[%get3A_7, %get3A_8, %get3A_9] : memref<2x10240x16xf32, #tpu.memory_space<vmem>>, vector<1x10240x16xf32>
    %get3A_11 = vector.shape_cast %get3A_10 : vector<1x10240x16xf32> to vector<10240x16xf32>
    %add3A = arith.addf %get3A_6, %get3A_11 : vector<10240x16xf32>
    %get3A_12 = arith.constant 0 : index
    %get3A_13 = arith.constant 0 : index
    %get3A_14 = vector.load %arg1[%get3A_12, %get3A_13] : memref<10240x16xf32, #tpu.memory_space<vmem>>, vector<10240x16xf32>
    %add3A_15 = arith.addf %add3A, %get3A_14 : vector<10240x16xf32>
    %slice3A = vector.extract_strided_slice %add3A_15 {offsets = [0, 0], sizes = [10000, 16], strides = [1, 1]} : vector<10240x16xf32> to vector<10000x16xf32>
    %slice3A_16 = vector.extract_strided_slice %get3A_1 {offsets = [0, 0], sizes = [10000, 16], strides = [1, 1]} : vector<10240x16xf32> to vector<10000x16xf32>
    %mul3A = arith.mulf %slice3A, %slice3A_16 : vector<10000x16xf32>
    %get3A_17 = arith.constant 0 : index
    %get3A_18 = arith.constant 0 : index
    %get3A_19 = vector.load %arg4[%get3A_17, %get3A_18] : memref<1x16xf32, #tpu.memory_space<vmem>>, vector<1x16xf32>
    %add3A_20 = vector.broadcast %get3A_19 : vector<1x16xf32> to vector<10000x16xf32>
    %add3A_21 = arith.addf %mul3A, %add3A_20 : vector<10000x16xf32>
    %max3A = arith.constant 0.000000e+00 : f32
    %max3A_22 = vector.broadcast %max3A : f32 to vector<10000x16xf32>
    %max3A_23 = arith.maximumf %add3A_21, %max3A_22 : vector<10000x16xf32>
    %get3A_24 = arith.constant 0 : index
    %get3A_25 = arith.constant 0 : index
    %get3A_26 = vector.load %arg3[%get3A_24, %get3A_25] : memref<16x16xf32, #tpu.memory_space<vmem>>, vector<16x16xf32>
    %dot_general3A = arith.constant dense<0.000000e+00> : vector<10000x16xf32>
    %dot_general3A_27 = tpu.matmul %max3A_23, %get3A_26, %dot_general3A {dimension_numbers = #tpu.dot_dimension_numbers<[1], [0], [0], [1], [0, 0, 1, 1], [], []>, transpose_lhs_hint = false} : vector<10000x16xf32>, vector<16x16xf32>, vector<10000x16xf32> -> vector<10000x16xf32>
    %slice3A_28 = vector.extract_strided_slice %get3A_1 {offsets = [0, 0], sizes = [10000, 16], strides = [1, 1]} : vector<10240x16xf32> to vector<10000x16xf32>
    %mul3A_29 = arith.mulf %dot_general3A_27, %slice3A_28 : vector<10000x16xf32>
    %swap3A = arith.constant 0 : index
    %swap3A_30 = arith.constant 0 : index
    %swap3A_31 = vector.load %arg5[%swap3A, %swap3A_30] : memref<10240x16xf32, #tpu.memory_space<vmem>>, vector<10000x16xf32>
    tpu.vector_store %arg5[%swap3A, %swap3A_30], %mul3A_29 {strides = array<i32>} : memref<10240x16xf32, #tpu.memory_space<vmem>>, vector<10000x16xf32>,
    %broadcast_in_dim3A = arith.constant 0.000000e+00 : f32
    %broadcast_in_dim3A_32 = vector.broadcast %broadcast_in_dim3A : f32 to vector<240x16xf32>
    %swap3A_33 = arith.constant 10000 : index
    %swap3A_34 = arith.constant 0 : index
    %swap3A_35 = vector.load %arg5[%swap3A_33, %swap3A_34] : memref<10240x16xf32, #tpu.memory_space<vmem>>, vector<240x16xf32>
    tpu.vector_store %arg5[%swap3A_33, %swap3A_34], %broadcast_in_dim3A_32 {strides = array<i32>} : memref<10240x16xf32, #tpu.memory_space<vmem>>, vector<240x16xf32>,
    return
  }
}

module attributes {stable_mosaic.version = 14 : i64} {
  func.func @_tc3_body(%arg0: memref<2x10240x16xf32, #tpu.memory_space<vmem>>, %arg1: memref<10240x16xf32, #tpu.memory_space<vmem>>, %arg2: memref<10240x16xf32, #tpu.memory_space<vmem>>, %arg3: memref<1x16xf32, #tpu.memory_space<vmem>>, %arg4: memref<16x1xf32, #tpu.memory_space<vmem>>, %arg5: memref<1x1xf32, #tpu.memory_space<vmem>>, %arg6: memref<1x1xf32, #tpu.memory_space<vmem>>) attributes {dimension_semantics = [], scalar_prefetch = 0 : i64, scratch_operands = 0 : i64, tpu.core_type = #tpu.core_type<tc>} {
    %get3A = arith.constant 0 : index
    %get3A_0 = arith.constant 0 : index
    %get3A_1 = arith.constant 0 : index
    %get3A_2 = vector.load %arg0[%get3A, %get3A_0, %get3A_1] : memref<2x10240x16xf32, #tpu.memory_space<vmem>>, vector<1x10240x16xf32>
    %get3A_3 = vector.shape_cast %get3A_2 : vector<1x10240x16xf32> to vector<10240x16xf32>
    %get3A_4 = arith.constant 1 : index
    %get3A_5 = arith.constant 0 : index
    %get3A_6 = arith.constant 0 : index
    %get3A_7 = vector.load %arg0[%get3A_4, %get3A_5, %get3A_6] : memref<2x10240x16xf32, #tpu.memory_space<vmem>>, vector<1x10240x16xf32>
    %get3A_8 = vector.shape_cast %get3A_7 : vector<1x10240x16xf32> to vector<10240x16xf32>
    %add3A = arith.addf %get3A_3, %get3A_8 : vector<10240x16xf32>
    %get3A_9 = arith.constant 0 : index
    %get3A_10 = arith.constant 0 : index
    %get3A_11 = vector.load %arg1[%get3A_9, %get3A_10] : memref<10240x16xf32, #tpu.memory_space<vmem>>, vector<10240x16xf32>
    %add3A_12 = arith.addf %add3A, %get3A_11 : vector<10240x16xf32>
    %slice3A = vector.extract_strided_slice %add3A_12 {offsets = [0, 0], sizes = [10000, 16], strides = [1, 1]} : vector<10240x16xf32> to vector<10000x16xf32>
    %get3A_13 = arith.constant 0 : index
    %get3A_14 = arith.constant 0 : index
    %get3A_15 = vector.load %arg2[%get3A_13, %get3A_14] : memref<10240x16xf32, #tpu.memory_space<vmem>>, vector<10000x16xf32>
    %mul3A = arith.mulf %slice3A, %get3A_15 : vector<10000x16xf32>
    %get3A_16 = arith.constant 0 : index
    %get3A_17 = arith.constant 0 : index
    %get3A_18 = vector.load %arg3[%get3A_16, %get3A_17] : memref<1x16xf32, #tpu.memory_space<vmem>>, vector<1x16xf32>
    %add3A_19 = vector.broadcast %get3A_18 : vector<1x16xf32> to vector<10000x16xf32>
    %add3A_20 = arith.addf %mul3A, %add3A_19 : vector<10000x16xf32>
    %max3A = arith.constant 0.000000e+00 : f32
    %max3A_21 = vector.broadcast %max3A : f32 to vector<10000x16xf32>
    %max3A_22 = arith.maximumf %add3A_20, %max3A_21 : vector<10000x16xf32>
    %reduce_sum3A = arith.constant dense<0.000000e+00> : vector<16xf32>
    %reduce_sum3A_23 = vector.multi_reduction <add>, %max3A_22, %reduce_sum3A [0] : vector<10000x16xf32> to vector<16xf32>
    %broadcast_in_dim3A = vector.shape_cast %reduce_sum3A_23 : vector<16xf32> to vector<1x16xf32>
    %mul3A_24 = arith.constant 9.99999974E-5 : f32
    %mul3A_25 = vector.broadcast %mul3A_24 : f32 to vector<1x16xf32>
    %mul3A_26 = arith.mulf %broadcast_in_dim3A, %mul3A_25 : vector<1x16xf32>
    %get3A_27 = arith.constant 0 : index
    %get3A_28 = arith.constant 0 : index
    %get3A_29 = vector.load %arg4[%get3A_27, %get3A_28] : memref<16x1xf32, #tpu.memory_space<vmem>>, vector<16x1xf32>
    %dot_general3A = arith.constant dense<0.000000e+00> : vector<1x1xf32>
    %dot_general3A_30 = tpu.matmul %mul3A_26, %get3A_29, %dot_general3A {dimension_numbers = #tpu.dot_dimension_numbers<[1], [0], [0], [1], [0, 0, 1, 1], [], []>, transpose_lhs_hint = false} : vector<1x16xf32>, vector<16x1xf32>, vector<1x1xf32> -> vector<1x1xf32>
    %get3A_31 = arith.constant 0 : index
    %get3A_32 = arith.constant 0 : index
    %get3A_33 = vector.load %arg5[%get3A_31, %get3A_32] : memref<1x1xf32, #tpu.memory_space<vmem>>, vector<1x1xf32>
    %add3A_34 = arith.addf %dot_general3A_30, %get3A_33 : vector<1x1xf32>
    %logistic3A = arith.negf %add3A_34 : vector<1x1xf32>
    %logistic3A_35 = math.exp %logistic3A : vector<1x1xf32>
    %logistic3A_36 = arith.constant 1.000000e+00 : f32
    %logistic3A_37 = vector.broadcast %logistic3A_36 : f32 to vector<1x1xf32>
    %logistic3A_38 = arith.addf %logistic3A_37, %logistic3A_35 : vector<1x1xf32>
    %logistic3A_39 = arith.divf %logistic3A_37, %logistic3A_38 : vector<1x1xf32>
    %swap3A = arith.constant 0 : index
    %swap3A_40 = arith.constant 0 : index
    %swap3A_41 = vector.load %arg6[%swap3A, %swap3A_40] : memref<1x1xf32, #tpu.memory_space<vmem>>, vector<1x1xf32>
    tpu.vector_store %arg6[%swap3A, %swap3A_40], %logistic3A_39 {strides = array<i32>} : memref<1x1xf32, #tpu.memory_space<vmem>>, vector<1x1xf32>,
    return
  }
}

</mosaic_0001>

<sc_bundles>
// kernel: kernel.11.cloned.1.call-start
scs
__scs_entry_jumppad:
0x0: {  	(pc) =	sbr.rel $0x88, $3  }
0x1: {  	(tag) =	ssettag $0x0;
	lr =	simm.s32 $0x1  }
0x2: {  	[smem:$0x3F99] =	sst lr;
	_ =	strace $0xD0000000  }
0x3: {  	_ = 	snop  }
0x4: {  	_ = 	snop  }
0x5: {  	_ = 	snop  }
0x6: {  	_ = 	snop  }
0x7: {  	_ = 	snop  }
__scs_overlays_trampoline_lowered:
0x8: {  	[smem:$0x3FA8] =	sst s0  }
0x9: {  	[smem:$0x3FA9] =	sst s1  }
0xa: {  	[smem:$0x3FAA] =	sst s2  }
0xb: {  	[smem:$0x3FAB] =	sst s3  }
0xc: {  	[smem:$0x3FAC] =	sst s4  }
0xd: {  	[smem:$0x3FAD] =	sst s5  }
0xe: {  	[smem:$0x3FAE] =	sst s6  }
0xf: {  	[smem:$0x3FAF] =	sst s7  }
0x10: {  	[smem:$0x3FB0] =	sst s8  }
0x11: {  	[smem:$0x3FB1] =	sst s9;
	s0 =	simm.s32 @!p0 $0x0  }
0x12: {  	s1 =	sld [smem:$0x3F97];
	s0 =	simm.s32 @p0 $0x1  }
0x13: {  	[smem:$0x3FB2] =	sst s0;
	s0 =	simm.s32 @!p1 $0x0  }
0x14: {  	s2 =	sld [smem:$0x3F96];
	s0 =	simm.s32 @p1 $0x1  }
0x15: {  	[smem:$0x3FB3] =	sst s0;
	s0 =	simm.s32 @!p2 $0x0  }
0x16: {  	s3 =	sld [smem:$0x3FDB];
	s0 =	simm.s32 @p2 $0x1  }
0x17: {  	s4 =	simm.s32 $0x1BF5;
	[smem:$0x3FB5] =	sst s0  }
0x18: {  	s0 =	sld [smem:$0x3F98];
	_ =	swait.ge [sflag:s4], $0x0  }
0x19: {  	s7 =	sld [smem:$0x3F99]  }
0x1a: {  	s8 =	sadd.s32 $0xFFFFE003, lr  }
0x1b: {  	s9 =	sadd.s32 $0xFFFFFEF7, lr;
	s5 =	simm.s32 $0xFFFFFFFF;
	p2 =	slt.u32 s8, $0xFFFFF086  }
0x1c: {  	p1 =	slt.u32 s9, $0xF7A;
	s5 =	simm.s32 @!p2 $0x0  }
0x1d: {  	s5 =	simm.s32 @p1 $0x1;
	p0 =	seq.s32 s7, s2  }
0x1e: {  	s7 =	smul.u32 @!p0 $0xF7A, s2;
	p2 =	seq.s32 @!p0 s5, $0x0  }
0x1f: {  	s9 =	smul.u32 $0xF7A, s1;
	s8 =	simm.s32 @!p0 $0x1BF5;
	p2 =	por !p2, p0  }
0x20: {  	[sflag:s8] =	ssyncset.s32 @!p0 $0xFFFFF086;
	s6 =	sadd.s32 @!p0 s3, s7;
	s7 =	simm.s32 @!p0 $0x108  }
0x21: {  	s3 =	sadd.s32 s3, s9;
	s6 =	sadd.s32 @!p0 $0x88, s6;
	s7 =	simm.s32 @p2 $0x1082  }
0x22: {  	[simem:s7], [sflag:s8] =	dma.local @!p0 [hbm:s6], $0xF7A  }
0x23: {  	s9 =	sor.u32 $0xD0000000, s2;
	s6 =	simm.s32 $0x108;
	_ =	swait.ge @!p0 [sflag:s8], $0x0  }
0x24: {  	s3 =	sadd.s32 $0x88, s3;
	s6 =	simm.s32 @!p1 $0x1082;
	[sflag:s4] =	ssyncset.s32 $0xFFFFF086  }
0x25: {  	[simem:s6], [sflag:s4] =	dma.local [hbm:s3], $0xF7A  }
0x26: {  	[smem:$0x3F99] =	sst s1;
	(tag) =	ssettag s2;
	_ =	strace s9  }
0x27: {  	s1 =	sld [smem:$0x3FA9]  }
0x28: {  	s2 =	sld [smem:$0x3FAA]  }
0x29: {  	s4 =	sld [smem:$0x3FAC]  }
0x2a: {  	p0 =	seq.s32 s5, $0x0;
	s5 =	sld [smem:$0x3FAD]  }
0x2b: {  	s6 =	sld [smem:$0x3FAE]  }
0x2c: {  	s7 =	sld [smem:$0x3FAF]  }
0x2d: {  	s3 =	simm.s32 $0x108;
	s8 =	sld [smem:$0x3FB0]  }
0x2e: {  	s3 =	simm.s32 @!p0 $0x1082;
	s9 =	sld [smem:$0x3FB1]  }
0x2f: {  	lr =	sadd.s32 s0, s3;
	s0 =	sld [smem:$0x3FA8]  }
0x30: {  	s3 =	sld [smem:$0x3FAB]  }
0x31: {  	[smem:$0x3FB4] =	sst s10  }
0x32: {  	s10 =	sld [smem:$0x3FB2];
	_ =	sdelay $0x3  }
0x33: {  	p0 =	seq.s32 s10, $0x1;
	s10 =	sld [smem:$0x3FB4];
	_ =	sdelay $0x3  }
0x34: {  	[smem:$0x3FB4] =	sst s10  }
0x35: {  	s10 =	sld [smem:$0x3FB3];
	_ =	sdelay $0x3  }
0x36: {  	p1 =	seq.s32 s10, $0x1;
	s10 =	sld [smem:$0x3FB4];
	_ =	sdelay $0x3  }
0x37: {  	[smem:$0x3FB4] =	sst s10  }
0x38: {  	s10 =	sld [smem:$0x3FB5]  }
0x39: {  	_ = 	snop;
	(pc) =	sbr.ind lr, $3  }
0x3a: {  	_ = 	snop  }
0x3b: {  	_ = 	snop  }
0x3c: {  	p2 =	seq.s32 s10, $0x1;
	s10 =	sld [smem:$0x3FB4]  }
0x3d: {  	_ =	shalt  }
0x3e: {  	_ =	shalt  }
0x3f: {  	_ =	shalt  }
0x40: {  	_ =	shalt  }
0x41: {  	_ =	shalt  }
0x42: {  	_ =	shalt  }
0x43: {  	_ =	shalt  }
0x44: {  	_ =	shalt  }
0x45: {  	_ =	shalt  }
0x46: {  	_ =	shalt  }
0x47: {  	_ =	shalt  }
0x48: {  	_ =	shalt  }
0x49: {  	_ =	shalt  }
0x4a: {  	_ =	shalt  }
0x4b: {  	_ =	shalt  }
0x4c: {  	_ =	shalt  }
0x4d: {  	_ =	shalt  }
0x4e: {  	_ =	shalt  }
0x4f: {  	_ =	shalt  }
0x50: {  	_ =	shalt  }
0x51: {  	_ =	shalt  }
0x52: {  	_ =	shalt  }
0x53: {  	_ =	shalt  }
0x54: {  	_ =	shalt  }
0x55: {  	_ =	shalt  }
0x56: {  	_ =	shalt  }
0x57: {  	_ =	shalt  }
0x58: {  	_ =	shalt  }
0x59: {  	_ =	shalt  }
0x5a: {  	_ =	shalt  }
0x5b: {  	_ =	shalt  }
0x5c: {  	_ =	shalt  }
0x5d: {  	_ =	shalt  }
0x5e: {  	_ =	shalt  }
0x5f: {  	_ =	shalt  }
0x60: {  	_ =	shalt  }
0x61: {  	_ =	shalt  }
0x62: {  	_ =	shalt  }
0x63: {  	_ =	shalt  }
0x64: {  	_ =	shalt  }
0x65: {  	_ =	shalt  }
0x66: {  	_ =	shalt  }
0x67: {  	_ =	shalt  }
0x68: {  	_ =	shalt  }
0x69: {  	_ =	shalt  }
0x6a: {  	_ =	shalt  }
0x6b: {  	_ =	shalt  }
0x6c: {  	_ =	shalt  }
0x6d: {  	_ =	shalt  }
0x6e: {  	_ =	shalt  }
0x6f: {  	_ =	shalt  }
0x70: {  	_ =	shalt  }
0x71: {  	_ =	shalt  }
0x72: {  	_ =	shalt  }
0x73: {  	_ =	shalt  }
0x74: {  	_ =	shalt  }
0x75: {  	_ =	shalt  }
0x76: {  	_ =	shalt  }
0x77: {  	_ =	shalt  }
0x78: {  	_ =	shalt  }
0x79: {  	_ =	shalt  }
0x7a: {  	_ =	shalt  }
0x7b: {  	_ =	shalt  }
0x7c: {  	_ =	shalt  }
0x7d: {  	_ =	shalt  }
0x7e: {  	_ =	shalt  }
0x7f: {  	_ =	shalt  }
0x80: {  	_ =	shalt  }
0x81: {  	_ =	shalt  }
0x82: {  	_ =	shalt  }
0x83: {  	_ =	shalt  }
0x84: {  	_ =	shalt  }
0x85: {  	_ =	shalt  }
0x86: {  	_ =	shalt  }
0x87: {  	_ =	shalt  }
.Lfunc_end0:
.L_simem_size_0:
called_computation.1_lowered:
.L_overlay_start_0:
0x88: {  	s2 =	sld [smem:$0x3FD9]  }
0x89: {  	s3 =	sld [smem:$0x3FFE];
	_ =	sdelay $0x1  }
0x8a: {  	s1 =	srdreg.scid  }
0x8b: {  	s0 =	sand.u32 $0x1, s1  }
0x8c: {  	s16 =	sshll.u32 s0, $0xA;
	s2 =	sadd.s32 s3, s2  }
0x8d: {  	s2 =	sadd.s32 s2, s16  }
0x8e: {  	[smem:$0x3FC0] =	sst s2  }
0x8f: {  	_ = 	snop  }
0x90: {  	(tm) =	ssettm $0x1  }
0x91: {  	s17 =	sld [smem:$0x3FFB];
	_ =	sdelay $0x3  }
0x92: {  	_ =	strace s17  }
0x93: {  	s2 =	sld [smem:$0x3FFC];
	_ =	sdelay $0x3  }
0x94: {  	_ =	strace s2  }
0x95: {  	s2 =	sld [smem:$0x3FFD];
	_ =	sdelay $0x3  }
0x96: {  	_ =	strace s2  }
0x97: {  	_ =	strace $0x8FFFFFFF  }
0x98: {  	s18 =	sld [smem:$0x3FDB];
	_ =	sdelay $0x1  }
0x99: {  	s19 =	simm.s32 $_scs_section_size  }
0x9a: {  	s4 =	simm.s32 $_size__tile_overlayer_lowered;
	s5 =	simm.s32 $_tile_overlayer_lowered  }
0x9b: {  	s22 =	simm.s32 $0x1BFF;
	s21 =	sshll.u32 s5, $0x1;
	s2 =	sadd.s32 s19, s18  }
0x9c: {  	s6 =	simm.s32 $0x0;
	s20 =	sshll.u32 s4, $0x1;
	s4 =	sadd.s32 s21, s2  }
0x9d: {  	[timem:s6], [sflag:s22] =	dma.local [hbm:s4], s20  }
0x9e: {  	_ =	swait.ge [sflag:s22], s20  }
0x9f: {  	s3 =	ssub.s32 $0x0, s20;
	[sflag:s22] =	ssyncset.done $0x0  }
0xa0: {  	[sflag:s22] =	ssyncadd.s32 s3;
	_ =	sdelay $0x1  }
0xa1: {  	s23 =	simm.s32 $0x1B8B  }
0xa2: {  	_ =	swait.ge [sflag:s23], $0x1  }
0xa3: {  	[sflag:s23] =	ssyncset.done $0x0  }
0xa4: {  	s25 =	simm.s32 $0x1B8E;
	s24 =	sld [smem:$0x3FFE];
	[sflag:s23] =	ssyncadd.s32 $0xFFFFFFFF  }
0xa5: {  	s26 =	simm.s32 $execute0_lowered;
	[smem:$0x3FD2] =	sst s25  }
0xa6: {  	s4 =	sshll.u32 s26, $0x1;
	_ =	strace $0x80000049;
	[dreg:$0x1] =	wrdreg $0xFFFFFFFF  }
0xa7: {  	s28 =	simm.s32 $_size_execute0_lowered;
	s2 =	sadd.s32 s2, s4;
	[dreg:$0x0] =	wrdreg $0x0  }
0xa8: {  	s4 =	sshll.u32 s28, $0x1;
	[dreg:$0x2] =	wrdreg s2  }
0xa9: {  	[dreg:$0x3] =	wrdreg s4  }
0xaa: {  	[dreg:$0x4] =	wrdreg $0xC0  }
0xab: {  	_ =	task [dreg:s6], $0x5FFFF  }
0xac: {  	[dreg:$0x1] =	wrdreg $0xFFFFFFFF  }
0xad: {  	[dreg:$0x0] =	wrdreg $0x60  }
0xae: {  	[dreg:$0x2] =	wrdreg s24  }
0xaf: {  	[dreg:$0x3] =	wrdreg $0x170200  }
0xb0: {  	[dreg:$0x4] =	wrdreg $0x148200  }
0xb1: {  	[dreg:$0x5] =	wrdreg $0x9  }
0xb2: {  	_ =	task.clear_ibuf [dreg:s6], $0x6FFFF;
	_ =	strace $0x90000049  }
0xb3: {  	s29 =	simm.s32 $0x9;
	_ =	strace $0x8000004B  }
0xb4: {  	_ =	swait.ge [sflag:s29], $0x1  }
0xb5: {  	[sflag:s29] =	ssyncadd.s32 $0xFFFFFFFF  }
0xb6: {  	_ =	strace $0x9000004B  }
0xb7: {  	_ =	sfence  }
0xb8: {  	s30 =	sld [smem:$0x0];
	_ =	sdelay $0x2  }
0xb9: {  	s31 =	sshll.u32 s1, $0xD;
	s1 =	sshrl.u32 s1, $0x2  }
0xba: {  	s3 =	sand.u32 $0x4000, s31;
	s1 =	sadd.s32 s1, s30  }
0xbb: {  	s0 =	sor.u32 s3, s0;
	s1 =	sshll.u32 s1, $0x11  }
0xbc: {  	s0 =	sor.u32 s1, s0  }
0xbd: {  	s0 =	sadd.s32 $0x8F2B, s0  }
0xbe: {  	[sflag:s0] =	ssyncadd.remote.s32 $0x1  }
0xbf: {  	_ =	sfence.sel $0xFFFF  }
0xc0: {  	[dreg:$0x0] =	wrdreg $0xFFFFFFFF;
	(pc) =	sbr.abs _section_cstart, $3  }
0xc1: {  	[dreg:$0x1] =	wrdreg $0xFFFFFFFF  }
0xc2: {  	_ =	task.clear_ibuf [dreg:s6], $0x2FFFF;
	_ =	strace $0x9FFFFFFF  }
0xc3: {  	(tm) =	ssettm $0x7FFFFFFF  }
tec
execute0_lowered:
.L_overlay_start_1:
0x0: {  	(tag) =	ssettag $0x1  }
0x1: {  	s0 =	rddreg [dreg:$0x0]  }
0x2: {  	s2 =	rddreg [dreg:$0x1]  }
0x3: {  	s3 =	rddreg [dreg:$0x2];
	s11 =	stileid.u32  }
0x4: {  	s4 =	simm.s32 $0x0;
	s5 =	srdreg.scid;
	s29 =	simm.s32 $0xBB8  }
0x5: {  	s30 =	simm.s32 $0x1388;
	s31 =	simm.s32 $0x1B58;
	s28 =	simm.s32 $0x1  }
0x6: {  	s1 =	smul.u32 $0x2800, s11;
	[smem:$0x7FF] =	sst s4;
	s5 =	sand.u32 $0x1, s5  }
0x7: {  	s8 =	sadd.s32 $0x2000, s0;
	s9 =	sshll.u32 s11, $0x1;
	s15 =	sshll.u32 s11, $0x6  }
0x8: {  	s11 =	simm.s32 $0x2EE0;
	_ =	strace $0x8000004A;
	s7 =	smul.u32 $0x28000, s5  }
0x9: {  	s10 =	ssub.s32 $0x2, s5;
	s5 =	sor.u32 s5, s9;
	[dreg:$0x5] =	wrdreg s15  }
0xa: {  	s6 =	sshrl.u32 s1, $0x3;
	s14 =	sshrl.u32 s10, $0x1;
	s5 =	smul.u32 $0x2710, s5  }
0xb: {  	s9 =	sadd.s32 s1, s2;
	s6 =	sadd.s32 s6, s0;
	s7 =	sadd.s32 s1, s7  }
0xc: {  	s1 =	sadd.s32 s1, s3;
	s7 =	sshrl.u32 s7, $0x3;
	s6 =	sadd.s32 $0x15A00, s6  }
0xd: {  	s16 =	sadd.s32 $0x3E8, s5;
	s17 =	sshrl.u32 s5, $0x3;
	s18 =	sadd.s32 $0xBB8, s5  }
0xe: {  	s19 =	sadd.s32 $0x1388, s5;
	s21 =	sadd.s32 $0x1B58, s5;
	s24 =	sadd.s32 $0x2328, s5  }
0xf: {  	s25 =	sadd.s32 $0x4E5E8, s5;
	s26 =	sadd.s32 $0x4EDB8, s5;
	[dreg:$0x15] =	wrdreg s1  }
0x10: {  	s1 =	simm.s32 $0x3E8;
	s0 =	sadd.s32 s7, s0;
	s7 =	ssub.s32 s10, s14  }
0x11: {  	[dreg:$0x4] =	wrdreg s6;
	s10 =	sor.u32 $0x1C01, s15;
	s6 =	sshrl.u32 s16, $0x3  }
0x12: {  	s12 =	sadd.s32 s8, s17;
	s20 =	sshrl.u32 s19, $0x3;
	s23 =	sshrl.u32 s21, $0x3  }
0x13: {  	s14 =	sshrl.u32 s26, $0x3;
	s15 =	sadd.s32 $0x4F588, s5;
	[dreg:$0x6] =	wrdreg s10  }
0x14: {  	s16 =	sadd.s32 $0x4FD58, s5;
	s6 =	sadd.s32 s8, s6;
	[dreg:$0x7] =	wrdreg s12  }
0x15: {  	s5 =	sadd.s32 $0x50528, s5;
	s10 =	sadd.s32 $0xFA, s12;
	[dreg:$0x8] =	wrdreg s6  }
0x16: {  	s22 =	sadd.s32 $0x1F4, s12;
	s5 =	sshrl.u32 s5, $0x3;
	[dreg:$0x9] =	wrdreg s10  }
0x17: {  	s0 =	sadd.s32 $0x1AA00, s0;
	s19 =	smax.u32 s7, $0x1;
	[dreg:$0xb] =	wrdreg s22  }
0x18: {  	s21 =	sadd.s32 $0x3E8, s12;
	s26 =	sadd.s32 $0xA028, s12;
	[dreg:$0x16] =	wrdreg s0  }
0x19: {  	s7 =	simm.s32 $0x1770;
	s6 =	sshrl.u32 s18, $0x3;
	[dreg:$0x17] =	wrdreg s19  }
0x1a: {  	s10 =	sshrl.u32 s25, $0x3;
	s5 =	sadd.s32 s8, s5;
	[dreg:$0x19] =	wrdreg s21  }
0x1b: {  	s18 =	sadd.s32 $0x2EE, s12;
	s22 =	sadd.s32 $0x9C40, s12;
	[dreg:$0x1e] =	wrdreg s26  }
0x1c: {  	s25 =	sadd.s32 $0x9F2E, s12;
	s26 =	simm.s32 $0x7D0;
	[dreg:$0x13] =	wrdreg s5  }
0x1d: {  	s0 =	simm.s32 $0x2328;
	s21 =	simm.s32 $0x8CA0;
	[dreg:$0x14] =	wrdreg s18  }
0x1e: {  	s19 =	simm.s32 $0x15;
	s6 =	sadd.s32 s8, s6;
	[dreg:$0x1a] =	wrdreg s22  }
0x1f: {  	s13 =	sadd.s32 s8, s10;
	s10 =	sshrl.u32 s16, $0x3;
	[dreg:$0x1d] =	wrdreg s25  }
0x20: {  	s5 =	simm.s32 $0xFA0;
	s16 =	simm.s32 $0x4268;
	[dreg:$0xa] =	wrdreg s6  }
0x21: {  	s18 =	simm.s32 $0x4A38;
	s6 =	sadd.s32 s8, s20;
	[dreg:$0xf] =	wrdreg s13  }
0x22: {  	s25 =	simm.s32 $0x4E20;
	s17 =	sadd.s32 s8, s10;
	[dreg:$0xc] =	wrdreg s6  }
0x23: {  	s20 =	sshrl.u32 s9, $0x3;
	s9 =	simm.s32 $0x1F40;
	[dreg:$0x12] =	wrdreg s17  }
0x24: {  	s10 =	simm.s32 $0x2710;
	s6 =	sadd.s32 s8, s23;
	[dreg:$0x18] =	wrdreg s20  }
0x25: {  	s13 =	simm.s32 $0x36B0;
	s23 =	sadd.s32 $0x9D3A, s12;
	[dreg:$0xd] =	wrdreg s6  }
0x26: {  	s6 =	sshrl.u32 s24, $0x3;
	[dreg:$0x1b] =	wrdreg s23;
	s24 =	sadd.s32 $0x9E34, s12  }
0x27: {  	s17 =	simm.s32 $0x4650;
	s6 =	sadd.s32 s8, s6;
	[dreg:$0x1c] =	wrdreg s24  }
0x28: {  	s20 =	simm.s32 $0x14;
	[dreg:$0xe] =	wrdreg s6;
	s6 =	sadd.s32 s8, s14  }
0x29: {  	s12 =	simm.s32 $0x32C8;
	[dreg:$0x10] =	wrdreg s6;
	s6 =	sshrl.u32 s15, $0x3  }
0x2a: {  	s14 =	simm.s32 $0x3A98;
	s15 =	simm.s32 $0x3E80;
	s6 =	sadd.s32 s8, s6  }
0x2b: {  	v0 =	vimm.f32 $0.0e+00;
	s8 =	simm.s32 $0x0;
	[dreg:$0x11] =	wrdreg s6;
	s6 =	simm.s32 $0x2AF8  }
.LBB2_1:
0x2c: {  	s22 =	rddreg [dreg:$0x4]  }
0x2d: {  	s23 =	rddreg [dreg:$0x6]  }
0x2e: {  	s24 =	rddreg [dreg:$0x18]  }
0x2f: {  	[spmem:s24], [sflag:s23] =	dma.local [hbm:s22], $0x500  }
0x30: {  	s22 =	rddreg [dreg:$0x7]  }
0x31: {  	s23 =	rddreg [dreg:$0x8]  }
0x32: {  	[tilespmem:s4], [sflag:$0x2] =	stream.linear.gather [hbm4b:s22+s4], $0x3E8, $0x38;
	[tilespmem:$0x19820] =	vst v63  }
0x33: {  	s24 =	rddreg [dreg:$0x9]  }
0x34: {  	[tilespmem:s1], [sflag:$0x3] =	stream.linear.gather [hbm4b:s23+s4], $0x3E8, $0x38;
	[tilespmem:$0x19820] =	vst v63  }
0x35: {  	s23 =	rddreg [dreg:$0xa]  }
0x36: {  	[tilespmem:s26], [sflag:$0x4] =	stream.linear.gather [hbm4b:s24+s4], $0x3E8, $0x38;
	[tilespmem:$0x19820] =	vst v63  }
0x37: {  	s24 =	rddreg [dreg:$0xb]  }
0x38: {  	[tilespmem:s29], [sflag:$0x5] =	stream.linear.gather [hbm4b:s23+s4], $0x3E8, $0x38;
	[tilespmem:$0x19820] =	vst v63  }
0x39: {  	s26 =	rddreg [dreg:$0xc]  }
0x3a: {  	[tilespmem:s5], [sflag:$0x6] =	stream.linear.gather [hbm4b:s24+s4], $0x3E8, $0x38;
	[tilespmem:$0x19820] =	vst v63  }
0x3b: {  	s29 =	rddreg [dreg:$0x14]  }
0x3c: {  	[tilespmem:s30], [sflag:$0x7] =	stream.linear.gather [hbm4b:s26+s4], $0x3E8, $0x38;
	[tilespmem:$0x19820] =	vst v63  }
0x3d: {  	s23 =	rddreg [dreg:$0x1c]  }
0x3e: {  	[tilespmem:s7], [sflag:$0x8] =	stream.linear.gather [hbm4b:s29+s4], $0x3E8, $0x38;
	[tilespmem:$0x19820] =	vst v63  }
0x3f: {  	s30 =	rddreg [dreg:$0xd]  }
0x40: {  	[tilespmem:s31], [sflag:$0x9] =	stream.linear.gather [hbm4b:s30+s4], $0x3E8, $0x38;
	[tilespmem:$0x19820] =	vst v63  }
0x41: {  	s31 =	rddreg [dreg:$0x19]  }
0x42: {  	[tilespmem:s9], [sflag:$0xA] =	stream.linear.gather [hbm4b:s31+s4], $0x3E8, $0x38;
	[tilespmem:$0x19820] =	vst v63  }
0x43: {  	s5 =	rddreg [dreg:$0xe]  }
0x44: {  	[tilespmem:s0], [sflag:$0xB] =	stream.linear.gather [hbm4b:s5+s4], $0x3E8, $0x38;
	[tilespmem:$0x19820] =	vst v63  }
0x45: {  	s7 =	rddreg [dreg:$0x1a]  }
0x46: {  	[tilespmem:s10], [sflag:$0xC] =	stream.linear.gather [hbm4b:s7+s4], $0x3E8, $0x38;
	[tilespmem:$0x19820] =	vst v63  }
0x47: {  	s9 =	rddreg [dreg:$0xf]  }
0x48: {  	[tilespmem:s6], [sflag:$0xD] =	stream.linear.gather [hbm4b:s9+s4], $0x3E8, $0x38;
	[tilespmem:$0x19820] =	vst v63  }
0x49: {  	s10 =	rddreg [dreg:$0x1b]  }
0x4a: {  	[tilespmem:s11], [sflag:$0xE] =	stream.linear.gather [hbm4b:s10+s4], $0x3E8, $0x38;
	[tilespmem:$0x19820] =	vst v63  }
0x4b: {  	s11 =	rddreg [dreg:$0x10]  }
0x4c: {  	[tilespmem:s12], [sflag:$0xF] =	stream.linear.gather [hbm4b:s11+s4], $0x3E8, $0x38;
	[tilespmem:$0x19820] =	vst v63  }
0x4d: {  	s24 =	rddreg [dreg:$0x11]  }
0x4e: {  	[tilespmem:s13], [sflag:$0x10] =	stream.linear.gather [hbm4b:s23+s4], $0x3E8, $0x38;
	[tilespmem:$0x19820] =	vst v63  }
0x4f: {  	s26 =	rddreg [dreg:$0x1d]  }
0x50: {  	[tilespmem:s14], [sflag:$0x11] =	stream.linear.gather [hbm4b:s24+s4], $0x3E8, $0x38;
	[tilespmem:$0x19820] =	vst v63  }
0x51: {  	s29 =	rddreg [dreg:$0x12]  }
0x52: {  	[tilespmem:s15], [sflag:$0x12] =	stream.linear.gather [hbm4b:s26+s4], $0x3E8, $0x38;
	[tilespmem:$0x19820] =	vst v63  }
0x53: {  	s30 =	rddreg [dreg:$0x1e]  }
0x54: {  	[tilespmem:s16], [sflag:$0x13] =	stream.linear.gather [hbm4b:s29+s4], $0x3E8, $0x38;
	[tilespmem:$0x19820] =	vst v63  }
0x55: {  	s22 =	simm.s32 $0x40;
	s31 =	rddreg [dreg:$0x13]  }
0x56: {  	[tilespmem:s17], [sflag:$0x14] =	stream.linear.gather [hbm4b:s30+s4], $0x3E8, $0x38;
	[tilespmem:$0x19820] =	vst v63  }
0x57: {  	s0 =	simm.s32 $0x2710;
	s23 =	simm.s32 $0x0;
	s24 =	simm.s32 $0x7D0  }
0x58: {  	[tilespmem:s18], [sflag:$0x1] =	stream.linear.gather [hbm4b:s31+s4], $0x3E8, $0x38;
	[tilespmem:$0x19820] =	vst v63  }
.LBB2_2:
0x59: {  	p0 =	sne.s32 s22, $0xF9C0;
	[tilespmem:s23+$0x4E20] =	vst v0;
	s23 =	smov.u32 s22;
	s22 =	sadd.s32 $0x40, s22  }
.Ltmp0:
0x5a: {  	(pc) =	sbr.rel @p0 .LBB2_2-.Ltmp0, $2  }
0x5b: {  	_ =	sdelay $0x2  }
0x5c: {  	s23 =	sshra.s32 s23, $0x2  }
0x5d: {  	[tilespmem:s23+$0x4E20] =	vst v0;
	s23 =	rddreg [dreg:$0x15]  }
0x5e: {  	[spmem:s23] =	stream.linear.scatter [tilespmem:s25], [sflag:$0x15], $0x2800, $0x38;
	[tilespmem:$0x19820] =	vst v63  }
0x5f: {  	_ =	swait.ge [sflag:s19], $0x2800  }
0x60: {  	[sflag:s19] =	ssyncset.done $0x0  }
0x61: {  	[sflag:s19] =	ssyncadd.s32 $0xFFFFD800  }
0x62: {  	_ =	swait.ge [sflag:s28], $0x500  }
0x63: {  	[sflag:s28] =	ssyncset.done $0x0  }
0x64: {  	s18 =	simm.s32 $0x2;
	[sflag:s28] =	ssyncadd.s32 $0xFFFFFB00  }
0x65: {  	_ =	swait.ge [sflag:s18], $0x3E8  }
0x66: {  	[sflag:s18] =	ssyncset.done $0x0  }
0x67: {  	s22 =	simm.s32 $0x3;
	[sflag:s18] =	ssyncadd.s32 $0xFFFFFC18  }
0x68: {  	_ =	swait.ge [sflag:s22], $0x3E8  }
0x69: {  	[sflag:s22] =	ssyncset.done $0x0  }
0x6a: {  	s17 =	simm.s32 $0x4;
	[sflag:s22] =	ssyncadd.s32 $0xFFFFFC18  }
0x6b: {  	_ =	swait.ge [sflag:s17], $0x3E8  }
0x6c: {  	[sflag:s17] =	ssyncset.done $0x0  }
0x6d: {  	s16 =	simm.s32 $0x5;
	[sflag:s17] =	ssyncadd.s32 $0xFFFFFC18  }
0x6e: {  	_ =	swait.ge [sflag:s16], $0x3E8  }
0x6f: {  	[sflag:s16] =	ssyncset.done $0x0  }
0x70: {  	s9 =	simm.s32 $0x6;
	[sflag:s16] =	ssyncadd.s32 $0xFFFFFC18  }
0x71: {  	_ =	swait.ge [sflag:s9], $0x3E8  }
0x72: {  	[sflag:s9] =	ssyncset.done $0x0  }
0x73: {  	s15 =	simm.s32 $0x7;
	[sflag:s9] =	ssyncadd.s32 $0xFFFFFC18  }
0x74: {  	_ =	swait.ge [sflag:s15], $0x3E8  }
0x75: {  	[sflag:s15] =	ssyncset.done $0x0  }
0x76: {  	s31 =	simm.s32 $0x8;
	[sflag:s15] =	ssyncadd.s32 $0xFFFFFC18  }
0x77: {  	_ =	swait.ge [sflag:s31], $0x3E8  }
0x78: {  	[sflag:s31] =	ssyncset.done $0x0  }
0x79: {  	s14 =	simm.s32 $0x9;
	[sflag:s31] =	ssyncadd.s32 $0xFFFFFC18  }
0x7a: {  	_ =	swait.ge [sflag:s14], $0x3E8  }
0x7b: {  	[sflag:s14] =	ssyncset.done $0x0  }
0x7c: {  	s7 =	simm.s32 $0xA;
	[sflag:s14] =	ssyncadd.s32 $0xFFFFFC18  }
0x7d: {  	_ =	swait.ge [sflag:s7], $0x3E8  }
0x7e: {  	[sflag:s7] =	ssyncset.done $0x0  }
0x7f: {  	s13 =	simm.s32 $0xB;
	[sflag:s7] =	ssyncadd.s32 $0xFFFFFC18  }
0x80: {  	_ =	swait.ge [sflag:s13], $0x3E8  }
0x81: {  	[sflag:s13] =	ssyncset.done $0x0  }
0x82: {  	s30 =	simm.s32 $0xC;
	[sflag:s13] =	ssyncadd.s32 $0xFFFFFC18  }
0x83: {  	_ =	swait.ge [sflag:s30], $0x3E8  }
0x84: {  	[sflag:s30] =	ssyncset.done $0x0  }
0x85: {  	s12 =	simm.s32 $0xD;
	[sflag:s30] =	ssyncadd.s32 $0xFFFFFC18  }
0x86: {  	_ =	swait.ge [sflag:s12], $0x3E8  }
0x87: {  	[sflag:s12] =	ssyncset.done $0x0  }
0x88: {  	s5 =	simm.s32 $0xE;
	[sflag:s12] =	ssyncadd.s32 $0xFFFFFC18  }
0x89: {  	_ =	swait.ge [sflag:s5], $0x3E8  }
0x8a: {  	[sflag:s5] =	ssyncset.done $0x0  }
0x8b: {  	s11 =	simm.s32 $0xF;
	[sflag:s5] =	ssyncadd.s32 $0xFFFFFC18  }
0x8c: {  	_ =	swait.ge [sflag:s11], $0x3E8  }
0x8d: {  	[sflag:s11] =	ssyncset.done $0x0  }
0x8e: {  	s29 =	simm.s32 $0x10;
	[sflag:s11] =	ssyncadd.s32 $0xFFFFFC18  }
0x8f: {  	_ =	swait.ge [sflag:s29], $0x3E8  }
0x90: {  	[sflag:s29] =	ssyncset.done $0x0  }
0x91: {  	s6 =	simm.s32 $0x11;
	[sflag:s29] =	ssyncadd.s32 $0xFFFFFC18  }
0x92: {  	_ =	swait.ge [sflag:s6], $0x3E8  }
0x93: {  	[sflag:s6] =	ssyncset.done $0x0  }
0x94: {  	s26 =	simm.s32 $0x12;
	[sflag:s6] =	ssyncadd.s32 $0xFFFFFC18  }
0x95: {  	_ =	swait.ge [sflag:s26], $0x3E8  }
0x96: {  	[sflag:s26] =	ssyncset.done $0x0  }
0x97: {  	s10 =	simm.s32 $0x13;
	[sflag:s26] =	ssyncadd.s32 $0xFFFFFC18  }
0x98: {  	_ =	swait.ge [sflag:s10], $0x3E8  }
0x99: {  	[sflag:s10] =	ssyncset.done $0x0  }
0x9a: {  	[sflag:s10] =	ssyncadd.s32 $0xFFFFFC18  }
0x9b: {  	_ =	swait.ge [sflag:s20], $0x3E8  }
0x9c: {  	[sflag:s20] =	ssyncset.done $0x0  }
0x9d: {  	[sflag:s20] =	ssyncadd.s32 $0xFFFFFC18  }
0x9e: {  	_ =	swait.ge [sflag:s28], $0x3E8  }
0x9f: {  	[sflag:s28] =	ssyncset.done $0x0  }
0xa0: {  	[sflag:s28] =	ssyncadd.s32 $0xFFFFFC18  }
0xa1: {  	[bflag:$0x0] =	sbarrier.arrive $0xFFFF  }
0xa2: {  	[tilespmem:s25], [sflag:$0x1] =	stream.indirect.gather [spmem:s2], $0x10, s4, s1, $0xb8;
	[tilespmem:$0x19820] =	vst v63  }
0xa3: {  	_ = 	snop  }
0xa4: {  	[tilespmem:s21], [sflag:$0x2] =	stream.indirect.gather [spmem:s2], $0x10, s1, s1, $0xb8;
	[tilespmem:$0x19820] =	vst v63  }
0xa5: {  	_ =	swait.ge [sflag:s28], $0x3E80  }
0xa6: {  	[sflag:s28] =	ssyncset.done $0x0  }
0xa7: {  	[sflag:s28] =	ssyncadd.s32 $0xFFFFC180  }
0xa8: {  	[spmem:s3] =	stream.indirect.scatter.add.f32 [tilespmem:s25], [sflag:$0xB], $0x10, s0, s1, $0xb8;
	[tilespmem:$0x19820] =	vst v63  }
0xa9: {  	s0 =	simm.s32 $0xCB20  }
0xaa: {  	[tilespmem:s0], [sflag:$0x3] =	stream.indirect.gather [spmem:s2], $0x10, s24, s1, $0xb8;
	[tilespmem:$0x19820] =	vst v63  }
0xab: {  	_ =	swait.ge [sflag:s18], $0x3E80  }
0xac: {  	[sflag:s18] =	ssyncset.done $0x0  }
0xad: {  	s24 =	simm.s32 $0x2AF8;
	[sflag:s18] =	ssyncadd.s32 $0xFFFFC180  }
0xae: {  	[spmem:s3] =	stream.indirect.scatter.add.f32 [tilespmem:s21], [sflag:$0xC], $0x10, s24, s1, $0xb8;
	[tilespmem:$0x19820] =	vst v63  }
0xaf: {  	s18 =	simm.s32 $0x109A0;
	s24 =	simm.s32 $0xBB8  }
0xb0: {  	[tilespmem:s18], [sflag:$0x4] =	stream.indirect.gather [spmem:s2], $0x10, s24, s1, $0xb8;
	[tilespmem:$0x19820] =	vst v63  }
0xb1: {  	_ =	swait.ge [sflag:s22], $0x3E80  }
0xb2: {  	[sflag:s22] =	ssyncset.done $0x0  }
0xb3: {  	s24 =	simm.s32 $0x2EE0;
	[sflag:s22] =	ssyncadd.s32 $0xFFFFC180  }
0xb4: {  	[spmem:s3] =	stream.indirect.scatter.add.f32 [tilespmem:s0], [sflag:$0xD], $0x10, s24, s1, $0xb8;
	[tilespmem:$0x19820] =	vst v63  }
0xb5: {  	_ =	swait.ge [sflag:s13], $0x3E80  }
0xb6: {  	[sflag:s13] =	ssyncset.done $0x0  }
0xb7: {  	s24 =	simm.s32 $0xFA0;
	[sflag:s13] =	ssyncadd.s32 $0xFFFFC180  }
0xb8: {  	[tilespmem:s25], [sflag:$0x5] =	stream.indirect.gather [spmem:s2], $0x10, s24, s1, $0xb8;
	[tilespmem:$0x19820] =	vst v63  }
0xb9: {  	_ =	swait.ge [sflag:s17], $0x3E80  }
0xba: {  	[sflag:s17] =	ssyncset.done $0x0  }
0xbb: {  	s22 =	simm.s32 $0x32C8;
	[sflag:s17] =	ssyncadd.s32 $0xFFFFC180  }
0xbc: {  	[spmem:s3] =	stream.indirect.scatter.add.f32 [tilespmem:s18], [sflag:$0xE], $0x10, s22, s1, $0xb8;
	[tilespmem:$0x19820] =	vst v63  }
0xbd: {  	_ =	swait.ge [sflag:s30], $0x3E80  }
0xbe: {  	[sflag:s30] =	ssyncset.done $0x0  }
0xbf: {  	s24 =	simm.s32 $0x1388;
	[sflag:s30] =	ssyncadd.s32 $0xFFFFC180  }
0xc0: {  	[tilespmem:s21], [sflag:$0x6] =	stream.indirect.gather [spmem:s2], $0x10, s24, s1, $0xb8;
	[tilespmem:$0x19820] =	vst v63  }
0xc1: {  	_ =	swait.ge [sflag:s16], $0x3E80  }
0xc2: {  	[sflag:s16] =	ssyncset.done $0x0  }
0xc3: {  	[sflag:s16] =	ssyncadd.s32 $0xFFFFC180;
	s16 =	simm.s32 $0x36B0  }
0xc4: {  	[spmem:s3] =	stream.indirect.scatter.add.f32 [tilespmem:s25], [sflag:$0xF], $0x10, s16, s1, $0xb8;
	[tilespmem:$0x19820] =	vst v63  }
0xc5: {  	_ =	swait.ge [sflag:s12], $0x3E80  }
0xc6: {  	[sflag:s12] =	ssyncset.done $0x0  }
0xc7: {  	s17 =	simm.s32 $0x1770;
	[sflag:s12] =	ssyncadd.s32 $0xFFFFC180  }
0xc8: {  	[tilespmem:s0], [sflag:$0x7] =	stream.indirect.gather [spmem:s2], $0x10, s17, s1, $0xb8;
	[tilespmem:$0x19820] =	vst v63  }
0xc9: {  	_ =	swait.ge [sflag:s9], $0x3E80  }
0xca: {  	[sflag:s9] =	ssyncset.done $0x0  }
0xcb: {  	s22 =	simm.s32 $0x3A98;
	[sflag:s9] =	ssyncadd.s32 $0xFFFFC180  }
0xcc: {  	[spmem:s3] =	stream.indirect.scatter.add.f32 [tilespmem:s21], [sflag:$0x10], $0x10, s22, s1, $0xb8;
	[tilespmem:$0x19820] =	vst v63  }
0xcd: {  	_ =	swait.ge [sflag:s5], $0x3E80  }
0xce: {  	[sflag:s5] =	ssyncset.done $0x0  }
0xcf: {  	s24 =	simm.s32 $0x1B58;
	[sflag:s5] =	ssyncadd.s32 $0xFFFFC180  }
0xd0: {  	[tilespmem:s18], [sflag:$0x8] =	stream.indirect.gather [spmem:s2], $0x10, s24, s1, $0xb8;
	[tilespmem:$0x19820] =	vst v63  }
0xd1: {  	_ =	swait.ge [sflag:s15], $0x3E80  }
0xd2: {  	[sflag:s15] =	ssyncset.done $0x0  }
0xd3: {  	s9 =	simm.s32 $0x3E80;
	[sflag:s15] =	ssyncadd.s32 $0xFFFFC180  }
0xd4: {  	[spmem:s3] =	stream.indirect.scatter.add.f32 [tilespmem:s0], [sflag:$0x11], $0x10, s9, s1, $0xb8;
	[tilespmem:$0x19820] =	vst v63  }
0xd5: {  	_ =	swait.ge [sflag:s11], $0x3E80  }
0xd6: {  	[sflag:s11] =	ssyncset.done $0x0  }
0xd7: {  	s12 =	simm.s32 $0x1F40;
	[sflag:s11] =	ssyncadd.s32 $0xFFFFC180  }
0xd8: {  	[tilespmem:s25], [sflag:$0x9] =	stream.indirect.gather [spmem:s2], $0x10, s12, s1, $0xb8;
	[tilespmem:$0x19820] =	vst v63  }
0xd9: {  	_ =	swait.ge [sflag:s31], $0x3E80  }
0xda: {  	[sflag:s31] =	ssyncset.done $0x0  }
0xdb: {  	s13 =	simm.s32 $0x4268;
	[sflag:s31] =	ssyncadd.s32 $0xFFFFC180  }
0xdc: {  	[spmem:s3] =	stream.indirect.scatter.add.f32 [tilespmem:s18], [sflag:$0x12], $0x10, s13, s1, $0xb8;
	[tilespmem:$0x19820] =	vst v63  }
0xdd: {  	_ =	swait.ge [sflag:s29], $0x3E80  }
0xde: {  	[sflag:s29] =	ssyncset.done $0x0  }
0xdf: {  	s15 =	simm.s32 $0x2328;
	[sflag:s29] =	ssyncadd.s32 $0xFFFFC180  }
0xe0: {  	[tilespmem:s21], [sflag:$0xA] =	stream.indirect.gather [spmem:s2], $0x10, s15, s1, $0xb8;
	[tilespmem:$0x19820] =	vst v63  }
0xe1: {  	_ =	swait.ge [sflag:s14], $0x3E80  }
0xe2: {  	[sflag:s14] =	ssyncset.done $0x0  }
0xe3: {  	s16 =	simm.s32 $0x4650;
	[sflag:s14] =	ssyncadd.s32 $0xFFFFC180  }
0xe4: {  	[spmem:s3] =	stream.indirect.scatter.add.f32 [tilespmem:s25], [sflag:$0x13], $0x10, s16, s1, $0xb8;
	[tilespmem:$0x19820] =	vst v63  }
0xe5: {  	_ =	swait.ge [sflag:s7], $0x3E80  }
0xe6: {  	[sflag:s7] =	ssyncset.done $0x0  }
0xe7: {  	s17 =	simm.s32 $0x4A38;
	[sflag:s7] =	ssyncadd.s32 $0xFFFFC180  }
0xe8: {  	[spmem:s3] =	stream.indirect.scatter.add.f32 [tilespmem:s21], [sflag:$0x14], $0x10, s17, s1, $0xb8;
	[tilespmem:$0x19820] =	vst v63  }
0xe9: {  	_ =	swait.ge [sflag:s6], $0x3E80  }
0xea: {  	[sflag:s6] =	ssyncset.done $0x0  }
0xeb: {  	[sflag:s6] =	ssyncadd.s32 $0xFFFFC180  }
0xec: {  	_ =	swait.ge [sflag:s26], $0x3E80  }
0xed: {  	[sflag:s26] =	ssyncset.done $0x0  }
0xee: {  	[sflag:s26] =	ssyncadd.s32 $0xFFFFC180  }
0xef: {  	_ =	swait.ge [sflag:s10], $0x3E80  }
0xf0: {  	[sflag:s10] =	ssyncset.done $0x0  }
0xf1: {  	[sflag:s10] =	ssyncadd.s32 $0xFFFFC180  }
0xf2: {  	_ =	swait.ge [sflag:s20], $0x3E80  }
0xf3: {  	[sflag:s20] =	ssyncset.done $0x0  }
0xf4: {  	[sflag:s20] =	ssyncadd.s32 $0xFFFFC180  }
0xf5: {  	[bflag:$0x0] =	sbarrier.arrive $0xFFFF  }
0xf6: {  	s8 =	sadd.s32 $0x1, s8;
	s18 =	rddreg [dreg:$0x5]  }
0xf7: {  	s23 =	sshrl.u32 s23, $0x3;
	s24 =	rddreg [dreg:$0x16];
	s22 =	sor.u32 $0x1C15, s18  }
0xf8: {  	[hbm:s24], [sflag:s22] =	dma.local [spmem:s23], $0x500  }
0xf9: {  	s30 =	simm.s32 $0x1388;
	s5 =	simm.s32 $0xFA0;
	_ =	swait.ge [sflag:s19], $0x500  }
0xfa: {  	s0 =	simm.s32 $0x2328;
	s9 =	simm.s32 $0x1F40;
	s24 =	rddreg [dreg:$0x17]  }
0xfb: {  	s11 =	simm.s32 $0x2EE0;
	s12 =	simm.s32 $0x32C8;
	p0 =	sne.s32 s8, s24  }
.Ltmp1:
0xfc: {  	s31 =	simm.s32 $0x1B58;
	s13 =	simm.s32 $0x36B0;
	(pc) =	sbr.rel @p0 .LBB2_1-.Ltmp1, $4  }
0xfd: {  	s29 =	simm.s32 $0xBB8;
	s15 =	simm.s32 $0x3E80;
	s14 =	simm.s32 $0x3A98  }
0xfe: {  	s16 =	simm.s32 $0x4268;
	s7 =	simm.s32 $0x1770;
	s17 =	simm.s32 $0x4650  }
0xff: {  	s6 =	simm.s32 $0x2AF8;
	s26 =	simm.s32 $0x7D0;
	[sflag:s19] =	ssyncset.done $0x0  }
0x100: {  	s10 =	simm.s32 $0x2710;
	s18 =	simm.s32 $0x4A38;
	[sflag:s19] =	ssyncadd.s32 $0xFFFFFB00  }
0x101: {  	_ =	sfence.sel $0x180000  }
0x102: {  	[bflag:$0x0] =	sbarrier.arrive $0xFFFF  }
0x103: {  	_ =	strace $0x9000004A  }
0x104: {  	s0 =	stileid.u32;
	[bflag:$0x2] =	sbarrier.arrive $0xFFFF  }
0x105: {  	p0 =	sne.s32 s0, $0x0;
	s0 =	rddreg [dreg:$0x3]  }
0x106: {  	s0 =	sadd.s32 @!p0 $0x100000, s0  }
0x107: {  	[sflag:s0] =	ssyncadd.tile.s32 @!p0 $0x1;
	_ =	shalt  }
.Lfunc_end2:
_tile_overlayer_lowered:
.L_overlay_start_2:
0x108: {  	(tag) =	ssettag $0x2  }
0x109: {  	s0 =	rddreg [dreg:$0x0];
	s2 =	stileid.u32  }
0x10a: {  	s1 =	rddreg [dreg:$0x1];
	p0 =	sne.s32 s2, $0x0  }
0x10b: {  	s3 =	rddreg [dreg:$0x2];
	[bflag:$0x3] =	sbarrier.arrive $0xFFFF;
	s2 =	simm.s32 @!p0 $0x1C15  }
0x10c: {  	[timem:s3], [sflag:s2] =	dma.local @!p0 [hbm:s0], s1  }
0x10d: {  	s0 =	simm.s32 @!p0 $0x15  }
0x10e: {  	_ =	swait.ge @!p0 [sflag:s0], s1  }
0x10f: {  	s1 =	ssub.s32 @!p0 $0x0, s1;
	[sflag:s0] =	ssyncset.done @!p0 $0x0  }
0x110: {  	[sflag:s0] =	ssyncadd.s32 @!p0 s1  }
0x111: {  	[bflag:$0x3] =	sbarrier.arrive $0xFFFF  }
0x112: {  	_ =	shalt  }

// kernel: kernel.14.cloned.1.call-start
scs
__scs_entry_jumppad:
0x0: {  	(pc) =	sbr.rel $0x88, $3  }
0x1: {  	(tag) =	ssettag $0x0;
	lr =	simm.s32 $0x1  }
0x2: {  	[smem:$0x3F99] =	sst lr;
	_ =	strace $0xD0000000  }
0x3: {  	_ = 	snop  }
0x4: {  	_ = 	snop  }
0x5: {  	_ = 	snop  }
0x6: {  	_ = 	snop  }
0x7: {  	_ = 	snop  }
__scs_overlays_trampoline_lowered:
0x8: {  	[smem:$0x3FA8] =	sst s0  }
0x9: {  	[smem:$0x3FA9] =	sst s1  }
0xa: {  	[smem:$0x3FAA] =	sst s2  }
0xb: {  	[smem:$0x3FAB] =	sst s3  }
0xc: {  	[smem:$0x3FAC] =	sst s4  }
0xd: {  	[smem:$0x3FAD] =	sst s5  }
0xe: {  	[smem:$0x3FAE] =	sst s6  }
0xf: {  	[smem:$0x3FAF] =	sst s7  }
0x10: {  	[smem:$0x3FB0] =	sst s8  }
0x11: {  	[smem:$0x3FB1] =	sst s9;
	s0 =	simm.s32 @!p0 $0x0  }
0x12: {  	s1 =	sld [smem:$0x3F97];
	s0 =	simm.s32 @p0 $0x1  }
0x13: {  	[smem:$0x3FB2] =	sst s0;
	s0 =	simm.s32 @!p1 $0x0  }
0x14: {  	s2 =	sld [smem:$0x3F96];
	s0 =	simm.s32 @p1 $0x1  }
0x15: {  	[smem:$0x3FB3] =	sst s0;
	s0 =	simm.s32 @!p2 $0x0  }
0x16: {  	s3 =	sld [smem:$0x3FDB];
	s0 =	simm.s32 @p2 $0x1  }
0x17: {  	s4 =	simm.s32 $0x1BF5;
	[smem:$0x3FB5] =	sst s0  }
0x18: {  	s0 =	sld [smem:$0x3F98];
	_ =	swait.ge [sflag:s4], $0x0  }
0x19: {  	s7 =	sld [smem:$0x3F99]  }
0x1a: {  	s8 =	sadd.s32 $0xFFFFE003, lr  }
0x1b: {  	s9 =	sadd.s32 $0xFFFFFEF7, lr;
	s5 =	simm.s32 $0xFFFFFFFF;
	p2 =	slt.u32 s8, $0xFFFFF086  }
0x1c: {  	p1 =	slt.u32 s9, $0xF7A;
	s5 =	simm.s32 @!p2 $0x0  }
0x1d: {  	s5 =	simm.s32 @p1 $0x1;
	p0 =	seq.s32 s7, s2  }
0x1e: {  	s7 =	smul.u32 @!p0 $0xF7A, s2;
	p2 =	seq.s32 @!p0 s5, $0x0  }
0x1f: {  	s9 =	smul.u32 $0xF7A, s1;
	s8 =	simm.s32 @!p0 $0x1BF5;
	p2 =	por !p2, p0  }
0x20: {  	[sflag:s8] =	ssyncset.s32 @!p0 $0xFFFFF086;
	s6 =	sadd.s32 @!p0 s3, s7;
	s7 =	simm.s32 @!p0 $0x108  }
0x21: {  	s3 =	sadd.s32 s3, s9;
	s6 =	sadd.s32 @!p0 $0x88, s6;
	s7 =	simm.s32 @p2 $0x1082  }
0x22: {  	[simem:s7], [sflag:s8] =	dma.local @!p0 [hbm:s6], $0xF7A  }
0x23: {  	s9 =	sor.u32 $0xD0000000, s2;
	s6 =	simm.s32 $0x108;
	_ =	swait.ge @!p0 [sflag:s8], $0x0  }
0x24: {  	s3 =	sadd.s32 $0x88, s3;
	s6 =	simm.s32 @!p1 $0x1082;
	[sflag:s4] =	ssyncset.s32 $0xFFFFF086  }
0x25: {  	[simem:s6], [sflag:s4] =	dma.local [hbm:s3], $0xF7A  }
0x26: {  	[smem:$0x3F99] =	sst s1;
	(tag) =	ssettag s2;
	_ =	strace s9  }
0x27: {  	s1 =	sld [smem:$0x3FA9]  }
0x28: {  	s2 =	sld [smem:$0x3FAA]  }
0x29: {  	s4 =	sld [smem:$0x3FAC]  }
0x2a: {  	p0 =	seq.s32 s5, $0x0;
	s5 =	sld [smem:$0x3FAD]  }
0x2b: {  	s6 =	sld [smem:$0x3FAE]  }
0x2c: {  	s7 =	sld [smem:$0x3FAF]  }
0x2d: {  	s3 =	simm.s32 $0x108;
	s8 =	sld [smem:$0x3FB0]  }
0x2e: {  	s3 =	simm.s32 @!p0 $0x1082;
	s9 =	sld [smem:$0x3FB1]  }
0x2f: {  	lr =	sadd.s32 s0, s3;
	s0 =	sld [smem:$0x3FA8]  }
0x30: {  	s3 =	sld [smem:$0x3FAB]  }
0x31: {  	[smem:$0x3FB4] =	sst s10  }
0x32: {  	s10 =	sld [smem:$0x3FB2];
	_ =	sdelay $0x3  }
0x33: {  	p0 =	seq.s32 s10, $0x1;
	s10 =	sld [smem:$0x3FB4];
	_ =	sdelay $0x3  }
0x34: {  	[smem:$0x3FB4] =	sst s10  }
0x35: {  	s10 =	sld [smem:$0x3FB3];
	_ =	sdelay $0x3  }
0x36: {  	p1 =	seq.s32 s10, $0x1;
	s10 =	sld [smem:$0x3FB4];
	_ =	sdelay $0x3  }
0x37: {  	[smem:$0x3FB4] =	sst s10  }
0x38: {  	s10 =	sld [smem:$0x3FB5]  }
0x39: {  	_ = 	snop;
	(pc) =	sbr.ind lr, $3  }
0x3a: {  	_ = 	snop  }
0x3b: {  	_ = 	snop  }
0x3c: {  	p2 =	seq.s32 s10, $0x1;
	s10 =	sld [smem:$0x3FB4]  }
0x3d: {  	_ =	shalt  }
0x3e: {  	_ =	shalt  }
0x3f: {  	_ =	shalt  }
0x40: {  	_ =	shalt  }
0x41: {  	_ =	shalt  }
0x42: {  	_ =	shalt  }
0x43: {  	_ =	shalt  }
0x44: {  	_ =	shalt  }
0x45: {  	_ =	shalt  }
0x46: {  	_ =	shalt  }
0x47: {  	_ =	shalt  }
0x48: {  	_ =	shalt  }
0x49: {  	_ =	shalt  }
0x4a: {  	_ =	shalt  }
0x4b: {  	_ =	shalt  }
0x4c: {  	_ =	shalt  }
0x4d: {  	_ =	shalt  }
0x4e: {  	_ =	shalt  }
0x4f: {  	_ =	shalt  }
0x50: {  	_ =	shalt  }
0x51: {  	_ =	shalt  }
0x52: {  	_ =	shalt  }
0x53: {  	_ =	shalt  }
0x54: {  	_ =	shalt  }
0x55: {  	_ =	shalt  }
0x56: {  	_ =	shalt  }
0x57: {  	_ =	shalt  }
0x58: {  	_ =	shalt  }
0x59: {  	_ =	shalt  }
0x5a: {  	_ =	shalt  }
0x5b: {  	_ =	shalt  }
0x5c: {  	_ =	shalt  }
0x5d: {  	_ =	shalt  }
0x5e: {  	_ =	shalt  }
0x5f: {  	_ =	shalt  }
0x60: {  	_ =	shalt  }
0x61: {  	_ =	shalt  }
0x62: {  	_ =	shalt  }
0x63: {  	_ =	shalt  }
0x64: {  	_ =	shalt  }
0x65: {  	_ =	shalt  }
0x66: {  	_ =	shalt  }
0x67: {  	_ =	shalt  }
0x68: {  	_ =	shalt  }
0x69: {  	_ =	shalt  }
0x6a: {  	_ =	shalt  }
0x6b: {  	_ =	shalt  }
0x6c: {  	_ =	shalt  }
0x6d: {  	_ =	shalt  }
0x6e: {  	_ =	shalt  }
0x6f: {  	_ =	shalt  }
0x70: {  	_ =	shalt  }
0x71: {  	_ =	shalt  }
0x72: {  	_ =	shalt  }
0x73: {  	_ =	shalt  }
0x74: {  	_ =	shalt  }
0x75: {  	_ =	shalt  }
0x76: {  	_ =	shalt  }
0x77: {  	_ =	shalt  }
0x78: {  	_ =	shalt  }
0x79: {  	_ =	shalt  }
0x7a: {  	_ =	shalt  }
0x7b: {  	_ =	shalt  }
0x7c: {  	_ =	shalt  }
0x7d: {  	_ =	shalt  }
0x7e: {  	_ =	shalt  }
0x7f: {  	_ =	shalt  }
0x80: {  	_ =	shalt  }
0x81: {  	_ =	shalt  }
0x82: {  	_ =	shalt  }
0x83: {  	_ =	shalt  }
0x84: {  	_ =	shalt  }
0x85: {  	_ =	shalt  }
0x86: {  	_ =	shalt  }
0x87: {  	_ =	shalt  }
.Lfunc_end0:
.L_simem_size_0:
called_computation.2_lowered:
.L_overlay_start_0:
0x88: {  	s2 =	sld [smem:$0x3FD9]  }
0x89: {  	s3 =	sld [smem:$0x3FFE];
	_ =	sdelay $0x1  }
0x8a: {  	s1 =	srdreg.scid  }
0x8b: {  	s0 =	sand.u32 $0x1, s1  }
0x8c: {  	s16 =	sshll.u32 s0, $0xA;
	s2 =	sadd.s32 s3, s2  }
0x8d: {  	s2 =	sadd.s32 s2, s16  }
0x8e: {  	[smem:$0x3FC0] =	sst s2  }
0x8f: {  	_ = 	snop  }
0x90: {  	(tm) =	ssettm $0x1  }
0x91: {  	s17 =	sld [smem:$0x3FFB];
	_ =	sdelay $0x3  }
0x92: {  	_ =	strace s17  }
0x93: {  	s2 =	sld [smem:$0x3FFC];
	_ =	sdelay $0x3  }
0x94: {  	_ =	strace s2  }
0x95: {  	s2 =	sld [smem:$0x3FFD];
	_ =	sdelay $0x3  }
0x96: {  	_ =	strace s2  }
0x97: {  	_ =	strace $0x8FFFFFFF  }
0x98: {  	s18 =	sld [smem:$0x3FDB];
	_ =	sdelay $0x1  }
0x99: {  	s19 =	simm.s32 $_scs_section_size  }
0x9a: {  	s4 =	simm.s32 $_size__tile_overlayer_lowered;
	s5 =	simm.s32 $_tile_overlayer_lowered  }
0x9b: {  	s22 =	simm.s32 $0x1BFF;
	s21 =	sshll.u32 s5, $0x1;
	s2 =	sadd.s32 s19, s18  }
0x9c: {  	s6 =	simm.s32 $0x0;
	s20 =	sshll.u32 s4, $0x1;
	s4 =	sadd.s32 s21, s2  }
0x9d: {  	[timem:s6], [sflag:s22] =	dma.local [hbm:s4], s20  }
0x9e: {  	_ =	swait.ge [sflag:s22], s20  }
0x9f: {  	s3 =	ssub.s32 $0x0, s20;
	[sflag:s22] =	ssyncset.done $0x0  }
0xa0: {  	[sflag:s22] =	ssyncadd.s32 s3;
	_ =	sdelay $0x1  }
0xa1: {  	s23 =	simm.s32 $0x1B8B  }
0xa2: {  	_ =	swait.ge [sflag:s23], $0x1  }
0xa3: {  	[sflag:s23] =	ssyncset.done $0x0  }
0xa4: {  	s25 =	simm.s32 $0x1B8E;
	s24 =	sld [smem:$0x3FFE];
	[sflag:s23] =	ssyncadd.s32 $0xFFFFFFFF  }
0xa5: {  	s26 =	simm.s32 $execute0_lowered;
	[smem:$0x3FD2] =	sst s25  }
0xa6: {  	s4 =	sshll.u32 s26, $0x1;
	_ =	strace $0x8000004C;
	[dreg:$0x1] =	wrdreg $0xFFFFFFFF  }
0xa7: {  	s28 =	simm.s32 $_size_execute0_lowered;
	s2 =	sadd.s32 s2, s4;
	[dreg:$0x0] =	wrdreg $0x0  }
0xa8: {  	s4 =	sshll.u32 s28, $0x1;
	[dreg:$0x2] =	wrdreg s2  }
0xa9: {  	[dreg:$0x3] =	wrdreg s4  }
0xaa: {  	[dreg:$0x4] =	wrdreg $0xC0  }
0xab: {  	_ =	task [dreg:s6], $0x5FFFF  }
0xac: {  	[dreg:$0x1] =	wrdreg $0xFFFFFFFF  }
0xad: {  	[dreg:$0x0] =	wrdreg $0x60  }
0xae: {  	[dreg:$0x2] =	wrdreg s24  }
0xaf: {  	[dreg:$0x3] =	wrdreg $0x170200  }
0xb0: {  	[dreg:$0x4] =	wrdreg $0x148200  }
0xb1: {  	[dreg:$0x5] =	wrdreg $0x9  }
0xb2: {  	_ =	task.clear_ibuf [dreg:s6], $0x6FFFF;
	_ =	strace $0x9000004C  }
0xb3: {  	s29 =	simm.s32 $0x9;
	_ =	strace $0x8000004E  }
0xb4: {  	_ =	swait.ge [sflag:s29], $0x1  }
0xb5: {  	[sflag:s29] =	ssyncadd.s32 $0xFFFFFFFF  }
0xb6: {  	_ =	strace $0x9000004E  }
0xb7: {  	_ =	sfence  }
0xb8: {  	s30 =	sld [smem:$0x0];
	_ =	sdelay $0x2  }
0xb9: {  	s31 =	sshll.u32 s1, $0xD;
	s1 =	sshrl.u32 s1, $0x2  }
0xba: {  	s3 =	sand.u32 $0x4000, s31;
	s1 =	sadd.s32 s1, s30  }
0xbb: {  	s0 =	sor.u32 s3, s0;
	s1 =	sshll.u32 s1, $0x11  }
0xbc: {  	s0 =	sor.u32 s1, s0  }
0xbd: {  	s0 =	sadd.s32 $0x8F2B, s0  }
0xbe: {  	[sflag:s0] =	ssyncadd.remote.s32 $0x1  }
0xbf: {  	_ =	sfence.sel $0xFFFF  }
0xc0: {  	[dreg:$0x0] =	wrdreg $0xFFFFFFFF;
	(pc) =	sbr.abs _section_cstart, $3  }
0xc1: {  	[dreg:$0x1] =	wrdreg $0xFFFFFFFF  }
0xc2: {  	_ =	task.clear_ibuf [dreg:s6], $0x2FFFF;
	_ =	strace $0x9FFFFFFF  }
0xc3: {  	(tm) =	ssettm $0x7FFFFFFF  }
tec
execute0_lowered:
.L_overlay_start_1:
0x0: {  	(tag) =	ssettag $0x1  }
0x1: {  	s0 =	rddreg [dreg:$0x0]  }
0x2: {  	s2 =	rddreg [dreg:$0x1]  }
0x3: {  	s3 =	rddreg [dreg:$0x2];
	s11 =	stileid.u32  }
0x4: {  	s4 =	simm.s32 $0x0;
	s5 =	srdreg.scid;
	s29 =	simm.s32 $0xBB8  }
0x5: {  	s30 =	simm.s32 $0x1388;
	s31 =	simm.s32 $0x1B58;
	s28 =	simm.s32 $0x1  }
0x6: {  	s1 =	smul.u32 $0x2800, s11;
	[smem:$0x7FF] =	sst s4;
	s5 =	sand.u32 $0x1, s5  }
0x7: {  	s8 =	sadd.s32 $0x2000, s0;
	s9 =	sshll.u32 s11, $0x1;
	s15 =	sshll.u32 s11, $0x6  }
0x8: {  	s11 =	simm.s32 $0x2EE0;
	_ =	strace $0x8000004D;
	s7 =	smul.u32 $0x28000, s5  }
0x9: {  	s10 =	ssub.s32 $0x2, s5;
	s5 =	sor.u32 s5, s9;
	[dreg:$0x5] =	wrdreg s15  }
0xa: {  	s6 =	sshrl.u32 s1, $0x3;
	s14 =	sshrl.u32 s10, $0x1;
	s5 =	smul.u32 $0x2710, s5  }
0xb: {  	s9 =	sadd.s32 s1, s2;
	s6 =	sadd.s32 s6, s0;
	s7 =	sadd.s32 s1, s7  }
0xc: {  	s1 =	sadd.s32 s1, s3;
	s7 =	sshrl.u32 s7, $0x3;
	s6 =	sadd.s32 $0x15A00, s6  }
0xd: {  	s16 =	sadd.s32 $0x3E8, s5;
	s17 =	sshrl.u32 s5, $0x3;
	s18 =	sadd.s32 $0xBB8, s5  }
0xe: {  	s19 =	sadd.s32 $0x1388, s5;
	s21 =	sadd.s32 $0x1B58, s5;
	s24 =	sadd.s32 $0x2328, s5  }
0xf: {  	s25 =	sadd.s32 $0x4E5E8, s5;
	s26 =	sadd.s32 $0x4EDB8, s5;
	[dreg:$0x15] =	wrdreg s1  }
0x10: {  	s1 =	simm.s32 $0x3E8;
	s0 =	sadd.s32 s7, s0;
	s7 =	ssub.s32 s10, s14  }
0x11: {  	[dreg:$0x4] =	wrdreg s6;
	s10 =	sor.u32 $0x1C01, s15;
	s6 =	sshrl.u32 s16, $0x3  }
0x12: {  	s12 =	sadd.s32 s8, s17;
	s20 =	sshrl.u32 s19, $0x3;
	s23 =	sshrl.u32 s21, $0x3  }
0x13: {  	s14 =	sshrl.u32 s26, $0x3;
	s15 =	sadd.s32 $0x4F588, s5;
	[dreg:$0x6] =	wrdreg s10  }
0x14: {  	s16 =	sadd.s32 $0x4FD58, s5;
	s6 =	sadd.s32 s8, s6;
	[dreg:$0x7] =	wrdreg s12  }
0x15: {  	s5 =	sadd.s32 $0x50528, s5;
	s10 =	sadd.s32 $0xFA, s12;
	[dreg:$0x8] =	wrdreg s6  }
0x16: {  	s22 =	sadd.s32 $0x1F4, s12;
	s5 =	sshrl.u32 s5, $0x3;
	[dreg:$0x9] =	wrdreg s10  }
0x17: {  	s0 =	sadd.s32 $0x1AA00, s0;
	s19 =	smax.u32 s7, $0x1;
	[dreg:$0xb] =	wrdreg s22  }
0x18: {  	s21 =	sadd.s32 $0x3E8, s12;
	s26 =	sadd.s32 $0xA028, s12;
	[dreg:$0x16] =	wrdreg s0  }
0x19: {  	s7 =	simm.s32 $0x1770;
	s6 =	sshrl.u32 s18, $0x3;
	[dreg:$0x17] =	wrdreg s19  }
0x1a: {  	s10 =	sshrl.u32 s25, $0x3;
	s5 =	sadd.s32 s8, s5;
	[dreg:$0x19] =	wrdreg s21  }
0x1b: {  	s18 =	sadd.s32 $0x2EE, s12;
	s22 =	sadd.s32 $0x9C40, s12;
	[dreg:$0x1e] =	wrdreg s26  }
0x1c: {  	s25 =	sadd.s32 $0x9F2E, s12;
	s26 =	simm.s32 $0x7D0;
	[dreg:$0x13] =	wrdreg s5  }
0x1d: {  	s0 =	simm.s32 $0x2328;
	s21 =	simm.s32 $0x8CA0;
	[dreg:$0x14] =	wrdreg s18  }
0x1e: {  	s19 =	simm.s32 $0x15;
	s6 =	sadd.s32 s8, s6;
	[dreg:$0x1a] =	wrdreg s22  }
0x1f: {  	s13 =	sadd.s32 s8, s10;
	s10 =	sshrl.u32 s16, $0x3;
	[dreg:$0x1d] =	wrdreg s25  }
0x20: {  	s5 =	simm.s32 $0xFA0;
	s16 =	simm.s32 $0x4268;
	[dreg:$0xa] =	wrdreg s6  }
0x21: {  	s18 =	simm.s32 $0x4A38;
	s6 =	sadd.s32 s8, s20;
	[dreg:$0xf] =	wrdreg s13  }
0x22: {  	s25 =	simm.s32 $0x4E20;
	s17 =	sadd.s32 s8, s10;
	[dreg:$0xc] =	wrdreg s6  }
0x23: {  	s20 =	sshrl.u32 s9, $0x3;
	s9 =	simm.s32 $0x1F40;
	[dreg:$0x12] =	wrdreg s17  }
0x24: {  	s10 =	simm.s32 $0x2710;
	s6 =	sadd.s32 s8, s23;
	[dreg:$0x18] =	wrdreg s20  }
0x25: {  	s13 =	simm.s32 $0x36B0;
	s23 =	sadd.s32 $0x9D3A, s12;
	[dreg:$0xd] =	wrdreg s6  }
0x26: {  	s6 =	sshrl.u32 s24, $0x3;
	[dreg:$0x1b] =	wrdreg s23;
	s24 =	sadd.s32 $0x9E34, s12  }
0x27: {  	s17 =	simm.s32 $0x4650;
	s6 =	sadd.s32 s8, s6;
	[dreg:$0x1c] =	wrdreg s24  }
0x28: {  	s20 =	simm.s32 $0x14;
	[dreg:$0xe] =	wrdreg s6;
	s6 =	sadd.s32 s8, s14  }
0x29: {  	s12 =	simm.s32 $0x32C8;
	[dreg:$0x10] =	wrdreg s6;
	s6 =	sshrl.u32 s15, $0x3  }
0x2a: {  	s14 =	simm.s32 $0x3A98;
	s15 =	simm.s32 $0x3E80;
	s6 =	sadd.s32 s8, s6  }
0x2b: {  	v0 =	vimm.f32 $0.0e+00;
	s8 =	simm.s32 $0x0;
	[dreg:$0x11] =	wrdreg s6;
	s6 =	simm.s32 $0x2AF8  }
.LBB2_1:
0x2c: {  	s22 =	rddreg [dreg:$0x4]  }
0x2d: {  	s23 =	rddreg [dreg:$0x6]  }
0x2e: {  	s24 =	rddreg [dreg:$0x18]  }
0x2f: {  	[spmem:s24], [sflag:s23] =	dma.local [hbm:s22], $0x500  }
0x30: {  	s22 =	rddreg [dreg:$0x7]  }
0x31: {  	s23 =	rddreg [dreg:$0x8]  }
0x32: {  	[tilespmem:s4], [sflag:$0x2] =	stream.linear.gather [hbm4b:s22+s4], $0x3E8, $0x38;
	[tilespmem:$0x19820] =	vst v63  }
0x33: {  	s24 =	rddreg [dreg:$0x9]  }
0x34: {  	[tilespmem:s1], [sflag:$0x3] =	stream.linear.gather [hbm4b:s23+s4], $0x3E8, $0x38;
	[tilespmem:$0x19820] =	vst v63  }
0x35: {  	s23 =	rddreg [dreg:$0xa]  }
0x36: {  	[tilespmem:s26], [sflag:$0x4] =	stream.linear.gather [hbm4b:s24+s4], $0x3E8, $0x38;
	[tilespmem:$0x19820] =	vst v63  }
0x37: {  	s24 =	rddreg [dreg:$0xb]  }
0x38: {  	[tilespmem:s29], [sflag:$0x5] =	stream.linear.gather [hbm4b:s23+s4], $0x3E8, $0x38;
	[tilespmem:$0x19820] =	vst v63  }
0x39: {  	s26 =	rddreg [dreg:$0xc]  }
0x3a: {  	[tilespmem:s5], [sflag:$0x6] =	stream.linear.gather [hbm4b:s24+s4], $0x3E8, $0x38;
	[tilespmem:$0x19820] =	vst v63  }
0x3b: {  	s29 =	rddreg [dreg:$0x14]  }
0x3c: {  	[tilespmem:s30], [sflag:$0x7] =	stream.linear.gather [hbm4b:s26+s4], $0x3E8, $0x38;
	[tilespmem:$0x19820] =	vst v63  }
0x3d: {  	s23 =	rddreg [dreg:$0x1c]  }
0x3e: {  	[tilespmem:s7], [sflag:$0x8] =	stream.linear.gather [hbm4b:s29+s4], $0x3E8, $0x38;
	[tilespmem:$0x19820] =	vst v63  }
0x3f: {  	s30 =	rddreg [dreg:$0xd]  }
0x40: {  	[tilespmem:s31], [sflag:$0x9] =	stream.linear.gather [hbm4b:s30+s4], $0x3E8, $0x38;
	[tilespmem:$0x19820] =	vst v63  }
0x41: {  	s31 =	rddreg [dreg:$0x19]  }
0x42: {  	[tilespmem:s9], [sflag:$0xA] =	stream.linear.gather [hbm4b:s31+s4], $0x3E8, $0x38;
	[tilespmem:$0x19820] =	vst v63  }
0x43: {  	s5 =	rddreg [dreg:$0xe]  }
0x44: {  	[tilespmem:s0], [sflag:$0xB] =	stream.linear.gather [hbm4b:s5+s4], $0x3E8, $0x38;
	[tilespmem:$0x19820] =	vst v63  }
0x45: {  	s7 =	rddreg [dreg:$0x1a]  }
0x46: {  	[tilespmem:s10], [sflag:$0xC] =	stream.linear.gather [hbm4b:s7+s4], $0x3E8, $0x38;
	[tilespmem:$0x19820] =	vst v63  }
0x47: {  	s9 =	rddreg [dreg:$0xf]  }
0x48: {  	[tilespmem:s6], [sflag:$0xD] =	stream.linear.gather [hbm4b:s9+s4], $0x3E8, $0x38;
	[tilespmem:$0x19820] =	vst v63  }
0x49: {  	s10 =	rddreg [dreg:$0x1b]  }
0x4a: {  	[tilespmem:s11], [sflag:$0xE] =	stream.linear.gather [hbm4b:s10+s4], $0x3E8, $0x38;
	[tilespmem:$0x19820] =	vst v63  }
0x4b: {  	s11 =	rddreg [dreg:$0x10]  }
0x4c: {  	[tilespmem:s12], [sflag:$0xF] =	stream.linear.gather [hbm4b:s11+s4], $0x3E8, $0x38;
	[tilespmem:$0x19820] =	vst v63  }
0x4d: {  	s24 =	rddreg [dreg:$0x11]  }
0x4e: {  	[tilespmem:s13], [sflag:$0x10] =	stream.linear.gather [hbm4b:s23+s4], $0x3E8, $0x38;
	[tilespmem:$0x19820] =	vst v63  }
0x4f: {  	s26 =	rddreg [dreg:$0x1d]  }
0x50: {  	[tilespmem:s14], [sflag:$0x11] =	stream.linear.gather [hbm4b:s24+s4], $0x3E8, $0x38;
	[tilespmem:$0x19820] =	vst v63  }
0x51: {  	s29 =	rddreg [dreg:$0x12]  }
0x52: {  	[tilespmem:s15], [sflag:$0x12] =	stream.linear.gather [hbm4b:s26+s4], $0x3E8, $0x38;
	[tilespmem:$0x19820] =	vst v63  }
0x53: {  	s30 =	rddreg [dreg:$0x1e]  }
0x54: {  	[tilespmem:s16], [sflag:$0x13] =	stream.linear.gather [hbm4b:s29+s4], $0x3E8, $0x38;
	[tilespmem:$0x19820] =	vst v63  }
0x55: {  	s22 =	simm.s32 $0x40;
	s31 =	rddreg [dreg:$0x13]  }
0x56: {  	[tilespmem:s17], [sflag:$0x14] =	stream.linear.gather [hbm4b:s30+s4], $0x3E8, $0x38;
	[tilespmem:$0x19820] =	vst v63  }
0x57: {  	s0 =	simm.s32 $0x2710;
	s23 =	simm.s32 $0x0;
	s24 =	simm.s32 $0x7D0  }
0x58: {  	[tilespmem:s18], [sflag:$0x1] =	stream.linear.gather [hbm4b:s31+s4], $0x3E8, $0x38;
	[tilespmem:$0x19820] =	vst v63  }
.LBB2_2:
0x59: {  	p0 =	sne.s32 s22, $0xF9C0;
	[tilespmem:s23+$0x4E20] =	vst v0;
	s23 =	smov.u32 s22;
	s22 =	sadd.s32 $0x40, s22  }
.Ltmp0:
0x5a: {  	(pc) =	sbr.rel @p0 .LBB2_2-.Ltmp0, $2  }
0x5b: {  	_ =	sdelay $0x2  }
0x5c: {  	s23 =	sshra.s32 s23, $0x2  }
0x5d: {  	[tilespmem:s23+$0x4E20] =	vst v0;
	s23 =	rddreg [dreg:$0x15]  }
0x5e: {  	[spmem:s23] =	stream.linear.scatter [tilespmem:s25], [sflag:$0x15], $0x2800, $0x38;
	[tilespmem:$0x19820] =	vst v63  }
0x5f: {  	_ =	swait.ge [sflag:s19], $0x2800  }
0x60: {  	[sflag:s19] =	ssyncset.done $0x0  }
0x61: {  	[sflag:s19] =	ssyncadd.s32 $0xFFFFD800  }
0x62: {  	_ =	swait.ge [sflag:s28], $0x500  }
0x63: {  	[sflag:s28] =	ssyncset.done $0x0  }
0x64: {  	s18 =	simm.s32 $0x2;
	[sflag:s28] =	ssyncadd.s32 $0xFFFFFB00  }
0x65: {  	_ =	swait.ge [sflag:s18], $0x3E8  }
0x66: {  	[sflag:s18] =	ssyncset.done $0x0  }
0x67: {  	s22 =	simm.s32 $0x3;
	[sflag:s18] =	ssyncadd.s32 $0xFFFFFC18  }
0x68: {  	_ =	swait.ge [sflag:s22], $0x3E8  }
0x69: {  	[sflag:s22] =	ssyncset.done $0x0  }
0x6a: {  	s17 =	simm.s32 $0x4;
	[sflag:s22] =	ssyncadd.s32 $0xFFFFFC18  }
0x6b: {  	_ =	swait.ge [sflag:s17], $0x3E8  }
0x6c: {  	[sflag:s17] =	ssyncset.done $0x0  }
0x6d: {  	s16 =	simm.s32 $0x5;
	[sflag:s17] =	ssyncadd.s32 $0xFFFFFC18  }
0x6e: {  	_ =	swait.ge [sflag:s16], $0x3E8  }
0x6f: {  	[sflag:s16] =	ssyncset.done $0x0  }
0x70: {  	s9 =	simm.s32 $0x6;
	[sflag:s16] =	ssyncadd.s32 $0xFFFFFC18  }
0x71: {  	_ =	swait.ge [sflag:s9], $0x3E8  }
0x72: {  	[sflag:s9] =	ssyncset.done $0x0  }
0x73: {  	s15 =	simm.s32 $0x7;
	[sflag:s9] =	ssyncadd.s32 $0xFFFFFC18  }
0x74: {  	_ =	swait.ge [sflag:s15], $0x3E8  }
0x75: {  	[sflag:s15] =	ssyncset.done $0x0  }
0x76: {  	s31 =	simm.s32 $0x8;
	[sflag:s15] =	ssyncadd.s32 $0xFFFFFC18  }
0x77: {  	_ =	swait.ge [sflag:s31], $0x3E8  }
0x78: {  	[sflag:s31] =	ssyncset.done $0x0  }
0x79: {  	s14 =	simm.s32 $0x9;
	[sflag:s31] =	ssyncadd.s32 $0xFFFFFC18  }
0x7a: {  	_ =	swait.ge [sflag:s14], $0x3E8  }
0x7b: {  	[sflag:s14] =	ssyncset.done $0x0  }
0x7c: {  	s7 =	simm.s32 $0xA;
	[sflag:s14] =	ssyncadd.s32 $0xFFFFFC18  }
0x7d: {  	_ =	swait.ge [sflag:s7], $0x3E8  }
0x7e: {  	[sflag:s7] =	ssyncset.done $0x0  }
0x7f: {  	s13 =	simm.s32 $0xB;
	[sflag:s7] =	ssyncadd.s32 $0xFFFFFC18  }
0x80: {  	_ =	swait.ge [sflag:s13], $0x3E8  }
0x81: {  	[sflag:s13] =	ssyncset.done $0x0  }
0x82: {  	s30 =	simm.s32 $0xC;
	[sflag:s13] =	ssyncadd.s32 $0xFFFFFC18  }
0x83: {  	_ =	swait.ge [sflag:s30], $0x3E8  }
0x84: {  	[sflag:s30] =	ssyncset.done $0x0  }
0x85: {  	s12 =	simm.s32 $0xD;
	[sflag:s30] =	ssyncadd.s32 $0xFFFFFC18  }
0x86: {  	_ =	swait.ge [sflag:s12], $0x3E8  }
0x87: {  	[sflag:s12] =	ssyncset.done $0x0  }
0x88: {  	s5 =	simm.s32 $0xE;
	[sflag:s12] =	ssyncadd.s32 $0xFFFFFC18  }
0x89: {  	_ =	swait.ge [sflag:s5], $0x3E8  }
0x8a: {  	[sflag:s5] =	ssyncset.done $0x0  }
0x8b: {  	s11 =	simm.s32 $0xF;
	[sflag:s5] =	ssyncadd.s32 $0xFFFFFC18  }
0x8c: {  	_ =	swait.ge [sflag:s11], $0x3E8  }
0x8d: {  	[sflag:s11] =	ssyncset.done $0x0  }
0x8e: {  	s29 =	simm.s32 $0x10;
	[sflag:s11] =	ssyncadd.s32 $0xFFFFFC18  }
0x8f: {  	_ =	swait.ge [sflag:s29], $0x3E8  }
0x90: {  	[sflag:s29] =	ssyncset.done $0x0  }
0x91: {  	s6 =	simm.s32 $0x11;
	[sflag:s29] =	ssyncadd.s32 $0xFFFFFC18  }
0x92: {  	_ =	swait.ge [sflag:s6], $0x3E8  }
0x93: {  	[sflag:s6] =	ssyncset.done $0x0  }
0x94: {  	s26 =	simm.s32 $0x12;
	[sflag:s6] =	ssyncadd.s32 $0xFFFFFC18  }
0x95: {  	_ =	swait.ge [sflag:s26], $0x3E8  }
0x96: {  	[sflag:s26] =	ssyncset.done $0x0  }
0x97: {  	s10 =	simm.s32 $0x13;
	[sflag:s26] =	ssyncadd.s32 $0xFFFFFC18  }
0x98: {  	_ =	swait.ge [sflag:s10], $0x3E8  }
0x99: {  	[sflag:s10] =	ssyncset.done $0x0  }
0x9a: {  	[sflag:s10] =	ssyncadd.s32 $0xFFFFFC18  }
0x9b: {  	_ =	swait.ge [sflag:s20], $0x3E8  }
0x9c: {  	[sflag:s20] =	ssyncset.done $0x0  }
0x9d: {  	[sflag:s20] =	ssyncadd.s32 $0xFFFFFC18  }
0x9e: {  	_ =	swait.ge [sflag:s28], $0x3E8  }
0x9f: {  	[sflag:s28] =	ssyncset.done $0x0  }
0xa0: {  	[sflag:s28] =	ssyncadd.s32 $0xFFFFFC18  }
0xa1: {  	[bflag:$0x0] =	sbarrier.arrive $0xFFFF  }
0xa2: {  	[tilespmem:s25], [sflag:$0x1] =	stream.indirect.gather [spmem:s2], $0x10, s4, s1, $0xb8;
	[tilespmem:$0x19820] =	vst v63  }
0xa3: {  	_ = 	snop  }
0xa4: {  	[tilespmem:s21], [sflag:$0x2] =	stream.indirect.gather [spmem:s2], $0x10, s1, s1, $0xb8;
	[tilespmem:$0x19820] =	vst v63  }
0xa5: {  	_ =	swait.ge [sflag:s28], $0x3E80  }
0xa6: {  	[sflag:s28] =	ssyncset.done $0x0  }
0xa7: {  	[sflag:s28] =	ssyncadd.s32 $0xFFFFC180  }
0xa8: {  	[spmem:s3] =	stream.indirect.scatter.add.f32 [tilespmem:s25], [sflag:$0xB], $0x10, s0, s1, $0xb8;
	[tilespmem:$0x19820] =	vst v63  }
0xa9: {  	s0 =	simm.s32 $0xCB20  }
0xaa: {  	[tilespmem:s0], [sflag:$0x3] =	stream.indirect.gather [spmem:s2], $0x10, s24, s1, $0xb8;
	[tilespmem:$0x19820] =	vst v63  }
0xab: {  	_ =	swait.ge [sflag:s18], $0x3E80  }
0xac: {  	[sflag:s18] =	ssyncset.done $0x0  }
0xad: {  	s24 =	simm.s32 $0x2AF8;
	[sflag:s18] =	ssyncadd.s32 $0xFFFFC180  }
0xae: {  	[spmem:s3] =	stream.indirect.scatter.add.f32 [tilespmem:s21], [sflag:$0xC], $0x10, s24, s1, $0xb8;
	[tilespmem:$0x19820] =	vst v63  }
0xaf: {  	s18 =	simm.s32 $0x109A0;
	s24 =	simm.s32 $0xBB8  }
0xb0: {  	[tilespmem:s18], [sflag:$0x4] =	stream.indirect.gather [spmem:s2], $0x10, s24, s1, $0xb8;
	[tilespmem:$0x19820] =	vst v63  }
0xb1: {  	_ =	swait.ge [sflag:s22], $0x3E80  }
0xb2: {  	[sflag:s22] =	ssyncset.done $0x0  }
0xb3: {  	s24 =	simm.s32 $0x2EE0;
	[sflag:s22] =	ssyncadd.s32 $0xFFFFC180  }
0xb4: {  	[spmem:s3] =	stream.indirect.scatter.add.f32 [tilespmem:s0], [sflag:$0xD], $0x10, s24, s1, $0xb8;
	[tilespmem:$0x19820] =	vst v63  }
0xb5: {  	_ =	swait.ge [sflag:s13], $0x3E80  }
0xb6: {  	[sflag:s13] =	ssyncset.done $0x0  }
0xb7: {  	s24 =	simm.s32 $0xFA0;
	[sflag:s13] =	ssyncadd.s32 $0xFFFFC180  }
0xb8: {  	[tilespmem:s25], [sflag:$0x5] =	stream.indirect.gather [spmem:s2], $0x10, s24, s1, $0xb8;
	[tilespmem:$0x19820] =	vst v63  }
0xb9: {  	_ =	swait.ge [sflag:s17], $0x3E80  }
0xba: {  	[sflag:s17] =	ssyncset.done $0x0  }
0xbb: {  	s22 =	simm.s32 $0x32C8;
	[sflag:s17] =	ssyncadd.s32 $0xFFFFC180  }
0xbc: {  	[spmem:s3] =	stream.indirect.scatter.add.f32 [tilespmem:s18], [sflag:$0xE], $0x10, s22, s1, $0xb8;
	[tilespmem:$0x19820] =	vst v63  }
0xbd: {  	_ =	swait.ge [sflag:s30], $0x3E80  }
0xbe: {  	[sflag:s30] =	ssyncset.done $0x0  }
0xbf: {  	s24 =	simm.s32 $0x1388;
	[sflag:s30] =	ssyncadd.s32 $0xFFFFC180  }
0xc0: {  	[tilespmem:s21], [sflag:$0x6] =	stream.indirect.gather [spmem:s2], $0x10, s24, s1, $0xb8;
	[tilespmem:$0x19820] =	vst v63  }
0xc1: {  	_ =	swait.ge [sflag:s16], $0x3E80  }
0xc2: {  	[sflag:s16] =	ssyncset.done $0x0  }
0xc3: {  	[sflag:s16] =	ssyncadd.s32 $0xFFFFC180;
	s16 =	simm.s32 $0x36B0  }
0xc4: {  	[spmem:s3] =	stream.indirect.scatter.add.f32 [tilespmem:s25], [sflag:$0xF], $0x10, s16, s1, $0xb8;
	[tilespmem:$0x19820] =	vst v63  }
0xc5: {  	_ =	swait.ge [sflag:s12], $0x3E80  }
0xc6: {  	[sflag:s12] =	ssyncset.done $0x0  }
0xc7: {  	s17 =	simm.s32 $0x1770;
	[sflag:s12] =	ssyncadd.s32 $0xFFFFC180  }
0xc8: {  	[tilespmem:s0], [sflag:$0x7] =	stream.indirect.gather [spmem:s2], $0x10, s17, s1, $0xb8;
	[tilespmem:$0x19820] =	vst v63  }
0xc9: {  	_ =	swait.ge [sflag:s9], $0x3E80  }
0xca: {  	[sflag:s9] =	ssyncset.done $0x0  }
0xcb: {  	s22 =	simm.s32 $0x3A98;
	[sflag:s9] =	ssyncadd.s32 $0xFFFFC180  }
0xcc: {  	[spmem:s3] =	stream.indirect.scatter.add.f32 [tilespmem:s21], [sflag:$0x10], $0x10, s22, s1, $0xb8;
	[tilespmem:$0x19820] =	vst v63  }
0xcd: {  	_ =	swait.ge [sflag:s5], $0x3E80  }
0xce: {  	[sflag:s5] =	ssyncset.done $0x0  }
0xcf: {  	s24 =	simm.s32 $0x1B58;
	[sflag:s5] =	ssyncadd.s32 $0xFFFFC180  }
0xd0: {  	[tilespmem:s18], [sflag:$0x8] =	stream.indirect.gather [spmem:s2], $0x10, s24, s1, $0xb8;
	[tilespmem:$0x19820] =	vst v63  }
0xd1: {  	_ =	swait.ge [sflag:s15], $0x3E80  }
0xd2: {  	[sflag:s15] =	ssyncset.done $0x0  }
0xd3: {  	s9 =	simm.s32 $0x3E80;
	[sflag:s15] =	ssyncadd.s32 $0xFFFFC180  }
0xd4: {  	[spmem:s3] =	stream.indirect.scatter.add.f32 [tilespmem:s0], [sflag:$0x11], $0x10, s9, s1, $0xb8;
	[tilespmem:$0x19820] =	vst v63  }
0xd5: {  	_ =	swait.ge [sflag:s11], $0x3E80  }
0xd6: {  	[sflag:s11] =	ssyncset.done $0x0  }
0xd7: {  	s12 =	simm.s32 $0x1F40;
	[sflag:s11] =	ssyncadd.s32 $0xFFFFC180  }
0xd8: {  	[tilespmem:s25], [sflag:$0x9] =	stream.indirect.gather [spmem:s2], $0x10, s12, s1, $0xb8;
	[tilespmem:$0x19820] =	vst v63  }
0xd9: {  	_ =	swait.ge [sflag:s31], $0x3E80  }
0xda: {  	[sflag:s31] =	ssyncset.done $0x0  }
0xdb: {  	s13 =	simm.s32 $0x4268;
	[sflag:s31] =	ssyncadd.s32 $0xFFFFC180  }
0xdc: {  	[spmem:s3] =	stream.indirect.scatter.add.f32 [tilespmem:s18], [sflag:$0x12], $0x10, s13, s1, $0xb8;
	[tilespmem:$0x19820] =	vst v63  }
0xdd: {  	_ =	swait.ge [sflag:s29], $0x3E80  }
0xde: {  	[sflag:s29] =	ssyncset.done $0x0  }
0xdf: {  	s15 =	simm.s32 $0x2328;
	[sflag:s29] =	ssyncadd.s32 $0xFFFFC180  }
0xe0: {  	[tilespmem:s21], [sflag:$0xA] =	stream.indirect.gather [spmem:s2], $0x10, s15, s1, $0xb8;
	[tilespmem:$0x19820] =	vst v63  }
0xe1: {  	_ =	swait.ge [sflag:s14], $0x3E80  }
0xe2: {  	[sflag:s14] =	ssyncset.done $0x0  }
0xe3: {  	s16 =	simm.s32 $0x4650;
	[sflag:s14] =	ssyncadd.s32 $0xFFFFC180  }
0xe4: {  	[spmem:s3] =	stream.indirect.scatter.add.f32 [tilespmem:s25], [sflag:$0x13], $0x10, s16, s1, $0xb8;
	[tilespmem:$0x19820] =	vst v63  }
0xe5: {  	_ =	swait.ge [sflag:s7], $0x3E80  }
0xe6: {  	[sflag:s7] =	ssyncset.done $0x0  }
0xe7: {  	s17 =	simm.s32 $0x4A38;
	[sflag:s7] =	ssyncadd.s32 $0xFFFFC180  }
0xe8: {  	[spmem:s3] =	stream.indirect.scatter.add.f32 [tilespmem:s21], [sflag:$0x14], $0x10, s17, s1, $0xb8;
	[tilespmem:$0x19820] =	vst v63  }
0xe9: {  	_ =	swait.ge [sflag:s6], $0x3E80  }
0xea: {  	[sflag:s6] =	ssyncset.done $0x0  }
0xeb: {  	[sflag:s6] =	ssyncadd.s32 $0xFFFFC180  }
0xec: {  	_ =	swait.ge [sflag:s26], $0x3E80  }
0xed: {  	[sflag:s26] =	ssyncset.done $0x0  }
0xee: {  	[sflag:s26] =	ssyncadd.s32 $0xFFFFC180  }
0xef: {  	_ =	swait.ge [sflag:s10], $0x3E80  }
0xf0: {  	[sflag:s10] =	ssyncset.done $0x0  }
0xf1: {  	[sflag:s10] =	ssyncadd.s32 $0xFFFFC180  }
0xf2: {  	_ =	swait.ge [sflag:s20], $0x3E80  }
0xf3: {  	[sflag:s20] =	ssyncset.done $0x0  }
0xf4: {  	[sflag:s20] =	ssyncadd.s32 $0xFFFFC180  }
0xf5: {  	[bflag:$0x0] =	sbarrier.arrive $0xFFFF  }
0xf6: {  	s8 =	sadd.s32 $0x1, s8;
	s18 =	rddreg [dreg:$0x5]  }
0xf7: {  	s23 =	sshrl.u32 s23, $0x3;
	s24 =	rddreg [dreg:$0x16];
	s22 =	sor.u32 $0x1C15, s18  }
0xf8: {  	[hbm:s24], [sflag:s22] =	dma.local [spmem:s23], $0x500  }
0xf9: {  	s30 =	simm.s32 $0x1388;
	s5 =	simm.s32 $0xFA0;
	_ =	swait.ge [sflag:s19], $0x500  }
0xfa: {  	s0 =	simm.s32 $0x2328;
	s9 =	simm.s32 $0x1F40;
	s24 =	rddreg [dreg:$0x17]  }
0xfb: {  	s11 =	simm.s32 $0x2EE0;
	s12 =	simm.s32 $0x32C8;
	p0 =	sne.s32 s8, s24  }
.Ltmp1:
0xfc: {  	s31 =	simm.s32 $0x1B58;
	s13 =	simm.s32 $0x36B0;
	(pc) =	sbr.rel @p0 .LBB2_1-.Ltmp1, $4  }
0xfd: {  	s29 =	simm.s32 $0xBB8;
	s15 =	simm.s32 $0x3E80;
	s14 =	simm.s32 $0x3A98  }
0xfe: {  	s16 =	simm.s32 $0x4268;
	s7 =	simm.s32 $0x1770;
	s17 =	simm.s32 $0x4650  }
0xff: {  	s6 =	simm.s32 $0x2AF8;
	s26 =	simm.s32 $0x7D0;
	[sflag:s19] =	ssyncset.done $0x0  }
0x100: {  	s10 =	simm.s32 $0x2710;
	s18 =	simm.s32 $0x4A38;
	[sflag:s19] =	ssyncadd.s32 $0xFFFFFB00  }
0x101: {  	_ =	sfence.sel $0x180000  }
0x102: {  	[bflag:$0x0] =	sbarrier.arrive $0xFFFF  }
0x103: {  	_ =	strace $0x9000004D  }
0x104: {  	s0 =	stileid.u32;
	[bflag:$0x2] =	sbarrier.arrive $0xFFFF  }
0x105: {  	p0 =	sne.s32 s0, $0x0;
	s0 =	rddreg [dreg:$0x3]  }
0x106: {  	s0 =	sadd.s32 @!p0 $0x100000, s0  }
0x107: {  	[sflag:s0] =	ssyncadd.tile.s32 @!p0 $0x1;
	_ =	shalt  }
.Lfunc_end2:
_tile_overlayer_lowered:
.L_overlay_start_2:
0x108: {  	(tag) =	ssettag $0x2  }
0x109: {  	s0 =	rddreg [dreg:$0x0];
	s2 =	stileid.u32  }
0x10a: {  	s1 =	rddreg [dreg:$0x1];
	p0 =	sne.s32 s2, $0x0  }
0x10b: {  	s3 =	rddreg [dreg:$0x2];
	[bflag:$0x3] =	sbarrier.arrive $0xFFFF;
	s2 =	simm.s32 @!p0 $0x1C15  }
0x10c: {  	[timem:s3], [sflag:s2] =	dma.local @!p0 [hbm:s0], s1  }
0x10d: {  	s0 =	simm.s32 @!p0 $0x15  }
0x10e: {  	_ =	swait.ge @!p0 [sflag:s0], s1  }
0x10f: {  	s1 =	ssub.s32 @!p0 $0x0, s1;
	[sflag:s0] =	ssyncset.done @!p0 $0x0  }
0x110: {  	[sflag:s0] =	ssyncadd.s32 @!p0 s1  }
0x111: {  	[bflag:$0x3] =	sbarrier.arrive $0xFFFF  }
0x112: {  	_ =	shalt  }

// kernel: kernel.8.cloned.1.call-start
scs
__scs_entry_jumppad:
0x0: {  	(pc) =	sbr.rel $0x88, $3  }
0x1: {  	(tag) =	ssettag $0x0;
	lr =	simm.s32 $0x1  }
0x2: {  	[smem:$0x3F99] =	sst lr;
	_ =	strace $0xD0000000  }
0x3: {  	_ = 	snop  }
0x4: {  	_ = 	snop  }
0x5: {  	_ = 	snop  }
0x6: {  	_ = 	snop  }
0x7: {  	_ = 	snop  }
__scs_overlays_trampoline_lowered:
0x8: {  	[smem:$0x3FA8] =	sst s0  }
0x9: {  	[smem:$0x3FA9] =	sst s1  }
0xa: {  	[smem:$0x3FAA] =	sst s2  }
0xb: {  	[smem:$0x3FAB] =	sst s3  }
0xc: {  	[smem:$0x3FAC] =	sst s4  }
0xd: {  	[smem:$0x3FAD] =	sst s5  }
0xe: {  	[smem:$0x3FAE] =	sst s6  }
0xf: {  	[smem:$0x3FAF] =	sst s7  }
0x10: {  	[smem:$0x3FB0] =	sst s8  }
0x11: {  	[smem:$0x3FB1] =	sst s9;
	s0 =	simm.s32 @!p0 $0x0  }
0x12: {  	s1 =	sld [smem:$0x3F97];
	s0 =	simm.s32 @p0 $0x1  }
0x13: {  	[smem:$0x3FB2] =	sst s0;
	s0 =	simm.s32 @!p1 $0x0  }
0x14: {  	s2 =	sld [smem:$0x3F96];
	s0 =	simm.s32 @p1 $0x1  }
0x15: {  	[smem:$0x3FB3] =	sst s0;
	s0 =	simm.s32 @!p2 $0x0  }
0x16: {  	s3 =	sld [smem:$0x3FDB];
	s0 =	simm.s32 @p2 $0x1  }
0x17: {  	s4 =	simm.s32 $0x1BF5;
	[smem:$0x3FB5] =	sst s0  }
0x18: {  	s0 =	sld [smem:$0x3F98];
	_ =	swait.ge [sflag:s4], $0x0  }
0x19: {  	s7 =	sld [smem:$0x3F99]  }
0x1a: {  	s8 =	sadd.s32 $0xFFFFE003, lr  }
0x1b: {  	s9 =	sadd.s32 $0xFFFFFEF7, lr;
	s5 =	simm.s32 $0xFFFFFFFF;
	p2 =	slt.u32 s8, $0xFFFFF086  }
0x1c: {  	p1 =	slt.u32 s9, $0xF7A;
	s5 =	simm.s32 @!p2 $0x0  }
0x1d: {  	s5 =	simm.s32 @p1 $0x1;
	p0 =	seq.s32 s7, s2  }
0x1e: {  	s7 =	smul.u32 @!p0 $0xF7A, s2;
	p2 =	seq.s32 @!p0 s5, $0x0  }
0x1f: {  	s9 =	smul.u32 $0xF7A, s1;
	s8 =	simm.s32 @!p0 $0x1BF5;
	p2 =	por !p2, p0  }
0x20: {  	[sflag:s8] =	ssyncset.s32 @!p0 $0xFFFFF086;
	s6 =	sadd.s32 @!p0 s3, s7;
	s7 =	simm.s32 @!p0 $0x108  }
0x21: {  	s3 =	sadd.s32 s3, s9;
	s6 =	sadd.s32 @!p0 $0x88, s6;
	s7 =	simm.s32 @p2 $0x1082  }
0x22: {  	[simem:s7], [sflag:s8] =	dma.local @!p0 [hbm:s6], $0xF7A  }
0x23: {  	s9 =	sor.u32 $0xD0000000, s2;
	s6 =	simm.s32 $0x108;
	_ =	swait.ge @!p0 [sflag:s8], $0x0  }
0x24: {  	s3 =	sadd.s32 $0x88, s3;
	s6 =	simm.s32 @!p1 $0x1082;
	[sflag:s4] =	ssyncset.s32 $0xFFFFF086  }
0x25: {  	[simem:s6], [sflag:s4] =	dma.local [hbm:s3], $0xF7A  }
0x26: {  	[smem:$0x3F99] =	sst s1;
	(tag) =	ssettag s2;
	_ =	strace s9  }
0x27: {  	s1 =	sld [smem:$0x3FA9]  }
0x28: {  	s2 =	sld [smem:$0x3FAA]  }
0x29: {  	s4 =	sld [smem:$0x3FAC]  }
0x2a: {  	p0 =	seq.s32 s5, $0x0;
	s5 =	sld [smem:$0x3FAD]  }
0x2b: {  	s6 =	sld [smem:$0x3FAE]  }
0x2c: {  	s7 =	sld [smem:$0x3FAF]  }
0x2d: {  	s3 =	simm.s32 $0x108;
	s8 =	sld [smem:$0x3FB0]  }
0x2e: {  	s3 =	simm.s32 @!p0 $0x1082;
	s9 =	sld [smem:$0x3FB1]  }
0x2f: {  	lr =	sadd.s32 s0, s3;
	s0 =	sld [smem:$0x3FA8]  }
0x30: {  	s3 =	sld [smem:$0x3FAB]  }
0x31: {  	[smem:$0x3FB4] =	sst s10  }
0x32: {  	s10 =	sld [smem:$0x3FB2];
	_ =	sdelay $0x3  }
0x33: {  	p0 =	seq.s32 s10, $0x1;
	s10 =	sld [smem:$0x3FB4];
	_ =	sdelay $0x3  }
0x34: {  	[smem:$0x3FB4] =	sst s10  }
0x35: {  	s10 =	sld [smem:$0x3FB3];
	_ =	sdelay $0x3  }
0x36: {  	p1 =	seq.s32 s10, $0x1;
	s10 =	sld [smem:$0x3FB4];
	_ =	sdelay $0x3  }
0x37: {  	[smem:$0x3FB4] =	sst s10  }
0x38: {  	s10 =	sld [smem:$0x3FB5]  }
0x39: {  	_ = 	snop;
	(pc) =	sbr.ind lr, $3  }
0x3a: {  	_ = 	snop  }
0x3b: {  	_ = 	snop  }
0x3c: {  	p2 =	seq.s32 s10, $0x1;
	s10 =	sld [smem:$0x3FB4]  }
0x3d: {  	_ =	shalt  }
0x3e: {  	_ =	shalt  }
0x3f: {  	_ =	shalt  }
0x40: {  	_ =	shalt  }
0x41: {  	_ =	shalt  }
0x42: {  	_ =	shalt  }
0x43: {  	_ =	shalt  }
0x44: {  	_ =	shalt  }
0x45: {  	_ =	shalt  }
0x46: {  	_ =	shalt  }
0x47: {  	_ =	shalt  }
0x48: {  	_ =	shalt  }
0x49: {  	_ =	shalt  }
0x4a: {  	_ =	shalt  }
0x4b: {  	_ =	shalt  }
0x4c: {  	_ =	shalt  }
0x4d: {  	_ =	shalt  }
0x4e: {  	_ =	shalt  }
0x4f: {  	_ =	shalt  }
0x50: {  	_ =	shalt  }
0x51: {  	_ =	shalt  }
0x52: {  	_ =	shalt  }
0x53: {  	_ =	shalt  }
0x54: {  	_ =	shalt  }
0x55: {  	_ =	shalt  }
0x56: {  	_ =	shalt  }
0x57: {  	_ =	shalt  }
0x58: {  	_ =	shalt  }
0x59: {  	_ =	shalt  }
0x5a: {  	_ =	shalt  }
0x5b: {  	_ =	shalt  }
0x5c: {  	_ =	shalt  }
0x5d: {  	_ =	shalt  }
0x5e: {  	_ =	shalt  }
0x5f: {  	_ =	shalt  }
0x60: {  	_ =	shalt  }
0x61: {  	_ =	shalt  }
0x62: {  	_ =	shalt  }
0x63: {  	_ =	shalt  }
0x64: {  	_ =	shalt  }
0x65: {  	_ =	shalt  }
0x66: {  	_ =	shalt  }
0x67: {  	_ =	shalt  }
0x68: {  	_ =	shalt  }
0x69: {  	_ =	shalt  }
0x6a: {  	_ =	shalt  }
0x6b: {  	_ =	shalt  }
0x6c: {  	_ =	shalt  }
0x6d: {  	_ =	shalt  }
0x6e: {  	_ =	shalt  }
0x6f: {  	_ =	shalt  }
0x70: {  	_ =	shalt  }
0x71: {  	_ =	shalt  }
0x72: {  	_ =	shalt  }
0x73: {  	_ =	shalt  }
0x74: {  	_ =	shalt  }
0x75: {  	_ =	shalt  }
0x76: {  	_ =	shalt  }
0x77: {  	_ =	shalt  }
0x78: {  	_ =	shalt  }
0x79: {  	_ =	shalt  }
0x7a: {  	_ =	shalt  }
0x7b: {  	_ =	shalt  }
0x7c: {  	_ =	shalt  }
0x7d: {  	_ =	shalt  }
0x7e: {  	_ =	shalt  }
0x7f: {  	_ =	shalt  }
0x80: {  	_ =	shalt  }
0x81: {  	_ =	shalt  }
0x82: {  	_ =	shalt  }
0x83: {  	_ =	shalt  }
0x84: {  	_ =	shalt  }
0x85: {  	_ =	shalt  }
0x86: {  	_ =	shalt  }
0x87: {  	_ =	shalt  }
.Lfunc_end0:
.L_simem_size_0:
called_computation_lowered:
.L_overlay_start_0:
0x88: {  	s2 =	sld [smem:$0x3FD9]  }
0x89: {  	s3 =	sld [smem:$0x3FFE];
	_ =	sdelay $0x1  }
0x8a: {  	s1 =	srdreg.scid  }
0x8b: {  	s0 =	sand.u32 $0x1, s1  }
0x8c: {  	s16 =	sshll.u32 s0, $0xA;
	s2 =	sadd.s32 s3, s2  }
0x8d: {  	s2 =	sadd.s32 s2, s16  }
0x8e: {  	[smem:$0x3FC0] =	sst s2  }
0x8f: {  	_ = 	snop  }
0x90: {  	(tm) =	ssettm $0x1  }
0x91: {  	s17 =	sld [smem:$0x3FFB];
	_ =	sdelay $0x3  }
0x92: {  	_ =	strace s17  }
0x93: {  	s2 =	sld [smem:$0x3FFC];
	_ =	sdelay $0x3  }
0x94: {  	_ =	strace s2  }
0x95: {  	s2 =	sld [smem:$0x3FFD];
	_ =	sdelay $0x3  }
0x96: {  	_ =	strace s2  }
0x97: {  	_ =	strace $0x8FFFFFFF  }
0x98: {  	s18 =	sld [smem:$0x3FDB];
	_ =	sdelay $0x1  }
0x99: {  	s19 =	simm.s32 $_scs_section_size  }
0x9a: {  	s4 =	simm.s32 $_size__tile_overlayer_lowered;
	s5 =	simm.s32 $_tile_overlayer_lowered  }
0x9b: {  	s22 =	simm.s32 $0x1BFF;
	s21 =	sshll.u32 s5, $0x1;
	s2 =	sadd.s32 s19, s18  }
0x9c: {  	s6 =	simm.s32 $0x0;
	s20 =	sshll.u32 s4, $0x1;
	s4 =	sadd.s32 s21, s2  }
0x9d: {  	[timem:s6], [sflag:s22] =	dma.local [hbm:s4], s20  }
0x9e: {  	_ =	swait.ge [sflag:s22], s20  }
0x9f: {  	s3 =	ssub.s32 $0x0, s20;
	[sflag:s22] =	ssyncset.done $0x0  }
0xa0: {  	[sflag:s22] =	ssyncadd.s32 s3;
	_ =	sdelay $0x1  }
0xa1: {  	s23 =	simm.s32 $0x1B8B  }
0xa2: {  	_ =	swait.ge [sflag:s23], $0x1  }
0xa3: {  	[sflag:s23] =	ssyncset.done $0x0  }
0xa4: {  	s25 =	simm.s32 $0x1B8E;
	s24 =	sld [smem:$0x3FFE];
	[sflag:s23] =	ssyncadd.s32 $0xFFFFFFFF  }
0xa5: {  	s26 =	simm.s32 $execute0_lowered;
	[smem:$0x3FD2] =	sst s25  }
0xa6: {  	s4 =	sshll.u32 s26, $0x1;
	_ =	strace $0x80000046;
	[dreg:$0x1] =	wrdreg $0xFFFFFFFF  }
0xa7: {  	s28 =	simm.s32 $_size_execute0_lowered;
	s2 =	sadd.s32 s2, s4;
	[dreg:$0x0] =	wrdreg $0x0  }
0xa8: {  	s4 =	sshll.u32 s28, $0x1;
	[dreg:$0x2] =	wrdreg s2  }
0xa9: {  	[dreg:$0x3] =	wrdreg s4  }
0xaa: {  	[dreg:$0x4] =	wrdreg $0xC0  }
0xab: {  	_ =	task [dreg:s6], $0x5FFFF  }
0xac: {  	[dreg:$0x1] =	wrdreg $0xFFFFFFFF  }
0xad: {  	[dreg:$0x0] =	wrdreg $0x60  }
0xae: {  	[dreg:$0x2] =	wrdreg s24  }
0xaf: {  	[dreg:$0x3] =	wrdreg $0x52F80  }
0xb0: {  	[dreg:$0x4] =	wrdreg $0x9  }
0xb1: {  	_ =	task.clear_ibuf [dreg:s6], $0x5FFFF;
	_ =	strace $0x90000046  }
0xb2: {  	s29 =	simm.s32 $0x9;
	_ =	strace $0x80000048  }
0xb3: {  	_ =	swait.ge [sflag:s29], $0x1  }
0xb4: {  	[sflag:s29] =	ssyncadd.s32 $0xFFFFFFFF  }
0xb5: {  	_ =	strace $0x90000048  }
0xb6: {  	_ =	sfence  }
0xb7: {  	s30 =	sld [smem:$0x0];
	_ =	sdelay $0x2  }
0xb8: {  	s31 =	sshll.u32 s1, $0xD;
	s1 =	sshrl.u32 s1, $0x2  }
0xb9: {  	s3 =	sand.u32 $0x4000, s31;
	s1 =	sadd.s32 s1, s30  }
0xba: {  	s0 =	sor.u32 s3, s0;
	s1 =	sshll.u32 s1, $0x11  }
0xbb: {  	s0 =	sor.u32 s1, s0  }
0xbc: {  	s0 =	sadd.s32 $0x8F2B, s0  }
0xbd: {  	[sflag:s0] =	ssyncadd.remote.s32 $0x1  }
0xbe: {  	_ =	sfence.sel $0xFFFF  }
0xbf: {  	[dreg:$0x0] =	wrdreg $0xFFFFFFFF;
	(pc) =	sbr.abs _section_cstart, $3  }
0xc0: {  	[dreg:$0x1] =	wrdreg $0xFFFFFFFF  }
0xc1: {  	_ =	task.clear_ibuf [dreg:s6], $0x2FFFF;
	_ =	strace $0x9FFFFFFF  }
0xc2: {  	(tm) =	ssettm $0x7FFFFFFF  }
0xc3: {  	_ =	shalt  }
tec
execute0_lowered:
.L_overlay_start_1:
0x0: {  	(tag) =	ssettag $0x1  }
0x1: {  	s0 =	rddreg [dreg:$0x0]  }
0x2: {  	s1 =	srdreg.scid;
	s2 =	rddreg [dreg:$0x1]  }
0x3: {  	s9 =	stileid.u32;
	s3 =	simm.s32 $0x0;
	s28 =	simm.s32 $0xB  }
0x4: {  	s29 =	simm.s32 $0x1;
	s30 =	simm.s32 $0x2;
	s31 =	simm.s32 $0x3  }
0x5: {  	s1 =	sand.u32 $0x1, s1;
	s5 =	smul.u32 $0x2800, s9;
	[smem:$0x7FF] =	sst s3  }
0x6: {  	s6 =	sshll.u32 s9, $0x1;
	s14 =	sadd.s32 $0x2000, s0;
	s23 =	smul.u32 $0xA00, s9  }
0x7: {  	s9 =	simm.s32 $0x0;
	s4 =	smul.u32 $0x28000, s1;
	_ =	strace $0x80000047  }
0x8: {  	s13 =	sor.u32 s1, s6;
	s1 =	ssub.s32 $0x2, s1;
	s6 =	simm.s32 $0x8  }
0x9: {  	s15 =	sshrl.u32 s1, $0x1;
	s4 =	sadd.s32 s5, s4;
	s5 =	smul.u32 $0x2710, s13  }
0xa: {  	s26 =	sshrl.u32 s23, $0x2;
	s23 =	simm.s32 $0x1B58;
	s4 =	sshrl.u32 s4, $0x3  }
0xb: {  	s1 =	ssub.s32 s1, s15;
	s0 =	sadd.s32 s4, s0;
	s16 =	sshrl.u32 s5, $0x3  }
0xc: {  	s7 =	sadd.s32 $0x4E5E8, s5;
	s8 =	sadd.s32 $0x4EDB8, s5;
	s19 =	sadd.s32 $0x4F588, s5  }
0xd: {  	s21 =	sadd.s32 $0x4FD58, s5;
	s5 =	sadd.s32 $0x50528, s5;
	s4 =	sadd.s32 s14, s16  }
0xe: {  	s7 =	sshrl.u32 s7, $0x3;
	s17 =	sshrl.u32 s8, $0x3;
	s22 =	sshrl.u32 s21, $0x3  }
0xf: {  	s25 =	sshrl.u32 s5, $0x3;
	s15 =	sadd.s32 $0x15A00, s0;
	s16 =	smax.u32 s1, $0x1  }
0x10: {  	s21 =	simm.s32 $0x1388;
	s0 =	simm.s32 $0x4;
	s10 =	sadd.s32 $0x9C40, s4  }
0x11: {  	s1 =	simm.s32 $0x5;
	s7 =	sadd.s32 s14, s7;
	[dreg:$0x3] =	wrdreg s10  }
0x12: {  	s5 =	simm.s32 $0x7;
	s18 =	sadd.s32 $0x9D3A, s4;
	[dreg:$0x4] =	wrdreg s7  }
0x13: {  	s8 =	simm.s32 $0xA;
	s20 =	sadd.s32 $0x9E34, s4;
	[dreg:$0x5] =	wrdreg s18  }
0x14: {  	s24 =	sadd.s32 $0x9F2E, s4;
	s4 =	sadd.s32 $0xA028, s4;
	[dreg:$0x7] =	wrdreg s20  }
0x15: {  	s13 =	sadd.s32 s14, s25;
	s25 =	simm.s32 $0x2328;
	[dreg:$0x9] =	wrdreg s24  }
0x16: {  	s7 =	sadd.s32 s14, s17;
	[dreg:$0xb] =	wrdreg s4;
	s17 =	simm.s32 $0x3E8  }
0x17: {  	s18 =	simm.s32 $0x7D0;
	[dreg:$0x6] =	wrdreg s7;
	s7 =	sshrl.u32 s19, $0x3  }
0x18: {  	s20 =	simm.s32 $0xFA0;
	s24 =	simm.s32 $0x1F40;
	s7 =	sadd.s32 s14, s7  }
0x19: {  	s4 =	simm.s32 $0x6;
	s19 =	simm.s32 $0xBB8;
	[dreg:$0x8] =	wrdreg s7  }
0x1a: {  	s7 =	sadd.s32 s14, s22;
	s14 =	sadd.s32 s26, s2;
	s22 =	simm.s32 $0x1770  }
0x1b: {  	v0 =	vimm.f32 $0.0e+00;
	v1 =	vimm.f32 $1.000000000e+00;
	s26 =	simm.s32 $0x2710;
	[dreg:$0xa] =	wrdreg s7;
	s7 =	simm.s32 $0x9  }
.LBB2_1:
0x1c: {  	s10 =	rddreg [dreg:$0x3]  }
0x1d: {  	[tilespmem:s3], [sflag:$0x1] =	stream.linear.gather [hbm4b:s10+s3], $0x3E8, $0x38;
	[tilespmem:$0x5578] =	vst v63  }
0x1e: {  	s12 =	rddreg [dreg:$0x4]  }
0x1f: {  	[tilespmem:s17], [sflag:$0x2] =	stream.linear.gather [hbm4b:s12+s3], $0x3E8, $0x38;
	[tilespmem:$0x5578] =	vst v63  }
0x20: {  	s11 =	rddreg [dreg:$0x5]  }
0x21: {  	[tilespmem:s18], [sflag:$0x3] =	stream.linear.gather [hbm4b:s11+s3], $0x3E8, $0x38;
	[tilespmem:$0x5578] =	vst v63  }
0x22: {  	s12 =	rddreg [dreg:$0x6]  }
0x23: {  	[tilespmem:s19], [sflag:$0x4] =	stream.linear.gather [hbm4b:s12+s3], $0x3E8, $0x38;
	[tilespmem:$0x5578] =	vst v63  }
0x24: {  	s11 =	rddreg [dreg:$0x7]  }
0x25: {  	[tilespmem:s20], [sflag:$0x5] =	stream.linear.gather [hbm4b:s11+s3], $0x3E8, $0x38;
	[tilespmem:$0x5578] =	vst v63  }
0x26: {  	s12 =	rddreg [dreg:$0x8]  }
0x27: {  	[tilespmem:s21], [sflag:$0x6] =	stream.linear.gather [hbm4b:s12+s3], $0x3E8, $0x38;
	[tilespmem:$0x5578] =	vst v63  }
0x28: {  	s11 =	rddreg [dreg:$0x9]  }
0x29: {  	[tilespmem:s22], [sflag:$0x7] =	stream.linear.gather [hbm4b:s11+s3], $0x3E8, $0x38;
	[tilespmem:$0x5578] =	vst v63  }
0x2a: {  	s12 =	rddreg [dreg:$0xa]  }
0x2b: {  	[tilespmem:s23], [sflag:$0x8] =	stream.linear.gather [hbm4b:s12+s3], $0x3E8, $0x38;
	[tilespmem:$0x5578] =	vst v63  }
0x2c: {  	s11 =	rddreg [dreg:$0xb]  }
0x2d: {  	[tilespmem:s24], [sflag:$0x9] =	stream.linear.gather [hbm4b:s11+s3], $0x3E8, $0x38;
	[tilespmem:$0x5578] =	vst v63  }
0x2e: {  	_ = 	snop  }
0x2f: {  	[tilespmem:s25], [sflag:$0xA] =	stream.linear.gather [hbm4b:s13+s3], $0x3E8, $0x38;
	[tilespmem:$0x5578] =	vst v63  }
0x30: {  	[tilespmem:$0x2710] =	vst v0  }
0x31: {  	[tilespmem:$0x2720] =	vst v0  }
0x32: {  	[tilespmem:$0x2730] =	vst v0  }
0x33: {  	[tilespmem:$0x2740] =	vst v0  }
0x34: {  	[tilespmem:$0x2750] =	vst v0  }
0x35: {  	[tilespmem:$0x2760] =	vst v0  }
0x36: {  	[tilespmem:$0x2770] =	vst v0  }
0x37: {  	[tilespmem:$0x2780] =	vst v0  }
0x38: {  	[tilespmem:$0x2790] =	vst v0  }
0x39: {  	[tilespmem:$0x27A0] =	vst v0  }
0x3a: {  	[tilespmem:$0x27B0] =	vst v0  }
0x3b: {  	[tilespmem:$0x27C0] =	vst v0  }
0x3c: {  	[tilespmem:$0x27D0] =	vst v0  }
0x3d: {  	[tilespmem:$0x27E0] =	vst v0  }
0x3e: {  	[tilespmem:$0x27F0] =	vst v0  }
0x3f: {  	[tilespmem:$0x2800] =	vst v0  }
0x40: {  	[tilespmem:$0x2810] =	vst v0  }
0x41: {  	[tilespmem:$0x2820] =	vst v0  }
0x42: {  	[tilespmem:$0x2830] =	vst v0  }
0x43: {  	[tilespmem:$0x2840] =	vst v0  }
0x44: {  	[tilespmem:$0x2850] =	vst v0  }
0x45: {  	[tilespmem:$0x2860] =	vst v0  }
0x46: {  	[tilespmem:$0x2870] =	vst v0  }
0x47: {  	[tilespmem:$0x2880] =	vst v0  }
0x48: {  	[tilespmem:$0x2890] =	vst v0  }
0x49: {  	[tilespmem:$0x28A0] =	vst v0  }
0x4a: {  	[tilespmem:$0x28B0] =	vst v0  }
0x4b: {  	[tilespmem:$0x28C0] =	vst v0  }
0x4c: {  	[tilespmem:$0x28D0] =	vst v0  }
0x4d: {  	[tilespmem:$0x28E0] =	vst v0  }
0x4e: {  	[tilespmem:$0x28F0] =	vst v0  }
0x4f: {  	[tilespmem:$0x2900] =	vst v0  }
0x50: {  	[tilespmem:$0x2910] =	vst v0  }
0x51: {  	[tilespmem:$0x2920] =	vst v0  }
0x52: {  	[tilespmem:$0x2930] =	vst v0  }
0x53: {  	[tilespmem:$0x2940] =	vst v0  }
0x54: {  	[tilespmem:$0x2950] =	vst v0  }
0x55: {  	[tilespmem:$0x2960] =	vst v0  }
0x56: {  	[tilespmem:$0x2970] =	vst v0  }
0x57: {  	[tilespmem:$0x2980] =	vst v0  }
0x58: {  	[spmem:s14] =	stream.linear.scatter [tilespmem:s26], [sflag:$0xB], $0x280, $0x38;
	[tilespmem:$0x5578] =	vst v63  }
0x59: {  	_ =	swait.ge [sflag:s28], $0x280  }
0x5a: {  	[sflag:s28] =	ssyncset.done $0x0  }
0x5b: {  	[sflag:s28] =	ssyncadd.s32 $0xFFFFFD80  }
0x5c: {  	[tilespmem:$0x2710] =	vst v1  }
0x5d: {  	[tilespmem:$0x2720] =	vst v1  }
0x5e: {  	[tilespmem:$0x2730] =	vst v1  }
0x5f: {  	[tilespmem:$0x2740] =	vst v1  }
0x60: {  	[tilespmem:$0x2750] =	vst v1  }
0x61: {  	[tilespmem:$0x2760] =	vst v1  }
0x62: {  	[tilespmem:$0x2770] =	vst v1  }
0x63: {  	[tilespmem:$0x2780] =	vst v1  }
0x64: {  	[tilespmem:$0x2790] =	vst v1  }
0x65: {  	[tilespmem:$0x27A0] =	vst v1  }
0x66: {  	[tilespmem:$0x27B0] =	vst v1  }
0x67: {  	[tilespmem:$0x27C0] =	vst v1  }
0x68: {  	[tilespmem:$0x27D0] =	vst v1  }
0x69: {  	[tilespmem:$0x27E0] =	vst v1  }
0x6a: {  	[tilespmem:$0x27F0] =	vst v1  }
0x6b: {  	[tilespmem:$0x2800] =	vst v1  }
0x6c: {  	[tilespmem:$0x2810] =	vst v1  }
0x6d: {  	[tilespmem:$0x2820] =	vst v1  }
0x6e: {  	[tilespmem:$0x2830] =	vst v1  }
0x6f: {  	[tilespmem:$0x2840] =	vst v1  }
0x70: {  	[tilespmem:$0x2850] =	vst v1  }
0x71: {  	[tilespmem:$0x2860] =	vst v1  }
0x72: {  	[tilespmem:$0x2870] =	vst v1  }
0x73: {  	[tilespmem:$0x2880] =	vst v1  }
0x74: {  	[tilespmem:$0x2890] =	vst v1  }
0x75: {  	[tilespmem:$0x28A0] =	vst v1  }
0x76: {  	[tilespmem:$0x28B0] =	vst v1  }
0x77: {  	[tilespmem:$0x28C0] =	vst v1  }
0x78: {  	[tilespmem:$0x28D0] =	vst v1  }
0x79: {  	[tilespmem:$0x28E0] =	vst v1  }
0x7a: {  	[tilespmem:$0x28F0] =	vst v1  }
0x7b: {  	[tilespmem:$0x2900] =	vst v1  }
0x7c: {  	[tilespmem:$0x2910] =	vst v1  }
0x7d: {  	[tilespmem:$0x2920] =	vst v1  }
0x7e: {  	[tilespmem:$0x2930] =	vst v1  }
0x7f: {  	[tilespmem:$0x2940] =	vst v1  }
0x80: {  	[tilespmem:$0x2950] =	vst v1  }
0x81: {  	[tilespmem:$0x2960] =	vst v1  }
0x82: {  	[tilespmem:$0x2970] =	vst v1  }
0x83: {  	[tilespmem:$0x2980] =	vst v1  }
0x84: {  	[tilespmem:$0x2990] =	vst v1  }
0x85: {  	[tilespmem:$0x29A0] =	vst v1  }
0x86: {  	[tilespmem:$0x29B0] =	vst v1  }
0x87: {  	[tilespmem:$0x29C0] =	vst v1  }
0x88: {  	[tilespmem:$0x29D0] =	vst v1  }
0x89: {  	[tilespmem:$0x29E0] =	vst v1  }
0x8a: {  	[tilespmem:$0x29F0] =	vst v1  }
0x8b: {  	[tilespmem:$0x2A00] =	vst v1  }
0x8c: {  	[tilespmem:$0x2A10] =	vst v1  }
0x8d: {  	[tilespmem:$0x2A20] =	vst v1  }
0x8e: {  	[tilespmem:$0x2A30] =	vst v1  }
0x8f: {  	[tilespmem:$0x2A40] =	vst v1  }
0x90: {  	[tilespmem:$0x2A50] =	vst v1  }
0x91: {  	[tilespmem:$0x2A60] =	vst v1  }
0x92: {  	[tilespmem:$0x2A70] =	vst v1  }
0x93: {  	[tilespmem:$0x2A80] =	vst v1  }
0x94: {  	[tilespmem:$0x2A90] =	vst v1  }
0x95: {  	[tilespmem:$0x2AA0] =	vst v1  }
0x96: {  	[tilespmem:$0x2AB0] =	vst v1  }
0x97: {  	[tilespmem:$0x2AC0] =	vst v1  }
0x98: {  	[tilespmem:$0x2AD0] =	vst v1  }
0x99: {  	[tilespmem:$0x2AE0] =	vst v1  }
0x9a: {  	[tilespmem:$0x2AE8] =	vst v1  }
0x9b: {  	_ =	swait.ge [sflag:s29], $0x3E8  }
0x9c: {  	[sflag:s29] =	ssyncset.done $0x0  }
0x9d: {  	[sflag:s29] =	ssyncadd.s32 $0xFFFFFC18  }
0x9e: {  	_ =	swait.ge [sflag:s30], $0x3E8  }
0x9f: {  	[sflag:s30] =	ssyncset.done $0x0  }
0xa0: {  	[sflag:s30] =	ssyncadd.s32 $0xFFFFFC18  }
0xa1: {  	_ =	swait.ge [sflag:s31], $0x3E8  }
0xa2: {  	[sflag:s31] =	ssyncset.done $0x0  }
0xa3: {  	[sflag:s31] =	ssyncadd.s32 $0xFFFFFC18  }
0xa4: {  	_ =	swait.ge [sflag:s0], $0x3E8  }
0xa5: {  	[sflag:s0] =	ssyncset.done $0x0  }
0xa6: {  	[sflag:s0] =	ssyncadd.s32 $0xFFFFFC18  }
0xa7: {  	_ =	swait.ge [sflag:s1], $0x3E8  }
0xa8: {  	[sflag:s1] =	ssyncset.done $0x0  }
0xa9: {  	[sflag:s1] =	ssyncadd.s32 $0xFFFFFC18  }
0xaa: {  	_ =	swait.ge [sflag:s4], $0x3E8  }
0xab: {  	[sflag:s4] =	ssyncset.done $0x0  }
0xac: {  	[sflag:s4] =	ssyncadd.s32 $0xFFFFFC18  }
0xad: {  	_ =	swait.ge [sflag:s5], $0x3E8  }
0xae: {  	[sflag:s5] =	ssyncset.done $0x0  }
0xaf: {  	[sflag:s5] =	ssyncadd.s32 $0xFFFFFC18  }
0xb0: {  	_ =	swait.ge [sflag:s6], $0x3E8  }
0xb1: {  	[sflag:s6] =	ssyncset.done $0x0  }
0xb2: {  	[sflag:s6] =	ssyncadd.s32 $0xFFFFFC18  }
0xb3: {  	_ =	swait.ge [sflag:s7], $0x3E8  }
0xb4: {  	[sflag:s7] =	ssyncset.done $0x0  }
0xb5: {  	[sflag:s7] =	ssyncadd.s32 $0xFFFFFC18  }
0xb6: {  	_ =	swait.ge [sflag:s8], $0x3E8  }
0xb7: {  	[sflag:s8] =	ssyncset.done $0x0  }
0xb8: {  	[sflag:s8] =	ssyncadd.s32 $0xFFFFFC18  }
0xb9: {  	[bflag:$0x0] =	sbarrier.arrive $0xFFFF  }
0xba: {  	[spmem:s2] =	stream.indirect.scatter.add.f32 [tilespmem:s26], [sflag:$0x1], $0x1, s3, s17, $0xb8;
	[tilespmem:$0x5578] =	vst v63  }
0xbb: {  	_ = 	snop  }
0xbc: {  	[spmem:s2] =	stream.indirect.scatter.add.f32 [tilespmem:s26], [sflag:$0x2], $0x1, s17, s17, $0xb8;
	[tilespmem:$0x5578] =	vst v63  }
0xbd: {  	_ = 	snop  }
0xbe: {  	[spmem:s2] =	stream.indirect.scatter.add.f32 [tilespmem:s26], [sflag:$0x3], $0x1, s18, s17, $0xb8;
	[tilespmem:$0x5578] =	vst v63  }
0xbf: {  	_ = 	snop  }
0xc0: {  	[spmem:s2] =	stream.indirect.scatter.add.f32 [tilespmem:s26], [sflag:$0x4], $0x1, s19, s17, $0xb8;
	[tilespmem:$0x5578] =	vst v63  }
0xc1: {  	_ = 	snop  }
0xc2: {  	[spmem:s2] =	stream.indirect.scatter.add.f32 [tilespmem:s26], [sflag:$0x5], $0x1, s20, s17, $0xb8;
	[tilespmem:$0x5578] =	vst v63  }
0xc3: {  	_ = 	snop  }
0xc4: {  	[spmem:s2] =	stream.indirect.scatter.add.f32 [tilespmem:s26], [sflag:$0x6], $0x1, s21, s17, $0xb8;
	[tilespmem:$0x5578] =	vst v63  }
0xc5: {  	_ = 	snop  }
0xc6: {  	[spmem:s2] =	stream.indirect.scatter.add.f32 [tilespmem:s26], [sflag:$0x7], $0x1, s22, s17, $0xb8;
	[tilespmem:$0x5578] =	vst v63  }
0xc7: {  	_ = 	snop  }
0xc8: {  	[spmem:s2] =	stream.indirect.scatter.add.f32 [tilespmem:s26], [sflag:$0x8], $0x1, s23, s17, $0xb8;
	[tilespmem:$0x5578] =	vst v63  }
0xc9: {  	_ = 	snop  }
0xca: {  	[spmem:s2] =	stream.indirect.scatter.add.f32 [tilespmem:s26], [sflag:$0x9], $0x1, s24, s17, $0xb8;
	[tilespmem:$0x5578] =	vst v63  }
0xcb: {  	_ = 	snop  }
0xcc: {  	[spmem:s2] =	stream.indirect.scatter.add.f32 [tilespmem:s26], [sflag:$0xA], $0x1, s25, s17, $0xb8;
	[tilespmem:$0x5578] =	vst v63  }
0xcd: {  	_ =	swait.ge [sflag:s29], $0x3E8  }
0xce: {  	[sflag:s29] =	ssyncset.done $0x0  }
0xcf: {  	[sflag:s29] =	ssyncadd.s32 $0xFFFFFC18  }
0xd0: {  	_ =	swait.ge [sflag:s30], $0x3E8  }
0xd1: {  	[sflag:s30] =	ssyncset.done $0x0  }
0xd2: {  	[sflag:s30] =	ssyncadd.s32 $0xFFFFFC18  }
0xd3: {  	_ =	swait.ge [sflag:s31], $0x3E8  }
0xd4: {  	[sflag:s31] =	ssyncset.done $0x0  }
0xd5: {  	[sflag:s31] =	ssyncadd.s32 $0xFFFFFC18  }
0xd6: {  	_ =	swait.ge [sflag:s0], $0x3E8  }
0xd7: {  	[sflag:s0] =	ssyncset.done $0x0  }
0xd8: {  	[sflag:s0] =	ssyncadd.s32 $0xFFFFFC18  }
0xd9: {  	_ =	swait.ge [sflag:s1], $0x3E8  }
0xda: {  	[sflag:s1] =	ssyncset.done $0x0  }
0xdb: {  	[sflag:s1] =	ssyncadd.s32 $0xFFFFFC18  }
0xdc: {  	_ =	swait.ge [sflag:s4], $0x3E8  }
0xdd: {  	[sflag:s4] =	ssyncset.done $0x0  }
0xde: {  	[sflag:s4] =	ssyncadd.s32 $0xFFFFFC18  }
0xdf: {  	_ =	swait.ge [sflag:s5], $0x3E8  }
0xe0: {  	[sflag:s5] =	ssyncset.done $0x0  }
0xe1: {  	[sflag:s5] =	ssyncadd.s32 $0xFFFFFC18  }
0xe2: {  	_ =	swait.ge [sflag:s6], $0x3E8  }
0xe3: {  	[sflag:s6] =	ssyncset.done $0x0  }
0xe4: {  	[sflag:s6] =	ssyncadd.s32 $0xFFFFFC18  }
0xe5: {  	_ =	swait.ge [sflag:s7], $0x3E8  }
0xe6: {  	[sflag:s7] =	ssyncset.done $0x0  }
0xe7: {  	[sflag:s7] =	ssyncadd.s32 $0xFFFFFC18  }
0xe8: {  	_ =	swait.ge [sflag:s8], $0x3E8  }
0xe9: {  	[sflag:s8] =	ssyncset.done $0x0  }
0xea: {  	[sflag:s8] =	ssyncadd.s32 $0xFFFFFC18  }
0xeb: {  	[bflag:$0x0] =	sbarrier.arrive $0xFFFF  }
0xec: {  	[tilespmem:s26], [sflag:$0xB] =	stream.linear.gather [spmem:s14], $0x280, $0x38;
	[tilespmem:$0x5578] =	vst v63  }
0xed: {  	_ =	swait.ge [sflag:s28], $0x280  }
0xee: {  	[sflag:s28] =	ssyncset.done $0x0  }
0xef: {  	s12 =	simm.s32 $0x0;
	[sflag:s28] =	ssyncadd.s32 $0xFFFFFD80  }
0xf0: {  	v2 =	vld [tilespmem:s12+$0x2710];
	_ =	sdelay $0x4  }
0xf1: {  	v3 =	vbroadcast v2, $0x0  }
0xf2: {  	s10 =	simm.s32 $0x2B78;
	v4 =	vbroadcast v2, $0x1  }
0xf3: {  	v5 =	vbroadcast v2, $0x2;
	[tilespmem:s10+$0xFFFFFF80] =	vst v3  }
0xf4: {  	v56 =	vbroadcast v2, $0x4;
	[tilespmem:s10+$0xFFFFFF90] =	vst v4  }
0xf5: {  	v57 =	vbroadcast v2, $0x5;
	[tilespmem:s10+$0xFFFFFFA0] =	vst v5  }
0xf6: {  	v58 =	vbroadcast v2, $0x7;
	[tilespmem:s10+$0xFFFFFFC0] =	vst v56  }
0xf7: {  	v59 =	vbroadcast v2, $0x8;
	[tilespmem:s10+$0xFFFFFFD0] =	vst v57  }
0xf8: {  	v60 =	vbroadcast v2, $0xA;
	[tilespmem:s10+$0xFFFFFFF0] =	vst v58  }
0xf9: {  	v3 =	vbroadcast v2, $0x3;
	[tilespmem:s10+$0x0] =	vst v59  }
0xfa: {  	v61 =	vbroadcast v2, $0xB;
	[tilespmem:s10+$0x20] =	vst v60  }
0xfb: {  	[tilespmem:s10+$0xFFFFFFB0] =	vst v3;
	v3 =	vbroadcast v2, $0x6  }
0xfc: {  	v62 =	vbroadcast v2, $0xD;
	[tilespmem:s10+$0x30] =	vst v61  }
0xfd: {  	[tilespmem:s10+$0xFFFFFFE0] =	vst v3;
	v3 =	vbroadcast v2, $0x9  }
0xfe: {  	v63 =	vbroadcast v2, $0xE;
	[tilespmem:s10+$0x50] =	vst v62  }
0xff: {  	[tilespmem:s10+$0x10] =	vst v3;
	v3 =	vbroadcast v2, $0xC  }
0x100: {  	[tilespmem:s10+$0x60] =	vst v63;
	v2 =	vbroadcast v2, $0xF  }
0x101: {  	[tilespmem:s10+$0x40] =	vst v3  }
0x102: {  	s11 =	simm.s32 $0x80;
	s12 =	simm.s32 $0x10;
	[tilespmem:s10+$0x70] =	vst v2  }
.LBB2_2:
0x103: {  	p0 =	sne.s32 s11, $0x9C0;
	v2 =	vld [tilespmem:s12+$0x2710];
	_ =	sdelay $0x4  }
0x104: {  	v3 =	vbroadcast v2, $0x0;
	v4 =	vbroadcast v2, $0x1  }
0x105: {  	s10 =	sadd.s32 $0x100, s10;
	v5 =	vbroadcast v2, $0x2;
	v6 =	vbroadcast v2, $0x3  }
0x106: {  	v7 =	vbroadcast v2, $0x5;
	[tilespmem:s10+$0xFFFFFF80] =	vst v3;
	v3 =	vbroadcast v2, $0x4  }
0x107: {  	v8 =	vbroadcast v2, $0x7;
	[tilespmem:s10+$0xFFFFFF90] =	vst v4;
	v4 =	vbroadcast v2, $0x6  }
0x108: {  	v9 =	vbroadcast v2, $0x9;
	[tilespmem:s10+$0xFFFFFFA0] =	vst v5;
	v5 =	vbroadcast v2, $0x8  }
0x109: {  	v10 =	vbroadcast v2, $0xB;
	[tilespmem:s10+$0xFFFFFFB0] =	vst v6;
	v6 =	vbroadcast v2, $0xA  }
0x10a: {  	v11 =	vbroadcast v2, $0xD;
	[tilespmem:s10+$0xFFFFFFC0] =	vst v3;
	v3 =	vbroadcast v2, $0xC  }
0x10b: {  	[tilespmem:s10+$0xFFFFFFD0] =	vst v7;
	v7 =	vbroadcast v2, $0xE;
	v2 =	vbroadcast v2, $0xF  }
0x10c: {  	[tilespmem:s10+$0xFFFFFFE0] =	vst v4  }
0x10d: {  	[tilespmem:s10+$0xFFFFFFF0] =	vst v8  }
0x10e: {  	[tilespmem:s10+$0x0] =	vst v5  }
0x10f: {  	[tilespmem:s10+$0x10] =	vst v9  }
0x110: {  	[tilespmem:s10+$0x20] =	vst v6  }
.Ltmp0:
0x111: {  	[tilespmem:s10+$0x30] =	vst v10;
	(pc) =	sbr.rel @p0 .LBB2_2-.Ltmp0, $4  }
0x112: {  	[tilespmem:s10+$0x40] =	vst v3  }
0x113: {  	[tilespmem:s10+$0x50] =	vst v11  }
0x114: {  	[tilespmem:s10+$0x60] =	vst v7  }
0x115: {  	s12 =	sshra.s32 s11, $0x2;
	s11 =	sadd.s32 $0x40, s11;
	[tilespmem:s10+$0x70] =	vst v2  }
0x116: {  	v2 =	vld [tilespmem:s12+$0x2710];
	_ =	sdelay $0x4  }
0x117: {  	v3 =	vbroadcast v2, $0x0  }
0x118: {  	s10 =	sadd.s32 $0x100, s10;
	v4 =	vbroadcast v2, $0x1  }
0x119: {  	v5 =	vbroadcast v2, $0x2;
	[tilespmem:s10+$0xFFFFFF80] =	vst v3  }
0x11a: {  	v56 =	vbroadcast v2, $0x4;
	[tilespmem:s10+$0xFFFFFF90] =	vst v4  }
0x11b: {  	v57 =	vbroadcast v2, $0x5;
	[tilespmem:s10+$0xFFFFFFA0] =	vst v5  }
0x11c: {  	v58 =	vbroadcast v2, $0x7;
	[tilespmem:s10+$0xFFFFFFC0] =	vst v56  }
0x11d: {  	v59 =	vbroadcast v2, $0x8;
	[tilespmem:s10+$0xFFFFFFD0] =	vst v57  }
0x11e: {  	v60 =	vbroadcast v2, $0xA;
	[tilespmem:s10+$0xFFFFFFF0] =	vst v58  }
0x11f: {  	v3 =	vbroadcast v2, $0x3;
	[tilespmem:s10+$0x0] =	vst v59  }
0x120: {  	v61 =	vbroadcast v2, $0xB;
	[tilespmem:s10+$0x20] =	vst v60  }
0x121: {  	[tilespmem:s10+$0xFFFFFFB0] =	vst v3;
	v3 =	vbroadcast v2, $0x6  }
0x122: {  	v62 =	vbroadcast v2, $0xD;
	[tilespmem:s10+$0x30] =	vst v61  }
0x123: {  	[tilespmem:s10+$0xFFFFFFE0] =	vst v3;
	v3 =	vbroadcast v2, $0x9  }
0x124: {  	v63 =	vbroadcast v2, $0xE;
	[tilespmem:s10+$0x50] =	vst v62  }
0x125: {  	[tilespmem:s10+$0x10] =	vst v3;
	v3 =	vbroadcast v2, $0xC  }
0x126: {  	s9 =	sadd.s32 $0x1, s9;
	[tilespmem:s10+$0x60] =	vst v63;
	v2 =	vbroadcast v2, $0xF  }
0x127: {  	p0 =	sne.s32 s9, s16;
	[tilespmem:s10+$0x40] =	vst v3  }
.Ltmp1:
0x128: {  	s12 =	simm.s32 $0x2AF8;
	[tilespmem:s10+$0x70] =	vst v2;
	(pc) =	sbr.rel @p0 .LBB2_1-.Ltmp1, $4  }
0x129: {  	[hbm4b:s15+s3] =	stream.linear.scatter [tilespmem:s12], [sflag:$0xB], $0x2800, $0x38;
	[tilespmem:$0x5578] =	vst v63  }
0x12a: {  	_ =	swait.ge [sflag:s28], $0x2800  }
0x12b: {  	[sflag:s28] =	ssyncset.done $0x0  }
0x12c: {  	[sflag:s28] =	ssyncadd.s32 $0xFFFFD800  }
0x12d: {  	_ =	sfence.sel $0x180000  }
0x12e: {  	[bflag:$0x0] =	sbarrier.arrive $0xFFFF  }
0x12f: {  	_ =	strace $0x90000047  }
0x130: {  	s0 =	stileid.u32;
	[bflag:$0x2] =	sbarrier.arrive $0xFFFF  }
0x131: {  	p0 =	sne.s32 s0, $0x0;
	s0 =	rddreg [dreg:$0x2]  }
0x132: {  	s0 =	sadd.s32 @!p0 $0x100000, s0  }
0x133: {  	[sflag:s0] =	ssyncadd.tile.s32 @!p0 $0x1;
	_ =	shalt  }
.Lfunc_end2:
_tile_overlayer_lowered:
.L_overlay_start_2:
0x134: {  	(tag) =	ssettag $0x2  }
0x135: {  	s0 =	rddreg [dreg:$0x0];
	s2 =	stileid.u32  }
0x136: {  	s1 =	rddreg [dreg:$0x1];
	p0 =	sne.s32 s2, $0x0  }
0x137: {  	s3 =	rddreg [dreg:$0x2];
	[bflag:$0x3] =	sbarrier.arrive $0xFFFF;
	s2 =	simm.s32 @!p0 $0x1C0B  }
0x138: {  	[timem:s3], [sflag:s2] =	dma.local @!p0 [hbm:s0], s1  }
0x139: {  	s0 =	simm.s32 @!p0 $0xB  }
0x13a: {  	_ =	swait.ge @!p0 [sflag:s0], s1  }
0x13b: {  	s1 =	ssub.s32 @!p0 $0x0, s1;
	[sflag:s0] =	ssyncset.done @!p0 $0x0  }
0x13c: {  	[sflag:s0] =	ssyncadd.s32 @!p0 s1  }
0x13d: {  	[bflag:$0x3] =	sbarrier.arrive $0xFFFF  }
0x13e: {  	_ =	shalt  }

</sc_bundles>
